<compile_context>
chip_gen: v7x
topology: tpu7x:2x2x1
jax: 0.10.2.dev20260603
libtpu: 0.0.44.dev20260713+nightly
codegen_flags: <defaults>
</compile_context>

<pallas_src>
import functools

import jax
import jax.numpy as jnp
from jax import lax
from jax.experimental import pallas as pl
from jax.experimental.pallas import tpu as pltpu
from jax.experimental.pallas import tpu_sc as plsc

N = 10000
N2 = 10240
D_IN = 128
H = 256
HH = 128
HEADS = 4
DH = 64
E = 320000
NUM_GRAPHS = 64
EPS = 1e-5
SENT = 1 << 30

TR = 1024
NRT = N2 // TR
TQ = 256
NQ = N2 // TQ
TK = 256

NSUB = 16
C = 56
NCH = 360
EPT = NCH * C
EPAD = NSUB * EPT
RPT = N2 // NSUB
ZR = 16


def _mm(a, b):
    return lax.dot_general(a.astype(jnp.bfloat16), b.astype(jnp.bfloat16),
                           (((1,), (0,)), ((), ())),
                           preferred_element_type=jnp.float32)


def _mm_t(a, b):
    return lax.dot_general(a.astype(jnp.bfloat16), b.astype(jnp.bfloat16),
                           (((1,), (1,)), ((), ())),
                           preferred_element_type=jnp.float32)


def _mm_hi(a, b):
    return lax.dot_general(a, b, (((1,), (0,)), ((), ())),
                           precision=lax.Precision.HIGHEST,
                           preferred_element_type=jnp.float32)



def _in_proj_body(x_ref, w_ref, b_ref, o_ref):
    o_ref[...] = _mm(x_ref[...], w_ref[...]) + b_ref[...]


def _in_proj(x, w, b):
    return pl.pallas_call(
        _in_proj_body,
        grid=(NRT,),
        in_specs=[pl.BlockSpec((TR, D_IN), lambda r: (r, 0)),
                  pl.BlockSpec((D_IN, H), lambda r: (0, 0)),
                  pl.BlockSpec((1, H), lambda r: (0, 0))],
        out_specs=pl.BlockSpec((TR, H), lambda r: (r, 0)),
        out_shape=jax.ShapeDtypeStruct((N2, H), jnp.float32),
    )(x, w, b)


def _ab_body(h_ref, ws_ref, wd_ref, bs_ref, bd_ref, o_ref):
    a = _mm(h_ref[...], ws_ref[...]) + bs_ref[...]
    b = _mm(h_ref[...], wd_ref[...]) + bd_ref[...]
    o_ref[0] = a[:, :HH]
    o_ref[1] = a[:, HH:]
    o_ref[2] = b[:, :HH]
    o_ref[3] = b[:, HH:]


def _ab_proj(h, ws, wd, bs, bd):
    return pl.pallas_call(
        _ab_body,
        grid=(NRT,),
        in_specs=[pl.BlockSpec((TR, H), lambda r: (r, 0)),
                  pl.BlockSpec((H, H), lambda r: (0, 0)),
                  pl.BlockSpec((H, H), lambda r: (0, 0)),
                  pl.BlockSpec((1, H), lambda r: (0, 0)),
                  pl.BlockSpec((1, H), lambda r: (0, 0))],
        out_specs=pl.BlockSpec((4, TR, HH), lambda r: (0, r, 0)),
        out_shape=jax.ShapeDtypeStruct((4, N2, HH), jnp.float32),
    )(h, ws, wd, bs, bd)


def _post_body(agg_ref, ab_ref, h_ref, g_ref, bt_ref, o_ref):
    s0 = jnp.maximum(ab_ref[0] + ab_ref[2], 0.0)
    s1 = jnp.maximum(ab_ref[1] + ab_ref[3], 0.0)
    t0 = agg_ref[0] + s0 + h_ref[:, :HH]
    t1 = agg_ref[1] + s1 + h_ref[:, HH:]
    mean = (jnp.sum(t0, 1, keepdims=True) + jnp.sum(t1, 1, keepdims=True)) / H
    d0 = t0 - mean
    d1 = t1 - mean
    var = (jnp.sum(d0 * d0, 1, keepdims=True)
           + jnp.sum(d1 * d1, 1, keepdims=True)) / H
    ve = var + EPS
    inv = lax.rsqrt(ve)
    inv = inv * (1.5 - 0.5 * ve * inv * inv)
    o_ref[:, :HH] = d0 * inv * g_ref[0, :HH] + bt_ref[0, :HH]
    o_ref[:, HH:] = d1 * inv * g_ref[0, HH:] + bt_ref[0, HH:]


def _post(agg, ab, h, g, bt):
    return pl.pallas_call(
        _post_body,
        grid=(NRT,),
        in_specs=[pl.BlockSpec((2, TR, HH), lambda r: (0, r, 0)),
                  pl.BlockSpec((4, TR, HH), lambda r: (0, r, 0)),
                  pl.BlockSpec((TR, H), lambda r: (r, 0)),
                  pl.BlockSpec((1, H), lambda r: (0, 0)),
                  pl.BlockSpec((1, H), lambda r: (0, 0))],
        out_specs=pl.BlockSpec((TR, H), lambda r: (r, 0)),
        out_shape=jax.ShapeDtypeStruct((N2, H), jnp.float32),
    )(agg, ab, h, g, bt)


def _qkv_body(h_ref, w_ref, b_ref, o_ref):
    qkv = _mm(h_ref[...], w_ref[...]) + b_ref[...]
    for j in range(3 * HEADS):
        o_ref[j] = qkv[:, j * DH:(j + 1) * DH]


def _qkv_proj(h, w, b):
    return pl.pallas_call(
        _qkv_body,
        grid=(NRT,),
        in_specs=[pl.BlockSpec((TR, H), lambda r: (r, 0)),
                  pl.BlockSpec((H, 3 * H), lambda r: (0, 0)),
                  pl.BlockSpec((1, 3 * H), lambda r: (0, 0))],
        out_specs=pl.BlockSpec((3 * HEADS, TR, DH), lambda r: (0, r, 0)),
        out_shape=jax.ShapeDtypeStruct((3 * HEADS, N2, DH), jnp.float32),
    )(h, w, b)


def _attn_body(b_ref, q_ref, k_ref, v_ref, o_ref):
    qt = pl.program_id(1)
    q = q_ref[0] * (1.0 / 8.0)
    bq = b_ref[0, pl.ds(qt * TQ, TQ)]
    ball = b_ref[0, :]
    b0 = bq[0]
    bl = bq[TQ - 1]
    kstart = jnp.sum((ball < b0).astype(jnp.int32))
    kend = jnp.sum((ball <= bl).astype(jnp.int32))
    kb = kstart // TK
    nk = (kend - kb * TK + TK - 1) // TK

    def stile(kj):
        koff = (kb + kj) * TK
        kt = k_ref[0, pl.ds(koff, TK), :]
        bk = b_ref[0, pl.ds(koff, TK)]
        s = _mm_t(q, kt)
        return jnp.where(bq[:, None] == bk[None, :], s, -1e30), koff

    def pass1(kj, carry):
        m, l = carry
        s, _ = stile(kj)
        m2 = jnp.maximum(m, jnp.max(s, axis=1, keepdims=True))
        l2 = l * jnp.exp(m - m2) + jnp.sum(jnp.exp(s - m2), axis=1,
                                           keepdims=True)
        return m2, l2

    m0 = jnp.full((TQ, 1), -1e30, jnp.float32)
    l0 = jnp.zeros((TQ, 1), jnp.float32)
    m, l = lax.fori_loop(0, nk, pass1, (m0, l0))

    def pass2(kj, acc):
        s, koff = stile(kj)
        a = jnp.exp(s - m) / l
        vt = v_ref[0, pl.ds(koff, TK), :]
        return acc + _mm(a, vt)

    acc = lax.fori_loop(0, nk, pass2, jnp.zeros((TQ, DH), jnp.float32))
    o_ref[0] = acc


def _attn(bp, qkv):
    return pl.pallas_call(
        _attn_body,
        grid=(HEADS, NQ),
        in_specs=[pl.BlockSpec((1, N2), lambda h, qt: (0, 0)),
                  pl.BlockSpec((1, TQ, DH), lambda h, qt: (h, qt, 0)),
                  pl.BlockSpec((1, N2, DH), lambda h, qt: (HEADS + h, 0, 0)),
                  pl.BlockSpec((1, N2, DH), lambda h, qt: (2 * HEADS + h, 0, 0))],
        out_specs=pl.BlockSpec((1, TQ, DH), lambda h, qt: (h, qt, 0)),
        out_shape=jax.ShapeDtypeStruct((HEADS, N2, DH), jnp.float32),
    )(bp, qkv, qkv, qkv)


def _oproj_body(o_ref, w_ref, b_ref, out_ref):
    ocat = jnp.concatenate([o_ref[i] for i in range(HEADS)], axis=-1)
    out_ref[...] = _mm(ocat, w_ref[...]) + b_ref[...]


def _o_proj(o, w, b):
    return pl.pallas_call(
        _oproj_body,
        grid=(NRT,),
        in_specs=[pl.BlockSpec((HEADS, TR, DH), lambda r: (0, r, 0)),
                  pl.BlockSpec((H, H), lambda r: (0, 0)),
                  pl.BlockSpec((1, H), lambda r: (0, 0))],
        out_specs=pl.BlockSpec((TR, H), lambda r: (r, 0)),
        out_shape=jax.ShapeDtypeStruct((N2, H), jnp.float32),
    )(o, w, b)


def _pool_body(o_ref, b_ref, w1_ref, b1_ref, w2_ref, b2_ref, out_ref):
    ids = lax.broadcasted_iota(jnp.int32, (NUM_GRAPHS, N2), 0)
    ind = (ids == b_ref[...]).astype(jnp.float32)
    counts = jnp.sum(ind, axis=1, keepdims=True)
    sums = _mm_hi(ind, o_ref[...])
    xg = sums / counts
    hidden = jnp.maximum(_mm(xg, w1_ref[...]) + b1_ref[...], 0.0)
    out_ref[...] = _mm(hidden, w2_ref[...]) + b2_ref[...]


def _pool(o, bp, w1, b1, w2p, b2p):
    return pl.pallas_call(
        _pool_body,
        in_specs=[pl.BlockSpec((N2, H), lambda: (0, 0)),
                  pl.BlockSpec((1, N2), lambda: (0, 0)),
                  pl.BlockSpec((H, HH), lambda: (0, 0)),
                  pl.BlockSpec((1, HH), lambda: (0, 0)),
                  pl.BlockSpec((HH, HH), lambda: (0, 0)),
                  pl.BlockSpec((1, HH), lambda: (0, 0))],
        out_specs=pl.BlockSpec((NUM_GRAPHS, HH), lambda: (0, 0)),
        out_shape=jax.ShapeDtypeStruct((NUM_GRAPHS, HH), jnp.float32),
    )(o, bp, w1, b1, w2p, b2p)



def _edge_body(ab_hbm, gsrc_hbm, gdst_hbm, dst_hbm, out_hbm,
               ia0, ia1, ia2, ib0, ib1, ib2, dv0, dv1, dv2,
               ra0, ra1, ra2, rb0, rb1, rb2, zbuf, aggsh,
               si0, si1, si2, sg0, sg1, sg2, ss0, ss1, ss2):
    c = lax.axis_index("c")
    s = lax.axis_index("s")
    idxa = (ia0, ia1, ia2)
    idxb = (ib0, ib1, ib2)
    dstv = (dv0, dv1, dv2)
    rowsa = (ra0, ra1, ra2)
    rowsb = (rb0, rb1, rb2)
    si = (si0, si1, si2)
    sg = (sg0, sg1, sg2)
    ss = (ss0, ss1, ss2)

    def zrow(i, _):
        for j in range(HH // 16):
            zbuf[i, pl.ds(j * 16, 16)] = jnp.zeros((16,), jnp.float32)
        return 0
    lax.fori_loop(0, ZR, zrow, 0)

    def zcp(i, _):
        pltpu.sync_copy(zbuf, aggsh.at[pl.ds(s * RPT + i * ZR, ZR)])
        return 0
    lax.fori_loop(0, RPT // ZR, zcp, 0)
    plsc.subcore_barrier()

    base = s * EPT

    def idx_copies(i, slot):
        return (
            pltpu.make_async_copy(gsrc_hbm.at[pl.ds(c * EPAD + base + i * C, C)],
                                  idxa[slot], si[slot]),
            pltpu.make_async_copy(gdst_hbm.at[pl.ds(c * EPAD + base + i * C, C)],
                                  idxb[slot], si[slot]),
            pltpu.make_async_copy(dst_hbm.at[pl.ds(base + i * C, C)],
                                  dstv[slot], si[slot]),
        )

    def gath_copies(i, slot):
        return (
            pltpu.make_async_copy(ab_hbm.at[idxa[slot]], rowsa[slot], sg[slot]),
            pltpu.make_async_copy(ab_hbm.at[idxb[slot]], rowsb[slot], sg[slot]),
        )

    def fire_idx(i, slot):
        for cp in idx_copies(i, slot):
            cp.start()

    def wait_idx(i, slot):
        for cp in idx_copies(i, slot):
            cp.wait()

    def fire_gath(i, slot):
        for cp in gath_copies(i, slot):
            cp.start()

    def wait_gath(i, slot):
        for cp in gath_copies(i, slot):
            cp.wait()

    def scat_start(slot):
        pltpu.async_copy(rowsb[slot], aggsh.at[dstv[slot]], ss[slot],
                         add=True)

    def scat_wait(slot):
        pltpu.make_async_copy(rowsb[slot], aggsh.at[dstv[slot]],
                              ss[slot]).wait()

    def consume(slot):
        ra = rowsa[slot]
        rb = rowsb[slot]

        def erow(e, _):
            for j in range(HH // 16):
                sl = pl.ds(j * 16, 16)
                rb[e, sl] = jnp.maximum(ra[e, sl] + rb[e, sl], 0.0)
            return 0
        lax.fori_loop(0, C, erow, 0)
        scat_start(slot)

    fire_idx(0, 0)
    wait_idx(0, 0)
    fire_gath(0, 0)
    fire_idx(1, 1)
    wait_idx(1, 1)
    fire_gath(1, 1)
    fire_idx(2, 2)

    def trip(g, _):
        i0 = 3 * g
        i1 = 3 * g + 1
        i2 = 3 * g + 2
        i3 = jnp.minimum(i0 + 3, NCH - 1)
        i4 = jnp.minimum(i0 + 4, NCH - 1)
        i5 = jnp.minimum(i0 + 5, NCH - 1)
        wait_gath(i0, 0)
        consume(0)
        wait_idx(i2, 2)
        fire_gath(i2, 2)
        wait_gath(i1, 1)
        consume(1)
        scat_wait(0)
        fire_idx(i3, 0)
        wait_idx(i3, 0)
        fire_gath(i3, 0)
        wait_gath(i2, 2)
        consume(2)
        scat_wait(1)
        fire_idx(i4, 1)
        wait_idx(i4, 1)
        fire_gath(i4, 1)
        scat_wait(2)
        fire_idx(i5, 2)
        return 0
    lax.fori_loop(0, NCH // 3, trip, 0)
    wait_gath(NCH - 1, 0)
    wait_gath(NCH - 1, 1)
    wait_idx(NCH - 1, 2)

    plsc.subcore_barrier()
    pltpu.sync_copy(aggsh.at[pl.ds(s * RPT, RPT)],
                    out_hbm.at[pl.ds(c * N2 + s * RPT, RPT)])


def _edge_aggregate(ab_flat, gsrc, gdst, dst):
    mesh = plsc.VectorSubcoreMesh(core_axis_name="c", subcore_axis_name="s")
    k = functools.partial(
        pl.kernel,
        out_type=jax.ShapeDtypeStruct((2 * N2, HH), jnp.float32),
        mesh=mesh,
        scratch_types=(
            [pltpu.VMEM((C,), jnp.int32)] * 9
            + [pltpu.VMEM((C, HH), jnp.float32)] * 6
            + [pltpu.VMEM((ZR, HH), jnp.float32),
               pltpu.VMEM_SHARED((N2, HH), jnp.float32)]
            + [pltpu.SemaphoreType.DMA] * 9
        ),
    )(_edge_body)
    return k(ab_flat, gsrc, gdst, dst)



def kernel(x, edge_index, batch, params):
    x = x.astype(jnp.float32)
    src = edge_index[0].astype(jnp.int32)
    dst = edge_index[1].astype(jnp.int32)
    batch = batch.astype(jnp.int32)

    xp = jnp.pad(x, ((0, N2 - N), (0, 0)))
    bp = jnp.pad(batch, (0, N2 - N), constant_values=SENT).reshape(1, N2)
    srcp = jnp.pad(src, (0, EPAD - E))
    dstp = jnp.pad(dst, (0, EPAD - E), constant_values=N2 - 1)
    gsrc = jnp.concatenate([srcp, srcp + N2])
    gdst = jnp.concatenate([dstp + 2 * N2, dstp + 3 * N2])

    p = params
    h = _in_proj(xp, p['W_in'], p['b_in'].reshape(1, H))
    for lp in p['layers']:
        ab = _ab_proj(h, lp['W_src'], lp['W_dst'],
                      lp['b_src'].reshape(1, H), lp['b_dst'].reshape(1, H))
        agg = _edge_aggregate(ab.reshape(4 * N2, HH), gsrc, gdst, dstp)
        h = _post(agg.reshape(2, N2, HH), ab, h,
                  lp['gamma'].reshape(1, H), lp['beta'].reshape(1, H))

    qkv = _qkv_proj(h, p['Wqkv'], p['bqkv'].reshape(1, 3 * H))
    o = _attn(bp, qkv)
    hat = _o_proj(o, p['Wo'], p['bo'].reshape(1, H))

    w2p = jnp.pad(p['W_c2'], ((0, 0), (0, HH - 2)))
    b2p = jnp.pad(p['b_c2'], (0, HH - 2)).reshape(1, HH)
    lg = _pool(hat, bp, p['W_c1'], p['b_c1'].reshape(1, HH), w2p, b2p)
    return lg[:, :2]

# --- scband reference (transcript-rebuilt; emitter-appended) ---
"""Pipeline reference for scband-subgraph-gnn-76046690943376 (READ-ONLY COPY).

The authoritative reference and input builder live on the scoring server;
editing this copy changes nothing except your own understanding.
"""

import jax, jax.numpy as jnp
import numpy as np

N = 10000
D_IN = 128
H = 256
HEADS = 4
E = 320000
NUM_LAYERS = 3
NUM_GRAPHS = 64
EPS = 1e-5


def _linear(x, W, b):
    return x @ W + b


def _layernorm(x, g, b):
    m = x.mean(axis=-1, keepdims=True)
    v = ((x - m) ** 2).mean(axis=-1, keepdims=True)
    return (x - m) / jnp.sqrt(v + EPS) * g + b


def _mha(x, Wqkv, bqkv, Wo, bo, heads):
    n, d = x.shape
    dh = d // heads
    qkv = x @ Wqkv + bqkv
    q, k, v = jnp.split(qkv, 3, axis=-1)
    q = q.reshape(n, heads, dh).transpose(1, 0, 2)
    k = k.reshape(n, heads, dh).transpose(1, 0, 2)
    v = v.reshape(n, heads, dh).transpose(1, 0, 2)
    s = (q @ k.transpose(0, 2, 1)) / np.sqrt(dh)
    a = jax.nn.softmax(s, axis=-1)
    o = (a @ v).transpose(1, 0, 2).reshape(n, d)
    return o @ Wo + bo


def _mha_masked(x, same, Wqkv, bqkv, Wo, bo, heads):
    n, d = x.shape
    dh = d // heads
    qkv = x @ Wqkv + bqkv
    q, k, v = jnp.split(qkv, 3, axis=-1)
    q = q.reshape(n, heads, dh).transpose(1, 0, 2)
    k = k.reshape(n, heads, dh).transpose(1, 0, 2)
    v = v.reshape(n, heads, dh).transpose(1, 0, 2)
    s = (q @ k.transpose(0, 2, 1)) / np.sqrt(dh)
    s = jnp.where(same[None, :, :], s, -jnp.inf)
    a = jax.nn.softmax(s, axis=-1)
    o = (a @ v).transpose(1, 0, 2).reshape(n, d)
    return o @ Wo + bo


def setup_inputs(seed: int = 0):
    key = jax.random.key(seed)
    ks = jax.random.split(key, 40)
    x = jax.random.normal(ks[0], (N, D_IN), dtype=jnp.float32)
    edge_index = jax.random.randint(ks[1], (2, E), 0, N)
    batch = jnp.sort(jax.random.randint(ks[2], (N,), 0, NUM_GRAPHS))

    def rnd(k, shape):
        return jax.random.normal(k, shape, dtype=jnp.float32) * 0.05

    layers = []
    for i in range(NUM_LAYERS):
        base = 10 + 4 * i
        layers.append({
            'W_src': rnd(ks[base], (H, H)),
            'b_src': jnp.zeros((H,), jnp.float32),
            'W_dst': rnd(ks[base + 1], (H, H)),
            'b_dst': jnp.zeros((H,), jnp.float32),
            'gamma': jnp.ones((H,), jnp.float32),
            'beta': jnp.zeros((H,), jnp.float32),
        })
    params = {
        'W_in': rnd(ks[3], (D_IN, H)),
        'b_in': jnp.zeros((H,), jnp.float32),
        'layers': layers,
        'Wqkv': rnd(ks[4], (H, 3 * H)),
        'bqkv': jnp.zeros((3 * H,), jnp.float32),
        'Wo': rnd(ks[5], (H, H)),
        'bo': jnp.zeros((H,), jnp.float32),
        'W_c1': rnd(ks[6], (H, H // 2)),
        'b_c1': jnp.zeros((H // 2,), jnp.float32),
        'W_c2': rnd(ks[7], (H // 2, 2)),
        'b_c2': jnp.zeros((2,), jnp.float32),
    }
    return {'x': x, 'edge_index': edge_index, 'batch': batch, 'params': params}


def reference(x, edge_index, batch, params):
    # input projection
    h = _linear(x, params['W_in'], params['b_in'])
    # add self loops once (identical each layer since graph is static)
    loop = jnp.arange(N)
    src = jnp.concatenate([edge_index[0], loop])
    dst = jnp.concatenate([edge_index[1], loop])
    # message passing layers: msg = relu(lin_src(x_j) + lin_dst(x_i)); aggr='add'; residual + LayerNorm
    for lp in params['layers']:
        msg = jax.nn.relu(h[src] @ lp['W_src'] + lp['b_src'] + h[dst] @ lp['W_dst'] + lp['b_dst'])
        agg = jax.ops.segment_sum(msg, dst, num_segments=N)
        h = _layernorm(agg + h, lp['gamma'], lp['beta'])
    # per-graph self-attention pooling (batch path of the torch module)
    same = batch[:, None] == batch[None, :]
    o = _mha_masked(h, same, params['Wqkv'], params['bqkv'], params['Wo'], params['bo'], HEADS)
    counts = jax.ops.segment_sum(jnp.ones((N,), jnp.float32), batch, num_segments=NUM_GRAPHS)
    sums = jax.ops.segment_sum(o, batch, num_segments=NUM_GRAPHS)
    xg = sums / counts[:, None]
    # classifier (dropout is identity in eval)
    hidden = jax.nn.relu(xg @ params['W_c1'] + params['b_c1'])
    logits = hidden @ params['W_c2'] + params['b_c2']
    return logits

if __name__ == "__main__":
    import jax
    _d = setup_inputs()
    print(jax.jit(kernel)(*tuple(_d.values())))

</pallas_src>

<mosaic_0001>
#map = affine_map<(d0, d1) -> (0, 0)>
#map1 = affine_map<(d0, d1) -> (0)>
module attributes {stable_mosaic.version = 14 : i64} {
  func.func @_edge_body(%arg0: i32, %arg1: i32, %arg2: memref<40960x128xf32, #tpu.memory_space<hbm>>, %arg3: memref<645120xi32, #tpu.memory_space<hbm>>, %arg4: memref<645120xi32, #tpu.memory_space<hbm>>, %arg5: memref<322560xi32, #tpu.memory_space<hbm>>, %arg6: memref<20480x128xf32, #tpu.memory_space<hbm>>, %arg7: memref<56xi32, #tpu.memory_space<vmem>>, %arg8: memref<56xi32, #tpu.memory_space<vmem>>, %arg9: memref<56xi32, #tpu.memory_space<vmem>>, %arg10: memref<56xi32, #tpu.memory_space<vmem>>, %arg11: memref<56xi32, #tpu.memory_space<vmem>>, %arg12: memref<56xi32, #tpu.memory_space<vmem>>, %arg13: memref<56xi32, #tpu.memory_space<vmem>>, %arg14: memref<56xi32, #tpu.memory_space<vmem>>, %arg15: memref<56xi32, #tpu.memory_space<vmem>>, %arg16: memref<56x128xf32, #tpu.memory_space<vmem>>, %arg17: memref<56x128xf32, #tpu.memory_space<vmem>>, %arg18: memref<56x128xf32, #tpu.memory_space<vmem>>, %arg19: memref<56x128xf32, #tpu.memory_space<vmem>>, %arg20: memref<56x128xf32, #tpu.memory_space<vmem>>, %arg21: memref<56x128xf32, #tpu.memory_space<vmem>>, %arg22: memref<16x128xf32, #tpu.memory_space<vmem>>, %arg23: memref<10240x128xf32, #tpu.memory_space<vmem_shared>>, %arg24: memref<!tpu.dma_semaphore, #tpu.memory_space<semaphore_mem>>, %arg25: memref<!tpu.dma_semaphore, #tpu.memory_space<semaphore_mem>>, %arg26: memref<!tpu.dma_semaphore, #tpu.memory_space<semaphore_mem>>, %arg27: memref<!tpu.dma_semaphore, #tpu.memory_space<semaphore_mem>>, %arg28: memref<!tpu.dma_semaphore, #tpu.memory_space<semaphore_mem>>, %arg29: memref<!tpu.dma_semaphore, #tpu.memory_space<semaphore_mem>>, %arg30: memref<!tpu.dma_semaphore, #tpu.memory_space<semaphore_mem>>, %arg31: memref<!tpu.dma_semaphore, #tpu.memory_space<semaphore_mem>>, %arg32: memref<!tpu.dma_semaphore, #tpu.memory_space<semaphore_mem>>) attributes {dimension_semantics = [#tpu.dimension_semantics<core_parallel>, #tpu.dimension_semantics<subcore_parallel>], iteration_bounds = array<i64: 2, 16>, scalar_prefetch = 0 : i64, scratch_operands = 26 : i64, tpu.core_type = #tpu.core_type<sc_vector_subcore>, window_params = [{transform_indices = #map}, {transform_indices = #map1}, {transform_indices = #map1}, {transform_indices = #map1}, {transform_indices = #map}]} {
    %scan3A = arith.constant 0 : i32
    %scan3A_0 = arith.constant 0 : i32
    %scan3A_1 = arith.constant 16 : i32
    %scan3A_2 = arith.addi %scan3A_0, %scan3A_1 : i32
    %scan3A_3 = arith.constant 1 : i32
    %scan3A_4 = scf.for %scan3A_158 = %scan3A_0 to %scan3A_2 step %scan3A_3 iter_args(%scan3A_159 = %scan3A) -> (i32)  : i32 {
      %broadcast_in_dim3A = arith.constant 0.000000e+00 : f32
      %broadcast_in_dim3A_160 = vector.broadcast %broadcast_in_dim3A : f32 to vector<16xf32>
      %swap3A = arith.index_cast %scan3A_158 : i32 to index
      %swap3A_161 = arith.constant 0 : index
      %swap3A_162 = tpu.vector_load %arg22[%swap3A, %swap3A_161] {strides = array<i32>} : memref<16x128xf32, #tpu.memory_space<vmem>>, vector<1x16xf32>,
      %swap3A_163 = vector.shape_cast %swap3A_162 : vector<1x16xf32> to vector<16xf32>
      %swap3A_164 = vector.shape_cast %broadcast_in_dim3A_160 : vector<16xf32> to vector<1x16xf32>
      tpu.vector_store %arg22[%swap3A, %swap3A_161], %swap3A_164 {strides = array<i32>} : memref<16x128xf32, #tpu.memory_space<vmem>>, vector<1x16xf32>,
      %broadcast_in_dim3A_165 = arith.constant 0.000000e+00 : f32
      %broadcast_in_dim3A_166 = vector.broadcast %broadcast_in_dim3A_165 : f32 to vector<16xf32>
      %swap3A_167 = arith.index_cast %scan3A_158 : i32 to index
      %swap3A_168 = arith.constant 16 : index
      %swap3A_169 = tpu.vector_load %arg22[%swap3A_167, %swap3A_168] {strides = array<i32>} : memref<16x128xf32, #tpu.memory_space<vmem>>, vector<1x16xf32>,
      %swap3A_170 = vector.shape_cast %swap3A_169 : vector<1x16xf32> to vector<16xf32>
      %swap3A_171 = vector.shape_cast %broadcast_in_dim3A_166 : vector<16xf32> to vector<1x16xf32>
      tpu.vector_store %arg22[%swap3A_167, %swap3A_168], %swap3A_171 {strides = array<i32>} : memref<16x128xf32, #tpu.memory_space<vmem>>, vector<1x16xf32>,
      %broadcast_in_dim3A_172 = arith.constant 0.000000e+00 : f32
      %broadcast_in_dim3A_173 = vector.broadcast %broadcast_in_dim3A_172 : f32 to vector<16xf32>
      %swap3A_174 = arith.index_cast %scan3A_158 : i32 to index
      %swap3A_175 = arith.constant 32 : index
      %swap3A_176 = tpu.vector_load %arg22[%swap3A_174, %swap3A_175] {strides = array<i32>} : memref<16x128xf32, #tpu.memory_space<vmem>>, vector<1x16xf32>,
      %swap3A_177 = vector.shape_cast %swap3A_176 : vector<1x16xf32> to vector<16xf32>
      %swap3A_178 = vector.shape_cast %broadcast_in_dim3A_173 : vector<16xf32> to vector<1x16xf32>
      tpu.vector_store %arg22[%swap3A_174, %swap3A_175], %swap3A_178 {strides = array<i32>} : memref<16x128xf32, #tpu.memory_space<vmem>>, vector<1x16xf32>,
      %broadcast_in_dim3A_179 = arith.constant 0.000000e+00 : f32
      %broadcast_in_dim3A_180 = vector.broadcast %broadcast_in_dim3A_179 : f32 to vector<16xf32>
      %swap3A_181 = arith.index_cast %scan3A_158 : i32 to index
      %swap3A_182 = arith.constant 48 : index
      %swap3A_183 = tpu.vector_load %arg22[%swap3A_181, %swap3A_182] {strides = array<i32>} : memref<16x128xf32, #tpu.memory_space<vmem>>, vector<1x16xf32>,
      %swap3A_184 = vector.shape_cast %swap3A_183 : vector<1x16xf32> to vector<16xf32>
      %swap3A_185 = vector.shape_cast %broadcast_in_dim3A_180 : vector<16xf32> to vector<1x16xf32>
      tpu.vector_store %arg22[%swap3A_181, %swap3A_182], %swap3A_185 {strides = array<i32>} : memref<16x128xf32, #tpu.memory_space<vmem>>, vector<1x16xf32>,
      %broadcast_in_dim3A_186 = arith.constant 0.000000e+00 : f32
      %broadcast_in_dim3A_187 = vector.broadcast %broadcast_in_dim3A_186 : f32 to vector<16xf32>
      %swap3A_188 = arith.index_cast %scan3A_158 : i32 to index
      %swap3A_189 = arith.constant 64 : index
      %swap3A_190 = tpu.vector_load %arg22[%swap3A_188, %swap3A_189] {strides = array<i32>} : memref<16x128xf32, #tpu.memory_space<vmem>>, vector<1x16xf32>,
      %swap3A_191 = vector.shape_cast %swap3A_190 : vector<1x16xf32> to vector<16xf32>
      %swap3A_192 = vector.shape_cast %broadcast_in_dim3A_187 : vector<16xf32> to vector<1x16xf32>
      tpu.vector_store %arg22[%swap3A_188, %swap3A_189], %swap3A_192 {strides = array<i32>} : memref<16x128xf32, #tpu.memory_space<vmem>>, vector<1x16xf32>,
      %broadcast_in_dim3A_193 = arith.constant 0.000000e+00 : f32
      %broadcast_in_dim3A_194 = vector.broadcast %broadcast_in_dim3A_193 : f32 to vector<16xf32>
      %swap3A_195 = arith.index_cast %scan3A_158 : i32 to index
      %swap3A_196 = arith.constant 80 : index
      %swap3A_197 = tpu.vector_load %arg22[%swap3A_195, %swap3A_196] {strides = array<i32>} : memref<16x128xf32, #tpu.memory_space<vmem>>, vector<1x16xf32>,
      %swap3A_198 = vector.shape_cast %swap3A_197 : vector<1x16xf32> to vector<16xf32>
      %swap3A_199 = vector.shape_cast %broadcast_in_dim3A_194 : vector<16xf32> to vector<1x16xf32>
      tpu.vector_store %arg22[%swap3A_195, %swap3A_196], %swap3A_199 {strides = array<i32>} : memref<16x128xf32, #tpu.memory_space<vmem>>, vector<1x16xf32>,
      %broadcast_in_dim3A_200 = arith.constant 0.000000e+00 : f32
      %broadcast_in_dim3A_201 = vector.broadcast %broadcast_in_dim3A_200 : f32 to vector<16xf32>
      %swap3A_202 = arith.index_cast %scan3A_158 : i32 to index
      %swap3A_203 = arith.constant 96 : index
      %swap3A_204 = tpu.vector_load %arg22[%swap3A_202, %swap3A_203] {strides = array<i32>} : memref<16x128xf32, #tpu.memory_space<vmem>>, vector<1x16xf32>,
      %swap3A_205 = vector.shape_cast %swap3A_204 : vector<1x16xf32> to vector<16xf32>
      %swap3A_206 = vector.shape_cast %broadcast_in_dim3A_201 : vector<16xf32> to vector<1x16xf32>
      tpu.vector_store %arg22[%swap3A_202, %swap3A_203], %swap3A_206 {strides = array<i32>} : memref<16x128xf32, #tpu.memory_space<vmem>>, vector<1x16xf32>,
      %broadcast_in_dim3A_207 = arith.constant 0.000000e+00 : f32
      %broadcast_in_dim3A_208 = vector.broadcast %broadcast_in_dim3A_207 : f32 to vector<16xf32>
      %swap3A_209 = arith.index_cast %scan3A_158 : i32 to index
      %swap3A_210 = arith.constant 112 : index
      %swap3A_211 = tpu.vector_load %arg22[%swap3A_209, %swap3A_210] {strides = array<i32>} : memref<16x128xf32, #tpu.memory_space<vmem>>, vector<1x16xf32>,
      %swap3A_212 = vector.shape_cast %swap3A_211 : vector<1x16xf32> to vector<16xf32>
      %swap3A_213 = vector.shape_cast %broadcast_in_dim3A_208 : vector<16xf32> to vector<1x16xf32>
      tpu.vector_store %arg22[%swap3A_209, %swap3A_210], %swap3A_213 {strides = array<i32>} : memref<16x128xf32, #tpu.memory_space<vmem>>, vector<1x16xf32>,
      %scan3A_214 = arith.constant 0 : i32
      scf.yield %scan3A_214 : i32
    }
    %scan3A_5 = arith.constant 16 : i32
    %scan3A_6 = arith.constant 0 : i32
    %scan3A_7 = arith.constant 0 : i32
    %scan3A_8 = arith.constant 40 : i32
    %scan3A_9 = arith.addi %scan3A_7, %scan3A_8 : i32
    %scan3A_10 = arith.constant 1 : i32
    %scan3A_11 = scf.for %scan3A_158 = %scan3A_7 to %scan3A_9 step %scan3A_10 iter_args(%scan3A_159 = %scan3A_6) -> (i32)  : i32 {
      %mul3A_160 = arith.constant 640 : i32
      %mul3A_161 = arith.muli %arg1, %mul3A_160 : i32
      %mul3A_162 = arith.constant 16 : i32
      %mul3A_163 = arith.muli %scan3A_158, %mul3A_162 : i32
      %add3A_164 = arith.addi %mul3A_161, %mul3A_163 : i32
      "tpu.region"() ({
        %run_scoped3A = tpu.sem_alloc : memref<!tpu.dma_semaphore, #tpu.memory_space<semaphore_mem>>
        %dma_start3A_166 = arith.constant 0 : i32
        %dma_start3A_167 = tpu.memref_slice %arg23[%add3A_164, %dma_start3A_166] : memref<10240x128xf32, #tpu.memory_space<vmem_shared>> -> memref<16x128xf32, #tpu.memory_space<vmem_shared>>
        %dma_start3A_168 = arith.constant 0 : i32
        %dma_start3A_169 = tpu.memref_slice %arg23[%add3A_164, %dma_start3A_168] : memref<10240x128xf32, #tpu.memory_space<vmem_shared>> -> memref<16x128xf32, #tpu.memory_space<vmem_shared>>
        tpu.enqueue_dma source(%arg22 : memref<16x128xf32, #tpu.memory_space<vmem>>) target(%dma_start3A_169 : memref<16x128xf32, #tpu.memory_space<vmem_shared>>) target_semaphore(%run_scoped3A : memref<!tpu.dma_semaphore, #tpu.memory_space<semaphore_mem>>)
        %dma_wait3A_170 = arith.constant 0 : i32
        %dma_wait3A_171 = tpu.memref_slice %arg23[%add3A_164, %dma_wait3A_170] : memref<10240x128xf32, #tpu.memory_space<vmem_shared>> -> memref<16x128xf32, #tpu.memory_space<vmem_shared>>
        %dma_wait3A_172 = arith.constant 0 : i32
        %dma_wait3A_173 = tpu.memref_slice %arg23[%add3A_164, %dma_wait3A_172] : memref<10240x128xf32, #tpu.memory_space<vmem_shared>> -> memref<16x128xf32, #tpu.memory_space<vmem_shared>>
        tpu.wait_dma2 semaphore(%run_scoped3A : memref<!tpu.dma_semaphore, #tpu.memory_space<semaphore_mem>>) src(%arg22 : memref<16x128xf32, #tpu.memory_space<vmem>>) dst(%dma_wait3A_173 : memref<16x128xf32, #tpu.memory_space<vmem_shared>>)
        tpu.yield
      }) : () -> ()
      %scan3A_165 = arith.constant 0 : i32
      scf.yield %scan3A_165 : i32
    }
    %scan3A_12 = arith.constant 40 : i32
    %barrier3A = arith.constant 0 : index
    tpu.barrier barrier_id(%barrier3A)
    %mul3A = arith.constant 20160 : i32
    %mul3A_13 = arith.muli %arg1, %mul3A : i32
    %mul3A_14 = arith.constant 322560 : i32
    %mul3A_15 = arith.muli %arg0, %mul3A_14 : i32
    %add3A = arith.addi %mul3A_15, %mul3A_13 : i32
    %add3A_16 = arith.constant 0 : i32
    %add3A_17 = arith.addi %add3A, %add3A_16 : i32
    %mul3A_18 = arith.constant 322560 : i32
    %mul3A_19 = arith.muli %arg0, %mul3A_18 : i32
    %add3A_20 = arith.addi %mul3A_19, %mul3A_13 : i32
    %add3A_21 = arith.constant 0 : i32
    %add3A_22 = arith.addi %add3A_20, %add3A_21 : i32
    %add3A_23 = arith.constant 0 : i32
    %add3A_24 = arith.addi %mul3A_13, %add3A_23 : i32
    %dma_start3A = tpu.memref_slice %arg3[%add3A_17] : memref<645120xi32, #tpu.memory_space<hbm>> -> memref<56xi32, #tpu.memory_space<hbm>>
    %dma_start3A_25 = tpu.memref_slice %arg3[%add3A_17] : memref<645120xi32, #tpu.memory_space<hbm>> -> memref<56xi32, #tpu.memory_space<hbm>>
    tpu.enqueue_dma source(%dma_start3A_25 : memref<56xi32, #tpu.memory_space<hbm>>) target(%arg7 : memref<56xi32, #tpu.memory_space<vmem>>) target_semaphore(%arg24 : memref<!tpu.dma_semaphore, #tpu.memory_space<semaphore_mem>>)
    %dma_start3A_26 = tpu.memref_slice %arg4[%add3A_22] : memref<645120xi32, #tpu.memory_space<hbm>> -> memref<56xi32, #tpu.memory_space<hbm>>
    %dma_start3A_27 = tpu.memref_slice %arg4[%add3A_22] : memref<645120xi32, #tpu.memory_space<hbm>> -> memref<56xi32, #tpu.memory_space<hbm>>
    tpu.enqueue_dma source(%dma_start3A_27 : memref<56xi32, #tpu.memory_space<hbm>>) target(%arg10 : memref<56xi32, #tpu.memory_space<vmem>>) target_semaphore(%arg24 : memref<!tpu.dma_semaphore, #tpu.memory_space<semaphore_mem>>)
    %dma_start3A_28 = tpu.memref_slice %arg5[%add3A_24] : memref<322560xi32, #tpu.memory_space<hbm>> -> memref<56xi32, #tpu.memory_space<hbm>>
    %dma_start3A_29 = tpu.memref_slice %arg5[%add3A_24] : memref<322560xi32, #tpu.memory_space<hbm>> -> memref<56xi32, #tpu.memory_space<hbm>>
    tpu.enqueue_dma source(%dma_start3A_29 : memref<56xi32, #tpu.memory_space<hbm>>) target(%arg13 : memref<56xi32, #tpu.memory_space<vmem>>) target_semaphore(%arg24 : memref<!tpu.dma_semaphore, #tpu.memory_space<semaphore_mem>>)
    %mul3A_30 = arith.constant 322560 : i32
    %mul3A_31 = arith.muli %arg0, %mul3A_30 : i32
    %add3A_32 = arith.addi %mul3A_31, %mul3A_13 : i32
    %add3A_33 = arith.constant 0 : i32
    %add3A_34 = arith.addi %add3A_32, %add3A_33 : i32
    %mul3A_35 = arith.constant 322560 : i32
    %mul3A_36 = arith.muli %arg0, %mul3A_35 : i32
    %add3A_37 = arith.addi %mul3A_36, %mul3A_13 : i32
    %add3A_38 = arith.constant 0 : i32
    %add3A_39 = arith.addi %add3A_37, %add3A_38 : i32
    %add3A_40 = arith.constant 0 : i32
    %add3A_41 = arith.addi %mul3A_13, %add3A_40 : i32
    %dma_wait3A = tpu.memref_slice %arg3[%add3A_34] : memref<645120xi32, #tpu.memory_space<hbm>> -> memref<56xi32, #tpu.memory_space<hbm>>
    %dma_wait3A_42 = tpu.memref_slice %arg3[%add3A_34] : memref<645120xi32, #tpu.memory_space<hbm>> -> memref<56xi32, #tpu.memory_space<hbm>>
    tpu.wait_dma2 semaphore(%arg24 : memref<!tpu.dma_semaphore, #tpu.memory_space<semaphore_mem>>) src(%dma_wait3A_42 : memref<56xi32, #tpu.memory_space<hbm>>) dst(%arg7 : memref<56xi32, #tpu.memory_space<vmem>>)
    %dma_wait3A_43 = tpu.memref_slice %arg4[%add3A_39] : memref<645120xi32, #tpu.memory_space<hbm>> -> memref<56xi32, #tpu.memory_space<hbm>>
    %dma_wait3A_44 = tpu.memref_slice %arg4[%add3A_39] : memref<645120xi32, #tpu.memory_space<hbm>> -> memref<56xi32, #tpu.memory_space<hbm>>
    tpu.wait_dma2 semaphore(%arg24 : memref<!tpu.dma_semaphore, #tpu.memory_space<semaphore_mem>>) src(%dma_wait3A_44 : memref<56xi32, #tpu.memory_space<hbm>>) dst(%arg10 : memref<56xi32, #tpu.memory_space<vmem>>)
    %dma_wait3A_45 = tpu.memref_slice %arg5[%add3A_41] : memref<322560xi32, #tpu.memory_space<hbm>> -> memref<56xi32, #tpu.memory_space<hbm>>
    %dma_wait3A_46 = tpu.memref_slice %arg5[%add3A_41] : memref<322560xi32, #tpu.memory_space<hbm>> -> memref<56xi32, #tpu.memory_space<hbm>>
    tpu.wait_dma2 semaphore(%arg24 : memref<!tpu.dma_semaphore, #tpu.memory_space<semaphore_mem>>) src(%dma_wait3A_46 : memref<56xi32, #tpu.memory_space<hbm>>) dst(%arg13 : memref<56xi32, #tpu.memory_space<vmem>>)
    %dma_start3A_47 = arith.constant 0 : i32
    %dma_start3A_48 = arith.constant 0 : i32
    %dma_start3A_49 = tpu.memref_slice %arg2[%dma_start3A_47, %dma_start3A_48] : memref<40960x128xf32, #tpu.memory_space<hbm>> -> memref<40960x128xf32, #tpu.memory_space<hbm>>
    tpu.enqueue_indirect_dma source(%dma_start3A_49 : memref<40960x128xf32, #tpu.memory_space<hbm>>) target(%arg16 : memref<56x128xf32, #tpu.memory_space<vmem>>) offsets(%arg7 : memref<56xi32, #tpu.memory_space<vmem>>) semaphore(%arg27 : memref<!tpu.dma_semaphore, #tpu.memory_space<semaphore_mem>>)
    %dma_start3A_50 = arith.constant 0 : i32
    %dma_start3A_51 = arith.constant 0 : i32
    %dma_start3A_52 = tpu.memref_slice %arg2[%dma_start3A_50, %dma_start3A_51] : memref<40960x128xf32, #tpu.memory_space<hbm>> -> memref<40960x128xf32, #tpu.memory_space<hbm>>
    tpu.enqueue_indirect_dma source(%dma_start3A_52 : memref<40960x128xf32, #tpu.memory_space<hbm>>) target(%arg19 : memref<56x128xf32, #tpu.memory_space<vmem>>) offsets(%arg10 : memref<56xi32, #tpu.memory_space<vmem>>) semaphore(%arg27 : memref<!tpu.dma_semaphore, #tpu.memory_space<semaphore_mem>>)
    %mul3A_53 = arith.constant 322560 : i32
    %mul3A_54 = arith.muli %arg0, %mul3A_53 : i32
    %add3A_55 = arith.addi %mul3A_54, %mul3A_13 : i32
    %add3A_56 = arith.constant 56 : i32
    %add3A_57 = arith.addi %add3A_55, %add3A_56 : i32
    %mul3A_58 = arith.constant 322560 : i32
    %mul3A_59 = arith.muli %arg0, %mul3A_58 : i32
    %add3A_60 = arith.addi %mul3A_59, %mul3A_13 : i32
    %add3A_61 = arith.constant 56 : i32
    %add3A_62 = arith.addi %add3A_60, %add3A_61 : i32
    %add3A_63 = arith.constant 56 : i32
    %add3A_64 = arith.addi %mul3A_13, %add3A_63 : i32
    %dma_start3A_65 = tpu.memref_slice %arg3[%add3A_57] : memref<645120xi32, #tpu.memory_space<hbm>> -> memref<56xi32, #tpu.memory_space<hbm>>
    %dma_start3A_66 = tpu.memref_slice %arg3[%add3A_57] : memref<645120xi32, #tpu.memory_space<hbm>> -> memref<56xi32, #tpu.memory_space<hbm>>
    tpu.enqueue_dma source(%dma_start3A_66 : memref<56xi32, #tpu.memory_space<hbm>>) target(%arg8 : memref<56xi32, #tpu.memory_space<vmem>>) target_semaphore(%arg25 : memref<!tpu.dma_semaphore, #tpu.memory_space<semaphore_mem>>)
    %dma_start3A_67 = tpu.memref_slice %arg4[%add3A_62] : memref<645120xi32, #tpu.memory_space<hbm>> -> memref<56xi32, #tpu.memory_space<hbm>>
    %dma_start3A_68 = tpu.memref_slice %arg4[%add3A_62] : memref<645120xi32, #tpu.memory_space<hbm>> -> memref<56xi32, #tpu.memory_space<hbm>>
    tpu.enqueue_dma source(%dma_start3A_68 : memref<56xi32, #tpu.memory_space<hbm>>) target(%arg11 : memref<56xi32, #tpu.memory_space<vmem>>) target_semaphore(%arg25 : memref<!tpu.dma_semaphore, #tpu.memory_space<semaphore_mem>>)
    %dma_start3A_69 = tpu.memref_slice %arg5[%add3A_64] : memref<322560xi32, #tpu.memory_space<hbm>> -> memref<56xi32, #tpu.memory_space<hbm>>
    %dma_start3A_70 = tpu.memref_slice %arg5[%add3A_64] : memref<322560xi32, #tpu.memory_space<hbm>> -> memref<56xi32, #tpu.memory_space<hbm>>
    tpu.enqueue_dma source(%dma_start3A_70 : memref<56xi32, #tpu.memory_space<hbm>>) target(%arg14 : memref<56xi32, #tpu.memory_space<vmem>>) target_semaphore(%arg25 : memref<!tpu.dma_semaphore, #tpu.memory_space<semaphore_mem>>)
    %mul3A_71 = arith.constant 322560 : i32
    %mul3A_72 = arith.muli %arg0, %mul3A_71 : i32
    %add3A_73 = arith.addi %mul3A_72, %mul3A_13 : i32
    %add3A_74 = arith.constant 56 : i32
    %add3A_75 = arith.addi %add3A_73, %add3A_74 : i32
    %mul3A_76 = arith.constant 322560 : i32
    %mul3A_77 = arith.muli %arg0, %mul3A_76 : i32
    %add3A_78 = arith.addi %mul3A_77, %mul3A_13 : i32
    %add3A_79 = arith.constant 56 : i32
    %add3A_80 = arith.addi %add3A_78, %add3A_79 : i32
    %add3A_81 = arith.constant 56 : i32
    %add3A_82 = arith.addi %mul3A_13, %add3A_81 : i32
    %dma_wait3A_83 = tpu.memref_slice %arg3[%add3A_75] : memref<645120xi32, #tpu.memory_space<hbm>> -> memref<56xi32, #tpu.memory_space<hbm>>
    %dma_wait3A_84 = tpu.memref_slice %arg3[%add3A_75] : memref<645120xi32, #tpu.memory_space<hbm>> -> memref<56xi32, #tpu.memory_space<hbm>>
    tpu.wait_dma2 semaphore(%arg25 : memref<!tpu.dma_semaphore, #tpu.memory_space<semaphore_mem>>) src(%dma_wait3A_84 : memref<56xi32, #tpu.memory_space<hbm>>) dst(%arg8 : memref<56xi32, #tpu.memory_space<vmem>>)
    %dma_wait3A_85 = tpu.memref_slice %arg4[%add3A_80] : memref<645120xi32, #tpu.memory_space<hbm>> -> memref<56xi32, #tpu.memory_space<hbm>>
    %dma_wait3A_86 = tpu.memref_slice %arg4[%add3A_80] : memref<645120xi32, #tpu.memory_space<hbm>> -> memref<56xi32, #tpu.memory_space<hbm>>
    tpu.wait_dma2 semaphore(%arg25 : memref<!tpu.dma_semaphore, #tpu.memory_space<semaphore_mem>>) src(%dma_wait3A_86 : memref<56xi32, #tpu.memory_space<hbm>>) dst(%arg11 : memref<56xi32, #tpu.memory_space<vmem>>)
    %dma_wait3A_87 = tpu.memref_slice %arg5[%add3A_82] : memref<322560xi32, #tpu.memory_space<hbm>> -> memref<56xi32, #tpu.memory_space<hbm>>
    %dma_wait3A_88 = tpu.memref_slice %arg5[%add3A_82] : memref<322560xi32, #tpu.memory_space<hbm>> -> memref<56xi32, #tpu.memory_space<hbm>>
    tpu.wait_dma2 semaphore(%arg25 : memref<!tpu.dma_semaphore, #tpu.memory_space<semaphore_mem>>) src(%dma_wait3A_88 : memref<56xi32, #tpu.memory_space<hbm>>) dst(%arg14 : memref<56xi32, #tpu.memory_space<vmem>>)
    %dma_start3A_89 = arith.constant 0 : i32
    %dma_start3A_90 = arith.constant 0 : i32
    %dma_start3A_91 = tpu.memref_slice %arg2[%dma_start3A_89, %dma_start3A_90] : memref<40960x128xf32, #tpu.memory_space<hbm>> -> memref<40960x128xf32, #tpu.memory_space<hbm>>
    tpu.enqueue_indirect_dma source(%dma_start3A_91 : memref<40960x128xf32, #tpu.memory_space<hbm>>) target(%arg17 : memref<56x128xf32, #tpu.memory_space<vmem>>) offsets(%arg8 : memref<56xi32, #tpu.memory_space<vmem>>) semaphore(%arg28 : memref<!tpu.dma_semaphore, #tpu.memory_space<semaphore_mem>>)
    %dma_start3A_92 = arith.constant 0 : i32
    %dma_start3A_93 = arith.constant 0 : i32
    %dma_start3A_94 = tpu.memref_slice %arg2[%dma_start3A_92, %dma_start3A_93] : memref<40960x128xf32, #tpu.memory_space<hbm>> -> memref<40960x128xf32, #tpu.memory_space<hbm>>
    tpu.enqueue_indirect_dma source(%dma_start3A_94 : memref<40960x128xf32, #tpu.memory_space<hbm>>) target(%arg20 : memref<56x128xf32, #tpu.memory_space<vmem>>) offsets(%arg11 : memref<56xi32, #tpu.memory_space<vmem>>) semaphore(%arg28 : memref<!tpu.dma_semaphore, #tpu.memory_space<semaphore_mem>>)
    %mul3A_95 = arith.constant 322560 : i32
    %mul3A_96 = arith.muli %arg0, %mul3A_95 : i32
    %add3A_97 = arith.addi %mul3A_96, %mul3A_13 : i32
    %add3A_98 = arith.constant 112 : i32
    %add3A_99 = arith.addi %add3A_97, %add3A_98 : i32
    %mul3A_100 = arith.constant 322560 : i32
    %mul3A_101 = arith.muli %arg0, %mul3A_100 : i32
    %add3A_102 = arith.addi %mul3A_101, %mul3A_13 : i32
    %add3A_103 = arith.constant 112 : i32
    %add3A_104 = arith.addi %add3A_102, %add3A_103 : i32
    %add3A_105 = arith.constant 112 : i32
    %add3A_106 = arith.addi %mul3A_13, %add3A_105 : i32
    %dma_start3A_107 = tpu.memref_slice %arg3[%add3A_99] : memref<645120xi32, #tpu.memory_space<hbm>> -> memref<56xi32, #tpu.memory_space<hbm>>
    %dma_start3A_108 = tpu.memref_slice %arg3[%add3A_99] : memref<645120xi32, #tpu.memory_space<hbm>> -> memref<56xi32, #tpu.memory_space<hbm>>
    tpu.enqueue_dma source(%dma_start3A_108 : memref<56xi32, #tpu.memory_space<hbm>>) target(%arg9 : memref<56xi32, #tpu.memory_space<vmem>>) target_semaphore(%arg26 : memref<!tpu.dma_semaphore, #tpu.memory_space<semaphore_mem>>)
    %dma_start3A_109 = tpu.memref_slice %arg4[%add3A_104] : memref<645120xi32, #tpu.memory_space<hbm>> -> memref<56xi32, #tpu.memory_space<hbm>>
    %dma_start3A_110 = tpu.memref_slice %arg4[%add3A_104] : memref<645120xi32, #tpu.memory_space<hbm>> -> memref<56xi32, #tpu.memory_space<hbm>>
    tpu.enqueue_dma source(%dma_start3A_110 : memref<56xi32, #tpu.memory_space<hbm>>) target(%arg12 : memref<56xi32, #tpu.memory_space<vmem>>) target_semaphore(%arg26 : memref<!tpu.dma_semaphore, #tpu.memory_space<semaphore_mem>>)
    %dma_start3A_111 = tpu.memref_slice %arg5[%add3A_106] : memref<322560xi32, #tpu.memory_space<hbm>> -> memref<56xi32, #tpu.memory_space<hbm>>
    %dma_start3A_112 = tpu.memref_slice %arg5[%add3A_106] : memref<322560xi32, #tpu.memory_space<hbm>> -> memref<56xi32, #tpu.memory_space<hbm>>
    tpu.enqueue_dma source(%dma_start3A_112 : memref<56xi32, #tpu.memory_space<hbm>>) target(%arg15 : memref<56xi32, #tpu.memory_space<vmem>>) target_semaphore(%arg26 : memref<!tpu.dma_semaphore, #tpu.memory_space<semaphore_mem>>)
    %scan3A_113 = arith.constant 0 : i32
    %scan3A_114 = arith.constant 0 : i32
    %scan3A_115 = arith.constant 120 : i32
    %scan3A_116 = arith.addi %scan3A_114, %scan3A_115 : i32
    %scan3A_117 = arith.constant 1 : i32
    %scan3A_118 = scf.for %scan3A_158 = %scan3A_114 to %scan3A_116 step %scan3A_117 iter_args(%scan3A_159 = %scan3A_113) -> (i32)  : i32 {
      %mul3A_160 = arith.constant 3 : i32
      %mul3A_161 = arith.muli %mul3A_160, %scan3A_158 : i32
      %mul3A_162 = arith.constant 3 : i32
      %mul3A_163 = arith.muli %mul3A_162, %scan3A_158 : i32
      %add3A_164 = arith.constant 1 : i32
      %add3A_165 = arith.addi %mul3A_163, %add3A_164 : i32
      %mul3A_166 = arith.constant 3 : i32
      %mul3A_167 = arith.muli %mul3A_166, %scan3A_158 : i32
      %add3A_168 = arith.constant 2 : i32
      %add3A_169 = arith.addi %mul3A_167, %add3A_168 : i32
      %add3A_170 = arith.constant 3 : i32
      %add3A_171 = arith.addi %mul3A_161, %add3A_170 : i32
      %min3A = arith.constant 359 : i32
      %min3A_172 = arith.minsi %add3A_171, %min3A : i32
      %add3A_173 = arith.constant 4 : i32
      %add3A_174 = arith.addi %mul3A_161, %add3A_173 : i32
      %min3A_175 = arith.constant 359 : i32
      %min3A_176 = arith.minsi %add3A_174, %min3A_175 : i32
      %add3A_177 = arith.constant 5 : i32
      %add3A_178 = arith.addi %mul3A_161, %add3A_177 : i32
      %min3A_179 = arith.constant 359 : i32
      %min3A_180 = arith.minsi %add3A_178, %min3A_179 : i32
      %dma_wait3A_181 = arith.constant 0 : i32
      %dma_wait3A_182 = arith.constant 0 : i32
      %dma_wait3A_183 = tpu.memref_slice %arg2[%dma_wait3A_181, %dma_wait3A_182] : memref<40960x128xf32, #tpu.memory_space<hbm>> -> memref<40960x128xf32, #tpu.memory_space<hbm>>
      tpu.wait_indirect_dma semaphore(%arg27 : memref<!tpu.dma_semaphore, #tpu.memory_space<semaphore_mem>>) src(%dma_wait3A_183 : memref<40960x128xf32, #tpu.memory_space<hbm>>) dst(%arg16 : memref<56x128xf32, #tpu.memory_space<vmem>>)
      %dma_wait3A_184 = arith.constant 0 : i32
      %dma_wait3A_185 = arith.constant 0 : i32
      %dma_wait3A_186 = tpu.memref_slice %arg2[%dma_wait3A_184, %dma_wait3A_185] : memref<40960x128xf32, #tpu.memory_space<hbm>> -> memref<40960x128xf32, #tpu.memory_space<hbm>>
      tpu.wait_indirect_dma semaphore(%arg27 : memref<!tpu.dma_semaphore, #tpu.memory_space<semaphore_mem>>) src(%dma_wait3A_186 : memref<40960x128xf32, #tpu.memory_space<hbm>>) dst(%arg19 : memref<56x128xf32, #tpu.memory_space<vmem>>)
      %scan3A_187 = arith.constant 0 : i32
      %scan3A_188 = arith.constant 0 : i32
      %scan3A_189 = arith.constant 56 : i32
      %scan3A_190 = arith.addi %scan3A_188, %scan3A_189 : i32
      %scan3A_191 = arith.constant 1 : i32
      %scan3A_192 = scf.for %scan3A_383 = %scan3A_188 to %scan3A_190 step %scan3A_191 iter_args(%scan3A_384 = %scan3A_187) -> (i32)  : i32 {
        %get3A = arith.index_cast %scan3A_383 : i32 to index
        %get3A_385 = arith.constant 0 : index
        %get3A_386 = tpu.vector_load %arg16[%get3A, %get3A_385] {strides = array<i32>} : memref<56x128xf32, #tpu.memory_space<vmem>>, vector<1x16xf32>,
        %get3A_387 = vector.shape_cast %get3A_386 : vector<1x16xf32> to vector<16xf32>
        %get3A_388 = arith.index_cast %scan3A_383 : i32 to index
        %get3A_389 = arith.constant 0 : index
        %get3A_390 = tpu.vector_load %arg19[%get3A_388, %get3A_389] {strides = array<i32>} : memref<56x128xf32, #tpu.memory_space<vmem>>, vector<1x16xf32>,
        %get3A_391 = vector.shape_cast %get3A_390 : vector<1x16xf32> to vector<16xf32>
        %add3A_392 = arith.addf %get3A_387, %get3A_391 : vector<16xf32>
        %max3A = arith.constant 0.000000e+00 : f32
        %max3A_393 = vector.broadcast %max3A : f32 to vector<16xf32>
        %max3A_394 = arith.maximumf %add3A_392, %max3A_393 : vector<16xf32>
        %swap3A = arith.index_cast %scan3A_383 : i32 to index
        %swap3A_395 = arith.constant 0 : index
        %swap3A_396 = tpu.vector_load %arg19[%swap3A, %swap3A_395] {strides = array<i32>} : memref<56x128xf32, #tpu.memory_space<vmem>>, vector<1x16xf32>,
        %swap3A_397 = vector.shape_cast %swap3A_396 : vector<1x16xf32> to vector<16xf32>
        %swap3A_398 = vector.shape_cast %max3A_394 : vector<16xf32> to vector<1x16xf32>
        tpu.vector_store %arg19[%swap3A, %swap3A_395], %swap3A_398 {strides = array<i32>} : memref<56x128xf32, #tpu.memory_space<vmem>>, vector<1x16xf32>,
        %get3A_399 = arith.index_cast %scan3A_383 : i32 to index
        %get3A_400 = arith.constant 16 : index
        %get3A_401 = tpu.vector_load %arg16[%get3A_399, %get3A_400] {strides = array<i32>} : memref<56x128xf32, #tpu.memory_space<vmem>>, vector<1x16xf32>,
        %get3A_402 = vector.shape_cast %get3A_401 : vector<1x16xf32> to vector<16xf32>
        %get3A_403 = arith.index_cast %scan3A_383 : i32 to index
        %get3A_404 = arith.constant 16 : index
        %get3A_405 = tpu.vector_load %arg19[%get3A_403, %get3A_404] {strides = array<i32>} : memref<56x128xf32, #tpu.memory_space<vmem>>, vector<1x16xf32>,
        %get3A_406 = vector.shape_cast %get3A_405 : vector<1x16xf32> to vector<16xf32>
        %add3A_407 = arith.addf %get3A_402, %get3A_406 : vector<16xf32>
        %max3A_408 = arith.constant 0.000000e+00 : f32
        %max3A_409 = vector.broadcast %max3A_408 : f32 to vector<16xf32>
        %max3A_410 = arith.maximumf %add3A_407, %max3A_409 : vector<16xf32>
        %swap3A_411 = arith.index_cast %scan3A_383 : i32 to index
        %swap3A_412 = arith.constant 16 : index
        %swap3A_413 = tpu.vector_load %arg19[%swap3A_411, %swap3A_412] {strides = array<i32>} : memref<56x128xf32, #tpu.memory_space<vmem>>, vector<1x16xf32>,
        %swap3A_414 = vector.shape_cast %swap3A_413 : vector<1x16xf32> to vector<16xf32>
        %swap3A_415 = vector.shape_cast %max3A_410 : vector<16xf32> to vector<1x16xf32>
        tpu.vector_store %arg19[%swap3A_411, %swap3A_412], %swap3A_415 {strides = array<i32>} : memref<56x128xf32, #tpu.memory_space<vmem>>, vector<1x16xf32>,
        %get3A_416 = arith.index_cast %scan3A_383 : i32 to index
        %get3A_417 = arith.constant 32 : index
        %get3A_418 = tpu.vector_load %arg16[%get3A_416, %get3A_417] {strides = array<i32>} : memref<56x128xf32, #tpu.memory_space<vmem>>, vector<1x16xf32>,
        %get3A_419 = vector.shape_cast %get3A_418 : vector<1x16xf32> to vector<16xf32>
        %get3A_420 = arith.index_cast %scan3A_383 : i32 to index
        %get3A_421 = arith.constant 32 : index
        %get3A_422 = tpu.vector_load %arg19[%get3A_420, %get3A_421] {strides = array<i32>} : memref<56x128xf32, #tpu.memory_space<vmem>>, vector<1x16xf32>,
        %get3A_423 = vector.shape_cast %get3A_422 : vector<1x16xf32> to vector<16xf32>
        %add3A_424 = arith.addf %get3A_419, %get3A_423 : vector<16xf32>
        %max3A_425 = arith.constant 0.000000e+00 : f32
        %max3A_426 = vector.broadcast %max3A_425 : f32 to vector<16xf32>
        %max3A_427 = arith.maximumf %add3A_424, %max3A_426 : vector<16xf32>
        %swap3A_428 = arith.index_cast %scan3A_383 : i32 to index
        %swap3A_429 = arith.constant 32 : index
        %swap3A_430 = tpu.vector_load %arg19[%swap3A_428, %swap3A_429] {strides = array<i32>} : memref<56x128xf32, #tpu.memory_space<vmem>>, vector<1x16xf32>,
        %swap3A_431 = vector.shape_cast %swap3A_430 : vector<1x16xf32> to vector<16xf32>
        %swap3A_432 = vector.shape_cast %max3A_427 : vector<16xf32> to vector<1x16xf32>
        tpu.vector_store %arg19[%swap3A_428, %swap3A_429], %swap3A_432 {strides = array<i32>} : memref<56x128xf32, #tpu.memory_space<vmem>>, vector<1x16xf32>,
        %get3A_433 = arith.index_cast %scan3A_383 : i32 to index
        %get3A_434 = arith.constant 48 : index
        %get3A_435 = tpu.vector_load %arg16[%get3A_433, %get3A_434] {strides = array<i32>} : memref<56x128xf32, #tpu.memory_space<vmem>>, vector<1x16xf32>,
        %get3A_436 = vector.shape_cast %get3A_435 : vector<1x16xf32> to vector<16xf32>
        %get3A_437 = arith.index_cast %scan3A_383 : i32 to index
        %get3A_438 = arith.constant 48 : index
        %get3A_439 = tpu.vector_load %arg19[%get3A_437, %get3A_438] {strides = array<i32>} : memref<56x128xf32, #tpu.memory_space<vmem>>, vector<1x16xf32>,
        %get3A_440 = vector.shape_cast %get3A_439 : vector<1x16xf32> to vector<16xf32>
        %add3A_441 = arith.addf %get3A_436, %get3A_440 : vector<16xf32>
        %max3A_442 = arith.constant 0.000000e+00 : f32
        %max3A_443 = vector.broadcast %max3A_442 : f32 to vector<16xf32>
        %max3A_444 = arith.maximumf %add3A_441, %max3A_443 : vector<16xf32>
        %swap3A_445 = arith.index_cast %scan3A_383 : i32 to index
        %swap3A_446 = arith.constant 48 : index
        %swap3A_447 = tpu.vector_load %arg19[%swap3A_445, %swap3A_446] {strides = array<i32>} : memref<56x128xf32, #tpu.memory_space<vmem>>, vector<1x16xf32>,
        %swap3A_448 = vector.shape_cast %swap3A_447 : vector<1x16xf32> to vector<16xf32>
        %swap3A_449 = vector.shape_cast %max3A_444 : vector<16xf32> to vector<1x16xf32>
        tpu.vector_store %arg19[%swap3A_445, %swap3A_446], %swap3A_449 {strides = array<i32>} : memref<56x128xf32, #tpu.memory_space<vmem>>, vector<1x16xf32>,
        %get3A_450 = arith.index_cast %scan3A_383 : i32 to index
        %get3A_451 = arith.constant 64 : index
        %get3A_452 = tpu.vector_load %arg16[%get3A_450, %get3A_451] {strides = array<i32>} : memref<56x128xf32, #tpu.memory_space<vmem>>, vector<1x16xf32>,
        %get3A_453 = vector.shape_cast %get3A_452 : vector<1x16xf32> to vector<16xf32>
        %get3A_454 = arith.index_cast %scan3A_383 : i32 to index
        %get3A_455 = arith.constant 64 : index
        %get3A_456 = tpu.vector_load %arg19[%get3A_454, %get3A_455] {strides = array<i32>} : memref<56x128xf32, #tpu.memory_space<vmem>>, vector<1x16xf32>,
        %get3A_457 = vector.shape_cast %get3A_456 : vector<1x16xf32> to vector<16xf32>
        %add3A_458 = arith.addf %get3A_453, %get3A_457 : vector<16xf32>
        %max3A_459 = arith.constant 0.000000e+00 : f32
        %max3A_460 = vector.broadcast %max3A_459 : f32 to vector<16xf32>
        %max3A_461 = arith.maximumf %add3A_458, %max3A_460 : vector<16xf32>
        %swap3A_462 = arith.index_cast %scan3A_383 : i32 to index
        %swap3A_463 = arith.constant 64 : index
        %swap3A_464 = tpu.vector_load %arg19[%swap3A_462, %swap3A_463] {strides = array<i32>} : memref<56x128xf32, #tpu.memory_space<vmem>>, vector<1x16xf32>,
        %swap3A_465 = vector.shape_cast %swap3A_464 : vector<1x16xf32> to vector<16xf32>
        %swap3A_466 = vector.shape_cast %max3A_461 : vector<16xf32> to vector<1x16xf32>
        tpu.vector_store %arg19[%swap3A_462, %swap3A_463], %swap3A_466 {strides = array<i32>} : memref<56x128xf32, #tpu.memory_space<vmem>>, vector<1x16xf32>,
        %get3A_467 = arith.index_cast %scan3A_383 : i32 to index
        %get3A_468 = arith.constant 80 : index
        %get3A_469 = tpu.vector_load %arg16[%get3A_467, %get3A_468] {strides = array<i32>} : memref<56x128xf32, #tpu.memory_space<vmem>>, vector<1x16xf32>,
        %get3A_470 = vector.shape_cast %get3A_469 : vector<1x16xf32> to vector<16xf32>
        %get3A_471 = arith.index_cast %scan3A_383 : i32 to index
        %get3A_472 = arith.constant 80 : index
        %get3A_473 = tpu.vector_load %arg19[%get3A_471, %get3A_472] {strides = array<i32>} : memref<56x128xf32, #tpu.memory_space<vmem>>, vector<1x16xf32>,
        %get3A_474 = vector.shape_cast %get3A_473 : vector<1x16xf32> to vector<16xf32>
        %add3A_475 = arith.addf %get3A_470, %get3A_474 : vector<16xf32>
        %max3A_476 = arith.constant 0.000000e+00 : f32
        %max3A_477 = vector.broadcast %max3A_476 : f32 to vector<16xf32>
        %max3A_478 = arith.maximumf %add3A_475, %max3A_477 : vector<16xf32>
        %swap3A_479 = arith.index_cast %scan3A_383 : i32 to index
        %swap3A_480 = arith.constant 80 : index
        %swap3A_481 = tpu.vector_load %arg19[%swap3A_479, %swap3A_480] {strides = array<i32>} : memref<56x128xf32, #tpu.memory_space<vmem>>, vector<1x16xf32>,
        %swap3A_482 = vector.shape_cast %swap3A_481 : vector<1x16xf32> to vector<16xf32>
        %swap3A_483 = vector.shape_cast %max3A_478 : vector<16xf32> to vector<1x16xf32>
        tpu.vector_store %arg19[%swap3A_479, %swap3A_480], %swap3A_483 {strides = array<i32>} : memref<56x128xf32, #tpu.memory_space<vmem>>, vector<1x16xf32>,
        %get3A_484 = arith.index_cast %scan3A_383 : i32 to index
        %get3A_485 = arith.constant 96 : index
        %get3A_486 = tpu.vector_load %arg16[%get3A_484, %get3A_485] {strides = array<i32>} : memref<56x128xf32, #tpu.memory_space<vmem>>, vector<1x16xf32>,
        %get3A_487 = vector.shape_cast %get3A_486 : vector<1x16xf32> to vector<16xf32>
        %get3A_488 = arith.index_cast %scan3A_383 : i32 to index
        %get3A_489 = arith.constant 96 : index
        %get3A_490 = tpu.vector_load %arg19[%get3A_488, %get3A_489] {strides = array<i32>} : memref<56x128xf32, #tpu.memory_space<vmem>>, vector<1x16xf32>,
        %get3A_491 = vector.shape_cast %get3A_490 : vector<1x16xf32> to vector<16xf32>
        %add3A_492 = arith.addf %get3A_487, %get3A_491 : vector<16xf32>
        %max3A_493 = arith.constant 0.000000e+00 : f32
        %max3A_494 = vector.broadcast %max3A_493 : f32 to vector<16xf32>
        %max3A_495 = arith.maximumf %add3A_492, %max3A_494 : vector<16xf32>
        %swap3A_496 = arith.index_cast %scan3A_383 : i32 to index
        %swap3A_497 = arith.constant 96 : index
        %swap3A_498 = tpu.vector_load %arg19[%swap3A_496, %swap3A_497] {strides = array<i32>} : memref<56x128xf32, #tpu.memory_space<vmem>>, vector<1x16xf32>,
        %swap3A_499 = vector.shape_cast %swap3A_498 : vector<1x16xf32> to vector<16xf32>
        %swap3A_500 = vector.shape_cast %max3A_495 : vector<16xf32> to vector<1x16xf32>
        tpu.vector_store %arg19[%swap3A_496, %swap3A_497], %swap3A_500 {strides = array<i32>} : memref<56x128xf32, #tpu.memory_space<vmem>>, vector<1x16xf32>,
        %get3A_501 = arith.index_cast %scan3A_383 : i32 to index
        %get3A_502 = arith.constant 112 : index
        %get3A_503 = tpu.vector_load %arg16[%get3A_501, %get3A_502] {strides = array<i32>} : memref<56x128xf32, #tpu.memory_space<vmem>>, vector<1x16xf32>,
        %get3A_504 = vector.shape_cast %get3A_503 : vector<1x16xf32> to vector<16xf32>
        %get3A_505 = arith.index_cast %scan3A_383 : i32 to index
        %get3A_506 = arith.constant 112 : index
        %get3A_507 = tpu.vector_load %arg19[%get3A_505, %get3A_506] {strides = array<i32>} : memref<56x128xf32, #tpu.memory_space<vmem>>, vector<1x16xf32>,
        %get3A_508 = vector.shape_cast %get3A_507 : vector<1x16xf32> to vector<16xf32>
        %add3A_509 = arith.addf %get3A_504, %get3A_508 : vector<16xf32>
        %max3A_510 = arith.constant 0.000000e+00 : f32
        %max3A_511 = vector.broadcast %max3A_510 : f32 to vector<16xf32>
        %max3A_512 = arith.maximumf %add3A_509, %max3A_511 : vector<16xf32>
        %swap3A_513 = arith.index_cast %scan3A_383 : i32 to index
        %swap3A_514 = arith.constant 112 : index
        %swap3A_515 = tpu.vector_load %arg19[%swap3A_513, %swap3A_514] {strides = array<i32>} : memref<56x128xf32, #tpu.memory_space<vmem>>, vector<1x16xf32>,
        %swap3A_516 = vector.shape_cast %swap3A_515 : vector<1x16xf32> to vector<16xf32>
        %swap3A_517 = vector.shape_cast %max3A_512 : vector<16xf32> to vector<1x16xf32>
        tpu.vector_store %arg19[%swap3A_513, %swap3A_514], %swap3A_517 {strides = array<i32>} : memref<56x128xf32, #tpu.memory_space<vmem>>, vector<1x16xf32>,
        %scan3A_518 = arith.constant 0 : i32
        scf.yield %scan3A_518 : i32
      }
      %scan3A_193 = arith.constant 56 : i32
      %dma_start3A_194 = arith.constant 0 : i32
      %dma_start3A_195 = arith.constant 0 : i32
      %dma_start3A_196 = tpu.memref_slice %arg23[%dma_start3A_194, %dma_start3A_195] : memref<10240x128xf32, #tpu.memory_space<vmem_shared>> -> memref<10240x128xf32, #tpu.memory_space<vmem_shared>>
      tpu.enqueue_indirect_dma source(%arg19 : memref<56x128xf32, #tpu.memory_space<vmem>>) target(%dma_start3A_196 : memref<10240x128xf32, #tpu.memory_space<vmem_shared>>) offsets(%arg13 : memref<56xi32, #tpu.memory_space<vmem>>) semaphore(%arg30 : memref<!tpu.dma_semaphore, #tpu.memory_space<semaphore_mem>>) {add = true}
      %mul3A_197 = arith.constant 322560 : i32
      %mul3A_198 = arith.muli %arg0, %mul3A_197 : i32
      %add3A_199 = arith.addi %mul3A_198, %mul3A_13 : i32
      %mul3A_200 = arith.constant 56 : i32
      %mul3A_201 = arith.muli %add3A_169, %mul3A_200 : i32
      %add3A_202 = arith.addi %add3A_199, %mul3A_201 : i32
      %mul3A_203 = arith.constant 322560 : i32
      %mul3A_204 = arith.muli %arg0, %mul3A_203 : i32
      %add3A_205 = arith.addi %mul3A_204, %mul3A_13 : i32
      %mul3A_206 = arith.constant 56 : i32
      %mul3A_207 = arith.muli %add3A_169, %mul3A_206 : i32
      %add3A_208 = arith.addi %add3A_205, %mul3A_207 : i32
      %mul3A_209 = arith.constant 56 : i32
      %mul3A_210 = arith.muli %add3A_169, %mul3A_209 : i32
      %add3A_211 = arith.addi %mul3A_13, %mul3A_210 : i32
      %dma_wait3A_212 = tpu.memref_slice %arg3[%add3A_202] : memref<645120xi32, #tpu.memory_space<hbm>> -> memref<56xi32, #tpu.memory_space<hbm>>
      %dma_wait3A_213 = tpu.memref_slice %arg3[%add3A_202] : memref<645120xi32, #tpu.memory_space<hbm>> -> memref<56xi32, #tpu.memory_space<hbm>>
      tpu.wait_dma2 semaphore(%arg26 : memref<!tpu.dma_semaphore, #tpu.memory_space<semaphore_mem>>) src(%dma_wait3A_213 : memref<56xi32, #tpu.memory_space<hbm>>) dst(%arg9 : memref<56xi32, #tpu.memory_space<vmem>>)
      %dma_wait3A_214 = tpu.memref_slice %arg4[%add3A_208] : memref<645120xi32, #tpu.memory_space<hbm>> -> memref<56xi32, #tpu.memory_space<hbm>>
      %dma_wait3A_215 = tpu.memref_slice %arg4[%add3A_208] : memref<645120xi32, #tpu.memory_space<hbm>> -> memref<56xi32, #tpu.memory_space<hbm>>
      tpu.wait_dma2 semaphore(%arg26 : memref<!tpu.dma_semaphore, #tpu.memory_space<semaphore_mem>>) src(%dma_wait3A_215 : memref<56xi32, #tpu.memory_space<hbm>>) dst(%arg12 : memref<56xi32, #tpu.memory_space<vmem>>)
      %dma_wait3A_216 = tpu.memref_slice %arg5[%add3A_211] : memref<322560xi32, #tpu.memory_space<hbm>> -> memref<56xi32, #tpu.memory_space<hbm>>
      %dma_wait3A_217 = tpu.memref_slice %arg5[%add3A_211] : memref<322560xi32, #tpu.memory_space<hbm>> -> memref<56xi32, #tpu.memory_space<hbm>>
      tpu.wait_dma2 semaphore(%arg26 : memref<!tpu.dma_semaphore, #tpu.memory_space<semaphore_mem>>) src(%dma_wait3A_217 : memref<56xi32, #tpu.memory_space<hbm>>) dst(%arg15 : memref<56xi32, #tpu.memory_space<vmem>>)
      %dma_start3A_218 = arith.constant 0 : i32
      %dma_start3A_219 = arith.constant 0 : i32
      %dma_start3A_220 = tpu.memref_slice %arg2[%dma_start3A_218, %dma_start3A_219] : memref<40960x128xf32, #tpu.memory_space<hbm>> -> memref<40960x128xf32, #tpu.memory_space<hbm>>
      tpu.enqueue_indirect_dma source(%dma_start3A_220 : memref<40960x128xf32, #tpu.memory_space<hbm>>) target(%arg18 : memref<56x128xf32, #tpu.memory_space<vmem>>) offsets(%arg9 : memref<56xi32, #tpu.memory_space<vmem>>) semaphore(%arg29 : memref<!tpu.dma_semaphore, #tpu.memory_space<semaphore_mem>>)
      %dma_start3A_221 = arith.constant 0 : i32
      %dma_start3A_222 = arith.constant 0 : i32
      %dma_start3A_223 = tpu.memref_slice %arg2[%dma_start3A_221, %dma_start3A_222] : memref<40960x128xf32, #tpu.memory_space<hbm>> -> memref<40960x128xf32, #tpu.memory_space<hbm>>
      tpu.enqueue_indirect_dma source(%dma_start3A_223 : memref<40960x128xf32, #tpu.memory_space<hbm>>) target(%arg21 : memref<56x128xf32, #tpu.memory_space<vmem>>) offsets(%arg12 : memref<56xi32, #tpu.memory_space<vmem>>) semaphore(%arg29 : memref<!tpu.dma_semaphore, #tpu.memory_space<semaphore_mem>>)
      %dma_wait3A_224 = arith.constant 0 : i32
      %dma_wait3A_225 = arith.constant 0 : i32
      %dma_wait3A_226 = tpu.memref_slice %arg2[%dma_wait3A_224, %dma_wait3A_225] : memref<40960x128xf32, #tpu.memory_space<hbm>> -> memref<40960x128xf32, #tpu.memory_space<hbm>>
      tpu.wait_indirect_dma semaphore(%arg28 : memref<!tpu.dma_semaphore, #tpu.memory_space<semaphore_mem>>) src(%dma_wait3A_226 : memref<40960x128xf32, #tpu.memory_space<hbm>>) dst(%arg17 : memref<56x128xf32, #tpu.memory_space<vmem>>)
      %dma_wait3A_227 = arith.constant 0 : i32
      %dma_wait3A_228 = arith.constant 0 : i32
      %dma_wait3A_229 = tpu.memref_slice %arg2[%dma_wait3A_227, %dma_wait3A_228] : memref<40960x128xf32, #tpu.memory_space<hbm>> -> memref<40960x128xf32, #tpu.memory_space<hbm>>
      tpu.wait_indirect_dma semaphore(%arg28 : memref<!tpu.dma_semaphore, #tpu.memory_space<semaphore_mem>>) src(%dma_wait3A_229 : memref<40960x128xf32, #tpu.memory_space<hbm>>) dst(%arg20 : memref<56x128xf32, #tpu.memory_space<vmem>>)
      %scan3A_230 = arith.constant 0 : i32
      %scan3A_231 = arith.constant 0 : i32
      %scan3A_232 = arith.constant 56 : i32
      %scan3A_233 = arith.addi %scan3A_231, %scan3A_232 : i32
      %scan3A_234 = arith.constant 1 : i32
      %scan3A_235 = scf.for %scan3A_383 = %scan3A_231 to %scan3A_233 step %scan3A_234 iter_args(%scan3A_384 = %scan3A_230) -> (i32)  : i32 {
        %get3A = arith.index_cast %scan3A_383 : i32 to index
        %get3A_385 = arith.constant 0 : index
        %get3A_386 = tpu.vector_load %arg17[%get3A, %get3A_385] {strides = array<i32>} : memref<56x128xf32, #tpu.memory_space<vmem>>, vector<1x16xf32>,
        %get3A_387 = vector.shape_cast %get3A_386 : vector<1x16xf32> to vector<16xf32>
        %get3A_388 = arith.index_cast %scan3A_383 : i32 to index
        %get3A_389 = arith.constant 0 : index
        %get3A_390 = tpu.vector_load %arg20[%get3A_388, %get3A_389] {strides = array<i32>} : memref<56x128xf32, #tpu.memory_space<vmem>>, vector<1x16xf32>,
        %get3A_391 = vector.shape_cast %get3A_390 : vector<1x16xf32> to vector<16xf32>
        %add3A_392 = arith.addf %get3A_387, %get3A_391 : vector<16xf32>
        %max3A = arith.constant 0.000000e+00 : f32
        %max3A_393 = vector.broadcast %max3A : f32 to vector<16xf32>
        %max3A_394 = arith.maximumf %add3A_392, %max3A_393 : vector<16xf32>
        %swap3A = arith.index_cast %scan3A_383 : i32 to index
        %swap3A_395 = arith.constant 0 : index
        %swap3A_396 = tpu.vector_load %arg20[%swap3A, %swap3A_395] {strides = array<i32>} : memref<56x128xf32, #tpu.memory_space<vmem>>, vector<1x16xf32>,
        %swap3A_397 = vector.shape_cast %swap3A_396 : vector<1x16xf32> to vector<16xf32>
        %swap3A_398 = vector.shape_cast %max3A_394 : vector<16xf32> to vector<1x16xf32>
        tpu.vector_store %arg20[%swap3A, %swap3A_395], %swap3A_398 {strides = array<i32>} : memref<56x128xf32, #tpu.memory_space<vmem>>, vector<1x16xf32>,
        %get3A_399 = arith.index_cast %scan3A_383 : i32 to index
        %get3A_400 = arith.constant 16 : index
        %get3A_401 = tpu.vector_load %arg17[%get3A_399, %get3A_400] {strides = array<i32>} : memref<56x128xf32, #tpu.memory_space<vmem>>, vector<1x16xf32>,
        %get3A_402 = vector.shape_cast %get3A_401 : vector<1x16xf32> to vector<16xf32>
        %get3A_403 = arith.index_cast %scan3A_383 : i32 to index
        %get3A_404 = arith.constant 16 : index
        %get3A_405 = tpu.vector_load %arg20[%get3A_403, %get3A_404] {strides = array<i32>} : memref<56x128xf32, #tpu.memory_space<vmem>>, vector<1x16xf32>,
        %get3A_406 = vector.shape_cast %get3A_405 : vector<1x16xf32> to vector<16xf32>
        %add3A_407 = arith.addf %get3A_402, %get3A_406 : vector<16xf32>
        %max3A_408 = arith.constant 0.000000e+00 : f32
        %max3A_409 = vector.broadcast %max3A_408 : f32 to vector<16xf32>
        %max3A_410 = arith.maximumf %add3A_407, %max3A_409 : vector<16xf32>
        %swap3A_411 = arith.index_cast %scan3A_383 : i32 to index
        %swap3A_412 = arith.constant 16 : index
        %swap3A_413 = tpu.vector_load %arg20[%swap3A_411, %swap3A_412] {strides = array<i32>} : memref<56x128xf32, #tpu.memory_space<vmem>>, vector<1x16xf32>,
        %swap3A_414 = vector.shape_cast %swap3A_413 : vector<1x16xf32> to vector<16xf32>
        %swap3A_415 = vector.shape_cast %max3A_410 : vector<16xf32> to vector<1x16xf32>
        tpu.vector_store %arg20[%swap3A_411, %swap3A_412], %swap3A_415 {strides = array<i32>} : memref<56x128xf32, #tpu.memory_space<vmem>>, vector<1x16xf32>,
        %get3A_416 = arith.index_cast %scan3A_383 : i32 to index
        %get3A_417 = arith.constant 32 : index
        %get3A_418 = tpu.vector_load %arg17[%get3A_416, %get3A_417] {strides = array<i32>} : memref<56x128xf32, #tpu.memory_space<vmem>>, vector<1x16xf32>,
        %get3A_419 = vector.shape_cast %get3A_418 : vector<1x16xf32> to vector<16xf32>
        %get3A_420 = arith.index_cast %scan3A_383 : i32 to index
        %get3A_421 = arith.constant 32 : index
        %get3A_422 = tpu.vector_load %arg20[%get3A_420, %get3A_421] {strides = array<i32>} : memref<56x128xf32, #tpu.memory_space<vmem>>, vector<1x16xf32>,
        %get3A_423 = vector.shape_cast %get3A_422 : vector<1x16xf32> to vector<16xf32>
        %add3A_424 = arith.addf %get3A_419, %get3A_423 : vector<16xf32>
        %max3A_425 = arith.constant 0.000000e+00 : f32
        %max3A_426 = vector.broadcast %max3A_425 : f32 to vector<16xf32>
        %max3A_427 = arith.maximumf %add3A_424, %max3A_426 : vector<16xf32>
        %swap3A_428 = arith.index_cast %scan3A_383 : i32 to index
        %swap3A_429 = arith.constant 32 : index
        %swap3A_430 = tpu.vector_load %arg20[%swap3A_428, %swap3A_429] {strides = array<i32>} : memref<56x128xf32, #tpu.memory_space<vmem>>, vector<1x16xf32>,
        %swap3A_431 = vector.shape_cast %swap3A_430 : vector<1x16xf32> to vector<16xf32>
        %swap3A_432 = vector.shape_cast %max3A_427 : vector<16xf32> to vector<1x16xf32>
        tpu.vector_store %arg20[%swap3A_428, %swap3A_429], %swap3A_432 {strides = array<i32>} : memref<56x128xf32, #tpu.memory_space<vmem>>, vector<1x16xf32>,
        %get3A_433 = arith.index_cast %scan3A_383 : i32 to index
        %get3A_434 = arith.constant 48 : index
        %get3A_435 = tpu.vector_load %arg17[%get3A_433, %get3A_434] {strides = array<i32>} : memref<56x128xf32, #tpu.memory_space<vmem>>, vector<1x16xf32>,
        %get3A_436 = vector.shape_cast %get3A_435 : vector<1x16xf32> to vector<16xf32>
        %get3A_437 = arith.index_cast %scan3A_383 : i32 to index
        %get3A_438 = arith.constant 48 : index
        %get3A_439 = tpu.vector_load %arg20[%get3A_437, %get3A_438] {strides = array<i32>} : memref<56x128xf32, #tpu.memory_space<vmem>>, vector<1x16xf32>,
        %get3A_440 = vector.shape_cast %get3A_439 : vector<1x16xf32> to vector<16xf32>
        %add3A_441 = arith.addf %get3A_436, %get3A_440 : vector<16xf32>
        %max3A_442 = arith.constant 0.000000e+00 : f32
        %max3A_443 = vector.broadcast %max3A_442 : f32 to vector<16xf32>
        %max3A_444 = arith.maximumf %add3A_441, %max3A_443 : vector<16xf32>
        %swap3A_445 = arith.index_cast %scan3A_383 : i32 to index
        %swap3A_446 = arith.constant 48 : index
        %swap3A_447 = tpu.vector_load %arg20[%swap3A_445, %swap3A_446] {strides = array<i32>} : memref<56x128xf32, #tpu.memory_space<vmem>>, vector<1x16xf32>,
        %swap3A_448 = vector.shape_cast %swap3A_447 : vector<1x16xf32> to vector<16xf32>
        %swap3A_449 = vector.shape_cast %max3A_444 : vector<16xf32> to vector<1x16xf32>
        tpu.vector_store %arg20[%swap3A_445, %swap3A_446], %swap3A_449 {strides = array<i32>} : memref<56x128xf32, #tpu.memory_space<vmem>>, vector<1x16xf32>,
        %get3A_450 = arith.index_cast %scan3A_383 : i32 to index
        %get3A_451 = arith.constant 64 : index
        %get3A_452 = tpu.vector_load %arg17[%get3A_450, %get3A_451] {strides = array<i32>} : memref<56x128xf32, #tpu.memory_space<vmem>>, vector<1x16xf32>,
        %get3A_453 = vector.shape_cast %get3A_452 : vector<1x16xf32> to vector<16xf32>
        %get3A_454 = arith.index_cast %scan3A_383 : i32 to index
        %get3A_455 = arith.constant 64 : index
        %get3A_456 = tpu.vector_load %arg20[%get3A_454, %get3A_455] {strides = array<i32>} : memref<56x128xf32, #tpu.memory_space<vmem>>, vector<1x16xf32>,
        %get3A_457 = vector.shape_cast %get3A_456 : vector<1x16xf32> to vector<16xf32>
        %add3A_458 = arith.addf %get3A_453, %get3A_457 : vector<16xf32>
        %max3A_459 = arith.constant 0.000000e+00 : f32
        %max3A_460 = vector.broadcast %max3A_459 : f32 to vector<16xf32>
        %max3A_461 = arith.maximumf %add3A_458, %max3A_460 : vector<16xf32>
        %swap3A_462 = arith.index_cast %scan3A_383 : i32 to index
        %swap3A_463 = arith.constant 64 : index
        %swap3A_464 = tpu.vector_load %arg20[%swap3A_462, %swap3A_463] {strides = array<i32>} : memref<56x128xf32, #tpu.memory_space<vmem>>, vector<1x16xf32>,
        %swap3A_465 = vector.shape_cast %swap3A_464 : vector<1x16xf32> to vector<16xf32>
        %swap3A_466 = vector.shape_cast %max3A_461 : vector<16xf32> to vector<1x16xf32>
        tpu.vector_store %arg20[%swap3A_462, %swap3A_463], %swap3A_466 {strides = array<i32>} : memref<56x128xf32, #tpu.memory_space<vmem>>, vector<1x16xf32>,
        %get3A_467 = arith.index_cast %scan3A_383 : i32 to index
        %get3A_468 = arith.constant 80 : index
        %get3A_469 = tpu.vector_load %arg17[%get3A_467, %get3A_468] {strides = array<i32>} : memref<56x128xf32, #tpu.memory_space<vmem>>, vector<1x16xf32>,
        %get3A_470 = vector.shape_cast %get3A_469 : vector<1x16xf32> to vector<16xf32>
        %get3A_471 = arith.index_cast %scan3A_383 : i32 to index
        %get3A_472 = arith.constant 80 : index
        %get3A_473 = tpu.vector_load %arg20[%get3A_471, %get3A_472] {strides = array<i32>} : memref<56x128xf32, #tpu.memory_space<vmem>>, vector<1x16xf32>,
        %get3A_474 = vector.shape_cast %get3A_473 : vector<1x16xf32> to vector<16xf32>
        %add3A_475 = arith.addf %get3A_470, %get3A_474 : vector<16xf32>
        %max3A_476 = arith.constant 0.000000e+00 : f32
        %max3A_477 = vector.broadcast %max3A_476 : f32 to vector<16xf32>
        %max3A_478 = arith.maximumf %add3A_475, %max3A_477 : vector<16xf32>
        %swap3A_479 = arith.index_cast %scan3A_383 : i32 to index
        %swap3A_480 = arith.constant 80 : index
        %swap3A_481 = tpu.vector_load %arg20[%swap3A_479, %swap3A_480] {strides = array<i32>} : memref<56x128xf32, #tpu.memory_space<vmem>>, vector<1x16xf32>,
        %swap3A_482 = vector.shape_cast %swap3A_481 : vector<1x16xf32> to vector<16xf32>
        %swap3A_483 = vector.shape_cast %max3A_478 : vector<16xf32> to vector<1x16xf32>
        tpu.vector_store %arg20[%swap3A_479, %swap3A_480], %swap3A_483 {strides = array<i32>} : memref<56x128xf32, #tpu.memory_space<vmem>>, vector<1x16xf32>,
        %get3A_484 = arith.index_cast %scan3A_383 : i32 to index
        %get3A_485 = arith.constant 96 : index
        %get3A_486 = tpu.vector_load %arg17[%get3A_484, %get3A_485] {strides = array<i32>} : memref<56x128xf32, #tpu.memory_space<vmem>>, vector<1x16xf32>,
        %get3A_487 = vector.shape_cast %get3A_486 : vector<1x16xf32> to vector<16xf32>
        %get3A_488 = arith.index_cast %scan3A_383 : i32 to index
        %get3A_489 = arith.constant 96 : index
        %get3A_490 = tpu.vector_load %arg20[%get3A_488, %get3A_489] {strides = array<i32>} : memref<56x128xf32, #tpu.memory_space<vmem>>, vector<1x16xf32>,
        %get3A_491 = vector.shape_cast %get3A_490 : vector<1x16xf32> to vector<16xf32>
        %add3A_492 = arith.addf %get3A_487, %get3A_491 : vector<16xf32>
        %max3A_493 = arith.constant 0.000000e+00 : f32
        %max3A_494 = vector.broadcast %max3A_493 : f32 to vector<16xf32>
        %max3A_495 = arith.maximumf %add3A_492, %max3A_494 : vector<16xf32>
        %swap3A_496 = arith.index_cast %scan3A_383 : i32 to index
        %swap3A_497 = arith.constant 96 : index
        %swap3A_498 = tpu.vector_load %arg20[%swap3A_496, %swap3A_497] {strides = array<i32>} : memref<56x128xf32, #tpu.memory_space<vmem>>, vector<1x16xf32>,
        %swap3A_499 = vector.shape_cast %swap3A_498 : vector<1x16xf32> to vector<16xf32>
        %swap3A_500 = vector.shape_cast %max3A_495 : vector<16xf32> to vector<1x16xf32>
        tpu.vector_store %arg20[%swap3A_496, %swap3A_497], %swap3A_500 {strides = array<i32>} : memref<56x128xf32, #tpu.memory_space<vmem>>, vector<1x16xf32>,
        %get3A_501 = arith.index_cast %scan3A_383 : i32 to index
        %get3A_502 = arith.constant 112 : index
        %get3A_503 = tpu.vector_load %arg17[%get3A_501, %get3A_502] {strides = array<i32>} : memref<56x128xf32, #tpu.memory_space<vmem>>, vector<1x16xf32>,
        %get3A_504 = vector.shape_cast %get3A_503 : vector<1x16xf32> to vector<16xf32>
        %get3A_505 = arith.index_cast %scan3A_383 : i32 to index
        %get3A_506 = arith.constant 112 : index
        %get3A_507 = tpu.vector_load %arg20[%get3A_505, %get3A_506] {strides = array<i32>} : memref<56x128xf32, #tpu.memory_space<vmem>>, vector<1x16xf32>,
        %get3A_508 = vector.shape_cast %get3A_507 : vector<1x16xf32> to vector<16xf32>
        %add3A_509 = arith.addf %get3A_504, %get3A_508 : vector<16xf32>
        %max3A_510 = arith.constant 0.000000e+00 : f32
        %max3A_511 = vector.broadcast %max3A_510 : f32 to vector<16xf32>
        %max3A_512 = arith.maximumf %add3A_509, %max3A_511 : vector<16xf32>
        %swap3A_513 = arith.index_cast %scan3A_383 : i32 to index
        %swap3A_514 = arith.constant 112 : index
        %swap3A_515 = tpu.vector_load %arg20[%swap3A_513, %swap3A_514] {strides = array<i32>} : memref<56x128xf32, #tpu.memory_space<vmem>>, vector<1x16xf32>,
        %swap3A_516 = vector.shape_cast %swap3A_515 : vector<1x16xf32> to vector<16xf32>
        %swap3A_517 = vector.shape_cast %max3A_512 : vector<16xf32> to vector<1x16xf32>
        tpu.vector_store %arg20[%swap3A_513, %swap3A_514], %swap3A_517 {strides = array<i32>} : memref<56x128xf32, #tpu.memory_space<vmem>>, vector<1x16xf32>,
        %scan3A_518 = arith.constant 0 : i32
        scf.yield %scan3A_518 : i32
      }
      %scan3A_236 = arith.constant 56 : i32
      %dma_start3A_237 = arith.constant 0 : i32
      %dma_start3A_238 = arith.constant 0 : i32
      %dma_start3A_239 = tpu.memref_slice %arg23[%dma_start3A_237, %dma_start3A_238] : memref<10240x128xf32, #tpu.memory_space<vmem_shared>> -> memref<10240x128xf32, #tpu.memory_space<vmem_shared>>
      tpu.enqueue_indirect_dma source(%arg20 : memref<56x128xf32, #tpu.memory_space<vmem>>) target(%dma_start3A_239 : memref<10240x128xf32, #tpu.memory_space<vmem_shared>>) offsets(%arg14 : memref<56xi32, #tpu.memory_space<vmem>>) semaphore(%arg31 : memref<!tpu.dma_semaphore, #tpu.memory_space<semaphore_mem>>) {add = true}
      %dma_wait3A_240 = arith.constant 0 : i32
      %dma_wait3A_241 = arith.constant 0 : i32
      %dma_wait3A_242 = tpu.memref_slice %arg23[%dma_wait3A_240, %dma_wait3A_241] : memref<10240x128xf32, #tpu.memory_space<vmem_shared>> -> memref<10240x128xf32, #tpu.memory_space<vmem_shared>>
      tpu.wait_indirect_dma semaphore(%arg30 : memref<!tpu.dma_semaphore, #tpu.memory_space<semaphore_mem>>) src(%arg19 : memref<56x128xf32, #tpu.memory_space<vmem>>) dst(%dma_wait3A_242 : memref<10240x128xf32, #tpu.memory_space<vmem_shared>>)
      %mul3A_243 = arith.constant 322560 : i32
      %mul3A_244 = arith.muli %arg0, %mul3A_243 : i32
      %add3A_245 = arith.addi %mul3A_244, %mul3A_13 : i32
      %mul3A_246 = arith.constant 56 : i32
      %mul3A_247 = arith.muli %min3A_172, %mul3A_246 : i32
      %add3A_248 = arith.addi %add3A_245, %mul3A_247 : i32
      %mul3A_249 = arith.constant 322560 : i32
      %mul3A_250 = arith.muli %arg0, %mul3A_249 : i32
      %add3A_251 = arith.addi %mul3A_250, %mul3A_13 : i32
      %mul3A_252 = arith.constant 56 : i32
      %mul3A_253 = arith.muli %min3A_172, %mul3A_252 : i32
      %add3A_254 = arith.addi %add3A_251, %mul3A_253 : i32
      %mul3A_255 = arith.constant 56 : i32
      %mul3A_256 = arith.muli %min3A_172, %mul3A_255 : i32
      %add3A_257 = arith.addi %mul3A_13, %mul3A_256 : i32
      %dma_start3A_258 = tpu.memref_slice %arg3[%add3A_248] : memref<645120xi32, #tpu.memory_space<hbm>> -> memref<56xi32, #tpu.memory_space<hbm>>
      %dma_start3A_259 = tpu.memref_slice %arg3[%add3A_248] : memref<645120xi32, #tpu.memory_space<hbm>> -> memref<56xi32, #tpu.memory_space<hbm>>
      tpu.enqueue_dma source(%dma_start3A_259 : memref<56xi32, #tpu.memory_space<hbm>>) target(%arg7 : memref<56xi32, #tpu.memory_space<vmem>>) target_semaphore(%arg24 : memref<!tpu.dma_semaphore, #tpu.memory_space<semaphore_mem>>)
      %dma_start3A_260 = tpu.memref_slice %arg4[%add3A_254] : memref<645120xi32, #tpu.memory_space<hbm>> -> memref<56xi32, #tpu.memory_space<hbm>>
      %dma_start3A_261 = tpu.memref_slice %arg4[%add3A_254] : memref<645120xi32, #tpu.memory_space<hbm>> -> memref<56xi32, #tpu.memory_space<hbm>>
      tpu.enqueue_dma source(%dma_start3A_261 : memref<56xi32, #tpu.memory_space<hbm>>) target(%arg10 : memref<56xi32, #tpu.memory_space<vmem>>) target_semaphore(%arg24 : memref<!tpu.dma_semaphore, #tpu.memory_space<semaphore_mem>>)
      %dma_start3A_262 = tpu.memref_slice %arg5[%add3A_257] : memref<322560xi32, #tpu.memory_space<hbm>> -> memref<56xi32, #tpu.memory_space<hbm>>
      %dma_start3A_263 = tpu.memref_slice %arg5[%add3A_257] : memref<322560xi32, #tpu.memory_space<hbm>> -> memref<56xi32, #tpu.memory_space<hbm>>
      tpu.enqueue_dma source(%dma_start3A_263 : memref<56xi32, #tpu.memory_space<hbm>>) target(%arg13 : memref<56xi32, #tpu.memory_space<vmem>>) target_semaphore(%arg24 : memref<!tpu.dma_semaphore, #tpu.memory_space<semaphore_mem>>)
      %mul3A_264 = arith.constant 322560 : i32
      %mul3A_265 = arith.muli %arg0, %mul3A_264 : i32
      %add3A_266 = arith.addi %mul3A_265, %mul3A_13 : i32
      %mul3A_267 = arith.constant 56 : i32
      %mul3A_268 = arith.muli %min3A_172, %mul3A_267 : i32
      %add3A_269 = arith.addi %add3A_266, %mul3A_268 : i32
      %mul3A_270 = arith.constant 322560 : i32
      %mul3A_271 = arith.muli %arg0, %mul3A_270 : i32
      %add3A_272 = arith.addi %mul3A_271, %mul3A_13 : i32
      %mul3A_273 = arith.constant 56 : i32
      %mul3A_274 = arith.muli %min3A_172, %mul3A_273 : i32
      %add3A_275 = arith.addi %add3A_272, %mul3A_274 : i32
      %mul3A_276 = arith.constant 56 : i32
      %mul3A_277 = arith.muli %min3A_172, %mul3A_276 : i32
      %add3A_278 = arith.addi %mul3A_13, %mul3A_277 : i32
      %dma_wait3A_279 = tpu.memref_slice %arg3[%add3A_269] : memref<645120xi32, #tpu.memory_space<hbm>> -> memref<56xi32, #tpu.memory_space<hbm>>
      %dma_wait3A_280 = tpu.memref_slice %arg3[%add3A_269] : memref<645120xi32, #tpu.memory_space<hbm>> -> memref<56xi32, #tpu.memory_space<hbm>>
      tpu.wait_dma2 semaphore(%arg24 : memref<!tpu.dma_semaphore, #tpu.memory_space<semaphore_mem>>) src(%dma_wait3A_280 : memref<56xi32, #tpu.memory_space<hbm>>) dst(%arg7 : memref<56xi32, #tpu.memory_space<vmem>>)
      %dma_wait3A_281 = tpu.memref_slice %arg4[%add3A_275] : memref<645120xi32, #tpu.memory_space<hbm>> -> memref<56xi32, #tpu.memory_space<hbm>>
      %dma_wait3A_282 = tpu.memref_slice %arg4[%add3A_275] : memref<645120xi32, #tpu.memory_space<hbm>> -> memref<56xi32, #tpu.memory_space<hbm>>
      tpu.wait_dma2 semaphore(%arg24 : memref<!tpu.dma_semaphore, #tpu.memory_space<semaphore_mem>>) src(%dma_wait3A_282 : memref<56xi32, #tpu.memory_space<hbm>>) dst(%arg10 : memref<56xi32, #tpu.memory_space<vmem>>)
      %dma_wait3A_283 = tpu.memref_slice %arg5[%add3A_278] : memref<322560xi32, #tpu.memory_space<hbm>> -> memref<56xi32, #tpu.memory_space<hbm>>
      %dma_wait3A_284 = tpu.memref_slice %arg5[%add3A_278] : memref<322560xi32, #tpu.memory_space<hbm>> -> memref<56xi32, #tpu.memory_space<hbm>>
      tpu.wait_dma2 semaphore(%arg24 : memref<!tpu.dma_semaphore, #tpu.memory_space<semaphore_mem>>) src(%dma_wait3A_284 : memref<56xi32, #tpu.memory_space<hbm>>) dst(%arg13 : memref<56xi32, #tpu.memory_space<vmem>>)
      %dma_start3A_285 = arith.constant 0 : i32
      %dma_start3A_286 = arith.constant 0 : i32
      %dma_start3A_287 = tpu.memref_slice %arg2[%dma_start3A_285, %dma_start3A_286] : memref<40960x128xf32, #tpu.memory_space<hbm>> -> memref<40960x128xf32, #tpu.memory_space<hbm>>
      tpu.enqueue_indirect_dma source(%dma_start3A_287 : memref<40960x128xf32, #tpu.memory_space<hbm>>) target(%arg16 : memref<56x128xf32, #tpu.memory_space<vmem>>) offsets(%arg7 : memref<56xi32, #tpu.memory_space<vmem>>) semaphore(%arg27 : memref<!tpu.dma_semaphore, #tpu.memory_space<semaphore_mem>>)
      %dma_start3A_288 = arith.constant 0 : i32
      %dma_start3A_289 = arith.constant 0 : i32
      %dma_start3A_290 = tpu.memref_slice %arg2[%dma_start3A_288, %dma_start3A_289] : memref<40960x128xf32, #tpu.memory_space<hbm>> -> memref<40960x128xf32, #tpu.memory_space<hbm>>
      tpu.enqueue_indirect_dma source(%dma_start3A_290 : memref<40960x128xf32, #tpu.memory_space<hbm>>) target(%arg19 : memref<56x128xf32, #tpu.memory_space<vmem>>) offsets(%arg10 : memref<56xi32, #tpu.memory_space<vmem>>) semaphore(%arg27 : memref<!tpu.dma_semaphore, #tpu.memory_space<semaphore_mem>>)
      %dma_wait3A_291 = arith.constant 0 : i32
      %dma_wait3A_292 = arith.constant 0 : i32
      %dma_wait3A_293 = tpu.memref_slice %arg2[%dma_wait3A_291, %dma_wait3A_292] : memref<40960x128xf32, #tpu.memory_space<hbm>> -> memref<40960x128xf32, #tpu.memory_space<hbm>>
      tpu.wait_indirect_dma semaphore(%arg29 : memref<!tpu.dma_semaphore, #tpu.memory_space<semaphore_mem>>) src(%dma_wait3A_293 : memref<40960x128xf32, #tpu.memory_space<hbm>>) dst(%arg18 : memref<56x128xf32, #tpu.memory_space<vmem>>)
      %dma_wait3A_294 = arith.constant 0 : i32
      %dma_wait3A_295 = arith.constant 0 : i32
      %dma_wait3A_296 = tpu.memref_slice %arg2[%dma_wait3A_294, %dma_wait3A_295] : memref<40960x128xf32, #tpu.memory_space<hbm>> -> memref<40960x128xf32, #tpu.memory_space<hbm>>
      tpu.wait_indirect_dma semaphore(%arg29 : memref<!tpu.dma_semaphore, #tpu.memory_space<semaphore_mem>>) src(%dma_wait3A_296 : memref<40960x128xf32, #tpu.memory_space<hbm>>) dst(%arg21 : memref<56x128xf32, #tpu.memory_space<vmem>>)
      %scan3A_297 = arith.constant 0 : i32
      %scan3A_298 = arith.constant 0 : i32
      %scan3A_299 = arith.constant 56 : i32
      %scan3A_300 = arith.addi %scan3A_298, %scan3A_299 : i32
      %scan3A_301 = arith.constant 1 : i32
      %scan3A_302 = scf.for %scan3A_383 = %scan3A_298 to %scan3A_300 step %scan3A_301 iter_args(%scan3A_384 = %scan3A_297) -> (i32)  : i32 {
        %get3A = arith.index_cast %scan3A_383 : i32 to index
        %get3A_385 = arith.constant 0 : index
        %get3A_386 = tpu.vector_load %arg18[%get3A, %get3A_385] {strides = array<i32>} : memref<56x128xf32, #tpu.memory_space<vmem>>, vector<1x16xf32>,
        %get3A_387 = vector.shape_cast %get3A_386 : vector<1x16xf32> to vector<16xf32>
        %get3A_388 = arith.index_cast %scan3A_383 : i32 to index
        %get3A_389 = arith.constant 0 : index
        %get3A_390 = tpu.vector_load %arg21[%get3A_388, %get3A_389] {strides = array<i32>} : memref<56x128xf32, #tpu.memory_space<vmem>>, vector<1x16xf32>,
        %get3A_391 = vector.shape_cast %get3A_390 : vector<1x16xf32> to vector<16xf32>
        %add3A_392 = arith.addf %get3A_387, %get3A_391 : vector<16xf32>
        %max3A = arith.constant 0.000000e+00 : f32
        %max3A_393 = vector.broadcast %max3A : f32 to vector<16xf32>
        %max3A_394 = arith.maximumf %add3A_392, %max3A_393 : vector<16xf32>
        %swap3A = arith.index_cast %scan3A_383 : i32 to index
        %swap3A_395 = arith.constant 0 : index
        %swap3A_396 = tpu.vector_load %arg21[%swap3A, %swap3A_395] {strides = array<i32>} : memref<56x128xf32, #tpu.memory_space<vmem>>, vector<1x16xf32>,
        %swap3A_397 = vector.shape_cast %swap3A_396 : vector<1x16xf32> to vector<16xf32>
        %swap3A_398 = vector.shape_cast %max3A_394 : vector<16xf32> to vector<1x16xf32>
        tpu.vector_store %arg21[%swap3A, %swap3A_395], %swap3A_398 {strides = array<i32>} : memref<56x128xf32, #tpu.memory_space<vmem>>, vector<1x16xf32>,
        %get3A_399 = arith.index_cast %scan3A_383 : i32 to index
        %get3A_400 = arith.constant 16 : index
        %get3A_401 = tpu.vector_load %arg18[%get3A_399, %get3A_400] {strides = array<i32>} : memref<56x128xf32, #tpu.memory_space<vmem>>, vector<1x16xf32>,
        %get3A_402 = vector.shape_cast %get3A_401 : vector<1x16xf32> to vector<16xf32>
        %get3A_403 = arith.index_cast %scan3A_383 : i32 to index
        %get3A_404 = arith.constant 16 : index
        %get3A_405 = tpu.vector_load %arg21[%get3A_403, %get3A_404] {strides = array<i32>} : memref<56x128xf32, #tpu.memory_space<vmem>>, vector<1x16xf32>,
        %get3A_406 = vector.shape_cast %get3A_405 : vector<1x16xf32> to vector<16xf32>
        %add3A_407 = arith.addf %get3A_402, %get3A_406 : vector<16xf32>
        %max3A_408 = arith.constant 0.000000e+00 : f32
        %max3A_409 = vector.broadcast %max3A_408 : f32 to vector<16xf32>
        %max3A_410 = arith.maximumf %add3A_407, %max3A_409 : vector<16xf32>
        %swap3A_411 = arith.index_cast %scan3A_383 : i32 to index
        %swap3A_412 = arith.constant 16 : index
        %swap3A_413 = tpu.vector_load %arg21[%swap3A_411, %swap3A_412] {strides = array<i32>} : memref<56x128xf32, #tpu.memory_space<vmem>>, vector<1x16xf32>,
        %swap3A_414 = vector.shape_cast %swap3A_413 : vector<1x16xf32> to vector<16xf32>
        %swap3A_415 = vector.shape_cast %max3A_410 : vector<16xf32> to vector<1x16xf32>
        tpu.vector_store %arg21[%swap3A_411, %swap3A_412], %swap3A_415 {strides = array<i32>} : memref<56x128xf32, #tpu.memory_space<vmem>>, vector<1x16xf32>,
        %get3A_416 = arith.index_cast %scan3A_383 : i32 to index
        %get3A_417 = arith.constant 32 : index
        %get3A_418 = tpu.vector_load %arg18[%get3A_416, %get3A_417] {strides = array<i32>} : memref<56x128xf32, #tpu.memory_space<vmem>>, vector<1x16xf32>,
        %get3A_419 = vector.shape_cast %get3A_418 : vector<1x16xf32> to vector<16xf32>
        %get3A_420 = arith.index_cast %scan3A_383 : i32 to index
        %get3A_421 = arith.constant 32 : index
        %get3A_422 = tpu.vector_load %arg21[%get3A_420, %get3A_421] {strides = array<i32>} : memref<56x128xf32, #tpu.memory_space<vmem>>, vector<1x16xf32>,
        %get3A_423 = vector.shape_cast %get3A_422 : vector<1x16xf32> to vector<16xf32>
        %add3A_424 = arith.addf %get3A_419, %get3A_423 : vector<16xf32>
        %max3A_425 = arith.constant 0.000000e+00 : f32
        %max3A_426 = vector.broadcast %max3A_425 : f32 to vector<16xf32>
        %max3A_427 = arith.maximumf %add3A_424, %max3A_426 : vector<16xf32>
        %swap3A_428 = arith.index_cast %scan3A_383 : i32 to index
        %swap3A_429 = arith.constant 32 : index
        %swap3A_430 = tpu.vector_load %arg21[%swap3A_428, %swap3A_429] {strides = array<i32>} : memref<56x128xf32, #tpu.memory_space<vmem>>, vector<1x16xf32>,
        %swap3A_431 = vector.shape_cast %swap3A_430 : vector<1x16xf32> to vector<16xf32>
        %swap3A_432 = vector.shape_cast %max3A_427 : vector<16xf32> to vector<1x16xf32>
        tpu.vector_store %arg21[%swap3A_428, %swap3A_429], %swap3A_432 {strides = array<i32>} : memref<56x128xf32, #tpu.memory_space<vmem>>, vector<1x16xf32>,
        %get3A_433 = arith.index_cast %scan3A_383 : i32 to index
        %get3A_434 = arith.constant 48 : index
        %get3A_435 = tpu.vector_load %arg18[%get3A_433, %get3A_434] {strides = array<i32>} : memref<56x128xf32, #tpu.memory_space<vmem>>, vector<1x16xf32>,
        %get3A_436 = vector.shape_cast %get3A_435 : vector<1x16xf32> to vector<16xf32>
        %get3A_437 = arith.index_cast %scan3A_383 : i32 to index
        %get3A_438 = arith.constant 48 : index
        %get3A_439 = tpu.vector_load %arg21[%get3A_437, %get3A_438] {strides = array<i32>} : memref<56x128xf32, #tpu.memory_space<vmem>>, vector<1x16xf32>,
        %get3A_440 = vector.shape_cast %get3A_439 : vector<1x16xf32> to vector<16xf32>
        %add3A_441 = arith.addf %get3A_436, %get3A_440 : vector<16xf32>
        %max3A_442 = arith.constant 0.000000e+00 : f32
        %max3A_443 = vector.broadcast %max3A_442 : f32 to vector<16xf32>
        %max3A_444 = arith.maximumf %add3A_441, %max3A_443 : vector<16xf32>
        %swap3A_445 = arith.index_cast %scan3A_383 : i32 to index
        %swap3A_446 = arith.constant 48 : index
        %swap3A_447 = tpu.vector_load %arg21[%swap3A_445, %swap3A_446] {strides = array<i32>} : memref<56x128xf32, #tpu.memory_space<vmem>>, vector<1x16xf32>,
        %swap3A_448 = vector.shape_cast %swap3A_447 : vector<1x16xf32> to vector<16xf32>
        %swap3A_449 = vector.shape_cast %max3A_444 : vector<16xf32> to vector<1x16xf32>
        tpu.vector_store %arg21[%swap3A_445, %swap3A_446], %swap3A_449 {strides = array<i32>} : memref<56x128xf32, #tpu.memory_space<vmem>>, vector<1x16xf32>,
        %get3A_450 = arith.index_cast %scan3A_383 : i32 to index
        %get3A_451 = arith.constant 64 : index
        %get3A_452 = tpu.vector_load %arg18[%get3A_450, %get3A_451] {strides = array<i32>} : memref<56x128xf32, #tpu.memory_space<vmem>>, vector<1x16xf32>,
        %get3A_453 = vector.shape_cast %get3A_452 : vector<1x16xf32> to vector<16xf32>
        %get3A_454 = arith.index_cast %scan3A_383 : i32 to index
        %get3A_455 = arith.constant 64 : index
        %get3A_456 = tpu.vector_load %arg21[%get3A_454, %get3A_455] {strides = array<i32>} : memref<56x128xf32, #tpu.memory_space<vmem>>, vector<1x16xf32>,
        %get3A_457 = vector.shape_cast %get3A_456 : vector<1x16xf32> to vector<16xf32>
        %add3A_458 = arith.addf %get3A_453, %get3A_457 : vector<16xf32>
        %max3A_459 = arith.constant 0.000000e+00 : f32
        %max3A_460 = vector.broadcast %max3A_459 : f32 to vector<16xf32>
        %max3A_461 = arith.maximumf %add3A_458, %max3A_460 : vector<16xf32>
        %swap3A_462 = arith.index_cast %scan3A_383 : i32 to index
        %swap3A_463 = arith.constant 64 : index
        %swap3A_464 = tpu.vector_load %arg21[%swap3A_462, %swap3A_463] {strides = array<i32>} : memref<56x128xf32, #tpu.memory_space<vmem>>, vector<1x16xf32>,
        %swap3A_465 = vector.shape_cast %swap3A_464 : vector<1x16xf32> to vector<16xf32>
        %swap3A_466 = vector.shape_cast %max3A_461 : vector<16xf32> to vector<1x16xf32>
        tpu.vector_store %arg21[%swap3A_462, %swap3A_463], %swap3A_466 {strides = array<i32>} : memref<56x128xf32, #tpu.memory_space<vmem>>, vector<1x16xf32>,
        %get3A_467 = arith.index_cast %scan3A_383 : i32 to index
        %get3A_468 = arith.constant 80 : index
        %get3A_469 = tpu.vector_load %arg18[%get3A_467, %get3A_468] {strides = array<i32>} : memref<56x128xf32, #tpu.memory_space<vmem>>, vector<1x16xf32>,
        %get3A_470 = vector.shape_cast %get3A_469 : vector<1x16xf32> to vector<16xf32>
        %get3A_471 = arith.index_cast %scan3A_383 : i32 to index
        %get3A_472 = arith.constant 80 : index
        %get3A_473 = tpu.vector_load %arg21[%get3A_471, %get3A_472] {strides = array<i32>} : memref<56x128xf32, #tpu.memory_space<vmem>>, vector<1x16xf32>,
        %get3A_474 = vector.shape_cast %get3A_473 : vector<1x16xf32> to vector<16xf32>
        %add3A_475 = arith.addf %get3A_470, %get3A_474 : vector<16xf32>
        %max3A_476 = arith.constant 0.000000e+00 : f32
        %max3A_477 = vector.broadcast %max3A_476 : f32 to vector<16xf32>
        %max3A_478 = arith.maximumf %add3A_475, %max3A_477 : vector<16xf32>
        %swap3A_479 = arith.index_cast %scan3A_383 : i32 to index
        %swap3A_480 = arith.constant 80 : index
        %swap3A_481 = tpu.vector_load %arg21[%swap3A_479, %swap3A_480] {strides = array<i32>} : memref<56x128xf32, #tpu.memory_space<vmem>>, vector<1x16xf32>,
        %swap3A_482 = vector.shape_cast %swap3A_481 : vector<1x16xf32> to vector<16xf32>
        %swap3A_483 = vector.shape_cast %max3A_478 : vector<16xf32> to vector<1x16xf32>
        tpu.vector_store %arg21[%swap3A_479, %swap3A_480], %swap3A_483 {strides = array<i32>} : memref<56x128xf32, #tpu.memory_space<vmem>>, vector<1x16xf32>,
        %get3A_484 = arith.index_cast %scan3A_383 : i32 to index
        %get3A_485 = arith.constant 96 : index
        %get3A_486 = tpu.vector_load %arg18[%get3A_484, %get3A_485] {strides = array<i32>} : memref<56x128xf32, #tpu.memory_space<vmem>>, vector<1x16xf32>,
        %get3A_487 = vector.shape_cast %get3A_486 : vector<1x16xf32> to vector<16xf32>
        %get3A_488 = arith.index_cast %scan3A_383 : i32 to index
        %get3A_489 = arith.constant 96 : index
        %get3A_490 = tpu.vector_load %arg21[%get3A_488, %get3A_489] {strides = array<i32>} : memref<56x128xf32, #tpu.memory_space<vmem>>, vector<1x16xf32>,
        %get3A_491 = vector.shape_cast %get3A_490 : vector<1x16xf32> to vector<16xf32>
        %add3A_492 = arith.addf %get3A_487, %get3A_491 : vector<16xf32>
        %max3A_493 = arith.constant 0.000000e+00 : f32
        %max3A_494 = vector.broadcast %max3A_493 : f32 to vector<16xf32>
        %max3A_495 = arith.maximumf %add3A_492, %max3A_494 : vector<16xf32>
        %swap3A_496 = arith.index_cast %scan3A_383 : i32 to index
        %swap3A_497 = arith.constant 96 : index
        %swap3A_498 = tpu.vector_load %arg21[%swap3A_496, %swap3A_497] {strides = array<i32>} : memref<56x128xf32, #tpu.memory_space<vmem>>, vector<1x16xf32>,
        %swap3A_499 = vector.shape_cast %swap3A_498 : vector<1x16xf32> to vector<16xf32>
        %swap3A_500 = vector.shape_cast %max3A_495 : vector<16xf32> to vector<1x16xf32>
        tpu.vector_store %arg21[%swap3A_496, %swap3A_497], %swap3A_500 {strides = array<i32>} : memref<56x128xf32, #tpu.memory_space<vmem>>, vector<1x16xf32>,
        %get3A_501 = arith.index_cast %scan3A_383 : i32 to index
        %get3A_502 = arith.constant 112 : index
        %get3A_503 = tpu.vector_load %arg18[%get3A_501, %get3A_502] {strides = array<i32>} : memref<56x128xf32, #tpu.memory_space<vmem>>, vector<1x16xf32>,
        %get3A_504 = vector.shape_cast %get3A_503 : vector<1x16xf32> to vector<16xf32>
        %get3A_505 = arith.index_cast %scan3A_383 : i32 to index
        %get3A_506 = arith.constant 112 : index
        %get3A_507 = tpu.vector_load %arg21[%get3A_505, %get3A_506] {strides = array<i32>} : memref<56x128xf32, #tpu.memory_space<vmem>>, vector<1x16xf32>,
        %get3A_508 = vector.shape_cast %get3A_507 : vector<1x16xf32> to vector<16xf32>
        %add3A_509 = arith.addf %get3A_504, %get3A_508 : vector<16xf32>
        %max3A_510 = arith.constant 0.000000e+00 : f32
        %max3A_511 = vector.broadcast %max3A_510 : f32 to vector<16xf32>
        %max3A_512 = arith.maximumf %add3A_509, %max3A_511 : vector<16xf32>
        %swap3A_513 = arith.index_cast %scan3A_383 : i32 to index
        %swap3A_514 = arith.constant 112 : index
        %swap3A_515 = tpu.vector_load %arg21[%swap3A_513, %swap3A_514] {strides = array<i32>} : memref<56x128xf32, #tpu.memory_space<vmem>>, vector<1x16xf32>,
        %swap3A_516 = vector.shape_cast %swap3A_515 : vector<1x16xf32> to vector<16xf32>
        %swap3A_517 = vector.shape_cast %max3A_512 : vector<16xf32> to vector<1x16xf32>
        tpu.vector_store %arg21[%swap3A_513, %swap3A_514], %swap3A_517 {strides = array<i32>} : memref<56x128xf32, #tpu.memory_space<vmem>>, vector<1x16xf32>,
        %scan3A_518 = arith.constant 0 : i32
        scf.yield %scan3A_518 : i32
      }
      %scan3A_303 = arith.constant 56 : i32
      %dma_start3A_304 = arith.constant 0 : i32
      %dma_start3A_305 = arith.constant 0 : i32
      %dma_start3A_306 = tpu.memref_slice %arg23[%dma_start3A_304, %dma_start3A_305] : memref<10240x128xf32, #tpu.memory_space<vmem_shared>> -> memref<10240x128xf32, #tpu.memory_space<vmem_shared>>
      tpu.enqueue_indirect_dma source(%arg21 : memref<56x128xf32, #tpu.memory_space<vmem>>) target(%dma_start3A_306 : memref<10240x128xf32, #tpu.memory_space<vmem_shared>>) offsets(%arg15 : memref<56xi32, #tpu.memory_space<vmem>>) semaphore(%arg32 : memref<!tpu.dma_semaphore, #tpu.memory_space<semaphore_mem>>) {add = true}
      %dma_wait3A_307 = arith.constant 0 : i32
      %dma_wait3A_308 = arith.constant 0 : i32
      %dma_wait3A_309 = tpu.memref_slice %arg23[%dma_wait3A_307, %dma_wait3A_308] : memref<10240x128xf32, #tpu.memory_space<vmem_shared>> -> memref<10240x128xf32, #tpu.memory_space<vmem_shared>>
      tpu.wait_indirect_dma semaphore(%arg31 : memref<!tpu.dma_semaphore, #tpu.memory_space<semaphore_mem>>) src(%arg20 : memref<56x128xf32, #tpu.memory_space<vmem>>) dst(%dma_wait3A_309 : memref<10240x128xf32, #tpu.memory_space<vmem_shared>>)
      %mul3A_310 = arith.constant 322560 : i32
      %mul3A_311 = arith.muli %arg0, %mul3A_310 : i32
      %add3A_312 = arith.addi %mul3A_311, %mul3A_13 : i32
      %mul3A_313 = arith.constant 56 : i32
      %mul3A_314 = arith.muli %min3A_176, %mul3A_313 : i32
      %add3A_315 = arith.addi %add3A_312, %mul3A_314 : i32
      %mul3A_316 = arith.constant 322560 : i32
      %mul3A_317 = arith.muli %arg0, %mul3A_316 : i32
      %add3A_318 = arith.addi %mul3A_317, %mul3A_13 : i32
      %mul3A_319 = arith.constant 56 : i32
      %mul3A_320 = arith.muli %min3A_176, %mul3A_319 : i32
      %add3A_321 = arith.addi %add3A_318, %mul3A_320 : i32
      %mul3A_322 = arith.constant 56 : i32
      %mul3A_323 = arith.muli %min3A_176, %mul3A_322 : i32
      %add3A_324 = arith.addi %mul3A_13, %mul3A_323 : i32
      %dma_start3A_325 = tpu.memref_slice %arg3[%add3A_315] : memref<645120xi32, #tpu.memory_space<hbm>> -> memref<56xi32, #tpu.memory_space<hbm>>
      %dma_start3A_326 = tpu.memref_slice %arg3[%add3A_315] : memref<645120xi32, #tpu.memory_space<hbm>> -> memref<56xi32, #tpu.memory_space<hbm>>
      tpu.enqueue_dma source(%dma_start3A_326 : memref<56xi32, #tpu.memory_space<hbm>>) target(%arg8 : memref<56xi32, #tpu.memory_space<vmem>>) target_semaphore(%arg25 : memref<!tpu.dma_semaphore, #tpu.memory_space<semaphore_mem>>)
      %dma_start3A_327 = tpu.memref_slice %arg4[%add3A_321] : memref<645120xi32, #tpu.memory_space<hbm>> -> memref<56xi32, #tpu.memory_space<hbm>>
      %dma_start3A_328 = tpu.memref_slice %arg4[%add3A_321] : memref<645120xi32, #tpu.memory_space<hbm>> -> memref<56xi32, #tpu.memory_space<hbm>>
      tpu.enqueue_dma source(%dma_start3A_328 : memref<56xi32, #tpu.memory_space<hbm>>) target(%arg11 : memref<56xi32, #tpu.memory_space<vmem>>) target_semaphore(%arg25 : memref<!tpu.dma_semaphore, #tpu.memory_space<semaphore_mem>>)
      %dma_start3A_329 = tpu.memref_slice %arg5[%add3A_324] : memref<322560xi32, #tpu.memory_space<hbm>> -> memref<56xi32, #tpu.memory_space<hbm>>
      %dma_start3A_330 = tpu.memref_slice %arg5[%add3A_324] : memref<322560xi32, #tpu.memory_space<hbm>> -> memref<56xi32, #tpu.memory_space<hbm>>
      tpu.enqueue_dma source(%dma_start3A_330 : memref<56xi32, #tpu.memory_space<hbm>>) target(%arg14 : memref<56xi32, #tpu.memory_space<vmem>>) target_semaphore(%arg25 : memref<!tpu.dma_semaphore, #tpu.memory_space<semaphore_mem>>)
      %mul3A_331 = arith.constant 322560 : i32
      %mul3A_332 = arith.muli %arg0, %mul3A_331 : i32
      %add3A_333 = arith.addi %mul3A_332, %mul3A_13 : i32
      %mul3A_334 = arith.constant 56 : i32
      %mul3A_335 = arith.muli %min3A_176, %mul3A_334 : i32
      %add3A_336 = arith.addi %add3A_333, %mul3A_335 : i32
      %mul3A_337 = arith.constant 322560 : i32
      %mul3A_338 = arith.muli %arg0, %mul3A_337 : i32
      %add3A_339 = arith.addi %mul3A_338, %mul3A_13 : i32
      %mul3A_340 = arith.constant 56 : i32
      %mul3A_341 = arith.muli %min3A_176, %mul3A_340 : i32
      %add3A_342 = arith.addi %add3A_339, %mul3A_341 : i32
      %mul3A_343 = arith.constant 56 : i32
      %mul3A_344 = arith.muli %min3A_176, %mul3A_343 : i32
      %add3A_345 = arith.addi %mul3A_13, %mul3A_344 : i32
      %dma_wait3A_346 = tpu.memref_slice %arg3[%add3A_336] : memref<645120xi32, #tpu.memory_space<hbm>> -> memref<56xi32, #tpu.memory_space<hbm>>
      %dma_wait3A_347 = tpu.memref_slice %arg3[%add3A_336] : memref<645120xi32, #tpu.memory_space<hbm>> -> memref<56xi32, #tpu.memory_space<hbm>>
      tpu.wait_dma2 semaphore(%arg25 : memref<!tpu.dma_semaphore, #tpu.memory_space<semaphore_mem>>) src(%dma_wait3A_347 : memref<56xi32, #tpu.memory_space<hbm>>) dst(%arg8 : memref<56xi32, #tpu.memory_space<vmem>>)
      %dma_wait3A_348 = tpu.memref_slice %arg4[%add3A_342] : memref<645120xi32, #tpu.memory_space<hbm>> -> memref<56xi32, #tpu.memory_space<hbm>>
      %dma_wait3A_349 = tpu.memref_slice %arg4[%add3A_342] : memref<645120xi32, #tpu.memory_space<hbm>> -> memref<56xi32, #tpu.memory_space<hbm>>
      tpu.wait_dma2 semaphore(%arg25 : memref<!tpu.dma_semaphore, #tpu.memory_space<semaphore_mem>>) src(%dma_wait3A_349 : memref<56xi32, #tpu.memory_space<hbm>>) dst(%arg11 : memref<56xi32, #tpu.memory_space<vmem>>)
      %dma_wait3A_350 = tpu.memref_slice %arg5[%add3A_345] : memref<322560xi32, #tpu.memory_space<hbm>> -> memref<56xi32, #tpu.memory_space<hbm>>
      %dma_wait3A_351 = tpu.memref_slice %arg5[%add3A_345] : memref<322560xi32, #tpu.memory_space<hbm>> -> memref<56xi32, #tpu.memory_space<hbm>>
      tpu.wait_dma2 semaphore(%arg25 : memref<!tpu.dma_semaphore, #tpu.memory_space<semaphore_mem>>) src(%dma_wait3A_351 : memref<56xi32, #tpu.memory_space<hbm>>) dst(%arg14 : memref<56xi32, #tpu.memory_space<vmem>>)
      %dma_start3A_352 = arith.constant 0 : i32
      %dma_start3A_353 = arith.constant 0 : i32
      %dma_start3A_354 = tpu.memref_slice %arg2[%dma_start3A_352, %dma_start3A_353] : memref<40960x128xf32, #tpu.memory_space<hbm>> -> memref<40960x128xf32, #tpu.memory_space<hbm>>
      tpu.enqueue_indirect_dma source(%dma_start3A_354 : memref<40960x128xf32, #tpu.memory_space<hbm>>) target(%arg17 : memref<56x128xf32, #tpu.memory_space<vmem>>) offsets(%arg8 : memref<56xi32, #tpu.memory_space<vmem>>) semaphore(%arg28 : memref<!tpu.dma_semaphore, #tpu.memory_space<semaphore_mem>>)
      %dma_start3A_355 = arith.constant 0 : i32
      %dma_start3A_356 = arith.constant 0 : i32
      %dma_start3A_357 = tpu.memref_slice %arg2[%dma_start3A_355, %dma_start3A_356] : memref<40960x128xf32, #tpu.memory_space<hbm>> -> memref<40960x128xf32, #tpu.memory_space<hbm>>
      tpu.enqueue_indirect_dma source(%dma_start3A_357 : memref<40960x128xf32, #tpu.memory_space<hbm>>) target(%arg20 : memref<56x128xf32, #tpu.memory_space<vmem>>) offsets(%arg11 : memref<56xi32, #tpu.memory_space<vmem>>) semaphore(%arg28 : memref<!tpu.dma_semaphore, #tpu.memory_space<semaphore_mem>>)
      %dma_wait3A_358 = arith.constant 0 : i32
      %dma_wait3A_359 = arith.constant 0 : i32
      %dma_wait3A_360 = tpu.memref_slice %arg23[%dma_wait3A_358, %dma_wait3A_359] : memref<10240x128xf32, #tpu.memory_space<vmem_shared>> -> memref<10240x128xf32, #tpu.memory_space<vmem_shared>>
      tpu.wait_indirect_dma semaphore(%arg32 : memref<!tpu.dma_semaphore, #tpu.memory_space<semaphore_mem>>) src(%arg21 : memref<56x128xf32, #tpu.memory_space<vmem>>) dst(%dma_wait3A_360 : memref<10240x128xf32, #tpu.memory_space<vmem_shared>>)
      %mul3A_361 = arith.constant 322560 : i32
      %mul3A_362 = arith.muli %arg0, %mul3A_361 : i32
      %add3A_363 = arith.addi %mul3A_362, %mul3A_13 : i32
      %mul3A_364 = arith.constant 56 : i32
      %mul3A_365 = arith.muli %min3A_180, %mul3A_364 : i32
      %add3A_366 = arith.addi %add3A_363, %mul3A_365 : i32
      %mul3A_367 = arith.constant 322560 : i32
      %mul3A_368 = arith.muli %arg0, %mul3A_367 : i32
      %add3A_369 = arith.addi %mul3A_368, %mul3A_13 : i32
      %mul3A_370 = arith.constant 56 : i32
      %mul3A_371 = arith.muli %min3A_180, %mul3A_370 : i32
      %add3A_372 = arith.addi %add3A_369, %mul3A_371 : i32
      %mul3A_373 = arith.constant 56 : i32
      %mul3A_374 = arith.muli %min3A_180, %mul3A_373 : i32
      %add3A_375 = arith.addi %mul3A_13, %mul3A_374 : i32
      %dma_start3A_376 = tpu.memref_slice %arg3[%add3A_366] : memref<645120xi32, #tpu.memory_space<hbm>> -> memref<56xi32, #tpu.memory_space<hbm>>
      %dma_start3A_377 = tpu.memref_slice %arg3[%add3A_366] : memref<645120xi32, #tpu.memory_space<hbm>> -> memref<56xi32, #tpu.memory_space<hbm>>
      tpu.enqueue_dma source(%dma_start3A_377 : memref<56xi32, #tpu.memory_space<hbm>>) target(%arg9 : memref<56xi32, #tpu.memory_space<vmem>>) target_semaphore(%arg26 : memref<!tpu.dma_semaphore, #tpu.memory_space<semaphore_mem>>)
      %dma_start3A_378 = tpu.memref_slice %arg4[%add3A_372] : memref<645120xi32, #tpu.memory_space<hbm>> -> memref<56xi32, #tpu.memory_space<hbm>>
      %dma_start3A_379 = tpu.memref_slice %arg4[%add3A_372] : memref<645120xi32, #tpu.memory_space<hbm>> -> memref<56xi32, #tpu.memory_space<hbm>>
      tpu.enqueue_dma source(%dma_start3A_379 : memref<56xi32, #tpu.memory_space<hbm>>) target(%arg12 : memref<56xi32, #tpu.memory_space<vmem>>) target_semaphore(%arg26 : memref<!tpu.dma_semaphore, #tpu.memory_space<semaphore_mem>>)
      %dma_start3A_380 = tpu.memref_slice %arg5[%add3A_375] : memref<322560xi32, #tpu.memory_space<hbm>> -> memref<56xi32, #tpu.memory_space<hbm>>
      %dma_start3A_381 = tpu.memref_slice %arg5[%add3A_375] : memref<322560xi32, #tpu.memory_space<hbm>> -> memref<56xi32, #tpu.memory_space<hbm>>
      tpu.enqueue_dma source(%dma_start3A_381 : memref<56xi32, #tpu.memory_space<hbm>>) target(%arg15 : memref<56xi32, #tpu.memory_space<vmem>>) target_semaphore(%arg26 : memref<!tpu.dma_semaphore, #tpu.memory_space<semaphore_mem>>)
      %scan3A_382 = arith.constant 0 : i32
      scf.yield %scan3A_382 : i32
    }
    %scan3A_119 = arith.constant 120 : i32
    %dma_wait3A_120 = arith.constant 0 : i32
    %dma_wait3A_121 = arith.constant 0 : i32
    %dma_wait3A_122 = tpu.memref_slice %arg2[%dma_wait3A_120, %dma_wait3A_121] : memref<40960x128xf32, #tpu.memory_space<hbm>> -> memref<40960x128xf32, #tpu.memory_space<hbm>>
    tpu.wait_indirect_dma semaphore(%arg27 : memref<!tpu.dma_semaphore, #tpu.memory_space<semaphore_mem>>) src(%dma_wait3A_122 : memref<40960x128xf32, #tpu.memory_space<hbm>>) dst(%arg16 : memref<56x128xf32, #tpu.memory_space<vmem>>)
    %dma_wait3A_123 = arith.constant 0 : i32
    %dma_wait3A_124 = arith.constant 0 : i32
    %dma_wait3A_125 = tpu.memref_slice %arg2[%dma_wait3A_123, %dma_wait3A_124] : memref<40960x128xf32, #tpu.memory_space<hbm>> -> memref<40960x128xf32, #tpu.memory_space<hbm>>
    tpu.wait_indirect_dma semaphore(%arg27 : memref<!tpu.dma_semaphore, #tpu.memory_space<semaphore_mem>>) src(%dma_wait3A_125 : memref<40960x128xf32, #tpu.memory_space<hbm>>) dst(%arg19 : memref<56x128xf32, #tpu.memory_space<vmem>>)
    %dma_wait3A_126 = arith.constant 0 : i32
    %dma_wait3A_127 = arith.constant 0 : i32
    %dma_wait3A_128 = tpu.memref_slice %arg2[%dma_wait3A_126, %dma_wait3A_127] : memref<40960x128xf32, #tpu.memory_space<hbm>> -> memref<40960x128xf32, #tpu.memory_space<hbm>>
    tpu.wait_indirect_dma semaphore(%arg28 : memref<!tpu.dma_semaphore, #tpu.memory_space<semaphore_mem>>) src(%dma_wait3A_128 : memref<40960x128xf32, #tpu.memory_space<hbm>>) dst(%arg17 : memref<56x128xf32, #tpu.memory_space<vmem>>)
    %dma_wait3A_129 = arith.constant 0 : i32
    %dma_wait3A_130 = arith.constant 0 : i32
    %dma_wait3A_131 = tpu.memref_slice %arg2[%dma_wait3A_129, %dma_wait3A_130] : memref<40960x128xf32, #tpu.memory_space<hbm>> -> memref<40960x128xf32, #tpu.memory_space<hbm>>
    tpu.wait_indirect_dma semaphore(%arg28 : memref<!tpu.dma_semaphore, #tpu.memory_space<semaphore_mem>>) src(%dma_wait3A_131 : memref<40960x128xf32, #tpu.memory_space<hbm>>) dst(%arg20 : memref<56x128xf32, #tpu.memory_space<vmem>>)
    %mul3A_132 = arith.constant 322560 : i32
    %mul3A_133 = arith.muli %arg0, %mul3A_132 : i32
    %add3A_134 = arith.addi %mul3A_133, %mul3A_13 : i32
    %add3A_135 = arith.constant 20104 : i32
    %add3A_136 = arith.addi %add3A_134, %add3A_135 : i32
    %mul3A_137 = arith.constant 322560 : i32
    %mul3A_138 = arith.muli %arg0, %mul3A_137 : i32
    %add3A_139 = arith.addi %mul3A_138, %mul3A_13 : i32
    %add3A_140 = arith.constant 20104 : i32
    %add3A_141 = arith.addi %add3A_139, %add3A_140 : i32
    %add3A_142 = arith.constant 20104 : i32
    %add3A_143 = arith.addi %mul3A_13, %add3A_142 : i32
    %dma_wait3A_144 = tpu.memref_slice %arg3[%add3A_136] : memref<645120xi32, #tpu.memory_space<hbm>> -> memref<56xi32, #tpu.memory_space<hbm>>
    %dma_wait3A_145 = tpu.memref_slice %arg3[%add3A_136] : memref<645120xi32, #tpu.memory_space<hbm>> -> memref<56xi32, #tpu.memory_space<hbm>>
    tpu.wait_dma2 semaphore(%arg26 : memref<!tpu.dma_semaphore, #tpu.memory_space<semaphore_mem>>) src(%dma_wait3A_145 : memref<56xi32, #tpu.memory_space<hbm>>) dst(%arg9 : memref<56xi32, #tpu.memory_space<vmem>>)
    %dma_wait3A_146 = tpu.memref_slice %arg4[%add3A_141] : memref<645120xi32, #tpu.memory_space<hbm>> -> memref<56xi32, #tpu.memory_space<hbm>>
    %dma_wait3A_147 = tpu.memref_slice %arg4[%add3A_141] : memref<645120xi32, #tpu.memory_space<hbm>> -> memref<56xi32, #tpu.memory_space<hbm>>
    tpu.wait_dma2 semaphore(%arg26 : memref<!tpu.dma_semaphore, #tpu.memory_space<semaphore_mem>>) src(%dma_wait3A_147 : memref<56xi32, #tpu.memory_space<hbm>>) dst(%arg12 : memref<56xi32, #tpu.memory_space<vmem>>)
    %dma_wait3A_148 = tpu.memref_slice %arg5[%add3A_143] : memref<322560xi32, #tpu.memory_space<hbm>> -> memref<56xi32, #tpu.memory_space<hbm>>
    %dma_wait3A_149 = tpu.memref_slice %arg5[%add3A_143] : memref<322560xi32, #tpu.memory_space<hbm>> -> memref<56xi32, #tpu.memory_space<hbm>>
    tpu.wait_dma2 semaphore(%arg26 : memref<!tpu.dma_semaphore, #tpu.memory_space<semaphore_mem>>) src(%dma_wait3A_149 : memref<56xi32, #tpu.memory_space<hbm>>) dst(%arg15 : memref<56xi32, #tpu.memory_space<vmem>>)
    %barrier3A_150 = arith.constant 0 : index
    tpu.barrier barrier_id(%barrier3A_150)
    %mul3A_151 = arith.constant 640 : i32
    %mul3A_152 = arith.muli %arg1, %mul3A_151 : i32
    %mul3A_153 = arith.constant 10240 : i32
    %mul3A_154 = arith.muli %arg0, %mul3A_153 : i32
    %mul3A_155 = arith.constant 640 : i32
    %mul3A_156 = arith.muli %arg1, %mul3A_155 : i32
    %add3A_157 = arith.addi %mul3A_154, %mul3A_156 : i32
    "tpu.region"() ({
      %run_scoped3A = tpu.sem_alloc : memref<!tpu.dma_semaphore, #tpu.memory_space<semaphore_mem>>
      %dma_start3A_158 = arith.constant 0 : i32
      %dma_start3A_159 = tpu.memref_slice %arg6[%add3A_157, %dma_start3A_158] : memref<20480x128xf32, #tpu.memory_space<hbm>> -> memref<640x128xf32, #tpu.memory_space<hbm>>
      %dma_start3A_160 = arith.constant 0 : i32
      %dma_start3A_161 = tpu.memref_slice %arg23[%mul3A_152, %dma_start3A_160] : memref<10240x128xf32, #tpu.memory_space<vmem_shared>> -> memref<640x128xf32, #tpu.memory_space<vmem_shared>>
      tpu.enqueue_dma source(%dma_start3A_161 : memref<640x128xf32, #tpu.memory_space<vmem_shared>>) target(%dma_start3A_159 : memref<640x128xf32, #tpu.memory_space<hbm>>) target_semaphore(%run_scoped3A : memref<!tpu.dma_semaphore, #tpu.memory_space<semaphore_mem>>)
      %dma_wait3A_162 = arith.constant 0 : i32
      %dma_wait3A_163 = tpu.memref_slice %arg6[%add3A_157, %dma_wait3A_162] : memref<20480x128xf32, #tpu.memory_space<hbm>> -> memref<640x128xf32, #tpu.memory_space<hbm>>
      %dma_wait3A_164 = arith.constant 0 : i32
      %dma_wait3A_165 = tpu.memref_slice %arg23[%mul3A_152, %dma_wait3A_164] : memref<10240x128xf32, #tpu.memory_space<vmem_shared>> -> memref<640x128xf32, #tpu.memory_space<vmem_shared>>
      tpu.wait_dma2 semaphore(%run_scoped3A : memref<!tpu.dma_semaphore, #tpu.memory_space<semaphore_mem>>) src(%dma_wait3A_165 : memref<640x128xf32, #tpu.memory_space<vmem_shared>>) dst(%dma_wait3A_163 : memref<640x128xf32, #tpu.memory_space<hbm>>)
      tpu.yield
    }) : () -> ()
    return
  }
}

#map = affine_map<(d0, d1) -> (0, 0)>
#map1 = affine_map<(d0, d1) -> (0)>
module attributes {stable_mosaic.version = 14 : i64} {
  func.func @_edge_body(%arg0: i32, %arg1: i32, %arg2: memref<40960x128xf32, #tpu.memory_space<hbm>>, %arg3: memref<645120xi32, #tpu.memory_space<hbm>>, %arg4: memref<645120xi32, #tpu.memory_space<hbm>>, %arg5: memref<322560xi32, #tpu.memory_space<hbm>>, %arg6: memref<20480x128xf32, #tpu.memory_space<hbm>>, %arg7: memref<56xi32, #tpu.memory_space<vmem>>, %arg8: memref<56xi32, #tpu.memory_space<vmem>>, %arg9: memref<56xi32, #tpu.memory_space<vmem>>, %arg10: memref<56xi32, #tpu.memory_space<vmem>>, %arg11: memref<56xi32, #tpu.memory_space<vmem>>, %arg12: memref<56xi32, #tpu.memory_space<vmem>>, %arg13: memref<56xi32, #tpu.memory_space<vmem>>, %arg14: memref<56xi32, #tpu.memory_space<vmem>>, %arg15: memref<56xi32, #tpu.memory_space<vmem>>, %arg16: memref<56x128xf32, #tpu.memory_space<vmem>>, %arg17: memref<56x128xf32, #tpu.memory_space<vmem>>, %arg18: memref<56x128xf32, #tpu.memory_space<vmem>>, %arg19: memref<56x128xf32, #tpu.memory_space<vmem>>, %arg20: memref<56x128xf32, #tpu.memory_space<vmem>>, %arg21: memref<56x128xf32, #tpu.memory_space<vmem>>, %arg22: memref<16x128xf32, #tpu.memory_space<vmem>>, %arg23: memref<10240x128xf32, #tpu.memory_space<vmem_shared>>, %arg24: memref<!tpu.dma_semaphore, #tpu.memory_space<semaphore_mem>>, %arg25: memref<!tpu.dma_semaphore, #tpu.memory_space<semaphore_mem>>, %arg26: memref<!tpu.dma_semaphore, #tpu.memory_space<semaphore_mem>>, %arg27: memref<!tpu.dma_semaphore, #tpu.memory_space<semaphore_mem>>, %arg28: memref<!tpu.dma_semaphore, #tpu.memory_space<semaphore_mem>>, %arg29: memref<!tpu.dma_semaphore, #tpu.memory_space<semaphore_mem>>, %arg30: memref<!tpu.dma_semaphore, #tpu.memory_space<semaphore_mem>>, %arg31: memref<!tpu.dma_semaphore, #tpu.memory_space<semaphore_mem>>, %arg32: memref<!tpu.dma_semaphore, #tpu.memory_space<semaphore_mem>>) attributes {dimension_semantics = [#tpu.dimension_semantics<core_parallel>, #tpu.dimension_semantics<subcore_parallel>], iteration_bounds = array<i64: 2, 16>, scalar_prefetch = 0 : i64, scratch_operands = 26 : i64, tpu.core_type = #tpu.core_type<sc_vector_subcore>, window_params = [{transform_indices = #map}, {transform_indices = #map1}, {transform_indices = #map1}, {transform_indices = #map1}, {transform_indices = #map}]} {
    %scan3A = arith.constant 0 : i32
    %scan3A_0 = arith.constant 0 : i32
    %scan3A_1 = arith.constant 16 : i32
    %scan3A_2 = arith.addi %scan3A_0, %scan3A_1 : i32
    %scan3A_3 = arith.constant 1 : i32
    %scan3A_4 = scf.for %scan3A_158 = %scan3A_0 to %scan3A_2 step %scan3A_3 iter_args(%scan3A_159 = %scan3A) -> (i32)  : i32 {
      %broadcast_in_dim3A = arith.constant 0.000000e+00 : f32
      %broadcast_in_dim3A_160 = vector.broadcast %broadcast_in_dim3A : f32 to vector<16xf32>
      %swap3A = arith.index_cast %scan3A_158 : i32 to index
      %swap3A_161 = arith.constant 0 : index
      %swap3A_162 = tpu.vector_load %arg22[%swap3A, %swap3A_161] {strides = array<i32>} : memref<16x128xf32, #tpu.memory_space<vmem>>, vector<1x16xf32>,
      %swap3A_163 = vector.shape_cast %swap3A_162 : vector<1x16xf32> to vector<16xf32>
      %swap3A_164 = vector.shape_cast %broadcast_in_dim3A_160 : vector<16xf32> to vector<1x16xf32>
      tpu.vector_store %arg22[%swap3A, %swap3A_161], %swap3A_164 {strides = array<i32>} : memref<16x128xf32, #tpu.memory_space<vmem>>, vector<1x16xf32>,
      %broadcast_in_dim3A_165 = arith.constant 0.000000e+00 : f32
      %broadcast_in_dim3A_166 = vector.broadcast %broadcast_in_dim3A_165 : f32 to vector<16xf32>
      %swap3A_167 = arith.index_cast %scan3A_158 : i32 to index
      %swap3A_168 = arith.constant 16 : index
      %swap3A_169 = tpu.vector_load %arg22[%swap3A_167, %swap3A_168] {strides = array<i32>} : memref<16x128xf32, #tpu.memory_space<vmem>>, vector<1x16xf32>,
      %swap3A_170 = vector.shape_cast %swap3A_169 : vector<1x16xf32> to vector<16xf32>
      %swap3A_171 = vector.shape_cast %broadcast_in_dim3A_166 : vector<16xf32> to vector<1x16xf32>
      tpu.vector_store %arg22[%swap3A_167, %swap3A_168], %swap3A_171 {strides = array<i32>} : memref<16x128xf32, #tpu.memory_space<vmem>>, vector<1x16xf32>,
      %broadcast_in_dim3A_172 = arith.constant 0.000000e+00 : f32
      %broadcast_in_dim3A_173 = vector.broadcast %broadcast_in_dim3A_172 : f32 to vector<16xf32>
      %swap3A_174 = arith.index_cast %scan3A_158 : i32 to index
      %swap3A_175 = arith.constant 32 : index
      %swap3A_176 = tpu.vector_load %arg22[%swap3A_174, %swap3A_175] {strides = array<i32>} : memref<16x128xf32, #tpu.memory_space<vmem>>, vector<1x16xf32>,
      %swap3A_177 = vector.shape_cast %swap3A_176 : vector<1x16xf32> to vector<16xf32>
      %swap3A_178 = vector.shape_cast %broadcast_in_dim3A_173 : vector<16xf32> to vector<1x16xf32>
      tpu.vector_store %arg22[%swap3A_174, %swap3A_175], %swap3A_178 {strides = array<i32>} : memref<16x128xf32, #tpu.memory_space<vmem>>, vector<1x16xf32>,
      %broadcast_in_dim3A_179 = arith.constant 0.000000e+00 : f32
      %broadcast_in_dim3A_180 = vector.broadcast %broadcast_in_dim3A_179 : f32 to vector<16xf32>
      %swap3A_181 = arith.index_cast %scan3A_158 : i32 to index
      %swap3A_182 = arith.constant 48 : index
      %swap3A_183 = tpu.vector_load %arg22[%swap3A_181, %swap3A_182] {strides = array<i32>} : memref<16x128xf32, #tpu.memory_space<vmem>>, vector<1x16xf32>,
      %swap3A_184 = vector.shape_cast %swap3A_183 : vector<1x16xf32> to vector<16xf32>
      %swap3A_185 = vector.shape_cast %broadcast_in_dim3A_180 : vector<16xf32> to vector<1x16xf32>
      tpu.vector_store %arg22[%swap3A_181, %swap3A_182], %swap3A_185 {strides = array<i32>} : memref<16x128xf32, #tpu.memory_space<vmem>>, vector<1x16xf32>,
      %broadcast_in_dim3A_186 = arith.constant 0.000000e+00 : f32
      %broadcast_in_dim3A_187 = vector.broadcast %broadcast_in_dim3A_186 : f32 to vector<16xf32>
      %swap3A_188 = arith.index_cast %scan3A_158 : i32 to index
      %swap3A_189 = arith.constant 64 : index
      %swap3A_190 = tpu.vector_load %arg22[%swap3A_188, %swap3A_189] {strides = array<i32>} : memref<16x128xf32, #tpu.memory_space<vmem>>, vector<1x16xf32>,
      %swap3A_191 = vector.shape_cast %swap3A_190 : vector<1x16xf32> to vector<16xf32>
      %swap3A_192 = vector.shape_cast %broadcast_in_dim3A_187 : vector<16xf32> to vector<1x16xf32>
      tpu.vector_store %arg22[%swap3A_188, %swap3A_189], %swap3A_192 {strides = array<i32>} : memref<16x128xf32, #tpu.memory_space<vmem>>, vector<1x16xf32>,
      %broadcast_in_dim3A_193 = arith.constant 0.000000e+00 : f32
      %broadcast_in_dim3A_194 = vector.broadcast %broadcast_in_dim3A_193 : f32 to vector<16xf32>
      %swap3A_195 = arith.index_cast %scan3A_158 : i32 to index
      %swap3A_196 = arith.constant 80 : index
      %swap3A_197 = tpu.vector_load %arg22[%swap3A_195, %swap3A_196] {strides = array<i32>} : memref<16x128xf32, #tpu.memory_space<vmem>>, vector<1x16xf32>,
      %swap3A_198 = vector.shape_cast %swap3A_197 : vector<1x16xf32> to vector<16xf32>
      %swap3A_199 = vector.shape_cast %broadcast_in_dim3A_194 : vector<16xf32> to vector<1x16xf32>
      tpu.vector_store %arg22[%swap3A_195, %swap3A_196], %swap3A_199 {strides = array<i32>} : memref<16x128xf32, #tpu.memory_space<vmem>>, vector<1x16xf32>,
      %broadcast_in_dim3A_200 = arith.constant 0.000000e+00 : f32
      %broadcast_in_dim3A_201 = vector.broadcast %broadcast_in_dim3A_200 : f32 to vector<16xf32>
      %swap3A_202 = arith.index_cast %scan3A_158 : i32 to index
      %swap3A_203 = arith.constant 96 : index
      %swap3A_204 = tpu.vector_load %arg22[%swap3A_202, %swap3A_203] {strides = array<i32>} : memref<16x128xf32, #tpu.memory_space<vmem>>, vector<1x16xf32>,
      %swap3A_205 = vector.shape_cast %swap3A_204 : vector<1x16xf32> to vector<16xf32>
      %swap3A_206 = vector.shape_cast %broadcast_in_dim3A_201 : vector<16xf32> to vector<1x16xf32>
      tpu.vector_store %arg22[%swap3A_202, %swap3A_203], %swap3A_206 {strides = array<i32>} : memref<16x128xf32, #tpu.memory_space<vmem>>, vector<1x16xf32>,
      %broadcast_in_dim3A_207 = arith.constant 0.000000e+00 : f32
      %broadcast_in_dim3A_208 = vector.broadcast %broadcast_in_dim3A_207 : f32 to vector<16xf32>
      %swap3A_209 = arith.index_cast %scan3A_158 : i32 to index
      %swap3A_210 = arith.constant 112 : index
      %swap3A_211 = tpu.vector_load %arg22[%swap3A_209, %swap3A_210] {strides = array<i32>} : memref<16x128xf32, #tpu.memory_space<vmem>>, vector<1x16xf32>,
      %swap3A_212 = vector.shape_cast %swap3A_211 : vector<1x16xf32> to vector<16xf32>
      %swap3A_213 = vector.shape_cast %broadcast_in_dim3A_208 : vector<16xf32> to vector<1x16xf32>
      tpu.vector_store %arg22[%swap3A_209, %swap3A_210], %swap3A_213 {strides = array<i32>} : memref<16x128xf32, #tpu.memory_space<vmem>>, vector<1x16xf32>,
      %scan3A_214 = arith.constant 0 : i32
      scf.yield %scan3A_214 : i32
    }
    %scan3A_5 = arith.constant 16 : i32
    %scan3A_6 = arith.constant 0 : i32
    %scan3A_7 = arith.constant 0 : i32
    %scan3A_8 = arith.constant 40 : i32
    %scan3A_9 = arith.addi %scan3A_7, %scan3A_8 : i32
    %scan3A_10 = arith.constant 1 : i32
    %scan3A_11 = scf.for %scan3A_158 = %scan3A_7 to %scan3A_9 step %scan3A_10 iter_args(%scan3A_159 = %scan3A_6) -> (i32)  : i32 {
      %mul3A_160 = arith.constant 640 : i32
      %mul3A_161 = arith.muli %arg1, %mul3A_160 : i32
      %mul3A_162 = arith.constant 16 : i32
      %mul3A_163 = arith.muli %scan3A_158, %mul3A_162 : i32
      %add3A_164 = arith.addi %mul3A_161, %mul3A_163 : i32
      "tpu.region"() ({
        %run_scoped3A = tpu.sem_alloc : memref<!tpu.dma_semaphore, #tpu.memory_space<semaphore_mem>>
        %dma_start3A_166 = arith.constant 0 : i32
        %dma_start3A_167 = tpu.memref_slice %arg23[%add3A_164, %dma_start3A_166] : memref<10240x128xf32, #tpu.memory_space<vmem_shared>> -> memref<16x128xf32, #tpu.memory_space<vmem_shared>>
        %dma_start3A_168 = arith.constant 0 : i32
        %dma_start3A_169 = tpu.memref_slice %arg23[%add3A_164, %dma_start3A_168] : memref<10240x128xf32, #tpu.memory_space<vmem_shared>> -> memref<16x128xf32, #tpu.memory_space<vmem_shared>>
        tpu.enqueue_dma source(%arg22 : memref<16x128xf32, #tpu.memory_space<vmem>>) target(%dma_start3A_169 : memref<16x128xf32, #tpu.memory_space<vmem_shared>>) target_semaphore(%run_scoped3A : memref<!tpu.dma_semaphore, #tpu.memory_space<semaphore_mem>>)
        %dma_wait3A_170 = arith.constant 0 : i32
        %dma_wait3A_171 = tpu.memref_slice %arg23[%add3A_164, %dma_wait3A_170] : memref<10240x128xf32, #tpu.memory_space<vmem_shared>> -> memref<16x128xf32, #tpu.memory_space<vmem_shared>>
        %dma_wait3A_172 = arith.constant 0 : i32
        %dma_wait3A_173 = tpu.memref_slice %arg23[%add3A_164, %dma_wait3A_172] : memref<10240x128xf32, #tpu.memory_space<vmem_shared>> -> memref<16x128xf32, #tpu.memory_space<vmem_shared>>
        tpu.wait_dma2 semaphore(%run_scoped3A : memref<!tpu.dma_semaphore, #tpu.memory_space<semaphore_mem>>) src(%arg22 : memref<16x128xf32, #tpu.memory_space<vmem>>) dst(%dma_wait3A_173 : memref<16x128xf32, #tpu.memory_space<vmem_shared>>)
        tpu.yield
      }) : () -> ()
      %scan3A_165 = arith.constant 0 : i32
      scf.yield %scan3A_165 : i32
    }
    %scan3A_12 = arith.constant 40 : i32
    %barrier3A = arith.constant 0 : index
    tpu.barrier barrier_id(%barrier3A)
    %mul3A = arith.constant 20160 : i32
    %mul3A_13 = arith.muli %arg1, %mul3A : i32
    %mul3A_14 = arith.constant 322560 : i32
    %mul3A_15 = arith.muli %arg0, %mul3A_14 : i32
    %add3A = arith.addi %mul3A_15, %mul3A_13 : i32
    %add3A_16 = arith.constant 0 : i32
    %add3A_17 = arith.addi %add3A, %add3A_16 : i32
    %mul3A_18 = arith.constant 322560 : i32
    %mul3A_19 = arith.muli %arg0, %mul3A_18 : i32
    %add3A_20 = arith.addi %mul3A_19, %mul3A_13 : i32
    %add3A_21 = arith.constant 0 : i32
    %add3A_22 = arith.addi %add3A_20, %add3A_21 : i32
    %add3A_23 = arith.constant 0 : i32
    %add3A_24 = arith.addi %mul3A_13, %add3A_23 : i32
    %dma_start3A = tpu.memref_slice %arg3[%add3A_17] : memref<645120xi32, #tpu.memory_space<hbm>> -> memref<56xi32, #tpu.memory_space<hbm>>
    %dma_start3A_25 = tpu.memref_slice %arg3[%add3A_17] : memref<645120xi32, #tpu.memory_space<hbm>> -> memref<56xi32, #tpu.memory_space<hbm>>
    tpu.enqueue_dma source(%dma_start3A_25 : memref<56xi32, #tpu.memory_space<hbm>>) target(%arg7 : memref<56xi32, #tpu.memory_space<vmem>>) target_semaphore(%arg24 : memref<!tpu.dma_semaphore, #tpu.memory_space<semaphore_mem>>)
    %dma_start3A_26 = tpu.memref_slice %arg4[%add3A_22] : memref<645120xi32, #tpu.memory_space<hbm>> -> memref<56xi32, #tpu.memory_space<hbm>>
    %dma_start3A_27 = tpu.memref_slice %arg4[%add3A_22] : memref<645120xi32, #tpu.memory_space<hbm>> -> memref<56xi32, #tpu.memory_space<hbm>>
    tpu.enqueue_dma source(%dma_start3A_27 : memref<56xi32, #tpu.memory_space<hbm>>) target(%arg10 : memref<56xi32, #tpu.memory_space<vmem>>) target_semaphore(%arg24 : memref<!tpu.dma_semaphore, #tpu.memory_space<semaphore_mem>>)
    %dma_start3A_28 = tpu.memref_slice %arg5[%add3A_24] : memref<322560xi32, #tpu.memory_space<hbm>> -> memref<56xi32, #tpu.memory_space<hbm>>
    %dma_start3A_29 = tpu.memref_slice %arg5[%add3A_24] : memref<322560xi32, #tpu.memory_space<hbm>> -> memref<56xi32, #tpu.memory_space<hbm>>
    tpu.enqueue_dma source(%dma_start3A_29 : memref<56xi32, #tpu.memory_space<hbm>>) target(%arg13 : memref<56xi32, #tpu.memory_space<vmem>>) target_semaphore(%arg24 : memref<!tpu.dma_semaphore, #tpu.memory_space<semaphore_mem>>)
    %mul3A_30 = arith.constant 322560 : i32
    %mul3A_31 = arith.muli %arg0, %mul3A_30 : i32
    %add3A_32 = arith.addi %mul3A_31, %mul3A_13 : i32
    %add3A_33 = arith.constant 0 : i32
    %add3A_34 = arith.addi %add3A_32, %add3A_33 : i32
    %mul3A_35 = arith.constant 322560 : i32
    %mul3A_36 = arith.muli %arg0, %mul3A_35 : i32
    %add3A_37 = arith.addi %mul3A_36, %mul3A_13 : i32
    %add3A_38 = arith.constant 0 : i32
    %add3A_39 = arith.addi %add3A_37, %add3A_38 : i32
    %add3A_40 = arith.constant 0 : i32
    %add3A_41 = arith.addi %mul3A_13, %add3A_40 : i32
    %dma_wait3A = tpu.memref_slice %arg3[%add3A_34] : memref<645120xi32, #tpu.memory_space<hbm>> -> memref<56xi32, #tpu.memory_space<hbm>>
    %dma_wait3A_42 = tpu.memref_slice %arg3[%add3A_34] : memref<645120xi32, #tpu.memory_space<hbm>> -> memref<56xi32, #tpu.memory_space<hbm>>
    tpu.wait_dma2 semaphore(%arg24 : memref<!tpu.dma_semaphore, #tpu.memory_space<semaphore_mem>>) src(%dma_wait3A_42 : memref<56xi32, #tpu.memory_space<hbm>>) dst(%arg7 : memref<56xi32, #tpu.memory_space<vmem>>)
    %dma_wait3A_43 = tpu.memref_slice %arg4[%add3A_39] : memref<645120xi32, #tpu.memory_space<hbm>> -> memref<56xi32, #tpu.memory_space<hbm>>
    %dma_wait3A_44 = tpu.memref_slice %arg4[%add3A_39] : memref<645120xi32, #tpu.memory_space<hbm>> -> memref<56xi32, #tpu.memory_space<hbm>>
    tpu.wait_dma2 semaphore(%arg24 : memref<!tpu.dma_semaphore, #tpu.memory_space<semaphore_mem>>) src(%dma_wait3A_44 : memref<56xi32, #tpu.memory_space<hbm>>) dst(%arg10 : memref<56xi32, #tpu.memory_space<vmem>>)
    %dma_wait3A_45 = tpu.memref_slice %arg5[%add3A_41] : memref<322560xi32, #tpu.memory_space<hbm>> -> memref<56xi32, #tpu.memory_space<hbm>>
    %dma_wait3A_46 = tpu.memref_slice %arg5[%add3A_41] : memref<322560xi32, #tpu.memory_space<hbm>> -> memref<56xi32, #tpu.memory_space<hbm>>
    tpu.wait_dma2 semaphore(%arg24 : memref<!tpu.dma_semaphore, #tpu.memory_space<semaphore_mem>>) src(%dma_wait3A_46 : memref<56xi32, #tpu.memory_space<hbm>>) dst(%arg13 : memref<56xi32, #tpu.memory_space<vmem>>)
    %dma_start3A_47 = arith.constant 0 : i32
    %dma_start3A_48 = arith.constant 0 : i32
    %dma_start3A_49 = tpu.memref_slice %arg2[%dma_start3A_47, %dma_start3A_48] : memref<40960x128xf32, #tpu.memory_space<hbm>> -> memref<40960x128xf32, #tpu.memory_space<hbm>>
    tpu.enqueue_indirect_dma source(%dma_start3A_49 : memref<40960x128xf32, #tpu.memory_space<hbm>>) target(%arg16 : memref<56x128xf32, #tpu.memory_space<vmem>>) offsets(%arg7 : memref<56xi32, #tpu.memory_space<vmem>>) semaphore(%arg27 : memref<!tpu.dma_semaphore, #tpu.memory_space<semaphore_mem>>)
    %dma_start3A_50 = arith.constant 0 : i32
    %dma_start3A_51 = arith.constant 0 : i32
    %dma_start3A_52 = tpu.memref_slice %arg2[%dma_start3A_50, %dma_start3A_51] : memref<40960x128xf32, #tpu.memory_space<hbm>> -> memref<40960x128xf32, #tpu.memory_space<hbm>>
    tpu.enqueue_indirect_dma source(%dma_start3A_52 : memref<40960x128xf32, #tpu.memory_space<hbm>>) target(%arg19 : memref<56x128xf32, #tpu.memory_space<vmem>>) offsets(%arg10 : memref<56xi32, #tpu.memory_space<vmem>>) semaphore(%arg27 : memref<!tpu.dma_semaphore, #tpu.memory_space<semaphore_mem>>)
    %mul3A_53 = arith.constant 322560 : i32
    %mul3A_54 = arith.muli %arg0, %mul3A_53 : i32
    %add3A_55 = arith.addi %mul3A_54, %mul3A_13 : i32
    %add3A_56 = arith.constant 56 : i32
    %add3A_57 = arith.addi %add3A_55, %add3A_56 : i32
    %mul3A_58 = arith.constant 322560 : i32
    %mul3A_59 = arith.muli %arg0, %mul3A_58 : i32
    %add3A_60 = arith.addi %mul3A_59, %mul3A_13 : i32
    %add3A_61 = arith.constant 56 : i32
    %add3A_62 = arith.addi %add3A_60, %add3A_61 : i32
    %add3A_63 = arith.constant 56 : i32
    %add3A_64 = arith.addi %mul3A_13, %add3A_63 : i32
    %dma_start3A_65 = tpu.memref_slice %arg3[%add3A_57] : memref<645120xi32, #tpu.memory_space<hbm>> -> memref<56xi32, #tpu.memory_space<hbm>>
    %dma_start3A_66 = tpu.memref_slice %arg3[%add3A_57] : memref<645120xi32, #tpu.memory_space<hbm>> -> memref<56xi32, #tpu.memory_space<hbm>>
    tpu.enqueue_dma source(%dma_start3A_66 : memref<56xi32, #tpu.memory_space<hbm>>) target(%arg8 : memref<56xi32, #tpu.memory_space<vmem>>) target_semaphore(%arg25 : memref<!tpu.dma_semaphore, #tpu.memory_space<semaphore_mem>>)
    %dma_start3A_67 = tpu.memref_slice %arg4[%add3A_62] : memref<645120xi32, #tpu.memory_space<hbm>> -> memref<56xi32, #tpu.memory_space<hbm>>
    %dma_start3A_68 = tpu.memref_slice %arg4[%add3A_62] : memref<645120xi32, #tpu.memory_space<hbm>> -> memref<56xi32, #tpu.memory_space<hbm>>
    tpu.enqueue_dma source(%dma_start3A_68 : memref<56xi32, #tpu.memory_space<hbm>>) target(%arg11 : memref<56xi32, #tpu.memory_space<vmem>>) target_semaphore(%arg25 : memref<!tpu.dma_semaphore, #tpu.memory_space<semaphore_mem>>)
    %dma_start3A_69 = tpu.memref_slice %arg5[%add3A_64] : memref<322560xi32, #tpu.memory_space<hbm>> -> memref<56xi32, #tpu.memory_space<hbm>>
    %dma_start3A_70 = tpu.memref_slice %arg5[%add3A_64] : memref<322560xi32, #tpu.memory_space<hbm>> -> memref<56xi32, #tpu.memory_space<hbm>>
    tpu.enqueue_dma source(%dma_start3A_70 : memref<56xi32, #tpu.memory_space<hbm>>) target(%arg14 : memref<56xi32, #tpu.memory_space<vmem>>) target_semaphore(%arg25 : memref<!tpu.dma_semaphore, #tpu.memory_space<semaphore_mem>>)
    %mul3A_71 = arith.constant 322560 : i32
    %mul3A_72 = arith.muli %arg0, %mul3A_71 : i32
    %add3A_73 = arith.addi %mul3A_72, %mul3A_13 : i32
    %add3A_74 = arith.constant 56 : i32
    %add3A_75 = arith.addi %add3A_73, %add3A_74 : i32
    %mul3A_76 = arith.constant 322560 : i32
    %mul3A_77 = arith.muli %arg0, %mul3A_76 : i32
    %add3A_78 = arith.addi %mul3A_77, %mul3A_13 : i32
    %add3A_79 = arith.constant 56 : i32
    %add3A_80 = arith.addi %add3A_78, %add3A_79 : i32
    %add3A_81 = arith.constant 56 : i32
    %add3A_82 = arith.addi %mul3A_13, %add3A_81 : i32
    %dma_wait3A_83 = tpu.memref_slice %arg3[%add3A_75] : memref<645120xi32, #tpu.memory_space<hbm>> -> memref<56xi32, #tpu.memory_space<hbm>>
    %dma_wait3A_84 = tpu.memref_slice %arg3[%add3A_75] : memref<645120xi32, #tpu.memory_space<hbm>> -> memref<56xi32, #tpu.memory_space<hbm>>
    tpu.wait_dma2 semaphore(%arg25 : memref<!tpu.dma_semaphore, #tpu.memory_space<semaphore_mem>>) src(%dma_wait3A_84 : memref<56xi32, #tpu.memory_space<hbm>>) dst(%arg8 : memref<56xi32, #tpu.memory_space<vmem>>)
    %dma_wait3A_85 = tpu.memref_slice %arg4[%add3A_80] : memref<645120xi32, #tpu.memory_space<hbm>> -> memref<56xi32, #tpu.memory_space<hbm>>
    %dma_wait3A_86 = tpu.memref_slice %arg4[%add3A_80] : memref<645120xi32, #tpu.memory_space<hbm>> -> memref<56xi32, #tpu.memory_space<hbm>>
    tpu.wait_dma2 semaphore(%arg25 : memref<!tpu.dma_semaphore, #tpu.memory_space<semaphore_mem>>) src(%dma_wait3A_86 : memref<56xi32, #tpu.memory_space<hbm>>) dst(%arg11 : memref<56xi32, #tpu.memory_space<vmem>>)
    %dma_wait3A_87 = tpu.memref_slice %arg5[%add3A_82] : memref<322560xi32, #tpu.memory_space<hbm>> -> memref<56xi32, #tpu.memory_space<hbm>>
    %dma_wait3A_88 = tpu.memref_slice %arg5[%add3A_82] : memref<322560xi32, #tpu.memory_space<hbm>> -> memref<56xi32, #tpu.memory_space<hbm>>
    tpu.wait_dma2 semaphore(%arg25 : memref<!tpu.dma_semaphore, #tpu.memory_space<semaphore_mem>>) src(%dma_wait3A_88 : memref<56xi32, #tpu.memory_space<hbm>>) dst(%arg14 : memref<56xi32, #tpu.memory_space<vmem>>)
    %dma_start3A_89 = arith.constant 0 : i32
    %dma_start3A_90 = arith.constant 0 : i32
    %dma_start3A_91 = tpu.memref_slice %arg2[%dma_start3A_89, %dma_start3A_90] : memref<40960x128xf32, #tpu.memory_space<hbm>> -> memref<40960x128xf32, #tpu.memory_space<hbm>>
    tpu.enqueue_indirect_dma source(%dma_start3A_91 : memref<40960x128xf32, #tpu.memory_space<hbm>>) target(%arg17 : memref<56x128xf32, #tpu.memory_space<vmem>>) offsets(%arg8 : memref<56xi32, #tpu.memory_space<vmem>>) semaphore(%arg28 : memref<!tpu.dma_semaphore, #tpu.memory_space<semaphore_mem>>)
    %dma_start3A_92 = arith.constant 0 : i32
    %dma_start3A_93 = arith.constant 0 : i32
    %dma_start3A_94 = tpu.memref_slice %arg2[%dma_start3A_92, %dma_start3A_93] : memref<40960x128xf32, #tpu.memory_space<hbm>> -> memref<40960x128xf32, #tpu.memory_space<hbm>>
    tpu.enqueue_indirect_dma source(%dma_start3A_94 : memref<40960x128xf32, #tpu.memory_space<hbm>>) target(%arg20 : memref<56x128xf32, #tpu.memory_space<vmem>>) offsets(%arg11 : memref<56xi32, #tpu.memory_space<vmem>>) semaphore(%arg28 : memref<!tpu.dma_semaphore, #tpu.memory_space<semaphore_mem>>)
    %mul3A_95 = arith.constant 322560 : i32
    %mul3A_96 = arith.muli %arg0, %mul3A_95 : i32
    %add3A_97 = arith.addi %mul3A_96, %mul3A_13 : i32
    %add3A_98 = arith.constant 112 : i32
    %add3A_99 = arith.addi %add3A_97, %add3A_98 : i32
    %mul3A_100 = arith.constant 322560 : i32
    %mul3A_101 = arith.muli %arg0, %mul3A_100 : i32
    %add3A_102 = arith.addi %mul3A_101, %mul3A_13 : i32
    %add3A_103 = arith.constant 112 : i32
    %add3A_104 = arith.addi %add3A_102, %add3A_103 : i32
    %add3A_105 = arith.constant 112 : i32
    %add3A_106 = arith.addi %mul3A_13, %add3A_105 : i32
    %dma_start3A_107 = tpu.memref_slice %arg3[%add3A_99] : memref<645120xi32, #tpu.memory_space<hbm>> -> memref<56xi32, #tpu.memory_space<hbm>>
    %dma_start3A_108 = tpu.memref_slice %arg3[%add3A_99] : memref<645120xi32, #tpu.memory_space<hbm>> -> memref<56xi32, #tpu.memory_space<hbm>>
    tpu.enqueue_dma source(%dma_start3A_108 : memref<56xi32, #tpu.memory_space<hbm>>) target(%arg9 : memref<56xi32, #tpu.memory_space<vmem>>) target_semaphore(%arg26 : memref<!tpu.dma_semaphore, #tpu.memory_space<semaphore_mem>>)
    %dma_start3A_109 = tpu.memref_slice %arg4[%add3A_104] : memref<645120xi32, #tpu.memory_space<hbm>> -> memref<56xi32, #tpu.memory_space<hbm>>
    %dma_start3A_110 = tpu.memref_slice %arg4[%add3A_104] : memref<645120xi32, #tpu.memory_space<hbm>> -> memref<56xi32, #tpu.memory_space<hbm>>
    tpu.enqueue_dma source(%dma_start3A_110 : memref<56xi32, #tpu.memory_space<hbm>>) target(%arg12 : memref<56xi32, #tpu.memory_space<vmem>>) target_semaphore(%arg26 : memref<!tpu.dma_semaphore, #tpu.memory_space<semaphore_mem>>)
    %dma_start3A_111 = tpu.memref_slice %arg5[%add3A_106] : memref<322560xi32, #tpu.memory_space<hbm>> -> memref<56xi32, #tpu.memory_space<hbm>>
    %dma_start3A_112 = tpu.memref_slice %arg5[%add3A_106] : memref<322560xi32, #tpu.memory_space<hbm>> -> memref<56xi32, #tpu.memory_space<hbm>>
    tpu.enqueue_dma source(%dma_start3A_112 : memref<56xi32, #tpu.memory_space<hbm>>) target(%arg15 : memref<56xi32, #tpu.memory_space<vmem>>) target_semaphore(%arg26 : memref<!tpu.dma_semaphore, #tpu.memory_space<semaphore_mem>>)
    %scan3A_113 = arith.constant 0 : i32
    %scan3A_114 = arith.constant 0 : i32
    %scan3A_115 = arith.constant 120 : i32
    %scan3A_116 = arith.addi %scan3A_114, %scan3A_115 : i32
    %scan3A_117 = arith.constant 1 : i32
    %scan3A_118 = scf.for %scan3A_158 = %scan3A_114 to %scan3A_116 step %scan3A_117 iter_args(%scan3A_159 = %scan3A_113) -> (i32)  : i32 {
      %mul3A_160 = arith.constant 3 : i32
      %mul3A_161 = arith.muli %mul3A_160, %scan3A_158 : i32
      %mul3A_162 = arith.constant 3 : i32
      %mul3A_163 = arith.muli %mul3A_162, %scan3A_158 : i32
      %add3A_164 = arith.constant 1 : i32
      %add3A_165 = arith.addi %mul3A_163, %add3A_164 : i32
      %mul3A_166 = arith.constant 3 : i32
      %mul3A_167 = arith.muli %mul3A_166, %scan3A_158 : i32
      %add3A_168 = arith.constant 2 : i32
      %add3A_169 = arith.addi %mul3A_167, %add3A_168 : i32
      %add3A_170 = arith.constant 3 : i32
      %add3A_171 = arith.addi %mul3A_161, %add3A_170 : i32
      %min3A = arith.constant 359 : i32
      %min3A_172 = arith.minsi %add3A_171, %min3A : i32
      %add3A_173 = arith.constant 4 : i32
      %add3A_174 = arith.addi %mul3A_161, %add3A_173 : i32
      %min3A_175 = arith.constant 359 : i32
      %min3A_176 = arith.minsi %add3A_174, %min3A_175 : i32
      %add3A_177 = arith.constant 5 : i32
      %add3A_178 = arith.addi %mul3A_161, %add3A_177 : i32
      %min3A_179 = arith.constant 359 : i32
      %min3A_180 = arith.minsi %add3A_178, %min3A_179 : i32
      %dma_wait3A_181 = arith.constant 0 : i32
      %dma_wait3A_182 = arith.constant 0 : i32
      %dma_wait3A_183 = tpu.memref_slice %arg2[%dma_wait3A_181, %dma_wait3A_182] : memref<40960x128xf32, #tpu.memory_space<hbm>> -> memref<40960x128xf32, #tpu.memory_space<hbm>>
      tpu.wait_indirect_dma semaphore(%arg27 : memref<!tpu.dma_semaphore, #tpu.memory_space<semaphore_mem>>) src(%dma_wait3A_183 : memref<40960x128xf32, #tpu.memory_space<hbm>>) dst(%arg16 : memref<56x128xf32, #tpu.memory_space<vmem>>)
      %dma_wait3A_184 = arith.constant 0 : i32
      %dma_wait3A_185 = arith.constant 0 : i32
      %dma_wait3A_186 = tpu.memref_slice %arg2[%dma_wait3A_184, %dma_wait3A_185] : memref<40960x128xf32, #tpu.memory_space<hbm>> -> memref<40960x128xf32, #tpu.memory_space<hbm>>
      tpu.wait_indirect_dma semaphore(%arg27 : memref<!tpu.dma_semaphore, #tpu.memory_space<semaphore_mem>>) src(%dma_wait3A_186 : memref<40960x128xf32, #tpu.memory_space<hbm>>) dst(%arg19 : memref<56x128xf32, #tpu.memory_space<vmem>>)
      %scan3A_187 = arith.constant 0 : i32
      %scan3A_188 = arith.constant 0 : i32
      %scan3A_189 = arith.constant 56 : i32
      %scan3A_190 = arith.addi %scan3A_188, %scan3A_189 : i32
      %scan3A_191 = arith.constant 1 : i32
      %scan3A_192 = scf.for %scan3A_383 = %scan3A_188 to %scan3A_190 step %scan3A_191 iter_args(%scan3A_384 = %scan3A_187) -> (i32)  : i32 {
        %get3A = arith.index_cast %scan3A_383 : i32 to index
        %get3A_385 = arith.constant 0 : index
        %get3A_386 = tpu.vector_load %arg16[%get3A, %get3A_385] {strides = array<i32>} : memref<56x128xf32, #tpu.memory_space<vmem>>, vector<1x16xf32>,
        %get3A_387 = vector.shape_cast %get3A_386 : vector<1x16xf32> to vector<16xf32>
        %get3A_388 = arith.index_cast %scan3A_383 : i32 to index
        %get3A_389 = arith.constant 0 : index
        %get3A_390 = tpu.vector_load %arg19[%get3A_388, %get3A_389] {strides = array<i32>} : memref<56x128xf32, #tpu.memory_space<vmem>>, vector<1x16xf32>,
        %get3A_391 = vector.shape_cast %get3A_390 : vector<1x16xf32> to vector<16xf32>
        %add3A_392 = arith.addf %get3A_387, %get3A_391 : vector<16xf32>
        %max3A = arith.constant 0.000000e+00 : f32
        %max3A_393 = vector.broadcast %max3A : f32 to vector<16xf32>
        %max3A_394 = arith.maximumf %add3A_392, %max3A_393 : vector<16xf32>
        %swap3A = arith.index_cast %scan3A_383 : i32 to index
        %swap3A_395 = arith.constant 0 : index
        %swap3A_396 = tpu.vector_load %arg19[%swap3A, %swap3A_395] {strides = array<i32>} : memref<56x128xf32, #tpu.memory_space<vmem>>, vector<1x16xf32>,
        %swap3A_397 = vector.shape_cast %swap3A_396 : vector<1x16xf32> to vector<16xf32>
        %swap3A_398 = vector.shape_cast %max3A_394 : vector<16xf32> to vector<1x16xf32>
        tpu.vector_store %arg19[%swap3A, %swap3A_395], %swap3A_398 {strides = array<i32>} : memref<56x128xf32, #tpu.memory_space<vmem>>, vector<1x16xf32>,
        %get3A_399 = arith.index_cast %scan3A_383 : i32 to index
        %get3A_400 = arith.constant 16 : index
        %get3A_401 = tpu.vector_load %arg16[%get3A_399, %get3A_400] {strides = array<i32>} : memref<56x128xf32, #tpu.memory_space<vmem>>, vector<1x16xf32>,
        %get3A_402 = vector.shape_cast %get3A_401 : vector<1x16xf32> to vector<16xf32>
        %get3A_403 = arith.index_cast %scan3A_383 : i32 to index
        %get3A_404 = arith.constant 16 : index
        %get3A_405 = tpu.vector_load %arg19[%get3A_403, %get3A_404] {strides = array<i32>} : memref<56x128xf32, #tpu.memory_space<vmem>>, vector<1x16xf32>,
        %get3A_406 = vector.shape_cast %get3A_405 : vector<1x16xf32> to vector<16xf32>
        %add3A_407 = arith.addf %get3A_402, %get3A_406 : vector<16xf32>
        %max3A_408 = arith.constant 0.000000e+00 : f32
        %max3A_409 = vector.broadcast %max3A_408 : f32 to vector<16xf32>
        %max3A_410 = arith.maximumf %add3A_407, %max3A_409 : vector<16xf32>
        %swap3A_411 = arith.index_cast %scan3A_383 : i32 to index
        %swap3A_412 = arith.constant 16 : index
        %swap3A_413 = tpu.vector_load %arg19[%swap3A_411, %swap3A_412] {strides = array<i32>} : memref<56x128xf32, #tpu.memory_space<vmem>>, vector<1x16xf32>,
        %swap3A_414 = vector.shape_cast %swap3A_413 : vector<1x16xf32> to vector<16xf32>
        %swap3A_415 = vector.shape_cast %max3A_410 : vector<16xf32> to vector<1x16xf32>
        tpu.vector_store %arg19[%swap3A_411, %swap3A_412], %swap3A_415 {strides = array<i32>} : memref<56x128xf32, #tpu.memory_space<vmem>>, vector<1x16xf32>,
        %get3A_416 = arith.index_cast %scan3A_383 : i32 to index
        %get3A_417 = arith.constant 32 : index
        %get3A_418 = tpu.vector_load %arg16[%get3A_416, %get3A_417] {strides = array<i32>} : memref<56x128xf32, #tpu.memory_space<vmem>>, vector<1x16xf32>,
        %get3A_419 = vector.shape_cast %get3A_418 : vector<1x16xf32> to vector<16xf32>
        %get3A_420 = arith.index_cast %scan3A_383 : i32 to index
        %get3A_421 = arith.constant 32 : index
        %get3A_422 = tpu.vector_load %arg19[%get3A_420, %get3A_421] {strides = array<i32>} : memref<56x128xf32, #tpu.memory_space<vmem>>, vector<1x16xf32>,
        %get3A_423 = vector.shape_cast %get3A_422 : vector<1x16xf32> to vector<16xf32>
        %add3A_424 = arith.addf %get3A_419, %get3A_423 : vector<16xf32>
        %max3A_425 = arith.constant 0.000000e+00 : f32
        %max3A_426 = vector.broadcast %max3A_425 : f32 to vector<16xf32>
        %max3A_427 = arith.maximumf %add3A_424, %max3A_426 : vector<16xf32>
        %swap3A_428 = arith.index_cast %scan3A_383 : i32 to index
        %swap3A_429 = arith.constant 32 : index
        %swap3A_430 = tpu.vector_load %arg19[%swap3A_428, %swap3A_429] {strides = array<i32>} : memref<56x128xf32, #tpu.memory_space<vmem>>, vector<1x16xf32>,
        %swap3A_431 = vector.shape_cast %swap3A_430 : vector<1x16xf32> to vector<16xf32>
        %swap3A_432 = vector.shape_cast %max3A_427 : vector<16xf32> to vector<1x16xf32>
        tpu.vector_store %arg19[%swap3A_428, %swap3A_429], %swap3A_432 {strides = array<i32>} : memref<56x128xf32, #tpu.memory_space<vmem>>, vector<1x16xf32>,
        %get3A_433 = arith.index_cast %scan3A_383 : i32 to index
        %get3A_434 = arith.constant 48 : index
        %get3A_435 = tpu.vector_load %arg16[%get3A_433, %get3A_434] {strides = array<i32>} : memref<56x128xf32, #tpu.memory_space<vmem>>, vector<1x16xf32>,
        %get3A_436 = vector.shape_cast %get3A_435 : vector<1x16xf32> to vector<16xf32>
        %get3A_437 = arith.index_cast %scan3A_383 : i32 to index
        %get3A_438 = arith.constant 48 : index
        %get3A_439 = tpu.vector_load %arg19[%get3A_437, %get3A_438] {strides = array<i32>} : memref<56x128xf32, #tpu.memory_space<vmem>>, vector<1x16xf32>,
        %get3A_440 = vector.shape_cast %get3A_439 : vector<1x16xf32> to vector<16xf32>
        %add3A_441 = arith.addf %get3A_436, %get3A_440 : vector<16xf32>
        %max3A_442 = arith.constant 0.000000e+00 : f32
        %max3A_443 = vector.broadcast %max3A_442 : f32 to vector<16xf32>
        %max3A_444 = arith.maximumf %add3A_441, %max3A_443 : vector<16xf32>
        %swap3A_445 = arith.index_cast %scan3A_383 : i32 to index
        %swap3A_446 = arith.constant 48 : index
        %swap3A_447 = tpu.vector_load %arg19[%swap3A_445, %swap3A_446] {strides = array<i32>} : memref<56x128xf32, #tpu.memory_space<vmem>>, vector<1x16xf32>,
        %swap3A_448 = vector.shape_cast %swap3A_447 : vector<1x16xf32> to vector<16xf32>
        %swap3A_449 = vector.shape_cast %max3A_444 : vector<16xf32> to vector<1x16xf32>
        tpu.vector_store %arg19[%swap3A_445, %swap3A_446], %swap3A_449 {strides = array<i32>} : memref<56x128xf32, #tpu.memory_space<vmem>>, vector<1x16xf32>,
        %get3A_450 = arith.index_cast %scan3A_383 : i32 to index
        %get3A_451 = arith.constant 64 : index
        %get3A_452 = tpu.vector_load %arg16[%get3A_450, %get3A_451] {strides = array<i32>} : memref<56x128xf32, #tpu.memory_space<vmem>>, vector<1x16xf32>,
        %get3A_453 = vector.shape_cast %get3A_452 : vector<1x16xf32> to vector<16xf32>
        %get3A_454 = arith.index_cast %scan3A_383 : i32 to index
        %get3A_455 = arith.constant 64 : index
        %get3A_456 = tpu.vector_load %arg19[%get3A_454, %get3A_455] {strides = array<i32>} : memref<56x128xf32, #tpu.memory_space<vmem>>, vector<1x16xf32>,
        %get3A_457 = vector.shape_cast %get3A_456 : vector<1x16xf32> to vector<16xf32>
        %add3A_458 = arith.addf %get3A_453, %get3A_457 : vector<16xf32>
        %max3A_459 = arith.constant 0.000000e+00 : f32
        %max3A_460 = vector.broadcast %max3A_459 : f32 to vector<16xf32>
        %max3A_461 = arith.maximumf %add3A_458, %max3A_460 : vector<16xf32>
        %swap3A_462 = arith.index_cast %scan3A_383 : i32 to index
        %swap3A_463 = arith.constant 64 : index
        %swap3A_464 = tpu.vector_load %arg19[%swap3A_462, %swap3A_463] {strides = array<i32>} : memref<56x128xf32, #tpu.memory_space<vmem>>, vector<1x16xf32>,
        %swap3A_465 = vector.shape_cast %swap3A_464 : vector<1x16xf32> to vector<16xf32>
        %swap3A_466 = vector.shape_cast %max3A_461 : vector<16xf32> to vector<1x16xf32>
        tpu.vector_store %arg19[%swap3A_462, %swap3A_463], %swap3A_466 {strides = array<i32>} : memref<56x128xf32, #tpu.memory_space<vmem>>, vector<1x16xf32>,
        %get3A_467 = arith.index_cast %scan3A_383 : i32 to index
        %get3A_468 = arith.constant 80 : index
        %get3A_469 = tpu.vector_load %arg16[%get3A_467, %get3A_468] {strides = array<i32>} : memref<56x128xf32, #tpu.memory_space<vmem>>, vector<1x16xf32>,
        %get3A_470 = vector.shape_cast %get3A_469 : vector<1x16xf32> to vector<16xf32>
        %get3A_471 = arith.index_cast %scan3A_383 : i32 to index
        %get3A_472 = arith.constant 80 : index
        %get3A_473 = tpu.vector_load %arg19[%get3A_471, %get3A_472] {strides = array<i32>} : memref<56x128xf32, #tpu.memory_space<vmem>>, vector<1x16xf32>,
        %get3A_474 = vector.shape_cast %get3A_473 : vector<1x16xf32> to vector<16xf32>
        %add3A_475 = arith.addf %get3A_470, %get3A_474 : vector<16xf32>
        %max3A_476 = arith.constant 0.000000e+00 : f32
        %max3A_477 = vector.broadcast %max3A_476 : f32 to vector<16xf32>
        %max3A_478 = arith.maximumf %add3A_475, %max3A_477 : vector<16xf32>
        %swap3A_479 = arith.index_cast %scan3A_383 : i32 to index
        %swap3A_480 = arith.constant 80 : index
        %swap3A_481 = tpu.vector_load %arg19[%swap3A_479, %swap3A_480] {strides = array<i32>} : memref<56x128xf32, #tpu.memory_space<vmem>>, vector<1x16xf32>,
        %swap3A_482 = vector.shape_cast %swap3A_481 : vector<1x16xf32> to vector<16xf32>
        %swap3A_483 = vector.shape_cast %max3A_478 : vector<16xf32> to vector<1x16xf32>
        tpu.vector_store %arg19[%swap3A_479, %swap3A_480], %swap3A_483 {strides = array<i32>} : memref<56x128xf32, #tpu.memory_space<vmem>>, vector<1x16xf32>,
        %get3A_484 = arith.index_cast %scan3A_383 : i32 to index
        %get3A_485 = arith.constant 96 : index
        %get3A_486 = tpu.vector_load %arg16[%get3A_484, %get3A_485] {strides = array<i32>} : memref<56x128xf32, #tpu.memory_space<vmem>>, vector<1x16xf32>,
        %get3A_487 = vector.shape_cast %get3A_486 : vector<1x16xf32> to vector<16xf32>
        %get3A_488 = arith.index_cast %scan3A_383 : i32 to index
        %get3A_489 = arith.constant 96 : index
        %get3A_490 = tpu.vector_load %arg19[%get3A_488, %get3A_489] {strides = array<i32>} : memref<56x128xf32, #tpu.memory_space<vmem>>, vector<1x16xf32>,
        %get3A_491 = vector.shape_cast %get3A_490 : vector<1x16xf32> to vector<16xf32>
        %add3A_492 = arith.addf %get3A_487, %get3A_491 : vector<16xf32>
        %max3A_493 = arith.constant 0.000000e+00 : f32
        %max3A_494 = vector.broadcast %max3A_493 : f32 to vector<16xf32>
        %max3A_495 = arith.maximumf %add3A_492, %max3A_494 : vector<16xf32>
        %swap3A_496 = arith.index_cast %scan3A_383 : i32 to index
        %swap3A_497 = arith.constant 96 : index
        %swap3A_498 = tpu.vector_load %arg19[%swap3A_496, %swap3A_497] {strides = array<i32>} : memref<56x128xf32, #tpu.memory_space<vmem>>, vector<1x16xf32>,
        %swap3A_499 = vector.shape_cast %swap3A_498 : vector<1x16xf32> to vector<16xf32>
        %swap3A_500 = vector.shape_cast %max3A_495 : vector<16xf32> to vector<1x16xf32>
        tpu.vector_store %arg19[%swap3A_496, %swap3A_497], %swap3A_500 {strides = array<i32>} : memref<56x128xf32, #tpu.memory_space<vmem>>, vector<1x16xf32>,
        %get3A_501 = arith.index_cast %scan3A_383 : i32 to index
        %get3A_502 = arith.constant 112 : index
        %get3A_503 = tpu.vector_load %arg16[%get3A_501, %get3A_502] {strides = array<i32>} : memref<56x128xf32, #tpu.memory_space<vmem>>, vector<1x16xf32>,
        %get3A_504 = vector.shape_cast %get3A_503 : vector<1x16xf32> to vector<16xf32>
        %get3A_505 = arith.index_cast %scan3A_383 : i32 to index
        %get3A_506 = arith.constant 112 : index
        %get3A_507 = tpu.vector_load %arg19[%get3A_505, %get3A_506] {strides = array<i32>} : memref<56x128xf32, #tpu.memory_space<vmem>>, vector<1x16xf32>,
        %get3A_508 = vector.shape_cast %get3A_507 : vector<1x16xf32> to vector<16xf32>
        %add3A_509 = arith.addf %get3A_504, %get3A_508 : vector<16xf32>
        %max3A_510 = arith.constant 0.000000e+00 : f32
        %max3A_511 = vector.broadcast %max3A_510 : f32 to vector<16xf32>
        %max3A_512 = arith.maximumf %add3A_509, %max3A_511 : vector<16xf32>
        %swap3A_513 = arith.index_cast %scan3A_383 : i32 to index
        %swap3A_514 = arith.constant 112 : index
        %swap3A_515 = tpu.vector_load %arg19[%swap3A_513, %swap3A_514] {strides = array<i32>} : memref<56x128xf32, #tpu.memory_space<vmem>>, vector<1x16xf32>,
        %swap3A_516 = vector.shape_cast %swap3A_515 : vector<1x16xf32> to vector<16xf32>
        %swap3A_517 = vector.shape_cast %max3A_512 : vector<16xf32> to vector<1x16xf32>
        tpu.vector_store %arg19[%swap3A_513, %swap3A_514], %swap3A_517 {strides = array<i32>} : memref<56x128xf32, #tpu.memory_space<vmem>>, vector<1x16xf32>,
        %scan3A_518 = arith.constant 0 : i32
        scf.yield %scan3A_518 : i32
      }
      %scan3A_193 = arith.constant 56 : i32
      %dma_start3A_194 = arith.constant 0 : i32
      %dma_start3A_195 = arith.constant 0 : i32
      %dma_start3A_196 = tpu.memref_slice %arg23[%dma_start3A_194, %dma_start3A_195] : memref<10240x128xf32, #tpu.memory_space<vmem_shared>> -> memref<10240x128xf32, #tpu.memory_space<vmem_shared>>
      tpu.enqueue_indirect_dma source(%arg19 : memref<56x128xf32, #tpu.memory_space<vmem>>) target(%dma_start3A_196 : memref<10240x128xf32, #tpu.memory_space<vmem_shared>>) offsets(%arg13 : memref<56xi32, #tpu.memory_space<vmem>>) semaphore(%arg30 : memref<!tpu.dma_semaphore, #tpu.memory_space<semaphore_mem>>) {add = true}
      %mul3A_197 = arith.constant 322560 : i32
      %mul3A_198 = arith.muli %arg0, %mul3A_197 : i32
      %add3A_199 = arith.addi %mul3A_198, %mul3A_13 : i32
      %mul3A_200 = arith.constant 56 : i32
      %mul3A_201 = arith.muli %add3A_169, %mul3A_200 : i32
      %add3A_202 = arith.addi %add3A_199, %mul3A_201 : i32
      %mul3A_203 = arith.constant 322560 : i32
      %mul3A_204 = arith.muli %arg0, %mul3A_203 : i32
      %add3A_205 = arith.addi %mul3A_204, %mul3A_13 : i32
      %mul3A_206 = arith.constant 56 : i32
      %mul3A_207 = arith.muli %add3A_169, %mul3A_206 : i32
      %add3A_208 = arith.addi %add3A_205, %mul3A_207 : i32
      %mul3A_209 = arith.constant 56 : i32
      %mul3A_210 = arith.muli %add3A_169, %mul3A_209 : i32
      %add3A_211 = arith.addi %mul3A_13, %mul3A_210 : i32
      %dma_wait3A_212 = tpu.memref_slice %arg3[%add3A_202] : memref<645120xi32, #tpu.memory_space<hbm>> -> memref<56xi32, #tpu.memory_space<hbm>>
      %dma_wait3A_213 = tpu.memref_slice %arg3[%add3A_202] : memref<645120xi32, #tpu.memory_space<hbm>> -> memref<56xi32, #tpu.memory_space<hbm>>
      tpu.wait_dma2 semaphore(%arg26 : memref<!tpu.dma_semaphore, #tpu.memory_space<semaphore_mem>>) src(%dma_wait3A_213 : memref<56xi32, #tpu.memory_space<hbm>>) dst(%arg9 : memref<56xi32, #tpu.memory_space<vmem>>)
      %dma_wait3A_214 = tpu.memref_slice %arg4[%add3A_208] : memref<645120xi32, #tpu.memory_space<hbm>> -> memref<56xi32, #tpu.memory_space<hbm>>
      %dma_wait3A_215 = tpu.memref_slice %arg4[%add3A_208] : memref<645120xi32, #tpu.memory_space<hbm>> -> memref<56xi32, #tpu.memory_space<hbm>>
      tpu.wait_dma2 semaphore(%arg26 : memref<!tpu.dma_semaphore, #tpu.memory_space<semaphore_mem>>) src(%dma_wait3A_215 : memref<56xi32, #tpu.memory_space<hbm>>) dst(%arg12 : memref<56xi32, #tpu.memory_space<vmem>>)
      %dma_wait3A_216 = tpu.memref_slice %arg5[%add3A_211] : memref<322560xi32, #tpu.memory_space<hbm>> -> memref<56xi32, #tpu.memory_space<hbm>>
      %dma_wait3A_217 = tpu.memref_slice %arg5[%add3A_211] : memref<322560xi32, #tpu.memory_space<hbm>> -> memref<56xi32, #tpu.memory_space<hbm>>
      tpu.wait_dma2 semaphore(%arg26 : memref<!tpu.dma_semaphore, #tpu.memory_space<semaphore_mem>>) src(%dma_wait3A_217 : memref<56xi32, #tpu.memory_space<hbm>>) dst(%arg15 : memref<56xi32, #tpu.memory_space<vmem>>)
      %dma_start3A_218 = arith.constant 0 : i32
      %dma_start3A_219 = arith.constant 0 : i32
      %dma_start3A_220 = tpu.memref_slice %arg2[%dma_start3A_218, %dma_start3A_219] : memref<40960x128xf32, #tpu.memory_space<hbm>> -> memref<40960x128xf32, #tpu.memory_space<hbm>>
      tpu.enqueue_indirect_dma source(%dma_start3A_220 : memref<40960x128xf32, #tpu.memory_space<hbm>>) target(%arg18 : memref<56x128xf32, #tpu.memory_space<vmem>>) offsets(%arg9 : memref<56xi32, #tpu.memory_space<vmem>>) semaphore(%arg29 : memref<!tpu.dma_semaphore, #tpu.memory_space<semaphore_mem>>)
      %dma_start3A_221 = arith.constant 0 : i32
      %dma_start3A_222 = arith.constant 0 : i32
      %dma_start3A_223 = tpu.memref_slice %arg2[%dma_start3A_221, %dma_start3A_222] : memref<40960x128xf32, #tpu.memory_space<hbm>> -> memref<40960x128xf32, #tpu.memory_space<hbm>>
      tpu.enqueue_indirect_dma source(%dma_start3A_223 : memref<40960x128xf32, #tpu.memory_space<hbm>>) target(%arg21 : memref<56x128xf32, #tpu.memory_space<vmem>>) offsets(%arg12 : memref<56xi32, #tpu.memory_space<vmem>>) semaphore(%arg29 : memref<!tpu.dma_semaphore, #tpu.memory_space<semaphore_mem>>)
      %dma_wait3A_224 = arith.constant 0 : i32
      %dma_wait3A_225 = arith.constant 0 : i32
      %dma_wait3A_226 = tpu.memref_slice %arg2[%dma_wait3A_224, %dma_wait3A_225] : memref<40960x128xf32, #tpu.memory_space<hbm>> -> memref<40960x128xf32, #tpu.memory_space<hbm>>
      tpu.wait_indirect_dma semaphore(%arg28 : memref<!tpu.dma_semaphore, #tpu.memory_space<semaphore_mem>>) src(%dma_wait3A_226 : memref<40960x128xf32, #tpu.memory_space<hbm>>) dst(%arg17 : memref<56x128xf32, #tpu.memory_space<vmem>>)
      %dma_wait3A_227 = arith.constant 0 : i32
      %dma_wait3A_228 = arith.constant 0 : i32
      %dma_wait3A_229 = tpu.memref_slice %arg2[%dma_wait3A_227, %dma_wait3A_228] : memref<40960x128xf32, #tpu.memory_space<hbm>> -> memref<40960x128xf32, #tpu.memory_space<hbm>>
      tpu.wait_indirect_dma semaphore(%arg28 : memref<!tpu.dma_semaphore, #tpu.memory_space<semaphore_mem>>) src(%dma_wait3A_229 : memref<40960x128xf32, #tpu.memory_space<hbm>>) dst(%arg20 : memref<56x128xf32, #tpu.memory_space<vmem>>)
      %scan3A_230 = arith.constant 0 : i32
      %scan3A_231 = arith.constant 0 : i32
      %scan3A_232 = arith.constant 56 : i32
      %scan3A_233 = arith.addi %scan3A_231, %scan3A_232 : i32
      %scan3A_234 = arith.constant 1 : i32
      %scan3A_235 = scf.for %scan3A_383 = %scan3A_231 to %scan3A_233 step %scan3A_234 iter_args(%scan3A_384 = %scan3A_230) -> (i32)  : i32 {
        %get3A = arith.index_cast %scan3A_383 : i32 to index
        %get3A_385 = arith.constant 0 : index
        %get3A_386 = tpu.vector_load %arg17[%get3A, %get3A_385] {strides = array<i32>} : memref<56x128xf32, #tpu.memory_space<vmem>>, vector<1x16xf32>,
        %get3A_387 = vector.shape_cast %get3A_386 : vector<1x16xf32> to vector<16xf32>
        %get3A_388 = arith.index_cast %scan3A_383 : i32 to index
        %get3A_389 = arith.constant 0 : index
        %get3A_390 = tpu.vector_load %arg20[%get3A_388, %get3A_389] {strides = array<i32>} : memref<56x128xf32, #tpu.memory_space<vmem>>, vector<1x16xf32>,
        %get3A_391 = vector.shape_cast %get3A_390 : vector<1x16xf32> to vector<16xf32>
        %add3A_392 = arith.addf %get3A_387, %get3A_391 : vector<16xf32>
        %max3A = arith.constant 0.000000e+00 : f32
        %max3A_393 = vector.broadcast %max3A : f32 to vector<16xf32>
        %max3A_394 = arith.maximumf %add3A_392, %max3A_393 : vector<16xf32>
        %swap3A = arith.index_cast %scan3A_383 : i32 to index
        %swap3A_395 = arith.constant 0 : index
        %swap3A_396 = tpu.vector_load %arg20[%swap3A, %swap3A_395] {strides = array<i32>} : memref<56x128xf32, #tpu.memory_space<vmem>>, vector<1x16xf32>,
        %swap3A_397 = vector.shape_cast %swap3A_396 : vector<1x16xf32> to vector<16xf32>
        %swap3A_398 = vector.shape_cast %max3A_394 : vector<16xf32> to vector<1x16xf32>
        tpu.vector_store %arg20[%swap3A, %swap3A_395], %swap3A_398 {strides = array<i32>} : memref<56x128xf32, #tpu.memory_space<vmem>>, vector<1x16xf32>,
        %get3A_399 = arith.index_cast %scan3A_383 : i32 to index
        %get3A_400 = arith.constant 16 : index
        %get3A_401 = tpu.vector_load %arg17[%get3A_399, %get3A_400] {strides = array<i32>} : memref<56x128xf32, #tpu.memory_space<vmem>>, vector<1x16xf32>,
        %get3A_402 = vector.shape_cast %get3A_401 : vector<1x16xf32> to vector<16xf32>
        %get3A_403 = arith.index_cast %scan3A_383 : i32 to index
        %get3A_404 = arith.constant 16 : index
        %get3A_405 = tpu.vector_load %arg20[%get3A_403, %get3A_404] {strides = array<i32>} : memref<56x128xf32, #tpu.memory_space<vmem>>, vector<1x16xf32>,
        %get3A_406 = vector.shape_cast %get3A_405 : vector<1x16xf32> to vector<16xf32>
        %add3A_407 = arith.addf %get3A_402, %get3A_406 : vector<16xf32>
        %max3A_408 = arith.constant 0.000000e+00 : f32
        %max3A_409 = vector.broadcast %max3A_408 : f32 to vector<16xf32>
        %max3A_410 = arith.maximumf %add3A_407, %max3A_409 : vector<16xf32>
        %swap3A_411 = arith.index_cast %scan3A_383 : i32 to index
        %swap3A_412 = arith.constant 16 : index
        %swap3A_413 = tpu.vector_load %arg20[%swap3A_411, %swap3A_412] {strides = array<i32>} : memref<56x128xf32, #tpu.memory_space<vmem>>, vector<1x16xf32>,
        %swap3A_414 = vector.shape_cast %swap3A_413 : vector<1x16xf32> to vector<16xf32>
        %swap3A_415 = vector.shape_cast %max3A_410 : vector<16xf32> to vector<1x16xf32>
        tpu.vector_store %arg20[%swap3A_411, %swap3A_412], %swap3A_415 {strides = array<i32>} : memref<56x128xf32, #tpu.memory_space<vmem>>, vector<1x16xf32>,
        %get3A_416 = arith.index_cast %scan3A_383 : i32 to index
        %get3A_417 = arith.constant 32 : index
        %get3A_418 = tpu.vector_load %arg17[%get3A_416, %get3A_417] {strides = array<i32>} : memref<56x128xf32, #tpu.memory_space<vmem>>, vector<1x16xf32>,
        %get3A_419 = vector.shape_cast %get3A_418 : vector<1x16xf32> to vector<16xf32>
        %get3A_420 = arith.index_cast %scan3A_383 : i32 to index
        %get3A_421 = arith.constant 32 : index
        %get3A_422 = tpu.vector_load %arg20[%get3A_420, %get3A_421] {strides = array<i32>} : memref<56x128xf32, #tpu.memory_space<vmem>>, vector<1x16xf32>,
        %get3A_423 = vector.shape_cast %get3A_422 : vector<1x16xf32> to vector<16xf32>
        %add3A_424 = arith.addf %get3A_419, %get3A_423 : vector<16xf32>
        %max3A_425 = arith.constant 0.000000e+00 : f32
        %max3A_426 = vector.broadcast %max3A_425 : f32 to vector<16xf32>
        %max3A_427 = arith.maximumf %add3A_424, %max3A_426 : vector<16xf32>
        %swap3A_428 = arith.index_cast %scan3A_383 : i32 to index
        %swap3A_429 = arith.constant 32 : index
        %swap3A_430 = tpu.vector_load %arg20[%swap3A_428, %swap3A_429] {strides = array<i32>} : memref<56x128xf32, #tpu.memory_space<vmem>>, vector<1x16xf32>,
        %swap3A_431 = vector.shape_cast %swap3A_430 : vector<1x16xf32> to vector<16xf32>
        %swap3A_432 = vector.shape_cast %max3A_427 : vector<16xf32> to vector<1x16xf32>
        tpu.vector_store %arg20[%swap3A_428, %swap3A_429], %swap3A_432 {strides = array<i32>} : memref<56x128xf32, #tpu.memory_space<vmem>>, vector<1x16xf32>,
        %get3A_433 = arith.index_cast %scan3A_383 : i32 to index
        %get3A_434 = arith.constant 48 : index
        %get3A_435 = tpu.vector_load %arg17[%get3A_433, %get3A_434] {strides = array<i32>} : memref<56x128xf32, #tpu.memory_space<vmem>>, vector<1x16xf32>,
        %get3A_436 = vector.shape_cast %get3A_435 : vector<1x16xf32> to vector<16xf32>
        %get3A_437 = arith.index_cast %scan3A_383 : i32 to index
        %get3A_438 = arith.constant 48 : index
        %get3A_439 = tpu.vector_load %arg20[%get3A_437, %get3A_438] {strides = array<i32>} : memref<56x128xf32, #tpu.memory_space<vmem>>, vector<1x16xf32>,
        %get3A_440 = vector.shape_cast %get3A_439 : vector<1x16xf32> to vector<16xf32>
        %add3A_441 = arith.addf %get3A_436, %get3A_440 : vector<16xf32>
        %max3A_442 = arith.constant 0.000000e+00 : f32
        %max3A_443 = vector.broadcast %max3A_442 : f32 to vector<16xf32>
        %max3A_444 = arith.maximumf %add3A_441, %max3A_443 : vector<16xf32>
        %swap3A_445 = arith.index_cast %scan3A_383 : i32 to index
        %swap3A_446 = arith.constant 48 : index
        %swap3A_447 = tpu.vector_load %arg20[%swap3A_445, %swap3A_446] {strides = array<i32>} : memref<56x128xf32, #tpu.memory_space<vmem>>, vector<1x16xf32>,
        %swap3A_448 = vector.shape_cast %swap3A_447 : vector<1x16xf32> to vector<16xf32>
        %swap3A_449 = vector.shape_cast %max3A_444 : vector<16xf32> to vector<1x16xf32>
        tpu.vector_store %arg20[%swap3A_445, %swap3A_446], %swap3A_449 {strides = array<i32>} : memref<56x128xf32, #tpu.memory_space<vmem>>, vector<1x16xf32>,
        %get3A_450 = arith.index_cast %scan3A_383 : i32 to index
        %get3A_451 = arith.constant 64 : index
        %get3A_452 = tpu.vector_load %arg17[%get3A_450, %get3A_451] {strides = array<i32>} : memref<56x128xf32, #tpu.memory_space<vmem>>, vector<1x16xf32>,
        %get3A_453 = vector.shape_cast %get3A_452 : vector<1x16xf32> to vector<16xf32>
        %get3A_454 = arith.index_cast %scan3A_383 : i32 to index
        %get3A_455 = arith.constant 64 : index
        %get3A_456 = tpu.vector_load %arg20[%get3A_454, %get3A_455] {strides = array<i32>} : memref<56x128xf32, #tpu.memory_space<vmem>>, vector<1x16xf32>,
        %get3A_457 = vector.shape_cast %get3A_456 : vector<1x16xf32> to vector<16xf32>
        %add3A_458 = arith.addf %get3A_453, %get3A_457 : vector<16xf32>
        %max3A_459 = arith.constant 0.000000e+00 : f32
        %max3A_460 = vector.broadcast %max3A_459 : f32 to vector<16xf32>
        %max3A_461 = arith.maximumf %add3A_458, %max3A_460 : vector<16xf32>
        %swap3A_462 = arith.index_cast %scan3A_383 : i32 to index
        %swap3A_463 = arith.constant 64 : index
        %swap3A_464 = tpu.vector_load %arg20[%swap3A_462, %swap3A_463] {strides = array<i32>} : memref<56x128xf32, #tpu.memory_space<vmem>>, vector<1x16xf32>,
        %swap3A_465 = vector.shape_cast %swap3A_464 : vector<1x16xf32> to vector<16xf32>
        %swap3A_466 = vector.shape_cast %max3A_461 : vector<16xf32> to vector<1x16xf32>
        tpu.vector_store %arg20[%swap3A_462, %swap3A_463], %swap3A_466 {strides = array<i32>} : memref<56x128xf32, #tpu.memory_space<vmem>>, vector<1x16xf32>,
        %get3A_467 = arith.index_cast %scan3A_383 : i32 to index
        %get3A_468 = arith.constant 80 : index
        %get3A_469 = tpu.vector_load %arg17[%get3A_467, %get3A_468] {strides = array<i32>} : memref<56x128xf32, #tpu.memory_space<vmem>>, vector<1x16xf32>,
        %get3A_470 = vector.shape_cast %get3A_469 : vector<1x16xf32> to vector<16xf32>
        %get3A_471 = arith.index_cast %scan3A_383 : i32 to index
        %get3A_472 = arith.constant 80 : index
        %get3A_473 = tpu.vector_load %arg20[%get3A_471, %get3A_472] {strides = array<i32>} : memref<56x128xf32, #tpu.memory_space<vmem>>, vector<1x16xf32>,
        %get3A_474 = vector.shape_cast %get3A_473 : vector<1x16xf32> to vector<16xf32>
        %add3A_475 = arith.addf %get3A_470, %get3A_474 : vector<16xf32>
        %max3A_476 = arith.constant 0.000000e+00 : f32
        %max3A_477 = vector.broadcast %max3A_476 : f32 to vector<16xf32>
        %max3A_478 = arith.maximumf %add3A_475, %max3A_477 : vector<16xf32>
        %swap3A_479 = arith.index_cast %scan3A_383 : i32 to index
        %swap3A_480 = arith.constant 80 : index
        %swap3A_481 = tpu.vector_load %arg20[%swap3A_479, %swap3A_480] {strides = array<i32>} : memref<56x128xf32, #tpu.memory_space<vmem>>, vector<1x16xf32>,
        %swap3A_482 = vector.shape_cast %swap3A_481 : vector<1x16xf32> to vector<16xf32>
        %swap3A_483 = vector.shape_cast %max3A_478 : vector<16xf32> to vector<1x16xf32>
        tpu.vector_store %arg20[%swap3A_479, %swap3A_480], %swap3A_483 {strides = array<i32>} : memref<56x128xf32, #tpu.memory_space<vmem>>, vector<1x16xf32>,
        %get3A_484 = arith.index_cast %scan3A_383 : i32 to index
        %get3A_485 = arith.constant 96 : index
        %get3A_486 = tpu.vector_load %arg17[%get3A_484, %get3A_485] {strides = array<i32>} : memref<56x128xf32, #tpu.memory_space<vmem>>, vector<1x16xf32>,
        %get3A_487 = vector.shape_cast %get3A_486 : vector<1x16xf32> to vector<16xf32>
        %get3A_488 = arith.index_cast %scan3A_383 : i32 to index
        %get3A_489 = arith.constant 96 : index
        %get3A_490 = tpu.vector_load %arg20[%get3A_488, %get3A_489] {strides = array<i32>} : memref<56x128xf32, #tpu.memory_space<vmem>>, vector<1x16xf32>,
        %get3A_491 = vector.shape_cast %get3A_490 : vector<1x16xf32> to vector<16xf32>
        %add3A_492 = arith.addf %get3A_487, %get3A_491 : vector<16xf32>
        %max3A_493 = arith.constant 0.000000e+00 : f32
        %max3A_494 = vector.broadcast %max3A_493 : f32 to vector<16xf32>
        %max3A_495 = arith.maximumf %add3A_492, %max3A_494 : vector<16xf32>
        %swap3A_496 = arith.index_cast %scan3A_383 : i32 to index
        %swap3A_497 = arith.constant 96 : index
        %swap3A_498 = tpu.vector_load %arg20[%swap3A_496, %swap3A_497] {strides = array<i32>} : memref<56x128xf32, #tpu.memory_space<vmem>>, vector<1x16xf32>,
        %swap3A_499 = vector.shape_cast %swap3A_498 : vector<1x16xf32> to vector<16xf32>
        %swap3A_500 = vector.shape_cast %max3A_495 : vector<16xf32> to vector<1x16xf32>
        tpu.vector_store %arg20[%swap3A_496, %swap3A_497], %swap3A_500 {strides = array<i32>} : memref<56x128xf32, #tpu.memory_space<vmem>>, vector<1x16xf32>,
        %get3A_501 = arith.index_cast %scan3A_383 : i32 to index
        %get3A_502 = arith.constant 112 : index
        %get3A_503 = tpu.vector_load %arg17[%get3A_501, %get3A_502] {strides = array<i32>} : memref<56x128xf32, #tpu.memory_space<vmem>>, vector<1x16xf32>,
        %get3A_504 = vector.shape_cast %get3A_503 : vector<1x16xf32> to vector<16xf32>
        %get3A_505 = arith.index_cast %scan3A_383 : i32 to index
        %get3A_506 = arith.constant 112 : index
        %get3A_507 = tpu.vector_load %arg20[%get3A_505, %get3A_506] {strides = array<i32>} : memref<56x128xf32, #tpu.memory_space<vmem>>, vector<1x16xf32>,
        %get3A_508 = vector.shape_cast %get3A_507 : vector<1x16xf32> to vector<16xf32>
        %add3A_509 = arith.addf %get3A_504, %get3A_508 : vector<16xf32>
        %max3A_510 = arith.constant 0.000000e+00 : f32
        %max3A_511 = vector.broadcast %max3A_510 : f32 to vector<16xf32>
        %max3A_512 = arith.maximumf %add3A_509, %max3A_511 : vector<16xf32>
        %swap3A_513 = arith.index_cast %scan3A_383 : i32 to index
        %swap3A_514 = arith.constant 112 : index
        %swap3A_515 = tpu.vector_load %arg20[%swap3A_513, %swap3A_514] {strides = array<i32>} : memref<56x128xf32, #tpu.memory_space<vmem>>, vector<1x16xf32>,
        %swap3A_516 = vector.shape_cast %swap3A_515 : vector<1x16xf32> to vector<16xf32>
        %swap3A_517 = vector.shape_cast %max3A_512 : vector<16xf32> to vector<1x16xf32>
        tpu.vector_store %arg20[%swap3A_513, %swap3A_514], %swap3A_517 {strides = array<i32>} : memref<56x128xf32, #tpu.memory_space<vmem>>, vector<1x16xf32>,
        %scan3A_518 = arith.constant 0 : i32
        scf.yield %scan3A_518 : i32
      }
      %scan3A_236 = arith.constant 56 : i32
      %dma_start3A_237 = arith.constant 0 : i32
      %dma_start3A_238 = arith.constant 0 : i32
      %dma_start3A_239 = tpu.memref_slice %arg23[%dma_start3A_237, %dma_start3A_238] : memref<10240x128xf32, #tpu.memory_space<vmem_shared>> -> memref<10240x128xf32, #tpu.memory_space<vmem_shared>>
      tpu.enqueue_indirect_dma source(%arg20 : memref<56x128xf32, #tpu.memory_space<vmem>>) target(%dma_start3A_239 : memref<10240x128xf32, #tpu.memory_space<vmem_shared>>) offsets(%arg14 : memref<56xi32, #tpu.memory_space<vmem>>) semaphore(%arg31 : memref<!tpu.dma_semaphore, #tpu.memory_space<semaphore_mem>>) {add = true}
      %dma_wait3A_240 = arith.constant 0 : i32
      %dma_wait3A_241 = arith.constant 0 : i32
      %dma_wait3A_242 = tpu.memref_slice %arg23[%dma_wait3A_240, %dma_wait3A_241] : memref<10240x128xf32, #tpu.memory_space<vmem_shared>> -> memref<10240x128xf32, #tpu.memory_space<vmem_shared>>
      tpu.wait_indirect_dma semaphore(%arg30 : memref<!tpu.dma_semaphore, #tpu.memory_space<semaphore_mem>>) src(%arg19 : memref<56x128xf32, #tpu.memory_space<vmem>>) dst(%dma_wait3A_242 : memref<10240x128xf32, #tpu.memory_space<vmem_shared>>)
      %mul3A_243 = arith.constant 322560 : i32
      %mul3A_244 = arith.muli %arg0, %mul3A_243 : i32
      %add3A_245 = arith.addi %mul3A_244, %mul3A_13 : i32
      %mul3A_246 = arith.constant 56 : i32
      %mul3A_247 = arith.muli %min3A_172, %mul3A_246 : i32
      %add3A_248 = arith.addi %add3A_245, %mul3A_247 : i32
      %mul3A_249 = arith.constant 322560 : i32
      %mul3A_250 = arith.muli %arg0, %mul3A_249 : i32
      %add3A_251 = arith.addi %mul3A_250, %mul3A_13 : i32
      %mul3A_252 = arith.constant 56 : i32
      %mul3A_253 = arith.muli %min3A_172, %mul3A_252 : i32
      %add3A_254 = arith.addi %add3A_251, %mul3A_253 : i32
      %mul3A_255 = arith.constant 56 : i32
      %mul3A_256 = arith.muli %min3A_172, %mul3A_255 : i32
      %add3A_257 = arith.addi %mul3A_13, %mul3A_256 : i32
      %dma_start3A_258 = tpu.memref_slice %arg3[%add3A_248] : memref<645120xi32, #tpu.memory_space<hbm>> -> memref<56xi32, #tpu.memory_space<hbm>>
      %dma_start3A_259 = tpu.memref_slice %arg3[%add3A_248] : memref<645120xi32, #tpu.memory_space<hbm>> -> memref<56xi32, #tpu.memory_space<hbm>>
      tpu.enqueue_dma source(%dma_start3A_259 : memref<56xi32, #tpu.memory_space<hbm>>) target(%arg7 : memref<56xi32, #tpu.memory_space<vmem>>) target_semaphore(%arg24 : memref<!tpu.dma_semaphore, #tpu.memory_space<semaphore_mem>>)
      %dma_start3A_260 = tpu.memref_slice %arg4[%add3A_254] : memref<645120xi32, #tpu.memory_space<hbm>> -> memref<56xi32, #tpu.memory_space<hbm>>
      %dma_start3A_261 = tpu.memref_slice %arg4[%add3A_254] : memref<645120xi32, #tpu.memory_space<hbm>> -> memref<56xi32, #tpu.memory_space<hbm>>
      tpu.enqueue_dma source(%dma_start3A_261 : memref<56xi32, #tpu.memory_space<hbm>>) target(%arg10 : memref<56xi32, #tpu.memory_space<vmem>>) target_semaphore(%arg24 : memref<!tpu.dma_semaphore, #tpu.memory_space<semaphore_mem>>)
      %dma_start3A_262 = tpu.memref_slice %arg5[%add3A_257] : memref<322560xi32, #tpu.memory_space<hbm>> -> memref<56xi32, #tpu.memory_space<hbm>>
      %dma_start3A_263 = tpu.memref_slice %arg5[%add3A_257] : memref<322560xi32, #tpu.memory_space<hbm>> -> memref<56xi32, #tpu.memory_space<hbm>>
      tpu.enqueue_dma source(%dma_start3A_263 : memref<56xi32, #tpu.memory_space<hbm>>) target(%arg13 : memref<56xi32, #tpu.memory_space<vmem>>) target_semaphore(%arg24 : memref<!tpu.dma_semaphore, #tpu.memory_space<semaphore_mem>>)
      %mul3A_264 = arith.constant 322560 : i32
      %mul3A_265 = arith.muli %arg0, %mul3A_264 : i32
      %add3A_266 = arith.addi %mul3A_265, %mul3A_13 : i32
      %mul3A_267 = arith.constant 56 : i32
      %mul3A_268 = arith.muli %min3A_172, %mul3A_267 : i32
      %add3A_269 = arith.addi %add3A_266, %mul3A_268 : i32
      %mul3A_270 = arith.constant 322560 : i32
      %mul3A_271 = arith.muli %arg0, %mul3A_270 : i32
      %add3A_272 = arith.addi %mul3A_271, %mul3A_13 : i32
      %mul3A_273 = arith.constant 56 : i32
      %mul3A_274 = arith.muli %min3A_172, %mul3A_273 : i32
      %add3A_275 = arith.addi %add3A_272, %mul3A_274 : i32
      %mul3A_276 = arith.constant 56 : i32
      %mul3A_277 = arith.muli %min3A_172, %mul3A_276 : i32
      %add3A_278 = arith.addi %mul3A_13, %mul3A_277 : i32
      %dma_wait3A_279 = tpu.memref_slice %arg3[%add3A_269] : memref<645120xi32, #tpu.memory_space<hbm>> -> memref<56xi32, #tpu.memory_space<hbm>>
      %dma_wait3A_280 = tpu.memref_slice %arg3[%add3A_269] : memref<645120xi32, #tpu.memory_space<hbm>> -> memref<56xi32, #tpu.memory_space<hbm>>
      tpu.wait_dma2 semaphore(%arg24 : memref<!tpu.dma_semaphore, #tpu.memory_space<semaphore_mem>>) src(%dma_wait3A_280 : memref<56xi32, #tpu.memory_space<hbm>>) dst(%arg7 : memref<56xi32, #tpu.memory_space<vmem>>)
      %dma_wait3A_281 = tpu.memref_slice %arg4[%add3A_275] : memref<645120xi32, #tpu.memory_space<hbm>> -> memref<56xi32, #tpu.memory_space<hbm>>
      %dma_wait3A_282 = tpu.memref_slice %arg4[%add3A_275] : memref<645120xi32, #tpu.memory_space<hbm>> -> memref<56xi32, #tpu.memory_space<hbm>>
      tpu.wait_dma2 semaphore(%arg24 : memref<!tpu.dma_semaphore, #tpu.memory_space<semaphore_mem>>) src(%dma_wait3A_282 : memref<56xi32, #tpu.memory_space<hbm>>) dst(%arg10 : memref<56xi32, #tpu.memory_space<vmem>>)
      %dma_wait3A_283 = tpu.memref_slice %arg5[%add3A_278] : memref<322560xi32, #tpu.memory_space<hbm>> -> memref<56xi32, #tpu.memory_space<hbm>>
      %dma_wait3A_284 = tpu.memref_slice %arg5[%add3A_278] : memref<322560xi32, #tpu.memory_space<hbm>> -> memref<56xi32, #tpu.memory_space<hbm>>
      tpu.wait_dma2 semaphore(%arg24 : memref<!tpu.dma_semaphore, #tpu.memory_space<semaphore_mem>>) src(%dma_wait3A_284 : memref<56xi32, #tpu.memory_space<hbm>>) dst(%arg13 : memref<56xi32, #tpu.memory_space<vmem>>)
      %dma_start3A_285 = arith.constant 0 : i32
      %dma_start3A_286 = arith.constant 0 : i32
      %dma_start3A_287 = tpu.memref_slice %arg2[%dma_start3A_285, %dma_start3A_286] : memref<40960x128xf32, #tpu.memory_space<hbm>> -> memref<40960x128xf32, #tpu.memory_space<hbm>>
      tpu.enqueue_indirect_dma source(%dma_start3A_287 : memref<40960x128xf32, #tpu.memory_space<hbm>>) target(%arg16 : memref<56x128xf32, #tpu.memory_space<vmem>>) offsets(%arg7 : memref<56xi32, #tpu.memory_space<vmem>>) semaphore(%arg27 : memref<!tpu.dma_semaphore, #tpu.memory_space<semaphore_mem>>)
      %dma_start3A_288 = arith.constant 0 : i32
      %dma_start3A_289 = arith.constant 0 : i32
      %dma_start3A_290 = tpu.memref_slice %arg2[%dma_start3A_288, %dma_start3A_289] : memref<40960x128xf32, #tpu.memory_space<hbm>> -> memref<40960x128xf32, #tpu.memory_space<hbm>>
      tpu.enqueue_indirect_dma source(%dma_start3A_290 : memref<40960x128xf32, #tpu.memory_space<hbm>>) target(%arg19 : memref<56x128xf32, #tpu.memory_space<vmem>>) offsets(%arg10 : memref<56xi32, #tpu.memory_space<vmem>>) semaphore(%arg27 : memref<!tpu.dma_semaphore, #tpu.memory_space<semaphore_mem>>)
      %dma_wait3A_291 = arith.constant 0 : i32
      %dma_wait3A_292 = arith.constant 0 : i32
      %dma_wait3A_293 = tpu.memref_slice %arg2[%dma_wait3A_291, %dma_wait3A_292] : memref<40960x128xf32, #tpu.memory_space<hbm>> -> memref<40960x128xf32, #tpu.memory_space<hbm>>
      tpu.wait_indirect_dma semaphore(%arg29 : memref<!tpu.dma_semaphore, #tpu.memory_space<semaphore_mem>>) src(%dma_wait3A_293 : memref<40960x128xf32, #tpu.memory_space<hbm>>) dst(%arg18 : memref<56x128xf32, #tpu.memory_space<vmem>>)
      %dma_wait3A_294 = arith.constant 0 : i32
      %dma_wait3A_295 = arith.constant 0 : i32
      %dma_wait3A_296 = tpu.memref_slice %arg2[%dma_wait3A_294, %dma_wait3A_295] : memref<40960x128xf32, #tpu.memory_space<hbm>> -> memref<40960x128xf32, #tpu.memory_space<hbm>>
      tpu.wait_indirect_dma semaphore(%arg29 : memref<!tpu.dma_semaphore, #tpu.memory_space<semaphore_mem>>) src(%dma_wait3A_296 : memref<40960x128xf32, #tpu.memory_space<hbm>>) dst(%arg21 : memref<56x128xf32, #tpu.memory_space<vmem>>)
      %scan3A_297 = arith.constant 0 : i32
      %scan3A_298 = arith.constant 0 : i32
      %scan3A_299 = arith.constant 56 : i32
      %scan3A_300 = arith.addi %scan3A_298, %scan3A_299 : i32
      %scan3A_301 = arith.constant 1 : i32
      %scan3A_302 = scf.for %scan3A_383 = %scan3A_298 to %scan3A_300 step %scan3A_301 iter_args(%scan3A_384 = %scan3A_297) -> (i32)  : i32 {
        %get3A = arith.index_cast %scan3A_383 : i32 to index
        %get3A_385 = arith.constant 0 : index
        %get3A_386 = tpu.vector_load %arg18[%get3A, %get3A_385] {strides = array<i32>} : memref<56x128xf32, #tpu.memory_space<vmem>>, vector<1x16xf32>,
        %get3A_387 = vector.shape_cast %get3A_386 : vector<1x16xf32> to vector<16xf32>
        %get3A_388 = arith.index_cast %scan3A_383 : i32 to index
        %get3A_389 = arith.constant 0 : index
        %get3A_390 = tpu.vector_load %arg21[%get3A_388, %get3A_389] {strides = array<i32>} : memref<56x128xf32, #tpu.memory_space<vmem>>, vector<1x16xf32>,
        %get3A_391 = vector.shape_cast %get3A_390 : vector<1x16xf32> to vector<16xf32>
        %add3A_392 = arith.addf %get3A_387, %get3A_391 : vector<16xf32>
        %max3A = arith.constant 0.000000e+00 : f32
        %max3A_393 = vector.broadcast %max3A : f32 to vector<16xf32>
        %max3A_394 = arith.maximumf %add3A_392, %max3A_393 : vector<16xf32>
        %swap3A = arith.index_cast %scan3A_383 : i32 to index
        %swap3A_395 = arith.constant 0 : index
        %swap3A_396 = tpu.vector_load %arg21[%swap3A, %swap3A_395] {strides = array<i32>} : memref<56x128xf32, #tpu.memory_space<vmem>>, vector<1x16xf32>,
        %swap3A_397 = vector.shape_cast %swap3A_396 : vector<1x16xf32> to vector<16xf32>
        %swap3A_398 = vector.shape_cast %max3A_394 : vector<16xf32> to vector<1x16xf32>
        tpu.vector_store %arg21[%swap3A, %swap3A_395], %swap3A_398 {strides = array<i32>} : memref<56x128xf32, #tpu.memory_space<vmem>>, vector<1x16xf32>,
        %get3A_399 = arith.index_cast %scan3A_383 : i32 to index
        %get3A_400 = arith.constant 16 : index
        %get3A_401 = tpu.vector_load %arg18[%get3A_399, %get3A_400] {strides = array<i32>} : memref<56x128xf32, #tpu.memory_space<vmem>>, vector<1x16xf32>,
        %get3A_402 = vector.shape_cast %get3A_401 : vector<1x16xf32> to vector<16xf32>
        %get3A_403 = arith.index_cast %scan3A_383 : i32 to index
        %get3A_404 = arith.constant 16 : index
        %get3A_405 = tpu.vector_load %arg21[%get3A_403, %get3A_404] {strides = array<i32>} : memref<56x128xf32, #tpu.memory_space<vmem>>, vector<1x16xf32>,
        %get3A_406 = vector.shape_cast %get3A_405 : vector<1x16xf32> to vector<16xf32>
        %add3A_407 = arith.addf %get3A_402, %get3A_406 : vector<16xf32>
        %max3A_408 = arith.constant 0.000000e+00 : f32
        %max3A_409 = vector.broadcast %max3A_408 : f32 to vector<16xf32>
        %max3A_410 = arith.maximumf %add3A_407, %max3A_409 : vector<16xf32>
        %swap3A_411 = arith.index_cast %scan3A_383 : i32 to index
        %swap3A_412 = arith.constant 16 : index
        %swap3A_413 = tpu.vector_load %arg21[%swap3A_411, %swap3A_412] {strides = array<i32>} : memref<56x128xf32, #tpu.memory_space<vmem>>, vector<1x16xf32>,
        %swap3A_414 = vector.shape_cast %swap3A_413 : vector<1x16xf32> to vector<16xf32>
        %swap3A_415 = vector.shape_cast %max3A_410 : vector<16xf32> to vector<1x16xf32>
        tpu.vector_store %arg21[%swap3A_411, %swap3A_412], %swap3A_415 {strides = array<i32>} : memref<56x128xf32, #tpu.memory_space<vmem>>, vector<1x16xf32>,
        %get3A_416 = arith.index_cast %scan3A_383 : i32 to index
        %get3A_417 = arith.constant 32 : index
        %get3A_418 = tpu.vector_load %arg18[%get3A_416, %get3A_417] {strides = array<i32>} : memref<56x128xf32, #tpu.memory_space<vmem>>, vector<1x16xf32>,
        %get3A_419 = vector.shape_cast %get3A_418 : vector<1x16xf32> to vector<16xf32>
        %get3A_420 = arith.index_cast %scan3A_383 : i32 to index
        %get3A_421 = arith.constant 32 : index
        %get3A_422 = tpu.vector_load %arg21[%get3A_420, %get3A_421] {strides = array<i32>} : memref<56x128xf32, #tpu.memory_space<vmem>>, vector<1x16xf32>,
        %get3A_423 = vector.shape_cast %get3A_422 : vector<1x16xf32> to vector<16xf32>
        %add3A_424 = arith.addf %get3A_419, %get3A_423 : vector<16xf32>
        %max3A_425 = arith.constant 0.000000e+00 : f32
        %max3A_426 = vector.broadcast %max3A_425 : f32 to vector<16xf32>
        %max3A_427 = arith.maximumf %add3A_424, %max3A_426 : vector<16xf32>
        %swap3A_428 = arith.index_cast %scan3A_383 : i32 to index
        %swap3A_429 = arith.constant 32 : index
        %swap3A_430 = tpu.vector_load %arg21[%swap3A_428, %swap3A_429] {strides = array<i32>} : memref<56x128xf32, #tpu.memory_space<vmem>>, vector<1x16xf32>,
        %swap3A_431 = vector.shape_cast %swap3A_430 : vector<1x16xf32> to vector<16xf32>
        %swap3A_432 = vector.shape_cast %max3A_427 : vector<16xf32> to vector<1x16xf32>
        tpu.vector_store %arg21[%swap3A_428, %swap3A_429], %swap3A_432 {strides = array<i32>} : memref<56x128xf32, #tpu.memory_space<vmem>>, vector<1x16xf32>,
        %get3A_433 = arith.index_cast %scan3A_383 : i32 to index
        %get3A_434 = arith.constant 48 : index
        %get3A_435 = tpu.vector_load %arg18[%get3A_433, %get3A_434] {strides = array<i32>} : memref<56x128xf32, #tpu.memory_space<vmem>>, vector<1x16xf32>,
        %get3A_436 = vector.shape_cast %get3A_435 : vector<1x16xf32> to vector<16xf32>
        %get3A_437 = arith.index_cast %scan3A_383 : i32 to index
        %get3A_438 = arith.constant 48 : index
        %get3A_439 = tpu.vector_load %arg21[%get3A_437, %get3A_438] {strides = array<i32>} : memref<56x128xf32, #tpu.memory_space<vmem>>, vector<1x16xf32>,
        %get3A_440 = vector.shape_cast %get3A_439 : vector<1x16xf32> to vector<16xf32>
        %add3A_441 = arith.addf %get3A_436, %get3A_440 : vector<16xf32>
        %max3A_442 = arith.constant 0.000000e+00 : f32
        %max3A_443 = vector.broadcast %max3A_442 : f32 to vector<16xf32>
        %max3A_444 = arith.maximumf %add3A_441, %max3A_443 : vector<16xf32>
        %swap3A_445 = arith.index_cast %scan3A_383 : i32 to index
        %swap3A_446 = arith.constant 48 : index
        %swap3A_447 = tpu.vector_load %arg21[%swap3A_445, %swap3A_446] {strides = array<i32>} : memref<56x128xf32, #tpu.memory_space<vmem>>, vector<1x16xf32>,
        %swap3A_448 = vector.shape_cast %swap3A_447 : vector<1x16xf32> to vector<16xf32>
        %swap3A_449 = vector.shape_cast %max3A_444 : vector<16xf32> to vector<1x16xf32>
        tpu.vector_store %arg21[%swap3A_445, %swap3A_446], %swap3A_449 {strides = array<i32>} : memref<56x128xf32, #tpu.memory_space<vmem>>, vector<1x16xf32>,
        %get3A_450 = arith.index_cast %scan3A_383 : i32 to index
        %get3A_451 = arith.constant 64 : index
        %get3A_452 = tpu.vector_load %arg18[%get3A_450, %get3A_451] {strides = array<i32>} : memref<56x128xf32, #tpu.memory_space<vmem>>, vector<1x16xf32>,
        %get3A_453 = vector.shape_cast %get3A_452 : vector<1x16xf32> to vector<16xf32>
        %get3A_454 = arith.index_cast %scan3A_383 : i32 to index
        %get3A_455 = arith.constant 64 : index
        %get3A_456 = tpu.vector_load %arg21[%get3A_454, %get3A_455] {strides = array<i32>} : memref<56x128xf32, #tpu.memory_space<vmem>>, vector<1x16xf32>,
        %get3A_457 = vector.shape_cast %get3A_456 : vector<1x16xf32> to vector<16xf32>
        %add3A_458 = arith.addf %get3A_453, %get3A_457 : vector<16xf32>
        %max3A_459 = arith.constant 0.000000e+00 : f32
        %max3A_460 = vector.broadcast %max3A_459 : f32 to vector<16xf32>
        %max3A_461 = arith.maximumf %add3A_458, %max3A_460 : vector<16xf32>
        %swap3A_462 = arith.index_cast %scan3A_383 : i32 to index
        %swap3A_463 = arith.constant 64 : index
        %swap3A_464 = tpu.vector_load %arg21[%swap3A_462, %swap3A_463] {strides = array<i32>} : memref<56x128xf32, #tpu.memory_space<vmem>>, vector<1x16xf32>,
        %swap3A_465 = vector.shape_cast %swap3A_464 : vector<1x16xf32> to vector<16xf32>
        %swap3A_466 = vector.shape_cast %max3A_461 : vector<16xf32> to vector<1x16xf32>
        tpu.vector_store %arg21[%swap3A_462, %swap3A_463], %swap3A_466 {strides = array<i32>} : memref<56x128xf32, #tpu.memory_space<vmem>>, vector<1x16xf32>,
        %get3A_467 = arith.index_cast %scan3A_383 : i32 to index
        %get3A_468 = arith.constant 80 : index
        %get3A_469 = tpu.vector_load %arg18[%get3A_467, %get3A_468] {strides = array<i32>} : memref<56x128xf32, #tpu.memory_space<vmem>>, vector<1x16xf32>,
        %get3A_470 = vector.shape_cast %get3A_469 : vector<1x16xf32> to vector<16xf32>
        %get3A_471 = arith.index_cast %scan3A_383 : i32 to index
        %get3A_472 = arith.constant 80 : index
        %get3A_473 = tpu.vector_load %arg21[%get3A_471, %get3A_472] {strides = array<i32>} : memref<56x128xf32, #tpu.memory_space<vmem>>, vector<1x16xf32>,
        %get3A_474 = vector.shape_cast %get3A_473 : vector<1x16xf32> to vector<16xf32>
        %add3A_475 = arith.addf %get3A_470, %get3A_474 : vector<16xf32>
        %max3A_476 = arith.constant 0.000000e+00 : f32
        %max3A_477 = vector.broadcast %max3A_476 : f32 to vector<16xf32>
        %max3A_478 = arith.maximumf %add3A_475, %max3A_477 : vector<16xf32>
        %swap3A_479 = arith.index_cast %scan3A_383 : i32 to index
        %swap3A_480 = arith.constant 80 : index
        %swap3A_481 = tpu.vector_load %arg21[%swap3A_479, %swap3A_480] {strides = array<i32>} : memref<56x128xf32, #tpu.memory_space<vmem>>, vector<1x16xf32>,
        %swap3A_482 = vector.shape_cast %swap3A_481 : vector<1x16xf32> to vector<16xf32>
        %swap3A_483 = vector.shape_cast %max3A_478 : vector<16xf32> to vector<1x16xf32>
        tpu.vector_store %arg21[%swap3A_479, %swap3A_480], %swap3A_483 {strides = array<i32>} : memref<56x128xf32, #tpu.memory_space<vmem>>, vector<1x16xf32>,
        %get3A_484 = arith.index_cast %scan3A_383 : i32 to index
        %get3A_485 = arith.constant 96 : index
        %get3A_486 = tpu.vector_load %arg18[%get3A_484, %get3A_485] {strides = array<i32>} : memref<56x128xf32, #tpu.memory_space<vmem>>, vector<1x16xf32>,
        %get3A_487 = vector.shape_cast %get3A_486 : vector<1x16xf32> to vector<16xf32>
        %get3A_488 = arith.index_cast %scan3A_383 : i32 to index
        %get3A_489 = arith.constant 96 : index
        %get3A_490 = tpu.vector_load %arg21[%get3A_488, %get3A_489] {strides = array<i32>} : memref<56x128xf32, #tpu.memory_space<vmem>>, vector<1x16xf32>,
        %get3A_491 = vector.shape_cast %get3A_490 : vector<1x16xf32> to vector<16xf32>
        %add3A_492 = arith.addf %get3A_487, %get3A_491 : vector<16xf32>
        %max3A_493 = arith.constant 0.000000e+00 : f32
        %max3A_494 = vector.broadcast %max3A_493 : f32 to vector<16xf32>
        %max3A_495 = arith.maximumf %add3A_492, %max3A_494 : vector<16xf32>
        %swap3A_496 = arith.index_cast %scan3A_383 : i32 to index
        %swap3A_497 = arith.constant 96 : index
        %swap3A_498 = tpu.vector_load %arg21[%swap3A_496, %swap3A_497] {strides = array<i32>} : memref<56x128xf32, #tpu.memory_space<vmem>>, vector<1x16xf32>,
        %swap3A_499 = vector.shape_cast %swap3A_498 : vector<1x16xf32> to vector<16xf32>
        %swap3A_500 = vector.shape_cast %max3A_495 : vector<16xf32> to vector<1x16xf32>
        tpu.vector_store %arg21[%swap3A_496, %swap3A_497], %swap3A_500 {strides = array<i32>} : memref<56x128xf32, #tpu.memory_space<vmem>>, vector<1x16xf32>,
        %get3A_501 = arith.index_cast %scan3A_383 : i32 to index
        %get3A_502 = arith.constant 112 : index
        %get3A_503 = tpu.vector_load %arg18[%get3A_501, %get3A_502] {strides = array<i32>} : memref<56x128xf32, #tpu.memory_space<vmem>>, vector<1x16xf32>,
        %get3A_504 = vector.shape_cast %get3A_503 : vector<1x16xf32> to vector<16xf32>
        %get3A_505 = arith.index_cast %scan3A_383 : i32 to index
        %get3A_506 = arith.constant 112 : index
        %get3A_507 = tpu.vector_load %arg21[%get3A_505, %get3A_506] {strides = array<i32>} : memref<56x128xf32, #tpu.memory_space<vmem>>, vector<1x16xf32>,
        %get3A_508 = vector.shape_cast %get3A_507 : vector<1x16xf32> to vector<16xf32>
        %add3A_509 = arith.addf %get3A_504, %get3A_508 : vector<16xf32>
        %max3A_510 = arith.constant 0.000000e+00 : f32
        %max3A_511 = vector.broadcast %max3A_510 : f32 to vector<16xf32>
        %max3A_512 = arith.maximumf %add3A_509, %max3A_511 : vector<16xf32>
        %swap3A_513 = arith.index_cast %scan3A_383 : i32 to index
        %swap3A_514 = arith.constant 112 : index
        %swap3A_515 = tpu.vector_load %arg21[%swap3A_513, %swap3A_514] {strides = array<i32>} : memref<56x128xf32, #tpu.memory_space<vmem>>, vector<1x16xf32>,
        %swap3A_516 = vector.shape_cast %swap3A_515 : vector<1x16xf32> to vector<16xf32>
        %swap3A_517 = vector.shape_cast %max3A_512 : vector<16xf32> to vector<1x16xf32>
        tpu.vector_store %arg21[%swap3A_513, %swap3A_514], %swap3A_517 {strides = array<i32>} : memref<56x128xf32, #tpu.memory_space<vmem>>, vector<1x16xf32>,
        %scan3A_518 = arith.constant 0 : i32
        scf.yield %scan3A_518 : i32
      }
      %scan3A_303 = arith.constant 56 : i32
      %dma_start3A_304 = arith.constant 0 : i32
      %dma_start3A_305 = arith.constant 0 : i32
      %dma_start3A_306 = tpu.memref_slice %arg23[%dma_start3A_304, %dma_start3A_305] : memref<10240x128xf32, #tpu.memory_space<vmem_shared>> -> memref<10240x128xf32, #tpu.memory_space<vmem_shared>>
      tpu.enqueue_indirect_dma source(%arg21 : memref<56x128xf32, #tpu.memory_space<vmem>>) target(%dma_start3A_306 : memref<10240x128xf32, #tpu.memory_space<vmem_shared>>) offsets(%arg15 : memref<56xi32, #tpu.memory_space<vmem>>) semaphore(%arg32 : memref<!tpu.dma_semaphore, #tpu.memory_space<semaphore_mem>>) {add = true}
      %dma_wait3A_307 = arith.constant 0 : i32
      %dma_wait3A_308 = arith.constant 0 : i32
      %dma_wait3A_309 = tpu.memref_slice %arg23[%dma_wait3A_307, %dma_wait3A_308] : memref<10240x128xf32, #tpu.memory_space<vmem_shared>> -> memref<10240x128xf32, #tpu.memory_space<vmem_shared>>
      tpu.wait_indirect_dma semaphore(%arg31 : memref<!tpu.dma_semaphore, #tpu.memory_space<semaphore_mem>>) src(%arg20 : memref<56x128xf32, #tpu.memory_space<vmem>>) dst(%dma_wait3A_309 : memref<10240x128xf32, #tpu.memory_space<vmem_shared>>)
      %mul3A_310 = arith.constant 322560 : i32
      %mul3A_311 = arith.muli %arg0, %mul3A_310 : i32
      %add3A_312 = arith.addi %mul3A_311, %mul3A_13 : i32
      %mul3A_313 = arith.constant 56 : i32
      %mul3A_314 = arith.muli %min3A_176, %mul3A_313 : i32
      %add3A_315 = arith.addi %add3A_312, %mul3A_314 : i32
      %mul3A_316 = arith.constant 322560 : i32
      %mul3A_317 = arith.muli %arg0, %mul3A_316 : i32
      %add3A_318 = arith.addi %mul3A_317, %mul3A_13 : i32
      %mul3A_319 = arith.constant 56 : i32
      %mul3A_320 = arith.muli %min3A_176, %mul3A_319 : i32
      %add3A_321 = arith.addi %add3A_318, %mul3A_320 : i32
      %mul3A_322 = arith.constant 56 : i32
      %mul3A_323 = arith.muli %min3A_176, %mul3A_322 : i32
      %add3A_324 = arith.addi %mul3A_13, %mul3A_323 : i32
      %dma_start3A_325 = tpu.memref_slice %arg3[%add3A_315] : memref<645120xi32, #tpu.memory_space<hbm>> -> memref<56xi32, #tpu.memory_space<hbm>>
      %dma_start3A_326 = tpu.memref_slice %arg3[%add3A_315] : memref<645120xi32, #tpu.memory_space<hbm>> -> memref<56xi32, #tpu.memory_space<hbm>>
      tpu.enqueue_dma source(%dma_start3A_326 : memref<56xi32, #tpu.memory_space<hbm>>) target(%arg8 : memref<56xi32, #tpu.memory_space<vmem>>) target_semaphore(%arg25 : memref<!tpu.dma_semaphore, #tpu.memory_space<semaphore_mem>>)
      %dma_start3A_327 = tpu.memref_slice %arg4[%add3A_321] : memref<645120xi32, #tpu.memory_space<hbm>> -> memref<56xi32, #tpu.memory_space<hbm>>
      %dma_start3A_328 = tpu.memref_slice %arg4[%add3A_321] : memref<645120xi32, #tpu.memory_space<hbm>> -> memref<56xi32, #tpu.memory_space<hbm>>
      tpu.enqueue_dma source(%dma_start3A_328 : memref<56xi32, #tpu.memory_space<hbm>>) target(%arg11 : memref<56xi32, #tpu.memory_space<vmem>>) target_semaphore(%arg25 : memref<!tpu.dma_semaphore, #tpu.memory_space<semaphore_mem>>)
      %dma_start3A_329 = tpu.memref_slice %arg5[%add3A_324] : memref<322560xi32, #tpu.memory_space<hbm>> -> memref<56xi32, #tpu.memory_space<hbm>>
      %dma_start3A_330 = tpu.memref_slice %arg5[%add3A_324] : memref<322560xi32, #tpu.memory_space<hbm>> -> memref<56xi32, #tpu.memory_space<hbm>>
      tpu.enqueue_dma source(%dma_start3A_330 : memref<56xi32, #tpu.memory_space<hbm>>) target(%arg14 : memref<56xi32, #tpu.memory_space<vmem>>) target_semaphore(%arg25 : memref<!tpu.dma_semaphore, #tpu.memory_space<semaphore_mem>>)
      %mul3A_331 = arith.constant 322560 : i32
      %mul3A_332 = arith.muli %arg0, %mul3A_331 : i32
      %add3A_333 = arith.addi %mul3A_332, %mul3A_13 : i32
      %mul3A_334 = arith.constant 56 : i32
      %mul3A_335 = arith.muli %min3A_176, %mul3A_334 : i32
      %add3A_336 = arith.addi %add3A_333, %mul3A_335 : i32
      %mul3A_337 = arith.constant 322560 : i32
      %mul3A_338 = arith.muli %arg0, %mul3A_337 : i32
      %add3A_339 = arith.addi %mul3A_338, %mul3A_13 : i32
      %mul3A_340 = arith.constant 56 : i32
      %mul3A_341 = arith.muli %min3A_176, %mul3A_340 : i32
      %add3A_342 = arith.addi %add3A_339, %mul3A_341 : i32
      %mul3A_343 = arith.constant 56 : i32
      %mul3A_344 = arith.muli %min3A_176, %mul3A_343 : i32
      %add3A_345 = arith.addi %mul3A_13, %mul3A_344 : i32
      %dma_wait3A_346 = tpu.memref_slice %arg3[%add3A_336] : memref<645120xi32, #tpu.memory_space<hbm>> -> memref<56xi32, #tpu.memory_space<hbm>>
      %dma_wait3A_347 = tpu.memref_slice %arg3[%add3A_336] : memref<645120xi32, #tpu.memory_space<hbm>> -> memref<56xi32, #tpu.memory_space<hbm>>
      tpu.wait_dma2 semaphore(%arg25 : memref<!tpu.dma_semaphore, #tpu.memory_space<semaphore_mem>>) src(%dma_wait3A_347 : memref<56xi32, #tpu.memory_space<hbm>>) dst(%arg8 : memref<56xi32, #tpu.memory_space<vmem>>)
      %dma_wait3A_348 = tpu.memref_slice %arg4[%add3A_342] : memref<645120xi32, #tpu.memory_space<hbm>> -> memref<56xi32, #tpu.memory_space<hbm>>
      %dma_wait3A_349 = tpu.memref_slice %arg4[%add3A_342] : memref<645120xi32, #tpu.memory_space<hbm>> -> memref<56xi32, #tpu.memory_space<hbm>>
      tpu.wait_dma2 semaphore(%arg25 : memref<!tpu.dma_semaphore, #tpu.memory_space<semaphore_mem>>) src(%dma_wait3A_349 : memref<56xi32, #tpu.memory_space<hbm>>) dst(%arg11 : memref<56xi32, #tpu.memory_space<vmem>>)
      %dma_wait3A_350 = tpu.memref_slice %arg5[%add3A_345] : memref<322560xi32, #tpu.memory_space<hbm>> -> memref<56xi32, #tpu.memory_space<hbm>>
      %dma_wait3A_351 = tpu.memref_slice %arg5[%add3A_345] : memref<322560xi32, #tpu.memory_space<hbm>> -> memref<56xi32, #tpu.memory_space<hbm>>
      tpu.wait_dma2 semaphore(%arg25 : memref<!tpu.dma_semaphore, #tpu.memory_space<semaphore_mem>>) src(%dma_wait3A_351 : memref<56xi32, #tpu.memory_space<hbm>>) dst(%arg14 : memref<56xi32, #tpu.memory_space<vmem>>)
      %dma_start3A_352 = arith.constant 0 : i32
      %dma_start3A_353 = arith.constant 0 : i32
      %dma_start3A_354 = tpu.memref_slice %arg2[%dma_start3A_352, %dma_start3A_353] : memref<40960x128xf32, #tpu.memory_space<hbm>> -> memref<40960x128xf32, #tpu.memory_space<hbm>>
      tpu.enqueue_indirect_dma source(%dma_start3A_354 : memref<40960x128xf32, #tpu.memory_space<hbm>>) target(%arg17 : memref<56x128xf32, #tpu.memory_space<vmem>>) offsets(%arg8 : memref<56xi32, #tpu.memory_space<vmem>>) semaphore(%arg28 : memref<!tpu.dma_semaphore, #tpu.memory_space<semaphore_mem>>)
      %dma_start3A_355 = arith.constant 0 : i32
      %dma_start3A_356 = arith.constant 0 : i32
      %dma_start3A_357 = tpu.memref_slice %arg2[%dma_start3A_355, %dma_start3A_356] : memref<40960x128xf32, #tpu.memory_space<hbm>> -> memref<40960x128xf32, #tpu.memory_space<hbm>>
      tpu.enqueue_indirect_dma source(%dma_start3A_357 : memref<40960x128xf32, #tpu.memory_space<hbm>>) target(%arg20 : memref<56x128xf32, #tpu.memory_space<vmem>>) offsets(%arg11 : memref<56xi32, #tpu.memory_space<vmem>>) semaphore(%arg28 : memref<!tpu.dma_semaphore, #tpu.memory_space<semaphore_mem>>)
      %dma_wait3A_358 = arith.constant 0 : i32
      %dma_wait3A_359 = arith.constant 0 : i32
      %dma_wait3A_360 = tpu.memref_slice %arg23[%dma_wait3A_358, %dma_wait3A_359] : memref<10240x128xf32, #tpu.memory_space<vmem_shared>> -> memref<10240x128xf32, #tpu.memory_space<vmem_shared>>
      tpu.wait_indirect_dma semaphore(%arg32 : memref<!tpu.dma_semaphore, #tpu.memory_space<semaphore_mem>>) src(%arg21 : memref<56x128xf32, #tpu.memory_space<vmem>>) dst(%dma_wait3A_360 : memref<10240x128xf32, #tpu.memory_space<vmem_shared>>)
      %mul3A_361 = arith.constant 322560 : i32
      %mul3A_362 = arith.muli %arg0, %mul3A_361 : i32
      %add3A_363 = arith.addi %mul3A_362, %mul3A_13 : i32
      %mul3A_364 = arith.constant 56 : i32
      %mul3A_365 = arith.muli %min3A_180, %mul3A_364 : i32
      %add3A_366 = arith.addi %add3A_363, %mul3A_365 : i32
      %mul3A_367 = arith.constant 322560 : i32
      %mul3A_368 = arith.muli %arg0, %mul3A_367 : i32
      %add3A_369 = arith.addi %mul3A_368, %mul3A_13 : i32
      %mul3A_370 = arith.constant 56 : i32
      %mul3A_371 = arith.muli %min3A_180, %mul3A_370 : i32
      %add3A_372 = arith.addi %add3A_369, %mul3A_371 : i32
      %mul3A_373 = arith.constant 56 : i32
      %mul3A_374 = arith.muli %min3A_180, %mul3A_373 : i32
      %add3A_375 = arith.addi %mul3A_13, %mul3A_374 : i32
      %dma_start3A_376 = tpu.memref_slice %arg3[%add3A_366] : memref<645120xi32, #tpu.memory_space<hbm>> -> memref<56xi32, #tpu.memory_space<hbm>>
      %dma_start3A_377 = tpu.memref_slice %arg3[%add3A_366] : memref<645120xi32, #tpu.memory_space<hbm>> -> memref<56xi32, #tpu.memory_space<hbm>>
      tpu.enqueue_dma source(%dma_start3A_377 : memref<56xi32, #tpu.memory_space<hbm>>) target(%arg9 : memref<56xi32, #tpu.memory_space<vmem>>) target_semaphore(%arg26 : memref<!tpu.dma_semaphore, #tpu.memory_space<semaphore_mem>>)
      %dma_start3A_378 = tpu.memref_slice %arg4[%add3A_372] : memref<645120xi32, #tpu.memory_space<hbm>> -> memref<56xi32, #tpu.memory_space<hbm>>
      %dma_start3A_379 = tpu.memref_slice %arg4[%add3A_372] : memref<645120xi32, #tpu.memory_space<hbm>> -> memref<56xi32, #tpu.memory_space<hbm>>
      tpu.enqueue_dma source(%dma_start3A_379 : memref<56xi32, #tpu.memory_space<hbm>>) target(%arg12 : memref<56xi32, #tpu.memory_space<vmem>>) target_semaphore(%arg26 : memref<!tpu.dma_semaphore, #tpu.memory_space<semaphore_mem>>)
      %dma_start3A_380 = tpu.memref_slice %arg5[%add3A_375] : memref<322560xi32, #tpu.memory_space<hbm>> -> memref<56xi32, #tpu.memory_space<hbm>>
      %dma_start3A_381 = tpu.memref_slice %arg5[%add3A_375] : memref<322560xi32, #tpu.memory_space<hbm>> -> memref<56xi32, #tpu.memory_space<hbm>>
      tpu.enqueue_dma source(%dma_start3A_381 : memref<56xi32, #tpu.memory_space<hbm>>) target(%arg15 : memref<56xi32, #tpu.memory_space<vmem>>) target_semaphore(%arg26 : memref<!tpu.dma_semaphore, #tpu.memory_space<semaphore_mem>>)
      %scan3A_382 = arith.constant 0 : i32
      scf.yield %scan3A_382 : i32
    }
    %scan3A_119 = arith.constant 120 : i32
    %dma_wait3A_120 = arith.constant 0 : i32
    %dma_wait3A_121 = arith.constant 0 : i32
    %dma_wait3A_122 = tpu.memref_slice %arg2[%dma_wait3A_120, %dma_wait3A_121] : memref<40960x128xf32, #tpu.memory_space<hbm>> -> memref<40960x128xf32, #tpu.memory_space<hbm>>
    tpu.wait_indirect_dma semaphore(%arg27 : memref<!tpu.dma_semaphore, #tpu.memory_space<semaphore_mem>>) src(%dma_wait3A_122 : memref<40960x128xf32, #tpu.memory_space<hbm>>) dst(%arg16 : memref<56x128xf32, #tpu.memory_space<vmem>>)
    %dma_wait3A_123 = arith.constant 0 : i32
    %dma_wait3A_124 = arith.constant 0 : i32
    %dma_wait3A_125 = tpu.memref_slice %arg2[%dma_wait3A_123, %dma_wait3A_124] : memref<40960x128xf32, #tpu.memory_space<hbm>> -> memref<40960x128xf32, #tpu.memory_space<hbm>>
    tpu.wait_indirect_dma semaphore(%arg27 : memref<!tpu.dma_semaphore, #tpu.memory_space<semaphore_mem>>) src(%dma_wait3A_125 : memref<40960x128xf32, #tpu.memory_space<hbm>>) dst(%arg19 : memref<56x128xf32, #tpu.memory_space<vmem>>)
    %dma_wait3A_126 = arith.constant 0 : i32
    %dma_wait3A_127 = arith.constant 0 : i32
    %dma_wait3A_128 = tpu.memref_slice %arg2[%dma_wait3A_126, %dma_wait3A_127] : memref<40960x128xf32, #tpu.memory_space<hbm>> -> memref<40960x128xf32, #tpu.memory_space<hbm>>
    tpu.wait_indirect_dma semaphore(%arg28 : memref<!tpu.dma_semaphore, #tpu.memory_space<semaphore_mem>>) src(%dma_wait3A_128 : memref<40960x128xf32, #tpu.memory_space<hbm>>) dst(%arg17 : memref<56x128xf32, #tpu.memory_space<vmem>>)
    %dma_wait3A_129 = arith.constant 0 : i32
    %dma_wait3A_130 = arith.constant 0 : i32
    %dma_wait3A_131 = tpu.memref_slice %arg2[%dma_wait3A_129, %dma_wait3A_130] : memref<40960x128xf32, #tpu.memory_space<hbm>> -> memref<40960x128xf32, #tpu.memory_space<hbm>>
    tpu.wait_indirect_dma semaphore(%arg28 : memref<!tpu.dma_semaphore, #tpu.memory_space<semaphore_mem>>) src(%dma_wait3A_131 : memref<40960x128xf32, #tpu.memory_space<hbm>>) dst(%arg20 : memref<56x128xf32, #tpu.memory_space<vmem>>)
    %mul3A_132 = arith.constant 322560 : i32
    %mul3A_133 = arith.muli %arg0, %mul3A_132 : i32
    %add3A_134 = arith.addi %mul3A_133, %mul3A_13 : i32
    %add3A_135 = arith.constant 20104 : i32
    %add3A_136 = arith.addi %add3A_134, %add3A_135 : i32
    %mul3A_137 = arith.constant 322560 : i32
    %mul3A_138 = arith.muli %arg0, %mul3A_137 : i32
    %add3A_139 = arith.addi %mul3A_138, %mul3A_13 : i32
    %add3A_140 = arith.constant 20104 : i32
    %add3A_141 = arith.addi %add3A_139, %add3A_140 : i32
    %add3A_142 = arith.constant 20104 : i32
    %add3A_143 = arith.addi %mul3A_13, %add3A_142 : i32
    %dma_wait3A_144 = tpu.memref_slice %arg3[%add3A_136] : memref<645120xi32, #tpu.memory_space<hbm>> -> memref<56xi32, #tpu.memory_space<hbm>>
    %dma_wait3A_145 = tpu.memref_slice %arg3[%add3A_136] : memref<645120xi32, #tpu.memory_space<hbm>> -> memref<56xi32, #tpu.memory_space<hbm>>
    tpu.wait_dma2 semaphore(%arg26 : memref<!tpu.dma_semaphore, #tpu.memory_space<semaphore_mem>>) src(%dma_wait3A_145 : memref<56xi32, #tpu.memory_space<hbm>>) dst(%arg9 : memref<56xi32, #tpu.memory_space<vmem>>)
    %dma_wait3A_146 = tpu.memref_slice %arg4[%add3A_141] : memref<645120xi32, #tpu.memory_space<hbm>> -> memref<56xi32, #tpu.memory_space<hbm>>
    %dma_wait3A_147 = tpu.memref_slice %arg4[%add3A_141] : memref<645120xi32, #tpu.memory_space<hbm>> -> memref<56xi32, #tpu.memory_space<hbm>>
    tpu.wait_dma2 semaphore(%arg26 : memref<!tpu.dma_semaphore, #tpu.memory_space<semaphore_mem>>) src(%dma_wait3A_147 : memref<56xi32, #tpu.memory_space<hbm>>) dst(%arg12 : memref<56xi32, #tpu.memory_space<vmem>>)
    %dma_wait3A_148 = tpu.memref_slice %arg5[%add3A_143] : memref<322560xi32, #tpu.memory_space<hbm>> -> memref<56xi32, #tpu.memory_space<hbm>>
    %dma_wait3A_149 = tpu.memref_slice %arg5[%add3A_143] : memref<322560xi32, #tpu.memory_space<hbm>> -> memref<56xi32, #tpu.memory_space<hbm>>
    tpu.wait_dma2 semaphore(%arg26 : memref<!tpu.dma_semaphore, #tpu.memory_space<semaphore_mem>>) src(%dma_wait3A_149 : memref<56xi32, #tpu.memory_space<hbm>>) dst(%arg15 : memref<56xi32, #tpu.memory_space<vmem>>)
    %barrier3A_150 = arith.constant 0 : index
    tpu.barrier barrier_id(%barrier3A_150)
    %mul3A_151 = arith.constant 640 : i32
    %mul3A_152 = arith.muli %arg1, %mul3A_151 : i32
    %mul3A_153 = arith.constant 10240 : i32
    %mul3A_154 = arith.muli %arg0, %mul3A_153 : i32
    %mul3A_155 = arith.constant 640 : i32
    %mul3A_156 = arith.muli %arg1, %mul3A_155 : i32
    %add3A_157 = arith.addi %mul3A_154, %mul3A_156 : i32
    "tpu.region"() ({
      %run_scoped3A = tpu.sem_alloc : memref<!tpu.dma_semaphore, #tpu.memory_space<semaphore_mem>>
      %dma_start3A_158 = arith.constant 0 : i32
      %dma_start3A_159 = tpu.memref_slice %arg6[%add3A_157, %dma_start3A_158] : memref<20480x128xf32, #tpu.memory_space<hbm>> -> memref<640x128xf32, #tpu.memory_space<hbm>>
      %dma_start3A_160 = arith.constant 0 : i32
      %dma_start3A_161 = tpu.memref_slice %arg23[%mul3A_152, %dma_start3A_160] : memref<10240x128xf32, #tpu.memory_space<vmem_shared>> -> memref<640x128xf32, #tpu.memory_space<vmem_shared>>
      tpu.enqueue_dma source(%dma_start3A_161 : memref<640x128xf32, #tpu.memory_space<vmem_shared>>) target(%dma_start3A_159 : memref<640x128xf32, #tpu.memory_space<hbm>>) target_semaphore(%run_scoped3A : memref<!tpu.dma_semaphore, #tpu.memory_space<semaphore_mem>>)
      %dma_wait3A_162 = arith.constant 0 : i32
      %dma_wait3A_163 = tpu.memref_slice %arg6[%add3A_157, %dma_wait3A_162] : memref<20480x128xf32, #tpu.memory_space<hbm>> -> memref<640x128xf32, #tpu.memory_space<hbm>>
      %dma_wait3A_164 = arith.constant 0 : i32
      %dma_wait3A_165 = tpu.memref_slice %arg23[%mul3A_152, %dma_wait3A_164] : memref<10240x128xf32, #tpu.memory_space<vmem_shared>> -> memref<640x128xf32, #tpu.memory_space<vmem_shared>>
      tpu.wait_dma2 semaphore(%run_scoped3A : memref<!tpu.dma_semaphore, #tpu.memory_space<semaphore_mem>>) src(%dma_wait3A_165 : memref<640x128xf32, #tpu.memory_space<vmem_shared>>) dst(%dma_wait3A_163 : memref<640x128xf32, #tpu.memory_space<hbm>>)
      tpu.yield
    }) : () -> ()
    return
  }
}

#map = affine_map<(d0, d1) -> (0, 0)>
#map1 = affine_map<(d0, d1) -> (0)>
module attributes {stable_mosaic.version = 14 : i64} {
  func.func @_edge_body(%arg0: i32, %arg1: i32, %arg2: memref<40960x128xf32, #tpu.memory_space<hbm>>, %arg3: memref<645120xi32, #tpu.memory_space<hbm>>, %arg4: memref<645120xi32, #tpu.memory_space<hbm>>, %arg5: memref<322560xi32, #tpu.memory_space<hbm>>, %arg6: memref<20480x128xf32, #tpu.memory_space<hbm>>, %arg7: memref<56xi32, #tpu.memory_space<vmem>>, %arg8: memref<56xi32, #tpu.memory_space<vmem>>, %arg9: memref<56xi32, #tpu.memory_space<vmem>>, %arg10: memref<56xi32, #tpu.memory_space<vmem>>, %arg11: memref<56xi32, #tpu.memory_space<vmem>>, %arg12: memref<56xi32, #tpu.memory_space<vmem>>, %arg13: memref<56xi32, #tpu.memory_space<vmem>>, %arg14: memref<56xi32, #tpu.memory_space<vmem>>, %arg15: memref<56xi32, #tpu.memory_space<vmem>>, %arg16: memref<56x128xf32, #tpu.memory_space<vmem>>, %arg17: memref<56x128xf32, #tpu.memory_space<vmem>>, %arg18: memref<56x128xf32, #tpu.memory_space<vmem>>, %arg19: memref<56x128xf32, #tpu.memory_space<vmem>>, %arg20: memref<56x128xf32, #tpu.memory_space<vmem>>, %arg21: memref<56x128xf32, #tpu.memory_space<vmem>>, %arg22: memref<16x128xf32, #tpu.memory_space<vmem>>, %arg23: memref<10240x128xf32, #tpu.memory_space<vmem_shared>>, %arg24: memref<!tpu.dma_semaphore, #tpu.memory_space<semaphore_mem>>, %arg25: memref<!tpu.dma_semaphore, #tpu.memory_space<semaphore_mem>>, %arg26: memref<!tpu.dma_semaphore, #tpu.memory_space<semaphore_mem>>, %arg27: memref<!tpu.dma_semaphore, #tpu.memory_space<semaphore_mem>>, %arg28: memref<!tpu.dma_semaphore, #tpu.memory_space<semaphore_mem>>, %arg29: memref<!tpu.dma_semaphore, #tpu.memory_space<semaphore_mem>>, %arg30: memref<!tpu.dma_semaphore, #tpu.memory_space<semaphore_mem>>, %arg31: memref<!tpu.dma_semaphore, #tpu.memory_space<semaphore_mem>>, %arg32: memref<!tpu.dma_semaphore, #tpu.memory_space<semaphore_mem>>) attributes {dimension_semantics = [#tpu.dimension_semantics<core_parallel>, #tpu.dimension_semantics<subcore_parallel>], iteration_bounds = array<i64: 2, 16>, scalar_prefetch = 0 : i64, scratch_operands = 26 : i64, tpu.core_type = #tpu.core_type<sc_vector_subcore>, window_params = [{transform_indices = #map}, {transform_indices = #map1}, {transform_indices = #map1}, {transform_indices = #map1}, {transform_indices = #map}]} {
    %scan3A = arith.constant 0 : i32
    %scan3A_0 = arith.constant 0 : i32
    %scan3A_1 = arith.constant 16 : i32
    %scan3A_2 = arith.addi %scan3A_0, %scan3A_1 : i32
    %scan3A_3 = arith.constant 1 : i32
    %scan3A_4 = scf.for %scan3A_158 = %scan3A_0 to %scan3A_2 step %scan3A_3 iter_args(%scan3A_159 = %scan3A) -> (i32)  : i32 {
      %broadcast_in_dim3A = arith.constant 0.000000e+00 : f32
      %broadcast_in_dim3A_160 = vector.broadcast %broadcast_in_dim3A : f32 to vector<16xf32>
      %swap3A = arith.index_cast %scan3A_158 : i32 to index
      %swap3A_161 = arith.constant 0 : index
      %swap3A_162 = tpu.vector_load %arg22[%swap3A, %swap3A_161] {strides = array<i32>} : memref<16x128xf32, #tpu.memory_space<vmem>>, vector<1x16xf32>,
      %swap3A_163 = vector.shape_cast %swap3A_162 : vector<1x16xf32> to vector<16xf32>
      %swap3A_164 = vector.shape_cast %broadcast_in_dim3A_160 : vector<16xf32> to vector<1x16xf32>
      tpu.vector_store %arg22[%swap3A, %swap3A_161], %swap3A_164 {strides = array<i32>} : memref<16x128xf32, #tpu.memory_space<vmem>>, vector<1x16xf32>,
      %broadcast_in_dim3A_165 = arith.constant 0.000000e+00 : f32
      %broadcast_in_dim3A_166 = vector.broadcast %broadcast_in_dim3A_165 : f32 to vector<16xf32>
      %swap3A_167 = arith.index_cast %scan3A_158 : i32 to index
      %swap3A_168 = arith.constant 16 : index
      %swap3A_169 = tpu.vector_load %arg22[%swap3A_167, %swap3A_168] {strides = array<i32>} : memref<16x128xf32, #tpu.memory_space<vmem>>, vector<1x16xf32>,
      %swap3A_170 = vector.shape_cast %swap3A_169 : vector<1x16xf32> to vector<16xf32>
      %swap3A_171 = vector.shape_cast %broadcast_in_dim3A_166 : vector<16xf32> to vector<1x16xf32>
      tpu.vector_store %arg22[%swap3A_167, %swap3A_168], %swap3A_171 {strides = array<i32>} : memref<16x128xf32, #tpu.memory_space<vmem>>, vector<1x16xf32>,
      %broadcast_in_dim3A_172 = arith.constant 0.000000e+00 : f32
      %broadcast_in_dim3A_173 = vector.broadcast %broadcast_in_dim3A_172 : f32 to vector<16xf32>
      %swap3A_174 = arith.index_cast %scan3A_158 : i32 to index
      %swap3A_175 = arith.constant 32 : index
      %swap3A_176 = tpu.vector_load %arg22[%swap3A_174, %swap3A_175] {strides = array<i32>} : memref<16x128xf32, #tpu.memory_space<vmem>>, vector<1x16xf32>,
      %swap3A_177 = vector.shape_cast %swap3A_176 : vector<1x16xf32> to vector<16xf32>
      %swap3A_178 = vector.shape_cast %broadcast_in_dim3A_173 : vector<16xf32> to vector<1x16xf32>
      tpu.vector_store %arg22[%swap3A_174, %swap3A_175], %swap3A_178 {strides = array<i32>} : memref<16x128xf32, #tpu.memory_space<vmem>>, vector<1x16xf32>,
      %broadcast_in_dim3A_179 = arith.constant 0.000000e+00 : f32
      %broadcast_in_dim3A_180 = vector.broadcast %broadcast_in_dim3A_179 : f32 to vector<16xf32>
      %swap3A_181 = arith.index_cast %scan3A_158 : i32 to index
      %swap3A_182 = arith.constant 48 : index
      %swap3A_183 = tpu.vector_load %arg22[%swap3A_181, %swap3A_182] {strides = array<i32>} : memref<16x128xf32, #tpu.memory_space<vmem>>, vector<1x16xf32>,
      %swap3A_184 = vector.shape_cast %swap3A_183 : vector<1x16xf32> to vector<16xf32>
      %swap3A_185 = vector.shape_cast %broadcast_in_dim3A_180 : vector<16xf32> to vector<1x16xf32>
      tpu.vector_store %arg22[%swap3A_181, %swap3A_182], %swap3A_185 {strides = array<i32>} : memref<16x128xf32, #tpu.memory_space<vmem>>, vector<1x16xf32>,
      %broadcast_in_dim3A_186 = arith.constant 0.000000e+00 : f32
      %broadcast_in_dim3A_187 = vector.broadcast %broadcast_in_dim3A_186 : f32 to vector<16xf32>
      %swap3A_188 = arith.index_cast %scan3A_158 : i32 to index
      %swap3A_189 = arith.constant 64 : index
      %swap3A_190 = tpu.vector_load %arg22[%swap3A_188, %swap3A_189] {strides = array<i32>} : memref<16x128xf32, #tpu.memory_space<vmem>>, vector<1x16xf32>,
      %swap3A_191 = vector.shape_cast %swap3A_190 : vector<1x16xf32> to vector<16xf32>
      %swap3A_192 = vector.shape_cast %broadcast_in_dim3A_187 : vector<16xf32> to vector<1x16xf32>
      tpu.vector_store %arg22[%swap3A_188, %swap3A_189], %swap3A_192 {strides = array<i32>} : memref<16x128xf32, #tpu.memory_space<vmem>>, vector<1x16xf32>,
      %broadcast_in_dim3A_193 = arith.constant 0.000000e+00 : f32
      %broadcast_in_dim3A_194 = vector.broadcast %broadcast_in_dim3A_193 : f32 to vector<16xf32>
      %swap3A_195 = arith.index_cast %scan3A_158 : i32 to index
      %swap3A_196 = arith.constant 80 : index
      %swap3A_197 = tpu.vector_load %arg22[%swap3A_195, %swap3A_196] {strides = array<i32>} : memref<16x128xf32, #tpu.memory_space<vmem>>, vector<1x16xf32>,
      %swap3A_198 = vector.shape_cast %swap3A_197 : vector<1x16xf32> to vector<16xf32>
      %swap3A_199 = vector.shape_cast %broadcast_in_dim3A_194 : vector<16xf32> to vector<1x16xf32>
      tpu.vector_store %arg22[%swap3A_195, %swap3A_196], %swap3A_199 {strides = array<i32>} : memref<16x128xf32, #tpu.memory_space<vmem>>, vector<1x16xf32>,
      %broadcast_in_dim3A_200 = arith.constant 0.000000e+00 : f32
      %broadcast_in_dim3A_201 = vector.broadcast %broadcast_in_dim3A_200 : f32 to vector<16xf32>
      %swap3A_202 = arith.index_cast %scan3A_158 : i32 to index
      %swap3A_203 = arith.constant 96 : index
      %swap3A_204 = tpu.vector_load %arg22[%swap3A_202, %swap3A_203] {strides = array<i32>} : memref<16x128xf32, #tpu.memory_space<vmem>>, vector<1x16xf32>,
      %swap3A_205 = vector.shape_cast %swap3A_204 : vector<1x16xf32> to vector<16xf32>
      %swap3A_206 = vector.shape_cast %broadcast_in_dim3A_201 : vector<16xf32> to vector<1x16xf32>
      tpu.vector_store %arg22[%swap3A_202, %swap3A_203], %swap3A_206 {strides = array<i32>} : memref<16x128xf32, #tpu.memory_space<vmem>>, vector<1x16xf32>,
      %broadcast_in_dim3A_207 = arith.constant 0.000000e+00 : f32
      %broadcast_in_dim3A_208 = vector.broadcast %broadcast_in_dim3A_207 : f32 to vector<16xf32>
      %swap3A_209 = arith.index_cast %scan3A_158 : i32 to index
      %swap3A_210 = arith.constant 112 : index
      %swap3A_211 = tpu.vector_load %arg22[%swap3A_209, %swap3A_210] {strides = array<i32>} : memref<16x128xf32, #tpu.memory_space<vmem>>, vector<1x16xf32>,
      %swap3A_212 = vector.shape_cast %swap3A_211 : vector<1x16xf32> to vector<16xf32>
      %swap3A_213 = vector.shape_cast %broadcast_in_dim3A_208 : vector<16xf32> to vector<1x16xf32>
      tpu.vector_store %arg22[%swap3A_209, %swap3A_210], %swap3A_213 {strides = array<i32>} : memref<16x128xf32, #tpu.memory_space<vmem>>, vector<1x16xf32>,
      %scan3A_214 = arith.constant 0 : i32
      scf.yield %scan3A_214 : i32
    }
    %scan3A_5 = arith.constant 16 : i32
    %scan3A_6 = arith.constant 0 : i32
    %scan3A_7 = arith.constant 0 : i32
    %scan3A_8 = arith.constant 40 : i32
    %scan3A_9 = arith.addi %scan3A_7, %scan3A_8 : i32
    %scan3A_10 = arith.constant 1 : i32
    %scan3A_11 = scf.for %scan3A_158 = %scan3A_7 to %scan3A_9 step %scan3A_10 iter_args(%scan3A_159 = %scan3A_6) -> (i32)  : i32 {
      %mul3A_160 = arith.constant 640 : i32
      %mul3A_161 = arith.muli %arg1, %mul3A_160 : i32
      %mul3A_162 = arith.constant 16 : i32
      %mul3A_163 = arith.muli %scan3A_158, %mul3A_162 : i32
      %add3A_164 = arith.addi %mul3A_161, %mul3A_163 : i32
      "tpu.region"() ({
        %run_scoped3A = tpu.sem_alloc : memref<!tpu.dma_semaphore, #tpu.memory_space<semaphore_mem>>
        %dma_start3A_166 = arith.constant 0 : i32
        %dma_start3A_167 = tpu.memref_slice %arg23[%add3A_164, %dma_start3A_166] : memref<10240x128xf32, #tpu.memory_space<vmem_shared>> -> memref<16x128xf32, #tpu.memory_space<vmem_shared>>
        %dma_start3A_168 = arith.constant 0 : i32
        %dma_start3A_169 = tpu.memref_slice %arg23[%add3A_164, %dma_start3A_168] : memref<10240x128xf32, #tpu.memory_space<vmem_shared>> -> memref<16x128xf32, #tpu.memory_space<vmem_shared>>
        tpu.enqueue_dma source(%arg22 : memref<16x128xf32, #tpu.memory_space<vmem>>) target(%dma_start3A_169 : memref<16x128xf32, #tpu.memory_space<vmem_shared>>) target_semaphore(%run_scoped3A : memref<!tpu.dma_semaphore, #tpu.memory_space<semaphore_mem>>)
        %dma_wait3A_170 = arith.constant 0 : i32
        %dma_wait3A_171 = tpu.memref_slice %arg23[%add3A_164, %dma_wait3A_170] : memref<10240x128xf32, #tpu.memory_space<vmem_shared>> -> memref<16x128xf32, #tpu.memory_space<vmem_shared>>
        %dma_wait3A_172 = arith.constant 0 : i32
        %dma_wait3A_173 = tpu.memref_slice %arg23[%add3A_164, %dma_wait3A_172] : memref<10240x128xf32, #tpu.memory_space<vmem_shared>> -> memref<16x128xf32, #tpu.memory_space<vmem_shared>>
        tpu.wait_dma2 semaphore(%run_scoped3A : memref<!tpu.dma_semaphore, #tpu.memory_space<semaphore_mem>>) src(%arg22 : memref<16x128xf32, #tpu.memory_space<vmem>>) dst(%dma_wait3A_173 : memref<16x128xf32, #tpu.memory_space<vmem_shared>>)
        tpu.yield
      }) : () -> ()
      %scan3A_165 = arith.constant 0 : i32
      scf.yield %scan3A_165 : i32
    }
    %scan3A_12 = arith.constant 40 : i32
    %barrier3A = arith.constant 0 : index
    tpu.barrier barrier_id(%barrier3A)
    %mul3A = arith.constant 20160 : i32
    %mul3A_13 = arith.muli %arg1, %mul3A : i32
    %mul3A_14 = arith.constant 322560 : i32
    %mul3A_15 = arith.muli %arg0, %mul3A_14 : i32
    %add3A = arith.addi %mul3A_15, %mul3A_13 : i32
    %add3A_16 = arith.constant 0 : i32
    %add3A_17 = arith.addi %add3A, %add3A_16 : i32
    %mul3A_18 = arith.constant 322560 : i32
    %mul3A_19 = arith.muli %arg0, %mul3A_18 : i32
    %add3A_20 = arith.addi %mul3A_19, %mul3A_13 : i32
    %add3A_21 = arith.constant 0 : i32
    %add3A_22 = arith.addi %add3A_20, %add3A_21 : i32
    %add3A_23 = arith.constant 0 : i32
    %add3A_24 = arith.addi %mul3A_13, %add3A_23 : i32
    %dma_start3A = tpu.memref_slice %arg3[%add3A_17] : memref<645120xi32, #tpu.memory_space<hbm>> -> memref<56xi32, #tpu.memory_space<hbm>>
    %dma_start3A_25 = tpu.memref_slice %arg3[%add3A_17] : memref<645120xi32, #tpu.memory_space<hbm>> -> memref<56xi32, #tpu.memory_space<hbm>>
    tpu.enqueue_dma source(%dma_start3A_25 : memref<56xi32, #tpu.memory_space<hbm>>) target(%arg7 : memref<56xi32, #tpu.memory_space<vmem>>) target_semaphore(%arg24 : memref<!tpu.dma_semaphore, #tpu.memory_space<semaphore_mem>>)
    %dma_start3A_26 = tpu.memref_slice %arg4[%add3A_22] : memref<645120xi32, #tpu.memory_space<hbm>> -> memref<56xi32, #tpu.memory_space<hbm>>
    %dma_start3A_27 = tpu.memref_slice %arg4[%add3A_22] : memref<645120xi32, #tpu.memory_space<hbm>> -> memref<56xi32, #tpu.memory_space<hbm>>
    tpu.enqueue_dma source(%dma_start3A_27 : memref<56xi32, #tpu.memory_space<hbm>>) target(%arg10 : memref<56xi32, #tpu.memory_space<vmem>>) target_semaphore(%arg24 : memref<!tpu.dma_semaphore, #tpu.memory_space<semaphore_mem>>)
    %dma_start3A_28 = tpu.memref_slice %arg5[%add3A_24] : memref<322560xi32, #tpu.memory_space<hbm>> -> memref<56xi32, #tpu.memory_space<hbm>>
    %dma_start3A_29 = tpu.memref_slice %arg5[%add3A_24] : memref<322560xi32, #tpu.memory_space<hbm>> -> memref<56xi32, #tpu.memory_space<hbm>>
    tpu.enqueue_dma source(%dma_start3A_29 : memref<56xi32, #tpu.memory_space<hbm>>) target(%arg13 : memref<56xi32, #tpu.memory_space<vmem>>) target_semaphore(%arg24 : memref<!tpu.dma_semaphore, #tpu.memory_space<semaphore_mem>>)
    %mul3A_30 = arith.constant 322560 : i32
    %mul3A_31 = arith.muli %arg0, %mul3A_30 : i32
    %add3A_32 = arith.addi %mul3A_31, %mul3A_13 : i32
    %add3A_33 = arith.constant 0 : i32
    %add3A_34 = arith.addi %add3A_32, %add3A_33 : i32
    %mul3A_35 = arith.constant 322560 : i32
    %mul3A_36 = arith.muli %arg0, %mul3A_35 : i32
    %add3A_37 = arith.addi %mul3A_36, %mul3A_13 : i32
    %add3A_38 = arith.constant 0 : i32
    %add3A_39 = arith.addi %add3A_37, %add3A_38 : i32
    %add3A_40 = arith.constant 0 : i32
    %add3A_41 = arith.addi %mul3A_13, %add3A_40 : i32
    %dma_wait3A = tpu.memref_slice %arg3[%add3A_34] : memref<645120xi32, #tpu.memory_space<hbm>> -> memref<56xi32, #tpu.memory_space<hbm>>
    %dma_wait3A_42 = tpu.memref_slice %arg3[%add3A_34] : memref<645120xi32, #tpu.memory_space<hbm>> -> memref<56xi32, #tpu.memory_space<hbm>>
    tpu.wait_dma2 semaphore(%arg24 : memref<!tpu.dma_semaphore, #tpu.memory_space<semaphore_mem>>) src(%dma_wait3A_42 : memref<56xi32, #tpu.memory_space<hbm>>) dst(%arg7 : memref<56xi32, #tpu.memory_space<vmem>>)
    %dma_wait3A_43 = tpu.memref_slice %arg4[%add3A_39] : memref<645120xi32, #tpu.memory_space<hbm>> -> memref<56xi32, #tpu.memory_space<hbm>>
    %dma_wait3A_44 = tpu.memref_slice %arg4[%add3A_39] : memref<645120xi32, #tpu.memory_space<hbm>> -> memref<56xi32, #tpu.memory_space<hbm>>
    tpu.wait_dma2 semaphore(%arg24 : memref<!tpu.dma_semaphore, #tpu.memory_space<semaphore_mem>>) src(%dma_wait3A_44 : memref<56xi32, #tpu.memory_space<hbm>>) dst(%arg10 : memref<56xi32, #tpu.memory_space<vmem>>)
    %dma_wait3A_45 = tpu.memref_slice %arg5[%add3A_41] : memref<322560xi32, #tpu.memory_space<hbm>> -> memref<56xi32, #tpu.memory_space<hbm>>
    %dma_wait3A_46 = tpu.memref_slice %arg5[%add3A_41] : memref<322560xi32, #tpu.memory_space<hbm>> -> memref<56xi32, #tpu.memory_space<hbm>>
    tpu.wait_dma2 semaphore(%arg24 : memref<!tpu.dma_semaphore, #tpu.memory_space<semaphore_mem>>) src(%dma_wait3A_46 : memref<56xi32, #tpu.memory_space<hbm>>) dst(%arg13 : memref<56xi32, #tpu.memory_space<vmem>>)
    %dma_start3A_47 = arith.constant 0 : i32
    %dma_start3A_48 = arith.constant 0 : i32
    %dma_start3A_49 = tpu.memref_slice %arg2[%dma_start3A_47, %dma_start3A_48] : memref<40960x128xf32, #tpu.memory_space<hbm>> -> memref<40960x128xf32, #tpu.memory_space<hbm>>
    tpu.enqueue_indirect_dma source(%dma_start3A_49 : memref<40960x128xf32, #tpu.memory_space<hbm>>) target(%arg16 : memref<56x128xf32, #tpu.memory_space<vmem>>) offsets(%arg7 : memref<56xi32, #tpu.memory_space<vmem>>) semaphore(%arg27 : memref<!tpu.dma_semaphore, #tpu.memory_space<semaphore_mem>>)
    %dma_start3A_50 = arith.constant 0 : i32
    %dma_start3A_51 = arith.constant 0 : i32
    %dma_start3A_52 = tpu.memref_slice %arg2[%dma_start3A_50, %dma_start3A_51] : memref<40960x128xf32, #tpu.memory_space<hbm>> -> memref<40960x128xf32, #tpu.memory_space<hbm>>
    tpu.enqueue_indirect_dma source(%dma_start3A_52 : memref<40960x128xf32, #tpu.memory_space<hbm>>) target(%arg19 : memref<56x128xf32, #tpu.memory_space<vmem>>) offsets(%arg10 : memref<56xi32, #tpu.memory_space<vmem>>) semaphore(%arg27 : memref<!tpu.dma_semaphore, #tpu.memory_space<semaphore_mem>>)
    %mul3A_53 = arith.constant 322560 : i32
    %mul3A_54 = arith.muli %arg0, %mul3A_53 : i32
    %add3A_55 = arith.addi %mul3A_54, %mul3A_13 : i32
    %add3A_56 = arith.constant 56 : i32
    %add3A_57 = arith.addi %add3A_55, %add3A_56 : i32
    %mul3A_58 = arith.constant 322560 : i32
    %mul3A_59 = arith.muli %arg0, %mul3A_58 : i32
    %add3A_60 = arith.addi %mul3A_59, %mul3A_13 : i32
    %add3A_61 = arith.constant 56 : i32
    %add3A_62 = arith.addi %add3A_60, %add3A_61 : i32
    %add3A_63 = arith.constant 56 : i32
    %add3A_64 = arith.addi %mul3A_13, %add3A_63 : i32
    %dma_start3A_65 = tpu.memref_slice %arg3[%add3A_57] : memref<645120xi32, #tpu.memory_space<hbm>> -> memref<56xi32, #tpu.memory_space<hbm>>
    %dma_start3A_66 = tpu.memref_slice %arg3[%add3A_57] : memref<645120xi32, #tpu.memory_space<hbm>> -> memref<56xi32, #tpu.memory_space<hbm>>
    tpu.enqueue_dma source(%dma_start3A_66 : memref<56xi32, #tpu.memory_space<hbm>>) target(%arg8 : memref<56xi32, #tpu.memory_space<vmem>>) target_semaphore(%arg25 : memref<!tpu.dma_semaphore, #tpu.memory_space<semaphore_mem>>)
    %dma_start3A_67 = tpu.memref_slice %arg4[%add3A_62] : memref<645120xi32, #tpu.memory_space<hbm>> -> memref<56xi32, #tpu.memory_space<hbm>>
    %dma_start3A_68 = tpu.memref_slice %arg4[%add3A_62] : memref<645120xi32, #tpu.memory_space<hbm>> -> memref<56xi32, #tpu.memory_space<hbm>>
    tpu.enqueue_dma source(%dma_start3A_68 : memref<56xi32, #tpu.memory_space<hbm>>) target(%arg11 : memref<56xi32, #tpu.memory_space<vmem>>) target_semaphore(%arg25 : memref<!tpu.dma_semaphore, #tpu.memory_space<semaphore_mem>>)
    %dma_start3A_69 = tpu.memref_slice %arg5[%add3A_64] : memref<322560xi32, #tpu.memory_space<hbm>> -> memref<56xi32, #tpu.memory_space<hbm>>
    %dma_start3A_70 = tpu.memref_slice %arg5[%add3A_64] : memref<322560xi32, #tpu.memory_space<hbm>> -> memref<56xi32, #tpu.memory_space<hbm>>
    tpu.enqueue_dma source(%dma_start3A_70 : memref<56xi32, #tpu.memory_space<hbm>>) target(%arg14 : memref<56xi32, #tpu.memory_space<vmem>>) target_semaphore(%arg25 : memref<!tpu.dma_semaphore, #tpu.memory_space<semaphore_mem>>)
    %mul3A_71 = arith.constant 322560 : i32
    %mul3A_72 = arith.muli %arg0, %mul3A_71 : i32
    %add3A_73 = arith.addi %mul3A_72, %mul3A_13 : i32
    %add3A_74 = arith.constant 56 : i32
    %add3A_75 = arith.addi %add3A_73, %add3A_74 : i32
    %mul3A_76 = arith.constant 322560 : i32
    %mul3A_77 = arith.muli %arg0, %mul3A_76 : i32
    %add3A_78 = arith.addi %mul3A_77, %mul3A_13 : i32
    %add3A_79 = arith.constant 56 : i32
    %add3A_80 = arith.addi %add3A_78, %add3A_79 : i32
    %add3A_81 = arith.constant 56 : i32
    %add3A_82 = arith.addi %mul3A_13, %add3A_81 : i32
    %dma_wait3A_83 = tpu.memref_slice %arg3[%add3A_75] : memref<645120xi32, #tpu.memory_space<hbm>> -> memref<56xi32, #tpu.memory_space<hbm>>
    %dma_wait3A_84 = tpu.memref_slice %arg3[%add3A_75] : memref<645120xi32, #tpu.memory_space<hbm>> -> memref<56xi32, #tpu.memory_space<hbm>>
    tpu.wait_dma2 semaphore(%arg25 : memref<!tpu.dma_semaphore, #tpu.memory_space<semaphore_mem>>) src(%dma_wait3A_84 : memref<56xi32, #tpu.memory_space<hbm>>) dst(%arg8 : memref<56xi32, #tpu.memory_space<vmem>>)
    %dma_wait3A_85 = tpu.memref_slice %arg4[%add3A_80] : memref<645120xi32, #tpu.memory_space<hbm>> -> memref<56xi32, #tpu.memory_space<hbm>>
    %dma_wait3A_86 = tpu.memref_slice %arg4[%add3A_80] : memref<645120xi32, #tpu.memory_space<hbm>> -> memref<56xi32, #tpu.memory_space<hbm>>
    tpu.wait_dma2 semaphore(%arg25 : memref<!tpu.dma_semaphore, #tpu.memory_space<semaphore_mem>>) src(%dma_wait3A_86 : memref<56xi32, #tpu.memory_space<hbm>>) dst(%arg11 : memref<56xi32, #tpu.memory_space<vmem>>)
    %dma_wait3A_87 = tpu.memref_slice %arg5[%add3A_82] : memref<322560xi32, #tpu.memory_space<hbm>> -> memref<56xi32, #tpu.memory_space<hbm>>
    %dma_wait3A_88 = tpu.memref_slice %arg5[%add3A_82] : memref<322560xi32, #tpu.memory_space<hbm>> -> memref<56xi32, #tpu.memory_space<hbm>>
    tpu.wait_dma2 semaphore(%arg25 : memref<!tpu.dma_semaphore, #tpu.memory_space<semaphore_mem>>) src(%dma_wait3A_88 : memref<56xi32, #tpu.memory_space<hbm>>) dst(%arg14 : memref<56xi32, #tpu.memory_space<vmem>>)
    %dma_start3A_89 = arith.constant 0 : i32
    %dma_start3A_90 = arith.constant 0 : i32
    %dma_start3A_91 = tpu.memref_slice %arg2[%dma_start3A_89, %dma_start3A_90] : memref<40960x128xf32, #tpu.memory_space<hbm>> -> memref<40960x128xf32, #tpu.memory_space<hbm>>
    tpu.enqueue_indirect_dma source(%dma_start3A_91 : memref<40960x128xf32, #tpu.memory_space<hbm>>) target(%arg17 : memref<56x128xf32, #tpu.memory_space<vmem>>) offsets(%arg8 : memref<56xi32, #tpu.memory_space<vmem>>) semaphore(%arg28 : memref<!tpu.dma_semaphore, #tpu.memory_space<semaphore_mem>>)
    %dma_start3A_92 = arith.constant 0 : i32
    %dma_start3A_93 = arith.constant 0 : i32
    %dma_start3A_94 = tpu.memref_slice %arg2[%dma_start3A_92, %dma_start3A_93] : memref<40960x128xf32, #tpu.memory_space<hbm>> -> memref<40960x128xf32, #tpu.memory_space<hbm>>
    tpu.enqueue_indirect_dma source(%dma_start3A_94 : memref<40960x128xf32, #tpu.memory_space<hbm>>) target(%arg20 : memref<56x128xf32, #tpu.memory_space<vmem>>) offsets(%arg11 : memref<56xi32, #tpu.memory_space<vmem>>) semaphore(%arg28 : memref<!tpu.dma_semaphore, #tpu.memory_space<semaphore_mem>>)
    %mul3A_95 = arith.constant 322560 : i32
    %mul3A_96 = arith.muli %arg0, %mul3A_95 : i32
    %add3A_97 = arith.addi %mul3A_96, %mul3A_13 : i32
    %add3A_98 = arith.constant 112 : i32
    %add3A_99 = arith.addi %add3A_97, %add3A_98 : i32
    %mul3A_100 = arith.constant 322560 : i32
    %mul3A_101 = arith.muli %arg0, %mul3A_100 : i32
    %add3A_102 = arith.addi %mul3A_101, %mul3A_13 : i32
    %add3A_103 = arith.constant 112 : i32
    %add3A_104 = arith.addi %add3A_102, %add3A_103 : i32
    %add3A_105 = arith.constant 112 : i32
    %add3A_106 = arith.addi %mul3A_13, %add3A_105 : i32
    %dma_start3A_107 = tpu.memref_slice %arg3[%add3A_99] : memref<645120xi32, #tpu.memory_space<hbm>> -> memref<56xi32, #tpu.memory_space<hbm>>
    %dma_start3A_108 = tpu.memref_slice %arg3[%add3A_99] : memref<645120xi32, #tpu.memory_space<hbm>> -> memref<56xi32, #tpu.memory_space<hbm>>
    tpu.enqueue_dma source(%dma_start3A_108 : memref<56xi32, #tpu.memory_space<hbm>>) target(%arg9 : memref<56xi32, #tpu.memory_space<vmem>>) target_semaphore(%arg26 : memref<!tpu.dma_semaphore, #tpu.memory_space<semaphore_mem>>)
    %dma_start3A_109 = tpu.memref_slice %arg4[%add3A_104] : memref<645120xi32, #tpu.memory_space<hbm>> -> memref<56xi32, #tpu.memory_space<hbm>>
    %dma_start3A_110 = tpu.memref_slice %arg4[%add3A_104] : memref<645120xi32, #tpu.memory_space<hbm>> -> memref<56xi32, #tpu.memory_space<hbm>>
    tpu.enqueue_dma source(%dma_start3A_110 : memref<56xi32, #tpu.memory_space<hbm>>) target(%arg12 : memref<56xi32, #tpu.memory_space<vmem>>) target_semaphore(%arg26 : memref<!tpu.dma_semaphore, #tpu.memory_space<semaphore_mem>>)
    %dma_start3A_111 = tpu.memref_slice %arg5[%add3A_106] : memref<322560xi32, #tpu.memory_space<hbm>> -> memref<56xi32, #tpu.memory_space<hbm>>
    %dma_start3A_112 = tpu.memref_slice %arg5[%add3A_106] : memref<322560xi32, #tpu.memory_space<hbm>> -> memref<56xi32, #tpu.memory_space<hbm>>
    tpu.enqueue_dma source(%dma_start3A_112 : memref<56xi32, #tpu.memory_space<hbm>>) target(%arg15 : memref<56xi32, #tpu.memory_space<vmem>>) target_semaphore(%arg26 : memref<!tpu.dma_semaphore, #tpu.memory_space<semaphore_mem>>)
    %scan3A_113 = arith.constant 0 : i32
    %scan3A_114 = arith.constant 0 : i32
    %scan3A_115 = arith.constant 120 : i32
    %scan3A_116 = arith.addi %scan3A_114, %scan3A_115 : i32
    %scan3A_117 = arith.constant 1 : i32
    %scan3A_118 = scf.for %scan3A_158 = %scan3A_114 to %scan3A_116 step %scan3A_117 iter_args(%scan3A_159 = %scan3A_113) -> (i32)  : i32 {
      %mul3A_160 = arith.constant 3 : i32
      %mul3A_161 = arith.muli %mul3A_160, %scan3A_158 : i32
      %mul3A_162 = arith.constant 3 : i32
      %mul3A_163 = arith.muli %mul3A_162, %scan3A_158 : i32
      %add3A_164 = arith.constant 1 : i32
      %add3A_165 = arith.addi %mul3A_163, %add3A_164 : i32
      %mul3A_166 = arith.constant 3 : i32
      %mul3A_167 = arith.muli %mul3A_166, %scan3A_158 : i32
      %add3A_168 = arith.constant 2 : i32
      %add3A_169 = arith.addi %mul3A_167, %add3A_168 : i32
      %add3A_170 = arith.constant 3 : i32
      %add3A_171 = arith.addi %mul3A_161, %add3A_170 : i32
      %min3A = arith.constant 359 : i32
      %min3A_172 = arith.minsi %add3A_171, %min3A : i32
      %add3A_173 = arith.constant 4 : i32
      %add3A_174 = arith.addi %mul3A_161, %add3A_173 : i32
      %min3A_175 = arith.constant 359 : i32
      %min3A_176 = arith.minsi %add3A_174, %min3A_175 : i32
      %add3A_177 = arith.constant 5 : i32
      %add3A_178 = arith.addi %mul3A_161, %add3A_177 : i32
      %min3A_179 = arith.constant 359 : i32
      %min3A_180 = arith.minsi %add3A_178, %min3A_179 : i32
      %dma_wait3A_181 = arith.constant 0 : i32
      %dma_wait3A_182 = arith.constant 0 : i32
      %dma_wait3A_183 = tpu.memref_slice %arg2[%dma_wait3A_181, %dma_wait3A_182] : memref<40960x128xf32, #tpu.memory_space<hbm>> -> memref<40960x128xf32, #tpu.memory_space<hbm>>
      tpu.wait_indirect_dma semaphore(%arg27 : memref<!tpu.dma_semaphore, #tpu.memory_space<semaphore_mem>>) src(%dma_wait3A_183 : memref<40960x128xf32, #tpu.memory_space<hbm>>) dst(%arg16 : memref<56x128xf32, #tpu.memory_space<vmem>>)
      %dma_wait3A_184 = arith.constant 0 : i32
      %dma_wait3A_185 = arith.constant 0 : i32
      %dma_wait3A_186 = tpu.memref_slice %arg2[%dma_wait3A_184, %dma_wait3A_185] : memref<40960x128xf32, #tpu.memory_space<hbm>> -> memref<40960x128xf32, #tpu.memory_space<hbm>>
      tpu.wait_indirect_dma semaphore(%arg27 : memref<!tpu.dma_semaphore, #tpu.memory_space<semaphore_mem>>) src(%dma_wait3A_186 : memref<40960x128xf32, #tpu.memory_space<hbm>>) dst(%arg19 : memref<56x128xf32, #tpu.memory_space<vmem>>)
      %scan3A_187 = arith.constant 0 : i32
      %scan3A_188 = arith.constant 0 : i32
      %scan3A_189 = arith.constant 56 : i32
      %scan3A_190 = arith.addi %scan3A_188, %scan3A_189 : i32
      %scan3A_191 = arith.constant 1 : i32
      %scan3A_192 = scf.for %scan3A_383 = %scan3A_188 to %scan3A_190 step %scan3A_191 iter_args(%scan3A_384 = %scan3A_187) -> (i32)  : i32 {
        %get3A = arith.index_cast %scan3A_383 : i32 to index
        %get3A_385 = arith.constant 0 : index
        %get3A_386 = tpu.vector_load %arg16[%get3A, %get3A_385] {strides = array<i32>} : memref<56x128xf32, #tpu.memory_space<vmem>>, vector<1x16xf32>,
        %get3A_387 = vector.shape_cast %get3A_386 : vector<1x16xf32> to vector<16xf32>
        %get3A_388 = arith.index_cast %scan3A_383 : i32 to index
        %get3A_389 = arith.constant 0 : index
        %get3A_390 = tpu.vector_load %arg19[%get3A_388, %get3A_389] {strides = array<i32>} : memref<56x128xf32, #tpu.memory_space<vmem>>, vector<1x16xf32>,
        %get3A_391 = vector.shape_cast %get3A_390 : vector<1x16xf32> to vector<16xf32>
        %add3A_392 = arith.addf %get3A_387, %get3A_391 : vector<16xf32>
        %max3A = arith.constant 0.000000e+00 : f32
        %max3A_393 = vector.broadcast %max3A : f32 to vector<16xf32>
        %max3A_394 = arith.maximumf %add3A_392, %max3A_393 : vector<16xf32>
        %swap3A = arith.index_cast %scan3A_383 : i32 to index
        %swap3A_395 = arith.constant 0 : index
        %swap3A_396 = tpu.vector_load %arg19[%swap3A, %swap3A_395] {strides = array<i32>} : memref<56x128xf32, #tpu.memory_space<vmem>>, vector<1x16xf32>,
        %swap3A_397 = vector.shape_cast %swap3A_396 : vector<1x16xf32> to vector<16xf32>
        %swap3A_398 = vector.shape_cast %max3A_394 : vector<16xf32> to vector<1x16xf32>
        tpu.vector_store %arg19[%swap3A, %swap3A_395], %swap3A_398 {strides = array<i32>} : memref<56x128xf32, #tpu.memory_space<vmem>>, vector<1x16xf32>,
        %get3A_399 = arith.index_cast %scan3A_383 : i32 to index
        %get3A_400 = arith.constant 16 : index
        %get3A_401 = tpu.vector_load %arg16[%get3A_399, %get3A_400] {strides = array<i32>} : memref<56x128xf32, #tpu.memory_space<vmem>>, vector<1x16xf32>,
        %get3A_402 = vector.shape_cast %get3A_401 : vector<1x16xf32> to vector<16xf32>
        %get3A_403 = arith.index_cast %scan3A_383 : i32 to index
        %get3A_404 = arith.constant 16 : index
        %get3A_405 = tpu.vector_load %arg19[%get3A_403, %get3A_404] {strides = array<i32>} : memref<56x128xf32, #tpu.memory_space<vmem>>, vector<1x16xf32>,
        %get3A_406 = vector.shape_cast %get3A_405 : vector<1x16xf32> to vector<16xf32>
        %add3A_407 = arith.addf %get3A_402, %get3A_406 : vector<16xf32>
        %max3A_408 = arith.constant 0.000000e+00 : f32
        %max3A_409 = vector.broadcast %max3A_408 : f32 to vector<16xf32>
        %max3A_410 = arith.maximumf %add3A_407, %max3A_409 : vector<16xf32>
        %swap3A_411 = arith.index_cast %scan3A_383 : i32 to index
        %swap3A_412 = arith.constant 16 : index
        %swap3A_413 = tpu.vector_load %arg19[%swap3A_411, %swap3A_412] {strides = array<i32>} : memref<56x128xf32, #tpu.memory_space<vmem>>, vector<1x16xf32>,
        %swap3A_414 = vector.shape_cast %swap3A_413 : vector<1x16xf32> to vector<16xf32>
        %swap3A_415 = vector.shape_cast %max3A_410 : vector<16xf32> to vector<1x16xf32>
        tpu.vector_store %arg19[%swap3A_411, %swap3A_412], %swap3A_415 {strides = array<i32>} : memref<56x128xf32, #tpu.memory_space<vmem>>, vector<1x16xf32>,
        %get3A_416 = arith.index_cast %scan3A_383 : i32 to index
        %get3A_417 = arith.constant 32 : index
        %get3A_418 = tpu.vector_load %arg16[%get3A_416, %get3A_417] {strides = array<i32>} : memref<56x128xf32, #tpu.memory_space<vmem>>, vector<1x16xf32>,
        %get3A_419 = vector.shape_cast %get3A_418 : vector<1x16xf32> to vector<16xf32>
        %get3A_420 = arith.index_cast %scan3A_383 : i32 to index
        %get3A_421 = arith.constant 32 : index
        %get3A_422 = tpu.vector_load %arg19[%get3A_420, %get3A_421] {strides = array<i32>} : memref<56x128xf32, #tpu.memory_space<vmem>>, vector<1x16xf32>,
        %get3A_423 = vector.shape_cast %get3A_422 : vector<1x16xf32> to vector<16xf32>
        %add3A_424 = arith.addf %get3A_419, %get3A_423 : vector<16xf32>
        %max3A_425 = arith.constant 0.000000e+00 : f32
        %max3A_426 = vector.broadcast %max3A_425 : f32 to vector<16xf32>
        %max3A_427 = arith.maximumf %add3A_424, %max3A_426 : vector<16xf32>
        %swap3A_428 = arith.index_cast %scan3A_383 : i32 to index
        %swap3A_429 = arith.constant 32 : index
        %swap3A_430 = tpu.vector_load %arg19[%swap3A_428, %swap3A_429] {strides = array<i32>} : memref<56x128xf32, #tpu.memory_space<vmem>>, vector<1x16xf32>,
        %swap3A_431 = vector.shape_cast %swap3A_430 : vector<1x16xf32> to vector<16xf32>
        %swap3A_432 = vector.shape_cast %max3A_427 : vector<16xf32> to vector<1x16xf32>
        tpu.vector_store %arg19[%swap3A_428, %swap3A_429], %swap3A_432 {strides = array<i32>} : memref<56x128xf32, #tpu.memory_space<vmem>>, vector<1x16xf32>,
        %get3A_433 = arith.index_cast %scan3A_383 : i32 to index
        %get3A_434 = arith.constant 48 : index
        %get3A_435 = tpu.vector_load %arg16[%get3A_433, %get3A_434] {strides = array<i32>} : memref<56x128xf32, #tpu.memory_space<vmem>>, vector<1x16xf32>,
        %get3A_436 = vector.shape_cast %get3A_435 : vector<1x16xf32> to vector<16xf32>
        %get3A_437 = arith.index_cast %scan3A_383 : i32 to index
        %get3A_438 = arith.constant 48 : index
        %get3A_439 = tpu.vector_load %arg19[%get3A_437, %get3A_438] {strides = array<i32>} : memref<56x128xf32, #tpu.memory_space<vmem>>, vector<1x16xf32>,
        %get3A_440 = vector.shape_cast %get3A_439 : vector<1x16xf32> to vector<16xf32>
        %add3A_441 = arith.addf %get3A_436, %get3A_440 : vector<16xf32>
        %max3A_442 = arith.constant 0.000000e+00 : f32
        %max3A_443 = vector.broadcast %max3A_442 : f32 to vector<16xf32>
        %max3A_444 = arith.maximumf %add3A_441, %max3A_443 : vector<16xf32>
        %swap3A_445 = arith.index_cast %scan3A_383 : i32 to index
        %swap3A_446 = arith.constant 48 : index
        %swap3A_447 = tpu.vector_load %arg19[%swap3A_445, %swap3A_446] {strides = array<i32>} : memref<56x128xf32, #tpu.memory_space<vmem>>, vector<1x16xf32>,
        %swap3A_448 = vector.shape_cast %swap3A_447 : vector<1x16xf32> to vector<16xf32>
        %swap3A_449 = vector.shape_cast %max3A_444 : vector<16xf32> to vector<1x16xf32>
        tpu.vector_store %arg19[%swap3A_445, %swap3A_446], %swap3A_449 {strides = array<i32>} : memref<56x128xf32, #tpu.memory_space<vmem>>, vector<1x16xf32>,
        %get3A_450 = arith.index_cast %scan3A_383 : i32 to index
        %get3A_451 = arith.constant 64 : index
        %get3A_452 = tpu.vector_load %arg16[%get3A_450, %get3A_451] {strides = array<i32>} : memref<56x128xf32, #tpu.memory_space<vmem>>, vector<1x16xf32>,
        %get3A_453 = vector.shape_cast %get3A_452 : vector<1x16xf32> to vector<16xf32>
        %get3A_454 = arith.index_cast %scan3A_383 : i32 to index
        %get3A_455 = arith.constant 64 : index
        %get3A_456 = tpu.vector_load %arg19[%get3A_454, %get3A_455] {strides = array<i32>} : memref<56x128xf32, #tpu.memory_space<vmem>>, vector<1x16xf32>,
        %get3A_457 = vector.shape_cast %get3A_456 : vector<1x16xf32> to vector<16xf32>
        %add3A_458 = arith.addf %get3A_453, %get3A_457 : vector<16xf32>
        %max3A_459 = arith.constant 0.000000e+00 : f32
        %max3A_460 = vector.broadcast %max3A_459 : f32 to vector<16xf32>
        %max3A_461 = arith.maximumf %add3A_458, %max3A_460 : vector<16xf32>
        %swap3A_462 = arith.index_cast %scan3A_383 : i32 to index
        %swap3A_463 = arith.constant 64 : index
        %swap3A_464 = tpu.vector_load %arg19[%swap3A_462, %swap3A_463] {strides = array<i32>} : memref<56x128xf32, #tpu.memory_space<vmem>>, vector<1x16xf32>,
        %swap3A_465 = vector.shape_cast %swap3A_464 : vector<1x16xf32> to vector<16xf32>
        %swap3A_466 = vector.shape_cast %max3A_461 : vector<16xf32> to vector<1x16xf32>
        tpu.vector_store %arg19[%swap3A_462, %swap3A_463], %swap3A_466 {strides = array<i32>} : memref<56x128xf32, #tpu.memory_space<vmem>>, vector<1x16xf32>,
        %get3A_467 = arith.index_cast %scan3A_383 : i32 to index
        %get3A_468 = arith.constant 80 : index
        %get3A_469 = tpu.vector_load %arg16[%get3A_467, %get3A_468] {strides = array<i32>} : memref<56x128xf32, #tpu.memory_space<vmem>>, vector<1x16xf32>,
        %get3A_470 = vector.shape_cast %get3A_469 : vector<1x16xf32> to vector<16xf32>
        %get3A_471 = arith.index_cast %scan3A_383 : i32 to index
        %get3A_472 = arith.constant 80 : index
        %get3A_473 = tpu.vector_load %arg19[%get3A_471, %get3A_472] {strides = array<i32>} : memref<56x128xf32, #tpu.memory_space<vmem>>, vector<1x16xf32>,
        %get3A_474 = vector.shape_cast %get3A_473 : vector<1x16xf32> to vector<16xf32>
        %add3A_475 = arith.addf %get3A_470, %get3A_474 : vector<16xf32>
        %max3A_476 = arith.constant 0.000000e+00 : f32
        %max3A_477 = vector.broadcast %max3A_476 : f32 to vector<16xf32>
        %max3A_478 = arith.maximumf %add3A_475, %max3A_477 : vector<16xf32>
        %swap3A_479 = arith.index_cast %scan3A_383 : i32 to index
        %swap3A_480 = arith.constant 80 : index
        %swap3A_481 = tpu.vector_load %arg19[%swap3A_479, %swap3A_480] {strides = array<i32>} : memref<56x128xf32, #tpu.memory_space<vmem>>, vector<1x16xf32>,
        %swap3A_482 = vector.shape_cast %swap3A_481 : vector<1x16xf32> to vector<16xf32>
        %swap3A_483 = vector.shape_cast %max3A_478 : vector<16xf32> to vector<1x16xf32>
        tpu.vector_store %arg19[%swap3A_479, %swap3A_480], %swap3A_483 {strides = array<i32>} : memref<56x128xf32, #tpu.memory_space<vmem>>, vector<1x16xf32>,
        %get3A_484 = arith.index_cast %scan3A_383 : i32 to index
        %get3A_485 = arith.constant 96 : index
        %get3A_486 = tpu.vector_load %arg16[%get3A_484, %get3A_485] {strides = array<i32>} : memref<56x128xf32, #tpu.memory_space<vmem>>, vector<1x16xf32>,
        %get3A_487 = vector.shape_cast %get3A_486 : vector<1x16xf32> to vector<16xf32>
        %get3A_488 = arith.index_cast %scan3A_383 : i32 to index
        %get3A_489 = arith.constant 96 : index
        %get3A_490 = tpu.vector_load %arg19[%get3A_488, %get3A_489] {strides = array<i32>} : memref<56x128xf32, #tpu.memory_space<vmem>>, vector<1x16xf32>,
        %get3A_491 = vector.shape_cast %get3A_490 : vector<1x16xf32> to vector<16xf32>
        %add3A_492 = arith.addf %get3A_487, %get3A_491 : vector<16xf32>
        %max3A_493 = arith.constant 0.000000e+00 : f32
        %max3A_494 = vector.broadcast %max3A_493 : f32 to vector<16xf32>
        %max3A_495 = arith.maximumf %add3A_492, %max3A_494 : vector<16xf32>
        %swap3A_496 = arith.index_cast %scan3A_383 : i32 to index
        %swap3A_497 = arith.constant 96 : index
        %swap3A_498 = tpu.vector_load %arg19[%swap3A_496, %swap3A_497] {strides = array<i32>} : memref<56x128xf32, #tpu.memory_space<vmem>>, vector<1x16xf32>,
        %swap3A_499 = vector.shape_cast %swap3A_498 : vector<1x16xf32> to vector<16xf32>
        %swap3A_500 = vector.shape_cast %max3A_495 : vector<16xf32> to vector<1x16xf32>
        tpu.vector_store %arg19[%swap3A_496, %swap3A_497], %swap3A_500 {strides = array<i32>} : memref<56x128xf32, #tpu.memory_space<vmem>>, vector<1x16xf32>,
        %get3A_501 = arith.index_cast %scan3A_383 : i32 to index
        %get3A_502 = arith.constant 112 : index
        %get3A_503 = tpu.vector_load %arg16[%get3A_501, %get3A_502] {strides = array<i32>} : memref<56x128xf32, #tpu.memory_space<vmem>>, vector<1x16xf32>,
        %get3A_504 = vector.shape_cast %get3A_503 : vector<1x16xf32> to vector<16xf32>
        %get3A_505 = arith.index_cast %scan3A_383 : i32 to index
        %get3A_506 = arith.constant 112 : index
        %get3A_507 = tpu.vector_load %arg19[%get3A_505, %get3A_506] {strides = array<i32>} : memref<56x128xf32, #tpu.memory_space<vmem>>, vector<1x16xf32>,
        %get3A_508 = vector.shape_cast %get3A_507 : vector<1x16xf32> to vector<16xf32>
        %add3A_509 = arith.addf %get3A_504, %get3A_508 : vector<16xf32>
        %max3A_510 = arith.constant 0.000000e+00 : f32
        %max3A_511 = vector.broadcast %max3A_510 : f32 to vector<16xf32>
        %max3A_512 = arith.maximumf %add3A_509, %max3A_511 : vector<16xf32>
        %swap3A_513 = arith.index_cast %scan3A_383 : i32 to index
        %swap3A_514 = arith.constant 112 : index
        %swap3A_515 = tpu.vector_load %arg19[%swap3A_513, %swap3A_514] {strides = array<i32>} : memref<56x128xf32, #tpu.memory_space<vmem>>, vector<1x16xf32>,
        %swap3A_516 = vector.shape_cast %swap3A_515 : vector<1x16xf32> to vector<16xf32>
        %swap3A_517 = vector.shape_cast %max3A_512 : vector<16xf32> to vector<1x16xf32>
        tpu.vector_store %arg19[%swap3A_513, %swap3A_514], %swap3A_517 {strides = array<i32>} : memref<56x128xf32, #tpu.memory_space<vmem>>, vector<1x16xf32>,
        %scan3A_518 = arith.constant 0 : i32
        scf.yield %scan3A_518 : i32
      }
      %scan3A_193 = arith.constant 56 : i32
      %dma_start3A_194 = arith.constant 0 : i32
      %dma_start3A_195 = arith.constant 0 : i32
      %dma_start3A_196 = tpu.memref_slice %arg23[%dma_start3A_194, %dma_start3A_195] : memref<10240x128xf32, #tpu.memory_space<vmem_shared>> -> memref<10240x128xf32, #tpu.memory_space<vmem_shared>>
      tpu.enqueue_indirect_dma source(%arg19 : memref<56x128xf32, #tpu.memory_space<vmem>>) target(%dma_start3A_196 : memref<10240x128xf32, #tpu.memory_space<vmem_shared>>) offsets(%arg13 : memref<56xi32, #tpu.memory_space<vmem>>) semaphore(%arg30 : memref<!tpu.dma_semaphore, #tpu.memory_space<semaphore_mem>>) {add = true}
      %mul3A_197 = arith.constant 322560 : i32
      %mul3A_198 = arith.muli %arg0, %mul3A_197 : i32
      %add3A_199 = arith.addi %mul3A_198, %mul3A_13 : i32
      %mul3A_200 = arith.constant 56 : i32
      %mul3A_201 = arith.muli %add3A_169, %mul3A_200 : i32
      %add3A_202 = arith.addi %add3A_199, %mul3A_201 : i32
      %mul3A_203 = arith.constant 322560 : i32
      %mul3A_204 = arith.muli %arg0, %mul3A_203 : i32
      %add3A_205 = arith.addi %mul3A_204, %mul3A_13 : i32
      %mul3A_206 = arith.constant 56 : i32
      %mul3A_207 = arith.muli %add3A_169, %mul3A_206 : i32
      %add3A_208 = arith.addi %add3A_205, %mul3A_207 : i32
      %mul3A_209 = arith.constant 56 : i32
      %mul3A_210 = arith.muli %add3A_169, %mul3A_209 : i32
      %add3A_211 = arith.addi %mul3A_13, %mul3A_210 : i32
      %dma_wait3A_212 = tpu.memref_slice %arg3[%add3A_202] : memref<645120xi32, #tpu.memory_space<hbm>> -> memref<56xi32, #tpu.memory_space<hbm>>
      %dma_wait3A_213 = tpu.memref_slice %arg3[%add3A_202] : memref<645120xi32, #tpu.memory_space<hbm>> -> memref<56xi32, #tpu.memory_space<hbm>>
      tpu.wait_dma2 semaphore(%arg26 : memref<!tpu.dma_semaphore, #tpu.memory_space<semaphore_mem>>) src(%dma_wait3A_213 : memref<56xi32, #tpu.memory_space<hbm>>) dst(%arg9 : memref<56xi32, #tpu.memory_space<vmem>>)
      %dma_wait3A_214 = tpu.memref_slice %arg4[%add3A_208] : memref<645120xi32, #tpu.memory_space<hbm>> -> memref<56xi32, #tpu.memory_space<hbm>>
      %dma_wait3A_215 = tpu.memref_slice %arg4[%add3A_208] : memref<645120xi32, #tpu.memory_space<hbm>> -> memref<56xi32, #tpu.memory_space<hbm>>
      tpu.wait_dma2 semaphore(%arg26 : memref<!tpu.dma_semaphore, #tpu.memory_space<semaphore_mem>>) src(%dma_wait3A_215 : memref<56xi32, #tpu.memory_space<hbm>>) dst(%arg12 : memref<56xi32, #tpu.memory_space<vmem>>)
      %dma_wait3A_216 = tpu.memref_slice %arg5[%add3A_211] : memref<322560xi32, #tpu.memory_space<hbm>> -> memref<56xi32, #tpu.memory_space<hbm>>
      %dma_wait3A_217 = tpu.memref_slice %arg5[%add3A_211] : memref<322560xi32, #tpu.memory_space<hbm>> -> memref<56xi32, #tpu.memory_space<hbm>>
      tpu.wait_dma2 semaphore(%arg26 : memref<!tpu.dma_semaphore, #tpu.memory_space<semaphore_mem>>) src(%dma_wait3A_217 : memref<56xi32, #tpu.memory_space<hbm>>) dst(%arg15 : memref<56xi32, #tpu.memory_space<vmem>>)
      %dma_start3A_218 = arith.constant 0 : i32
      %dma_start3A_219 = arith.constant 0 : i32
      %dma_start3A_220 = tpu.memref_slice %arg2[%dma_start3A_218, %dma_start3A_219] : memref<40960x128xf32, #tpu.memory_space<hbm>> -> memref<40960x128xf32, #tpu.memory_space<hbm>>
      tpu.enqueue_indirect_dma source(%dma_start3A_220 : memref<40960x128xf32, #tpu.memory_space<hbm>>) target(%arg18 : memref<56x128xf32, #tpu.memory_space<vmem>>) offsets(%arg9 : memref<56xi32, #tpu.memory_space<vmem>>) semaphore(%arg29 : memref<!tpu.dma_semaphore, #tpu.memory_space<semaphore_mem>>)
      %dma_start3A_221 = arith.constant 0 : i32
      %dma_start3A_222 = arith.constant 0 : i32
      %dma_start3A_223 = tpu.memref_slice %arg2[%dma_start3A_221, %dma_start3A_222] : memref<40960x128xf32, #tpu.memory_space<hbm>> -> memref<40960x128xf32, #tpu.memory_space<hbm>>
      tpu.enqueue_indirect_dma source(%dma_start3A_223 : memref<40960x128xf32, #tpu.memory_space<hbm>>) target(%arg21 : memref<56x128xf32, #tpu.memory_space<vmem>>) offsets(%arg12 : memref<56xi32, #tpu.memory_space<vmem>>) semaphore(%arg29 : memref<!tpu.dma_semaphore, #tpu.memory_space<semaphore_mem>>)
      %dma_wait3A_224 = arith.constant 0 : i32
      %dma_wait3A_225 = arith.constant 0 : i32
      %dma_wait3A_226 = tpu.memref_slice %arg2[%dma_wait3A_224, %dma_wait3A_225] : memref<40960x128xf32, #tpu.memory_space<hbm>> -> memref<40960x128xf32, #tpu.memory_space<hbm>>
      tpu.wait_indirect_dma semaphore(%arg28 : memref<!tpu.dma_semaphore, #tpu.memory_space<semaphore_mem>>) src(%dma_wait3A_226 : memref<40960x128xf32, #tpu.memory_space<hbm>>) dst(%arg17 : memref<56x128xf32, #tpu.memory_space<vmem>>)
      %dma_wait3A_227 = arith.constant 0 : i32
      %dma_wait3A_228 = arith.constant 0 : i32
      %dma_wait3A_229 = tpu.memref_slice %arg2[%dma_wait3A_227, %dma_wait3A_228] : memref<40960x128xf32, #tpu.memory_space<hbm>> -> memref<40960x128xf32, #tpu.memory_space<hbm>>
      tpu.wait_indirect_dma semaphore(%arg28 : memref<!tpu.dma_semaphore, #tpu.memory_space<semaphore_mem>>) src(%dma_wait3A_229 : memref<40960x128xf32, #tpu.memory_space<hbm>>) dst(%arg20 : memref<56x128xf32, #tpu.memory_space<vmem>>)
      %scan3A_230 = arith.constant 0 : i32
      %scan3A_231 = arith.constant 0 : i32
      %scan3A_232 = arith.constant 56 : i32
      %scan3A_233 = arith.addi %scan3A_231, %scan3A_232 : i32
      %scan3A_234 = arith.constant 1 : i32
      %scan3A_235 = scf.for %scan3A_383 = %scan3A_231 to %scan3A_233 step %scan3A_234 iter_args(%scan3A_384 = %scan3A_230) -> (i32)  : i32 {
        %get3A = arith.index_cast %scan3A_383 : i32 to index
        %get3A_385 = arith.constant 0 : index
        %get3A_386 = tpu.vector_load %arg17[%get3A, %get3A_385] {strides = array<i32>} : memref<56x128xf32, #tpu.memory_space<vmem>>, vector<1x16xf32>,
        %get3A_387 = vector.shape_cast %get3A_386 : vector<1x16xf32> to vector<16xf32>
        %get3A_388 = arith.index_cast %scan3A_383 : i32 to index
        %get3A_389 = arith.constant 0 : index
        %get3A_390 = tpu.vector_load %arg20[%get3A_388, %get3A_389] {strides = array<i32>} : memref<56x128xf32, #tpu.memory_space<vmem>>, vector<1x16xf32>,
        %get3A_391 = vector.shape_cast %get3A_390 : vector<1x16xf32> to vector<16xf32>
        %add3A_392 = arith.addf %get3A_387, %get3A_391 : vector<16xf32>
        %max3A = arith.constant 0.000000e+00 : f32
        %max3A_393 = vector.broadcast %max3A : f32 to vector<16xf32>
        %max3A_394 = arith.maximumf %add3A_392, %max3A_393 : vector<16xf32>
        %swap3A = arith.index_cast %scan3A_383 : i32 to index
        %swap3A_395 = arith.constant 0 : index
        %swap3A_396 = tpu.vector_load %arg20[%swap3A, %swap3A_395] {strides = array<i32>} : memref<56x128xf32, #tpu.memory_space<vmem>>, vector<1x16xf32>,
        %swap3A_397 = vector.shape_cast %swap3A_396 : vector<1x16xf32> to vector<16xf32>
        %swap3A_398 = vector.shape_cast %max3A_394 : vector<16xf32> to vector<1x16xf32>
        tpu.vector_store %arg20[%swap3A, %swap3A_395], %swap3A_398 {strides = array<i32>} : memref<56x128xf32, #tpu.memory_space<vmem>>, vector<1x16xf32>,
        %get3A_399 = arith.index_cast %scan3A_383 : i32 to index
        %get3A_400 = arith.constant 16 : index
        %get3A_401 = tpu.vector_load %arg17[%get3A_399, %get3A_400] {strides = array<i32>} : memref<56x128xf32, #tpu.memory_space<vmem>>, vector<1x16xf32>,
        %get3A_402 = vector.shape_cast %get3A_401 : vector<1x16xf32> to vector<16xf32>
        %get3A_403 = arith.index_cast %scan3A_383 : i32 to index
        %get3A_404 = arith.constant 16 : index
        %get3A_405 = tpu.vector_load %arg20[%get3A_403, %get3A_404] {strides = array<i32>} : memref<56x128xf32, #tpu.memory_space<vmem>>, vector<1x16xf32>,
        %get3A_406 = vector.shape_cast %get3A_405 : vector<1x16xf32> to vector<16xf32>
        %add3A_407 = arith.addf %get3A_402, %get3A_406 : vector<16xf32>
        %max3A_408 = arith.constant 0.000000e+00 : f32
        %max3A_409 = vector.broadcast %max3A_408 : f32 to vector<16xf32>
        %max3A_410 = arith.maximumf %add3A_407, %max3A_409 : vector<16xf32>
        %swap3A_411 = arith.index_cast %scan3A_383 : i32 to index
        %swap3A_412 = arith.constant 16 : index
        %swap3A_413 = tpu.vector_load %arg20[%swap3A_411, %swap3A_412] {strides = array<i32>} : memref<56x128xf32, #tpu.memory_space<vmem>>, vector<1x16xf32>,
        %swap3A_414 = vector.shape_cast %swap3A_413 : vector<1x16xf32> to vector<16xf32>
        %swap3A_415 = vector.shape_cast %max3A_410 : vector<16xf32> to vector<1x16xf32>
        tpu.vector_store %arg20[%swap3A_411, %swap3A_412], %swap3A_415 {strides = array<i32>} : memref<56x128xf32, #tpu.memory_space<vmem>>, vector<1x16xf32>,
        %get3A_416 = arith.index_cast %scan3A_383 : i32 to index
        %get3A_417 = arith.constant 32 : index
        %get3A_418 = tpu.vector_load %arg17[%get3A_416, %get3A_417] {strides = array<i32>} : memref<56x128xf32, #tpu.memory_space<vmem>>, vector<1x16xf32>,
        %get3A_419 = vector.shape_cast %get3A_418 : vector<1x16xf32> to vector<16xf32>
        %get3A_420 = arith.index_cast %scan3A_383 : i32 to index
        %get3A_421 = arith.constant 32 : index
        %get3A_422 = tpu.vector_load %arg20[%get3A_420, %get3A_421] {strides = array<i32>} : memref<56x128xf32, #tpu.memory_space<vmem>>, vector<1x16xf32>,
        %get3A_423 = vector.shape_cast %get3A_422 : vector<1x16xf32> to vector<16xf32>
        %add3A_424 = arith.addf %get3A_419, %get3A_423 : vector<16xf32>
        %max3A_425 = arith.constant 0.000000e+00 : f32
        %max3A_426 = vector.broadcast %max3A_425 : f32 to vector<16xf32>
        %max3A_427 = arith.maximumf %add3A_424, %max3A_426 : vector<16xf32>
        %swap3A_428 = arith.index_cast %scan3A_383 : i32 to index
        %swap3A_429 = arith.constant 32 : index
        %swap3A_430 = tpu.vector_load %arg20[%swap3A_428, %swap3A_429] {strides = array<i32>} : memref<56x128xf32, #tpu.memory_space<vmem>>, vector<1x16xf32>,
        %swap3A_431 = vector.shape_cast %swap3A_430 : vector<1x16xf32> to vector<16xf32>
        %swap3A_432 = vector.shape_cast %max3A_427 : vector<16xf32> to vector<1x16xf32>
        tpu.vector_store %arg20[%swap3A_428, %swap3A_429], %swap3A_432 {strides = array<i32>} : memref<56x128xf32, #tpu.memory_space<vmem>>, vector<1x16xf32>,
        %get3A_433 = arith.index_cast %scan3A_383 : i32 to index
        %get3A_434 = arith.constant 48 : index
        %get3A_435 = tpu.vector_load %arg17[%get3A_433, %get3A_434] {strides = array<i32>} : memref<56x128xf32, #tpu.memory_space<vmem>>, vector<1x16xf32>,
        %get3A_436 = vector.shape_cast %get3A_435 : vector<1x16xf32> to vector<16xf32>
        %get3A_437 = arith.index_cast %scan3A_383 : i32 to index
        %get3A_438 = arith.constant 48 : index
        %get3A_439 = tpu.vector_load %arg20[%get3A_437, %get3A_438] {strides = array<i32>} : memref<56x128xf32, #tpu.memory_space<vmem>>, vector<1x16xf32>,
        %get3A_440 = vector.shape_cast %get3A_439 : vector<1x16xf32> to vector<16xf32>
        %add3A_441 = arith.addf %get3A_436, %get3A_440 : vector<16xf32>
        %max3A_442 = arith.constant 0.000000e+00 : f32
        %max3A_443 = vector.broadcast %max3A_442 : f32 to vector<16xf32>
        %max3A_444 = arith.maximumf %add3A_441, %max3A_443 : vector<16xf32>
        %swap3A_445 = arith.index_cast %scan3A_383 : i32 to index
        %swap3A_446 = arith.constant 48 : index
        %swap3A_447 = tpu.vector_load %arg20[%swap3A_445, %swap3A_446] {strides = array<i32>} : memref<56x128xf32, #tpu.memory_space<vmem>>, vector<1x16xf32>,
        %swap3A_448 = vector.shape_cast %swap3A_447 : vector<1x16xf32> to vector<16xf32>
        %swap3A_449 = vector.shape_cast %max3A_444 : vector<16xf32> to vector<1x16xf32>
        tpu.vector_store %arg20[%swap3A_445, %swap3A_446], %swap3A_449 {strides = array<i32>} : memref<56x128xf32, #tpu.memory_space<vmem>>, vector<1x16xf32>,
        %get3A_450 = arith.index_cast %scan3A_383 : i32 to index
        %get3A_451 = arith.constant 64 : index
        %get3A_452 = tpu.vector_load %arg17[%get3A_450, %get3A_451] {strides = array<i32>} : memref<56x128xf32, #tpu.memory_space<vmem>>, vector<1x16xf32>,
        %get3A_453 = vector.shape_cast %get3A_452 : vector<1x16xf32> to vector<16xf32>
        %get3A_454 = arith.index_cast %scan3A_383 : i32 to index
        %get3A_455 = arith.constant 64 : index
        %get3A_456 = tpu.vector_load %arg20[%get3A_454, %get3A_455] {strides = array<i32>} : memref<56x128xf32, #tpu.memory_space<vmem>>, vector<1x16xf32>,
        %get3A_457 = vector.shape_cast %get3A_456 : vector<1x16xf32> to vector<16xf32>
        %add3A_458 = arith.addf %get3A_453, %get3A_457 : vector<16xf32>
        %max3A_459 = arith.constant 0.000000e+00 : f32
        %max3A_460 = vector.broadcast %max3A_459 : f32 to vector<16xf32>
        %max3A_461 = arith.maximumf %add3A_458, %max3A_460 : vector<16xf32>
        %swap3A_462 = arith.index_cast %scan3A_383 : i32 to index
        %swap3A_463 = arith.constant 64 : index
        %swap3A_464 = tpu.vector_load %arg20[%swap3A_462, %swap3A_463] {strides = array<i32>} : memref<56x128xf32, #tpu.memory_space<vmem>>, vector<1x16xf32>,
        %swap3A_465 = vector.shape_cast %swap3A_464 : vector<1x16xf32> to vector<16xf32>
        %swap3A_466 = vector.shape_cast %max3A_461 : vector<16xf32> to vector<1x16xf32>
        tpu.vector_store %arg20[%swap3A_462, %swap3A_463], %swap3A_466 {strides = array<i32>} : memref<56x128xf32, #tpu.memory_space<vmem>>, vector<1x16xf32>,
        %get3A_467 = arith.index_cast %scan3A_383 : i32 to index
        %get3A_468 = arith.constant 80 : index
        %get3A_469 = tpu.vector_load %arg17[%get3A_467, %get3A_468] {strides = array<i32>} : memref<56x128xf32, #tpu.memory_space<vmem>>, vector<1x16xf32>,
        %get3A_470 = vector.shape_cast %get3A_469 : vector<1x16xf32> to vector<16xf32>
        %get3A_471 = arith.index_cast %scan3A_383 : i32 to index
        %get3A_472 = arith.constant 80 : index
        %get3A_473 = tpu.vector_load %arg20[%get3A_471, %get3A_472] {strides = array<i32>} : memref<56x128xf32, #tpu.memory_space<vmem>>, vector<1x16xf32>,
        %get3A_474 = vector.shape_cast %get3A_473 : vector<1x16xf32> to vector<16xf32>
        %add3A_475 = arith.addf %get3A_470, %get3A_474 : vector<16xf32>
        %max3A_476 = arith.constant 0.000000e+00 : f32
        %max3A_477 = vector.broadcast %max3A_476 : f32 to vector<16xf32>
        %max3A_478 = arith.maximumf %add3A_475, %max3A_477 : vector<16xf32>
        %swap3A_479 = arith.index_cast %scan3A_383 : i32 to index
        %swap3A_480 = arith.constant 80 : index
        %swap3A_481 = tpu.vector_load %arg20[%swap3A_479, %swap3A_480] {strides = array<i32>} : memref<56x128xf32, #tpu.memory_space<vmem>>, vector<1x16xf32>,
        %swap3A_482 = vector.shape_cast %swap3A_481 : vector<1x16xf32> to vector<16xf32>
        %swap3A_483 = vector.shape_cast %max3A_478 : vector<16xf32> to vector<1x16xf32>
        tpu.vector_store %arg20[%swap3A_479, %swap3A_480], %swap3A_483 {strides = array<i32>} : memref<56x128xf32, #tpu.memory_space<vmem>>, vector<1x16xf32>,
        %get3A_484 = arith.index_cast %scan3A_383 : i32 to index
        %get3A_485 = arith.constant 96 : index
        %get3A_486 = tpu.vector_load %arg17[%get3A_484, %get3A_485] {strides = array<i32>} : memref<56x128xf32, #tpu.memory_space<vmem>>, vector<1x16xf32>,
        %get3A_487 = vector.shape_cast %get3A_486 : vector<1x16xf32> to vector<16xf32>
        %get3A_488 = arith.index_cast %scan3A_383 : i32 to index
        %get3A_489 = arith.constant 96 : index
        %get3A_490 = tpu.vector_load %arg20[%get3A_488, %get3A_489] {strides = array<i32>} : memref<56x128xf32, #tpu.memory_space<vmem>>, vector<1x16xf32>,
        %get3A_491 = vector.shape_cast %get3A_490 : vector<1x16xf32> to vector<16xf32>
        %add3A_492 = arith.addf %get3A_487, %get3A_491 : vector<16xf32>
        %max3A_493 = arith.constant 0.000000e+00 : f32
        %max3A_494 = vector.broadcast %max3A_493 : f32 to vector<16xf32>
        %max3A_495 = arith.maximumf %add3A_492, %max3A_494 : vector<16xf32>
        %swap3A_496 = arith.index_cast %scan3A_383 : i32 to index
        %swap3A_497 = arith.constant 96 : index
        %swap3A_498 = tpu.vector_load %arg20[%swap3A_496, %swap3A_497] {strides = array<i32>} : memref<56x128xf32, #tpu.memory_space<vmem>>, vector<1x16xf32>,
        %swap3A_499 = vector.shape_cast %swap3A_498 : vector<1x16xf32> to vector<16xf32>
        %swap3A_500 = vector.shape_cast %max3A_495 : vector<16xf32> to vector<1x16xf32>
        tpu.vector_store %arg20[%swap3A_496, %swap3A_497], %swap3A_500 {strides = array<i32>} : memref<56x128xf32, #tpu.memory_space<vmem>>, vector<1x16xf32>,
        %get3A_501 = arith.index_cast %scan3A_383 : i32 to index
        %get3A_502 = arith.constant 112 : index
        %get3A_503 = tpu.vector_load %arg17[%get3A_501, %get3A_502] {strides = array<i32>} : memref<56x128xf32, #tpu.memory_space<vmem>>, vector<1x16xf32>,
        %get3A_504 = vector.shape_cast %get3A_503 : vector<1x16xf32> to vector<16xf32>
        %get3A_505 = arith.index_cast %scan3A_383 : i32 to index
        %get3A_506 = arith.constant 112 : index
        %get3A_507 = tpu.vector_load %arg20[%get3A_505, %get3A_506] {strides = array<i32>} : memref<56x128xf32, #tpu.memory_space<vmem>>, vector<1x16xf32>,
        %get3A_508 = vector.shape_cast %get3A_507 : vector<1x16xf32> to vector<16xf32>
        %add3A_509 = arith.addf %get3A_504, %get3A_508 : vector<16xf32>
        %max3A_510 = arith.constant 0.000000e+00 : f32
        %max3A_511 = vector.broadcast %max3A_510 : f32 to vector<16xf32>
        %max3A_512 = arith.maximumf %add3A_509, %max3A_511 : vector<16xf32>
        %swap3A_513 = arith.index_cast %scan3A_383 : i32 to index
        %swap3A_514 = arith.constant 112 : index
        %swap3A_515 = tpu.vector_load %arg20[%swap3A_513, %swap3A_514] {strides = array<i32>} : memref<56x128xf32, #tpu.memory_space<vmem>>, vector<1x16xf32>,
        %swap3A_516 = vector.shape_cast %swap3A_515 : vector<1x16xf32> to vector<16xf32>
        %swap3A_517 = vector.shape_cast %max3A_512 : vector<16xf32> to vector<1x16xf32>
        tpu.vector_store %arg20[%swap3A_513, %swap3A_514], %swap3A_517 {strides = array<i32>} : memref<56x128xf32, #tpu.memory_space<vmem>>, vector<1x16xf32>,
        %scan3A_518 = arith.constant 0 : i32
        scf.yield %scan3A_518 : i32
      }
      %scan3A_236 = arith.constant 56 : i32
      %dma_start3A_237 = arith.constant 0 : i32
      %dma_start3A_238 = arith.constant 0 : i32
      %dma_start3A_239 = tpu.memref_slice %arg23[%dma_start3A_237, %dma_start3A_238] : memref<10240x128xf32, #tpu.memory_space<vmem_shared>> -> memref<10240x128xf32, #tpu.memory_space<vmem_shared>>
      tpu.enqueue_indirect_dma source(%arg20 : memref<56x128xf32, #tpu.memory_space<vmem>>) target(%dma_start3A_239 : memref<10240x128xf32, #tpu.memory_space<vmem_shared>>) offsets(%arg14 : memref<56xi32, #tpu.memory_space<vmem>>) semaphore(%arg31 : memref<!tpu.dma_semaphore, #tpu.memory_space<semaphore_mem>>) {add = true}
      %dma_wait3A_240 = arith.constant 0 : i32
      %dma_wait3A_241 = arith.constant 0 : i32
      %dma_wait3A_242 = tpu.memref_slice %arg23[%dma_wait3A_240, %dma_wait3A_241] : memref<10240x128xf32, #tpu.memory_space<vmem_shared>> -> memref<10240x128xf32, #tpu.memory_space<vmem_shared>>
      tpu.wait_indirect_dma semaphore(%arg30 : memref<!tpu.dma_semaphore, #tpu.memory_space<semaphore_mem>>) src(%arg19 : memref<56x128xf32, #tpu.memory_space<vmem>>) dst(%dma_wait3A_242 : memref<10240x128xf32, #tpu.memory_space<vmem_shared>>)
      %mul3A_243 = arith.constant 322560 : i32
      %mul3A_244 = arith.muli %arg0, %mul3A_243 : i32
      %add3A_245 = arith.addi %mul3A_244, %mul3A_13 : i32
      %mul3A_246 = arith.constant 56 : i32
      %mul3A_247 = arith.muli %min3A_172, %mul3A_246 : i32
      %add3A_248 = arith.addi %add3A_245, %mul3A_247 : i32
      %mul3A_249 = arith.constant 322560 : i32
      %mul3A_250 = arith.muli %arg0, %mul3A_249 : i32
      %add3A_251 = arith.addi %mul3A_250, %mul3A_13 : i32
      %mul3A_252 = arith.constant 56 : i32
      %mul3A_253 = arith.muli %min3A_172, %mul3A_252 : i32
      %add3A_254 = arith.addi %add3A_251, %mul3A_253 : i32
      %mul3A_255 = arith.constant 56 : i32
      %mul3A_256 = arith.muli %min3A_172, %mul3A_255 : i32
      %add3A_257 = arith.addi %mul3A_13, %mul3A_256 : i32
      %dma_start3A_258 = tpu.memref_slice %arg3[%add3A_248] : memref<645120xi32, #tpu.memory_space<hbm>> -> memref<56xi32, #tpu.memory_space<hbm>>
      %dma_start3A_259 = tpu.memref_slice %arg3[%add3A_248] : memref<645120xi32, #tpu.memory_space<hbm>> -> memref<56xi32, #tpu.memory_space<hbm>>
      tpu.enqueue_dma source(%dma_start3A_259 : memref<56xi32, #tpu.memory_space<hbm>>) target(%arg7 : memref<56xi32, #tpu.memory_space<vmem>>) target_semaphore(%arg24 : memref<!tpu.dma_semaphore, #tpu.memory_space<semaphore_mem>>)
      %dma_start3A_260 = tpu.memref_slice %arg4[%add3A_254] : memref<645120xi32, #tpu.memory_space<hbm>> -> memref<56xi32, #tpu.memory_space<hbm>>
      %dma_start3A_261 = tpu.memref_slice %arg4[%add3A_254] : memref<645120xi32, #tpu.memory_space<hbm>> -> memref<56xi32, #tpu.memory_space<hbm>>
      tpu.enqueue_dma source(%dma_start3A_261 : memref<56xi32, #tpu.memory_space<hbm>>) target(%arg10 : memref<56xi32, #tpu.memory_space<vmem>>) target_semaphore(%arg24 : memref<!tpu.dma_semaphore, #tpu.memory_space<semaphore_mem>>)
      %dma_start3A_262 = tpu.memref_slice %arg5[%add3A_257] : memref<322560xi32, #tpu.memory_space<hbm>> -> memref<56xi32, #tpu.memory_space<hbm>>
      %dma_start3A_263 = tpu.memref_slice %arg5[%add3A_257] : memref<322560xi32, #tpu.memory_space<hbm>> -> memref<56xi32, #tpu.memory_space<hbm>>
      tpu.enqueue_dma source(%dma_start3A_263 : memref<56xi32, #tpu.memory_space<hbm>>) target(%arg13 : memref<56xi32, #tpu.memory_space<vmem>>) target_semaphore(%arg24 : memref<!tpu.dma_semaphore, #tpu.memory_space<semaphore_mem>>)
      %mul3A_264 = arith.constant 322560 : i32
      %mul3A_265 = arith.muli %arg0, %mul3A_264 : i32
      %add3A_266 = arith.addi %mul3A_265, %mul3A_13 : i32
      %mul3A_267 = arith.constant 56 : i32
      %mul3A_268 = arith.muli %min3A_172, %mul3A_267 : i32
      %add3A_269 = arith.addi %add3A_266, %mul3A_268 : i32
      %mul3A_270 = arith.constant 322560 : i32
      %mul3A_271 = arith.muli %arg0, %mul3A_270 : i32
      %add3A_272 = arith.addi %mul3A_271, %mul3A_13 : i32
      %mul3A_273 = arith.constant 56 : i32
      %mul3A_274 = arith.muli %min3A_172, %mul3A_273 : i32
      %add3A_275 = arith.addi %add3A_272, %mul3A_274 : i32
      %mul3A_276 = arith.constant 56 : i32
      %mul3A_277 = arith.muli %min3A_172, %mul3A_276 : i32
      %add3A_278 = arith.addi %mul3A_13, %mul3A_277 : i32
      %dma_wait3A_279 = tpu.memref_slice %arg3[%add3A_269] : memref<645120xi32, #tpu.memory_space<hbm>> -> memref<56xi32, #tpu.memory_space<hbm>>
      %dma_wait3A_280 = tpu.memref_slice %arg3[%add3A_269] : memref<645120xi32, #tpu.memory_space<hbm>> -> memref<56xi32, #tpu.memory_space<hbm>>
      tpu.wait_dma2 semaphore(%arg24 : memref<!tpu.dma_semaphore, #tpu.memory_space<semaphore_mem>>) src(%dma_wait3A_280 : memref<56xi32, #tpu.memory_space<hbm>>) dst(%arg7 : memref<56xi32, #tpu.memory_space<vmem>>)
      %dma_wait3A_281 = tpu.memref_slice %arg4[%add3A_275] : memref<645120xi32, #tpu.memory_space<hbm>> -> memref<56xi32, #tpu.memory_space<hbm>>
      %dma_wait3A_282 = tpu.memref_slice %arg4[%add3A_275] : memref<645120xi32, #tpu.memory_space<hbm>> -> memref<56xi32, #tpu.memory_space<hbm>>
      tpu.wait_dma2 semaphore(%arg24 : memref<!tpu.dma_semaphore, #tpu.memory_space<semaphore_mem>>) src(%dma_wait3A_282 : memref<56xi32, #tpu.memory_space<hbm>>) dst(%arg10 : memref<56xi32, #tpu.memory_space<vmem>>)
      %dma_wait3A_283 = tpu.memref_slice %arg5[%add3A_278] : memref<322560xi32, #tpu.memory_space<hbm>> -> memref<56xi32, #tpu.memory_space<hbm>>
      %dma_wait3A_284 = tpu.memref_slice %arg5[%add3A_278] : memref<322560xi32, #tpu.memory_space<hbm>> -> memref<56xi32, #tpu.memory_space<hbm>>
      tpu.wait_dma2 semaphore(%arg24 : memref<!tpu.dma_semaphore, #tpu.memory_space<semaphore_mem>>) src(%dma_wait3A_284 : memref<56xi32, #tpu.memory_space<hbm>>) dst(%arg13 : memref<56xi32, #tpu.memory_space<vmem>>)
      %dma_start3A_285 = arith.constant 0 : i32
      %dma_start3A_286 = arith.constant 0 : i32
      %dma_start3A_287 = tpu.memref_slice %arg2[%dma_start3A_285, %dma_start3A_286] : memref<40960x128xf32, #tpu.memory_space<hbm>> -> memref<40960x128xf32, #tpu.memory_space<hbm>>
      tpu.enqueue_indirect_dma source(%dma_start3A_287 : memref<40960x128xf32, #tpu.memory_space<hbm>>) target(%arg16 : memref<56x128xf32, #tpu.memory_space<vmem>>) offsets(%arg7 : memref<56xi32, #tpu.memory_space<vmem>>) semaphore(%arg27 : memref<!tpu.dma_semaphore, #tpu.memory_space<semaphore_mem>>)
      %dma_start3A_288 = arith.constant 0 : i32
      %dma_start3A_289 = arith.constant 0 : i32
      %dma_start3A_290 = tpu.memref_slice %arg2[%dma_start3A_288, %dma_start3A_289] : memref<40960x128xf32, #tpu.memory_space<hbm>> -> memref<40960x128xf32, #tpu.memory_space<hbm>>
      tpu.enqueue_indirect_dma source(%dma_start3A_290 : memref<40960x128xf32, #tpu.memory_space<hbm>>) target(%arg19 : memref<56x128xf32, #tpu.memory_space<vmem>>) offsets(%arg10 : memref<56xi32, #tpu.memory_space<vmem>>) semaphore(%arg27 : memref<!tpu.dma_semaphore, #tpu.memory_space<semaphore_mem>>)
      %dma_wait3A_291 = arith.constant 0 : i32
      %dma_wait3A_292 = arith.constant 0 : i32
      %dma_wait3A_293 = tpu.memref_slice %arg2[%dma_wait3A_291, %dma_wait3A_292] : memref<40960x128xf32, #tpu.memory_space<hbm>> -> memref<40960x128xf32, #tpu.memory_space<hbm>>
      tpu.wait_indirect_dma semaphore(%arg29 : memref<!tpu.dma_semaphore, #tpu.memory_space<semaphore_mem>>) src(%dma_wait3A_293 : memref<40960x128xf32, #tpu.memory_space<hbm>>) dst(%arg18 : memref<56x128xf32, #tpu.memory_space<vmem>>)
      %dma_wait3A_294 = arith.constant 0 : i32
      %dma_wait3A_295 = arith.constant 0 : i32
      %dma_wait3A_296 = tpu.memref_slice %arg2[%dma_wait3A_294, %dma_wait3A_295] : memref<40960x128xf32, #tpu.memory_space<hbm>> -> memref<40960x128xf32, #tpu.memory_space<hbm>>
      tpu.wait_indirect_dma semaphore(%arg29 : memref<!tpu.dma_semaphore, #tpu.memory_space<semaphore_mem>>) src(%dma_wait3A_296 : memref<40960x128xf32, #tpu.memory_space<hbm>>) dst(%arg21 : memref<56x128xf32, #tpu.memory_space<vmem>>)
      %scan3A_297 = arith.constant 0 : i32
      %scan3A_298 = arith.constant 0 : i32
      %scan3A_299 = arith.constant 56 : i32
      %scan3A_300 = arith.addi %scan3A_298, %scan3A_299 : i32
      %scan3A_301 = arith.constant 1 : i32
      %scan3A_302 = scf.for %scan3A_383 = %scan3A_298 to %scan3A_300 step %scan3A_301 iter_args(%scan3A_384 = %scan3A_297) -> (i32)  : i32 {
        %get3A = arith.index_cast %scan3A_383 : i32 to index
        %get3A_385 = arith.constant 0 : index
        %get3A_386 = tpu.vector_load %arg18[%get3A, %get3A_385] {strides = array<i32>} : memref<56x128xf32, #tpu.memory_space<vmem>>, vector<1x16xf32>,
        %get3A_387 = vector.shape_cast %get3A_386 : vector<1x16xf32> to vector<16xf32>
        %get3A_388 = arith.index_cast %scan3A_383 : i32 to index
        %get3A_389 = arith.constant 0 : index
        %get3A_390 = tpu.vector_load %arg21[%get3A_388, %get3A_389] {strides = array<i32>} : memref<56x128xf32, #tpu.memory_space<vmem>>, vector<1x16xf32>,
        %get3A_391 = vector.shape_cast %get3A_390 : vector<1x16xf32> to vector<16xf32>
        %add3A_392 = arith.addf %get3A_387, %get3A_391 : vector<16xf32>
        %max3A = arith.constant 0.000000e+00 : f32
        %max3A_393 = vector.broadcast %max3A : f32 to vector<16xf32>
        %max3A_394 = arith.maximumf %add3A_392, %max3A_393 : vector<16xf32>
        %swap3A = arith.index_cast %scan3A_383 : i32 to index
        %swap3A_395 = arith.constant 0 : index
        %swap3A_396 = tpu.vector_load %arg21[%swap3A, %swap3A_395] {strides = array<i32>} : memref<56x128xf32, #tpu.memory_space<vmem>>, vector<1x16xf32>,
        %swap3A_397 = vector.shape_cast %swap3A_396 : vector<1x16xf32> to vector<16xf32>
        %swap3A_398 = vector.shape_cast %max3A_394 : vector<16xf32> to vector<1x16xf32>
        tpu.vector_store %arg21[%swap3A, %swap3A_395], %swap3A_398 {strides = array<i32>} : memref<56x128xf32, #tpu.memory_space<vmem>>, vector<1x16xf32>,
        %get3A_399 = arith.index_cast %scan3A_383 : i32 to index
        %get3A_400 = arith.constant 16 : index
        %get3A_401 = tpu.vector_load %arg18[%get3A_399, %get3A_400] {strides = array<i32>} : memref<56x128xf32, #tpu.memory_space<vmem>>, vector<1x16xf32>,
        %get3A_402 = vector.shape_cast %get3A_401 : vector<1x16xf32> to vector<16xf32>
        %get3A_403 = arith.index_cast %scan3A_383 : i32 to index
        %get3A_404 = arith.constant 16 : index
        %get3A_405 = tpu.vector_load %arg21[%get3A_403, %get3A_404] {strides = array<i32>} : memref<56x128xf32, #tpu.memory_space<vmem>>, vector<1x16xf32>,
        %get3A_406 = vector.shape_cast %get3A_405 : vector<1x16xf32> to vector<16xf32>
        %add3A_407 = arith.addf %get3A_402, %get3A_406 : vector<16xf32>
        %max3A_408 = arith.constant 0.000000e+00 : f32
        %max3A_409 = vector.broadcast %max3A_408 : f32 to vector<16xf32>
        %max3A_410 = arith.maximumf %add3A_407, %max3A_409 : vector<16xf32>
        %swap3A_411 = arith.index_cast %scan3A_383 : i32 to index
        %swap3A_412 = arith.constant 16 : index
        %swap3A_413 = tpu.vector_load %arg21[%swap3A_411, %swap3A_412] {strides = array<i32>} : memref<56x128xf32, #tpu.memory_space<vmem>>, vector<1x16xf32>,
        %swap3A_414 = vector.shape_cast %swap3A_413 : vector<1x16xf32> to vector<16xf32>
        %swap3A_415 = vector.shape_cast %max3A_410 : vector<16xf32> to vector<1x16xf32>
        tpu.vector_store %arg21[%swap3A_411, %swap3A_412], %swap3A_415 {strides = array<i32>} : memref<56x128xf32, #tpu.memory_space<vmem>>, vector<1x16xf32>,
        %get3A_416 = arith.index_cast %scan3A_383 : i32 to index
        %get3A_417 = arith.constant 32 : index
        %get3A_418 = tpu.vector_load %arg18[%get3A_416, %get3A_417] {strides = array<i32>} : memref<56x128xf32, #tpu.memory_space<vmem>>, vector<1x16xf32>,
        %get3A_419 = vector.shape_cast %get3A_418 : vector<1x16xf32> to vector<16xf32>
        %get3A_420 = arith.index_cast %scan3A_383 : i32 to index
        %get3A_421 = arith.constant 32 : index
        %get3A_422 = tpu.vector_load %arg21[%get3A_420, %get3A_421] {strides = array<i32>} : memref<56x128xf32, #tpu.memory_space<vmem>>, vector<1x16xf32>,
        %get3A_423 = vector.shape_cast %get3A_422 : vector<1x16xf32> to vector<16xf32>
        %add3A_424 = arith.addf %get3A_419, %get3A_423 : vector<16xf32>
        %max3A_425 = arith.constant 0.000000e+00 : f32
        %max3A_426 = vector.broadcast %max3A_425 : f32 to vector<16xf32>
        %max3A_427 = arith.maximumf %add3A_424, %max3A_426 : vector<16xf32>
        %swap3A_428 = arith.index_cast %scan3A_383 : i32 to index
        %swap3A_429 = arith.constant 32 : index
        %swap3A_430 = tpu.vector_load %arg21[%swap3A_428, %swap3A_429] {strides = array<i32>} : memref<56x128xf32, #tpu.memory_space<vmem>>, vector<1x16xf32>,
        %swap3A_431 = vector.shape_cast %swap3A_430 : vector<1x16xf32> to vector<16xf32>
        %swap3A_432 = vector.shape_cast %max3A_427 : vector<16xf32> to vector<1x16xf32>
        tpu.vector_store %arg21[%swap3A_428, %swap3A_429], %swap3A_432 {strides = array<i32>} : memref<56x128xf32, #tpu.memory_space<vmem>>, vector<1x16xf32>,
        %get3A_433 = arith.index_cast %scan3A_383 : i32 to index
        %get3A_434 = arith.constant 48 : index
        %get3A_435 = tpu.vector_load %arg18[%get3A_433, %get3A_434] {strides = array<i32>} : memref<56x128xf32, #tpu.memory_space<vmem>>, vector<1x16xf32>,
        %get3A_436 = vector.shape_cast %get3A_435 : vector<1x16xf32> to vector<16xf32>
        %get3A_437 = arith.index_cast %scan3A_383 : i32 to index
        %get3A_438 = arith.constant 48 : index
        %get3A_439 = tpu.vector_load %arg21[%get3A_437, %get3A_438] {strides = array<i32>} : memref<56x128xf32, #tpu.memory_space<vmem>>, vector<1x16xf32>,
        %get3A_440 = vector.shape_cast %get3A_439 : vector<1x16xf32> to vector<16xf32>
        %add3A_441 = arith.addf %get3A_436, %get3A_440 : vector<16xf32>
        %max3A_442 = arith.constant 0.000000e+00 : f32
        %max3A_443 = vector.broadcast %max3A_442 : f32 to vector<16xf32>
        %max3A_444 = arith.maximumf %add3A_441, %max3A_443 : vector<16xf32>
        %swap3A_445 = arith.index_cast %scan3A_383 : i32 to index
        %swap3A_446 = arith.constant 48 : index
        %swap3A_447 = tpu.vector_load %arg21[%swap3A_445, %swap3A_446] {strides = array<i32>} : memref<56x128xf32, #tpu.memory_space<vmem>>, vector<1x16xf32>,
        %swap3A_448 = vector.shape_cast %swap3A_447 : vector<1x16xf32> to vector<16xf32>
        %swap3A_449 = vector.shape_cast %max3A_444 : vector<16xf32> to vector<1x16xf32>
        tpu.vector_store %arg21[%swap3A_445, %swap3A_446], %swap3A_449 {strides = array<i32>} : memref<56x128xf32, #tpu.memory_space<vmem>>, vector<1x16xf32>,
        %get3A_450 = arith.index_cast %scan3A_383 : i32 to index
        %get3A_451 = arith.constant 64 : index
        %get3A_452 = tpu.vector_load %arg18[%get3A_450, %get3A_451] {strides = array<i32>} : memref<56x128xf32, #tpu.memory_space<vmem>>, vector<1x16xf32>,
        %get3A_453 = vector.shape_cast %get3A_452 : vector<1x16xf32> to vector<16xf32>
        %get3A_454 = arith.index_cast %scan3A_383 : i32 to index
        %get3A_455 = arith.constant 64 : index
        %get3A_456 = tpu.vector_load %arg21[%get3A_454, %get3A_455] {strides = array<i32>} : memref<56x128xf32, #tpu.memory_space<vmem>>, vector<1x16xf32>,
        %get3A_457 = vector.shape_cast %get3A_456 : vector<1x16xf32> to vector<16xf32>
        %add3A_458 = arith.addf %get3A_453, %get3A_457 : vector<16xf32>
        %max3A_459 = arith.constant 0.000000e+00 : f32
        %max3A_460 = vector.broadcast %max3A_459 : f32 to vector<16xf32>
        %max3A_461 = arith.maximumf %add3A_458, %max3A_460 : vector<16xf32>
        %swap3A_462 = arith.index_cast %scan3A_383 : i32 to index
        %swap3A_463 = arith.constant 64 : index
        %swap3A_464 = tpu.vector_load %arg21[%swap3A_462, %swap3A_463] {strides = array<i32>} : memref<56x128xf32, #tpu.memory_space<vmem>>, vector<1x16xf32>,
        %swap3A_465 = vector.shape_cast %swap3A_464 : vector<1x16xf32> to vector<16xf32>
        %swap3A_466 = vector.shape_cast %max3A_461 : vector<16xf32> to vector<1x16xf32>
        tpu.vector_store %arg21[%swap3A_462, %swap3A_463], %swap3A_466 {strides = array<i32>} : memref<56x128xf32, #tpu.memory_space<vmem>>, vector<1x16xf32>,
        %get3A_467 = arith.index_cast %scan3A_383 : i32 to index
        %get3A_468 = arith.constant 80 : index
        %get3A_469 = tpu.vector_load %arg18[%get3A_467, %get3A_468] {strides = array<i32>} : memref<56x128xf32, #tpu.memory_space<vmem>>, vector<1x16xf32>,
        %get3A_470 = vector.shape_cast %get3A_469 : vector<1x16xf32> to vector<16xf32>
        %get3A_471 = arith.index_cast %scan3A_383 : i32 to index
        %get3A_472 = arith.constant 80 : index
        %get3A_473 = tpu.vector_load %arg21[%get3A_471, %get3A_472] {strides = array<i32>} : memref<56x128xf32, #tpu.memory_space<vmem>>, vector<1x16xf32>,
        %get3A_474 = vector.shape_cast %get3A_473 : vector<1x16xf32> to vector<16xf32>
        %add3A_475 = arith.addf %get3A_470, %get3A_474 : vector<16xf32>
        %max3A_476 = arith.constant 0.000000e+00 : f32
        %max3A_477 = vector.broadcast %max3A_476 : f32 to vector<16xf32>
        %max3A_478 = arith.maximumf %add3A_475, %max3A_477 : vector<16xf32>
        %swap3A_479 = arith.index_cast %scan3A_383 : i32 to index
        %swap3A_480 = arith.constant 80 : index
        %swap3A_481 = tpu.vector_load %arg21[%swap3A_479, %swap3A_480] {strides = array<i32>} : memref<56x128xf32, #tpu.memory_space<vmem>>, vector<1x16xf32>,
        %swap3A_482 = vector.shape_cast %swap3A_481 : vector<1x16xf32> to vector<16xf32>
        %swap3A_483 = vector.shape_cast %max3A_478 : vector<16xf32> to vector<1x16xf32>
        tpu.vector_store %arg21[%swap3A_479, %swap3A_480], %swap3A_483 {strides = array<i32>} : memref<56x128xf32, #tpu.memory_space<vmem>>, vector<1x16xf32>,
        %get3A_484 = arith.index_cast %scan3A_383 : i32 to index
        %get3A_485 = arith.constant 96 : index
        %get3A_486 = tpu.vector_load %arg18[%get3A_484, %get3A_485] {strides = array<i32>} : memref<56x128xf32, #tpu.memory_space<vmem>>, vector<1x16xf32>,
        %get3A_487 = vector.shape_cast %get3A_486 : vector<1x16xf32> to vector<16xf32>
        %get3A_488 = arith.index_cast %scan3A_383 : i32 to index
        %get3A_489 = arith.constant 96 : index
        %get3A_490 = tpu.vector_load %arg21[%get3A_488, %get3A_489] {strides = array<i32>} : memref<56x128xf32, #tpu.memory_space<vmem>>, vector<1x16xf32>,
        %get3A_491 = vector.shape_cast %get3A_490 : vector<1x16xf32> to vector<16xf32>
        %add3A_492 = arith.addf %get3A_487, %get3A_491 : vector<16xf32>
        %max3A_493 = arith.constant 0.000000e+00 : f32
        %max3A_494 = vector.broadcast %max3A_493 : f32 to vector<16xf32>
        %max3A_495 = arith.maximumf %add3A_492, %max3A_494 : vector<16xf32>
        %swap3A_496 = arith.index_cast %scan3A_383 : i32 to index
        %swap3A_497 = arith.constant 96 : index
        %swap3A_498 = tpu.vector_load %arg21[%swap3A_496, %swap3A_497] {strides = array<i32>} : memref<56x128xf32, #tpu.memory_space<vmem>>, vector<1x16xf32>,
        %swap3A_499 = vector.shape_cast %swap3A_498 : vector<1x16xf32> to vector<16xf32>
        %swap3A_500 = vector.shape_cast %max3A_495 : vector<16xf32> to vector<1x16xf32>
        tpu.vector_store %arg21[%swap3A_496, %swap3A_497], %swap3A_500 {strides = array<i32>} : memref<56x128xf32, #tpu.memory_space<vmem>>, vector<1x16xf32>,
        %get3A_501 = arith.index_cast %scan3A_383 : i32 to index
        %get3A_502 = arith.constant 112 : index
        %get3A_503 = tpu.vector_load %arg18[%get3A_501, %get3A_502] {strides = array<i32>} : memref<56x128xf32, #tpu.memory_space<vmem>>, vector<1x16xf32>,
        %get3A_504 = vector.shape_cast %get3A_503 : vector<1x16xf32> to vector<16xf32>
        %get3A_505 = arith.index_cast %scan3A_383 : i32 to index
        %get3A_506 = arith.constant 112 : index
        %get3A_507 = tpu.vector_load %arg21[%get3A_505, %get3A_506] {strides = array<i32>} : memref<56x128xf32, #tpu.memory_space<vmem>>, vector<1x16xf32>,
        %get3A_508 = vector.shape_cast %get3A_507 : vector<1x16xf32> to vector<16xf32>
        %add3A_509 = arith.addf %get3A_504, %get3A_508 : vector<16xf32>
        %max3A_510 = arith.constant 0.000000e+00 : f32
        %max3A_511 = vector.broadcast %max3A_510 : f32 to vector<16xf32>
        %max3A_512 = arith.maximumf %add3A_509, %max3A_511 : vector<16xf32>
        %swap3A_513 = arith.index_cast %scan3A_383 : i32 to index
        %swap3A_514 = arith.constant 112 : index
        %swap3A_515 = tpu.vector_load %arg21[%swap3A_513, %swap3A_514] {strides = array<i32>} : memref<56x128xf32, #tpu.memory_space<vmem>>, vector<1x16xf32>,
        %swap3A_516 = vector.shape_cast %swap3A_515 : vector<1x16xf32> to vector<16xf32>
        %swap3A_517 = vector.shape_cast %max3A_512 : vector<16xf32> to vector<1x16xf32>
        tpu.vector_store %arg21[%swap3A_513, %swap3A_514], %swap3A_517 {strides = array<i32>} : memref<56x128xf32, #tpu.memory_space<vmem>>, vector<1x16xf32>,
        %scan3A_518 = arith.constant 0 : i32
        scf.yield %scan3A_518 : i32
      }
      %scan3A_303 = arith.constant 56 : i32
      %dma_start3A_304 = arith.constant 0 : i32
      %dma_start3A_305 = arith.constant 0 : i32
      %dma_start3A_306 = tpu.memref_slice %arg23[%dma_start3A_304, %dma_start3A_305] : memref<10240x128xf32, #tpu.memory_space<vmem_shared>> -> memref<10240x128xf32, #tpu.memory_space<vmem_shared>>
      tpu.enqueue_indirect_dma source(%arg21 : memref<56x128xf32, #tpu.memory_space<vmem>>) target(%dma_start3A_306 : memref<10240x128xf32, #tpu.memory_space<vmem_shared>>) offsets(%arg15 : memref<56xi32, #tpu.memory_space<vmem>>) semaphore(%arg32 : memref<!tpu.dma_semaphore, #tpu.memory_space<semaphore_mem>>) {add = true}
      %dma_wait3A_307 = arith.constant 0 : i32
      %dma_wait3A_308 = arith.constant 0 : i32
      %dma_wait3A_309 = tpu.memref_slice %arg23[%dma_wait3A_307, %dma_wait3A_308] : memref<10240x128xf32, #tpu.memory_space<vmem_shared>> -> memref<10240x128xf32, #tpu.memory_space<vmem_shared>>
      tpu.wait_indirect_dma semaphore(%arg31 : memref<!tpu.dma_semaphore, #tpu.memory_space<semaphore_mem>>) src(%arg20 : memref<56x128xf32, #tpu.memory_space<vmem>>) dst(%dma_wait3A_309 : memref<10240x128xf32, #tpu.memory_space<vmem_shared>>)
      %mul3A_310 = arith.constant 322560 : i32
      %mul3A_311 = arith.muli %arg0, %mul3A_310 : i32
      %add3A_312 = arith.addi %mul3A_311, %mul3A_13 : i32
      %mul3A_313 = arith.constant 56 : i32
      %mul3A_314 = arith.muli %min3A_176, %mul3A_313 : i32
      %add3A_315 = arith.addi %add3A_312, %mul3A_314 : i32
      %mul3A_316 = arith.constant 322560 : i32
      %mul3A_317 = arith.muli %arg0, %mul3A_316 : i32
      %add3A_318 = arith.addi %mul3A_317, %mul3A_13 : i32
      %mul3A_319 = arith.constant 56 : i32
      %mul3A_320 = arith.muli %min3A_176, %mul3A_319 : i32
      %add3A_321 = arith.addi %add3A_318, %mul3A_320 : i32
      %mul3A_322 = arith.constant 56 : i32
      %mul3A_323 = arith.muli %min3A_176, %mul3A_322 : i32
      %add3A_324 = arith.addi %mul3A_13, %mul3A_323 : i32
      %dma_start3A_325 = tpu.memref_slice %arg3[%add3A_315] : memref<645120xi32, #tpu.memory_space<hbm>> -> memref<56xi32, #tpu.memory_space<hbm>>
      %dma_start3A_326 = tpu.memref_slice %arg3[%add3A_315] : memref<645120xi32, #tpu.memory_space<hbm>> -> memref<56xi32, #tpu.memory_space<hbm>>
      tpu.enqueue_dma source(%dma_start3A_326 : memref<56xi32, #tpu.memory_space<hbm>>) target(%arg8 : memref<56xi32, #tpu.memory_space<vmem>>) target_semaphore(%arg25 : memref<!tpu.dma_semaphore, #tpu.memory_space<semaphore_mem>>)
      %dma_start3A_327 = tpu.memref_slice %arg4[%add3A_321] : memref<645120xi32, #tpu.memory_space<hbm>> -> memref<56xi32, #tpu.memory_space<hbm>>
      %dma_start3A_328 = tpu.memref_slice %arg4[%add3A_321] : memref<645120xi32, #tpu.memory_space<hbm>> -> memref<56xi32, #tpu.memory_space<hbm>>
      tpu.enqueue_dma source(%dma_start3A_328 : memref<56xi32, #tpu.memory_space<hbm>>) target(%arg11 : memref<56xi32, #tpu.memory_space<vmem>>) target_semaphore(%arg25 : memref<!tpu.dma_semaphore, #tpu.memory_space<semaphore_mem>>)
      %dma_start3A_329 = tpu.memref_slice %arg5[%add3A_324] : memref<322560xi32, #tpu.memory_space<hbm>> -> memref<56xi32, #tpu.memory_space<hbm>>
      %dma_start3A_330 = tpu.memref_slice %arg5[%add3A_324] : memref<322560xi32, #tpu.memory_space<hbm>> -> memref<56xi32, #tpu.memory_space<hbm>>
      tpu.enqueue_dma source(%dma_start3A_330 : memref<56xi32, #tpu.memory_space<hbm>>) target(%arg14 : memref<56xi32, #tpu.memory_space<vmem>>) target_semaphore(%arg25 : memref<!tpu.dma_semaphore, #tpu.memory_space<semaphore_mem>>)
      %mul3A_331 = arith.constant 322560 : i32
      %mul3A_332 = arith.muli %arg0, %mul3A_331 : i32
      %add3A_333 = arith.addi %mul3A_332, %mul3A_13 : i32
      %mul3A_334 = arith.constant 56 : i32
      %mul3A_335 = arith.muli %min3A_176, %mul3A_334 : i32
      %add3A_336 = arith.addi %add3A_333, %mul3A_335 : i32
      %mul3A_337 = arith.constant 322560 : i32
      %mul3A_338 = arith.muli %arg0, %mul3A_337 : i32
      %add3A_339 = arith.addi %mul3A_338, %mul3A_13 : i32
      %mul3A_340 = arith.constant 56 : i32
      %mul3A_341 = arith.muli %min3A_176, %mul3A_340 : i32
      %add3A_342 = arith.addi %add3A_339, %mul3A_341 : i32
      %mul3A_343 = arith.constant 56 : i32
      %mul3A_344 = arith.muli %min3A_176, %mul3A_343 : i32
      %add3A_345 = arith.addi %mul3A_13, %mul3A_344 : i32
      %dma_wait3A_346 = tpu.memref_slice %arg3[%add3A_336] : memref<645120xi32, #tpu.memory_space<hbm>> -> memref<56xi32, #tpu.memory_space<hbm>>
      %dma_wait3A_347 = tpu.memref_slice %arg3[%add3A_336] : memref<645120xi32, #tpu.memory_space<hbm>> -> memref<56xi32, #tpu.memory_space<hbm>>
      tpu.wait_dma2 semaphore(%arg25 : memref<!tpu.dma_semaphore, #tpu.memory_space<semaphore_mem>>) src(%dma_wait3A_347 : memref<56xi32, #tpu.memory_space<hbm>>) dst(%arg8 : memref<56xi32, #tpu.memory_space<vmem>>)
      %dma_wait3A_348 = tpu.memref_slice %arg4[%add3A_342] : memref<645120xi32, #tpu.memory_space<hbm>> -> memref<56xi32, #tpu.memory_space<hbm>>
      %dma_wait3A_349 = tpu.memref_slice %arg4[%add3A_342] : memref<645120xi32, #tpu.memory_space<hbm>> -> memref<56xi32, #tpu.memory_space<hbm>>
      tpu.wait_dma2 semaphore(%arg25 : memref<!tpu.dma_semaphore, #tpu.memory_space<semaphore_mem>>) src(%dma_wait3A_349 : memref<56xi32, #tpu.memory_space<hbm>>) dst(%arg11 : memref<56xi32, #tpu.memory_space<vmem>>)
      %dma_wait3A_350 = tpu.memref_slice %arg5[%add3A_345] : memref<322560xi32, #tpu.memory_space<hbm>> -> memref<56xi32, #tpu.memory_space<hbm>>
      %dma_wait3A_351 = tpu.memref_slice %arg5[%add3A_345] : memref<322560xi32, #tpu.memory_space<hbm>> -> memref<56xi32, #tpu.memory_space<hbm>>
      tpu.wait_dma2 semaphore(%arg25 : memref<!tpu.dma_semaphore, #tpu.memory_space<semaphore_mem>>) src(%dma_wait3A_351 : memref<56xi32, #tpu.memory_space<hbm>>) dst(%arg14 : memref<56xi32, #tpu.memory_space<vmem>>)
      %dma_start3A_352 = arith.constant 0 : i32
      %dma_start3A_353 = arith.constant 0 : i32
      %dma_start3A_354 = tpu.memref_slice %arg2[%dma_start3A_352, %dma_start3A_353] : memref<40960x128xf32, #tpu.memory_space<hbm>> -> memref<40960x128xf32, #tpu.memory_space<hbm>>
      tpu.enqueue_indirect_dma source(%dma_start3A_354 : memref<40960x128xf32, #tpu.memory_space<hbm>>) target(%arg17 : memref<56x128xf32, #tpu.memory_space<vmem>>) offsets(%arg8 : memref<56xi32, #tpu.memory_space<vmem>>) semaphore(%arg28 : memref<!tpu.dma_semaphore, #tpu.memory_space<semaphore_mem>>)
      %dma_start3A_355 = arith.constant 0 : i32
      %dma_start3A_356 = arith.constant 0 : i32
      %dma_start3A_357 = tpu.memref_slice %arg2[%dma_start3A_355, %dma_start3A_356] : memref<40960x128xf32, #tpu.memory_space<hbm>> -> memref<40960x128xf32, #tpu.memory_space<hbm>>
      tpu.enqueue_indirect_dma source(%dma_start3A_357 : memref<40960x128xf32, #tpu.memory_space<hbm>>) target(%arg20 : memref<56x128xf32, #tpu.memory_space<vmem>>) offsets(%arg11 : memref<56xi32, #tpu.memory_space<vmem>>) semaphore(%arg28 : memref<!tpu.dma_semaphore, #tpu.memory_space<semaphore_mem>>)
      %dma_wait3A_358 = arith.constant 0 : i32
      %dma_wait3A_359 = arith.constant 0 : i32
      %dma_wait3A_360 = tpu.memref_slice %arg23[%dma_wait3A_358, %dma_wait3A_359] : memref<10240x128xf32, #tpu.memory_space<vmem_shared>> -> memref<10240x128xf32, #tpu.memory_space<vmem_shared>>
      tpu.wait_indirect_dma semaphore(%arg32 : memref<!tpu.dma_semaphore, #tpu.memory_space<semaphore_mem>>) src(%arg21 : memref<56x128xf32, #tpu.memory_space<vmem>>) dst(%dma_wait3A_360 : memref<10240x128xf32, #tpu.memory_space<vmem_shared>>)
      %mul3A_361 = arith.constant 322560 : i32
      %mul3A_362 = arith.muli %arg0, %mul3A_361 : i32
      %add3A_363 = arith.addi %mul3A_362, %mul3A_13 : i32
      %mul3A_364 = arith.constant 56 : i32
      %mul3A_365 = arith.muli %min3A_180, %mul3A_364 : i32
      %add3A_366 = arith.addi %add3A_363, %mul3A_365 : i32
      %mul3A_367 = arith.constant 322560 : i32
      %mul3A_368 = arith.muli %arg0, %mul3A_367 : i32
      %add3A_369 = arith.addi %mul3A_368, %mul3A_13 : i32
      %mul3A_370 = arith.constant 56 : i32
      %mul3A_371 = arith.muli %min3A_180, %mul3A_370 : i32
      %add3A_372 = arith.addi %add3A_369, %mul3A_371 : i32
      %mul3A_373 = arith.constant 56 : i32
      %mul3A_374 = arith.muli %min3A_180, %mul3A_373 : i32
      %add3A_375 = arith.addi %mul3A_13, %mul3A_374 : i32
      %dma_start3A_376 = tpu.memref_slice %arg3[%add3A_366] : memref<645120xi32, #tpu.memory_space<hbm>> -> memref<56xi32, #tpu.memory_space<hbm>>
      %dma_start3A_377 = tpu.memref_slice %arg3[%add3A_366] : memref<645120xi32, #tpu.memory_space<hbm>> -> memref<56xi32, #tpu.memory_space<hbm>>
      tpu.enqueue_dma source(%dma_start3A_377 : memref<56xi32, #tpu.memory_space<hbm>>) target(%arg9 : memref<56xi32, #tpu.memory_space<vmem>>) target_semaphore(%arg26 : memref<!tpu.dma_semaphore, #tpu.memory_space<semaphore_mem>>)
      %dma_start3A_378 = tpu.memref_slice %arg4[%add3A_372] : memref<645120xi32, #tpu.memory_space<hbm>> -> memref<56xi32, #tpu.memory_space<hbm>>
      %dma_start3A_379 = tpu.memref_slice %arg4[%add3A_372] : memref<645120xi32, #tpu.memory_space<hbm>> -> memref<56xi32, #tpu.memory_space<hbm>>
      tpu.enqueue_dma source(%dma_start3A_379 : memref<56xi32, #tpu.memory_space<hbm>>) target(%arg12 : memref<56xi32, #tpu.memory_space<vmem>>) target_semaphore(%arg26 : memref<!tpu.dma_semaphore, #tpu.memory_space<semaphore_mem>>)
      %dma_start3A_380 = tpu.memref_slice %arg5[%add3A_375] : memref<322560xi32, #tpu.memory_space<hbm>> -> memref<56xi32, #tpu.memory_space<hbm>>
      %dma_start3A_381 = tpu.memref_slice %arg5[%add3A_375] : memref<322560xi32, #tpu.memory_space<hbm>> -> memref<56xi32, #tpu.memory_space<hbm>>
      tpu.enqueue_dma source(%dma_start3A_381 : memref<56xi32, #tpu.memory_space<hbm>>) target(%arg15 : memref<56xi32, #tpu.memory_space<vmem>>) target_semaphore(%arg26 : memref<!tpu.dma_semaphore, #tpu.memory_space<semaphore_mem>>)
      %scan3A_382 = arith.constant 0 : i32
      scf.yield %scan3A_382 : i32
    }
    %scan3A_119 = arith.constant 120 : i32
    %dma_wait3A_120 = arith.constant 0 : i32
    %dma_wait3A_121 = arith.constant 0 : i32
    %dma_wait3A_122 = tpu.memref_slice %arg2[%dma_wait3A_120, %dma_wait3A_121] : memref<40960x128xf32, #tpu.memory_space<hbm>> -> memref<40960x128xf32, #tpu.memory_space<hbm>>
    tpu.wait_indirect_dma semaphore(%arg27 : memref<!tpu.dma_semaphore, #tpu.memory_space<semaphore_mem>>) src(%dma_wait3A_122 : memref<40960x128xf32, #tpu.memory_space<hbm>>) dst(%arg16 : memref<56x128xf32, #tpu.memory_space<vmem>>)
    %dma_wait3A_123 = arith.constant 0 : i32
    %dma_wait3A_124 = arith.constant 0 : i32
    %dma_wait3A_125 = tpu.memref_slice %arg2[%dma_wait3A_123, %dma_wait3A_124] : memref<40960x128xf32, #tpu.memory_space<hbm>> -> memref<40960x128xf32, #tpu.memory_space<hbm>>
    tpu.wait_indirect_dma semaphore(%arg27 : memref<!tpu.dma_semaphore, #tpu.memory_space<semaphore_mem>>) src(%dma_wait3A_125 : memref<40960x128xf32, #tpu.memory_space<hbm>>) dst(%arg19 : memref<56x128xf32, #tpu.memory_space<vmem>>)
    %dma_wait3A_126 = arith.constant 0 : i32
    %dma_wait3A_127 = arith.constant 0 : i32
    %dma_wait3A_128 = tpu.memref_slice %arg2[%dma_wait3A_126, %dma_wait3A_127] : memref<40960x128xf32, #tpu.memory_space<hbm>> -> memref<40960x128xf32, #tpu.memory_space<hbm>>
    tpu.wait_indirect_dma semaphore(%arg28 : memref<!tpu.dma_semaphore, #tpu.memory_space<semaphore_mem>>) src(%dma_wait3A_128 : memref<40960x128xf32, #tpu.memory_space<hbm>>) dst(%arg17 : memref<56x128xf32, #tpu.memory_space<vmem>>)
    %dma_wait3A_129 = arith.constant 0 : i32
    %dma_wait3A_130 = arith.constant 0 : i32
    %dma_wait3A_131 = tpu.memref_slice %arg2[%dma_wait3A_129, %dma_wait3A_130] : memref<40960x128xf32, #tpu.memory_space<hbm>> -> memref<40960x128xf32, #tpu.memory_space<hbm>>
    tpu.wait_indirect_dma semaphore(%arg28 : memref<!tpu.dma_semaphore, #tpu.memory_space<semaphore_mem>>) src(%dma_wait3A_131 : memref<40960x128xf32, #tpu.memory_space<hbm>>) dst(%arg20 : memref<56x128xf32, #tpu.memory_space<vmem>>)
    %mul3A_132 = arith.constant 322560 : i32
    %mul3A_133 = arith.muli %arg0, %mul3A_132 : i32
    %add3A_134 = arith.addi %mul3A_133, %mul3A_13 : i32
    %add3A_135 = arith.constant 20104 : i32
    %add3A_136 = arith.addi %add3A_134, %add3A_135 : i32
    %mul3A_137 = arith.constant 322560 : i32
    %mul3A_138 = arith.muli %arg0, %mul3A_137 : i32
    %add3A_139 = arith.addi %mul3A_138, %mul3A_13 : i32
    %add3A_140 = arith.constant 20104 : i32
    %add3A_141 = arith.addi %add3A_139, %add3A_140 : i32
    %add3A_142 = arith.constant 20104 : i32
    %add3A_143 = arith.addi %mul3A_13, %add3A_142 : i32
    %dma_wait3A_144 = tpu.memref_slice %arg3[%add3A_136] : memref<645120xi32, #tpu.memory_space<hbm>> -> memref<56xi32, #tpu.memory_space<hbm>>
    %dma_wait3A_145 = tpu.memref_slice %arg3[%add3A_136] : memref<645120xi32, #tpu.memory_space<hbm>> -> memref<56xi32, #tpu.memory_space<hbm>>
    tpu.wait_dma2 semaphore(%arg26 : memref<!tpu.dma_semaphore, #tpu.memory_space<semaphore_mem>>) src(%dma_wait3A_145 : memref<56xi32, #tpu.memory_space<hbm>>) dst(%arg9 : memref<56xi32, #tpu.memory_space<vmem>>)
    %dma_wait3A_146 = tpu.memref_slice %arg4[%add3A_141] : memref<645120xi32, #tpu.memory_space<hbm>> -> memref<56xi32, #tpu.memory_space<hbm>>
    %dma_wait3A_147 = tpu.memref_slice %arg4[%add3A_141] : memref<645120xi32, #tpu.memory_space<hbm>> -> memref<56xi32, #tpu.memory_space<hbm>>
    tpu.wait_dma2 semaphore(%arg26 : memref<!tpu.dma_semaphore, #tpu.memory_space<semaphore_mem>>) src(%dma_wait3A_147 : memref<56xi32, #tpu.memory_space<hbm>>) dst(%arg12 : memref<56xi32, #tpu.memory_space<vmem>>)
    %dma_wait3A_148 = tpu.memref_slice %arg5[%add3A_143] : memref<322560xi32, #tpu.memory_space<hbm>> -> memref<56xi32, #tpu.memory_space<hbm>>
    %dma_wait3A_149 = tpu.memref_slice %arg5[%add3A_143] : memref<322560xi32, #tpu.memory_space<hbm>> -> memref<56xi32, #tpu.memory_space<hbm>>
    tpu.wait_dma2 semaphore(%arg26 : memref<!tpu.dma_semaphore, #tpu.memory_space<semaphore_mem>>) src(%dma_wait3A_149 : memref<56xi32, #tpu.memory_space<hbm>>) dst(%arg15 : memref<56xi32, #tpu.memory_space<vmem>>)
    %barrier3A_150 = arith.constant 0 : index
    tpu.barrier barrier_id(%barrier3A_150)
    %mul3A_151 = arith.constant 640 : i32
    %mul3A_152 = arith.muli %arg1, %mul3A_151 : i32
    %mul3A_153 = arith.constant 10240 : i32
    %mul3A_154 = arith.muli %arg0, %mul3A_153 : i32
    %mul3A_155 = arith.constant 640 : i32
    %mul3A_156 = arith.muli %arg1, %mul3A_155 : i32
    %add3A_157 = arith.addi %mul3A_154, %mul3A_156 : i32
    "tpu.region"() ({
      %run_scoped3A = tpu.sem_alloc : memref<!tpu.dma_semaphore, #tpu.memory_space<semaphore_mem>>
      %dma_start3A_158 = arith.constant 0 : i32
      %dma_start3A_159 = tpu.memref_slice %arg6[%add3A_157, %dma_start3A_158] : memref<20480x128xf32, #tpu.memory_space<hbm>> -> memref<640x128xf32, #tpu.memory_space<hbm>>
      %dma_start3A_160 = arith.constant 0 : i32
      %dma_start3A_161 = tpu.memref_slice %arg23[%mul3A_152, %dma_start3A_160] : memref<10240x128xf32, #tpu.memory_space<vmem_shared>> -> memref<640x128xf32, #tpu.memory_space<vmem_shared>>
      tpu.enqueue_dma source(%dma_start3A_161 : memref<640x128xf32, #tpu.memory_space<vmem_shared>>) target(%dma_start3A_159 : memref<640x128xf32, #tpu.memory_space<hbm>>) target_semaphore(%run_scoped3A : memref<!tpu.dma_semaphore, #tpu.memory_space<semaphore_mem>>)
      %dma_wait3A_162 = arith.constant 0 : i32
      %dma_wait3A_163 = tpu.memref_slice %arg6[%add3A_157, %dma_wait3A_162] : memref<20480x128xf32, #tpu.memory_space<hbm>> -> memref<640x128xf32, #tpu.memory_space<hbm>>
      %dma_wait3A_164 = arith.constant 0 : i32
      %dma_wait3A_165 = tpu.memref_slice %arg23[%mul3A_152, %dma_wait3A_164] : memref<10240x128xf32, #tpu.memory_space<vmem_shared>> -> memref<640x128xf32, #tpu.memory_space<vmem_shared>>
      tpu.wait_dma2 semaphore(%run_scoped3A : memref<!tpu.dma_semaphore, #tpu.memory_space<semaphore_mem>>) src(%dma_wait3A_165 : memref<640x128xf32, #tpu.memory_space<vmem_shared>>) dst(%dma_wait3A_163 : memref<640x128xf32, #tpu.memory_space<hbm>>)
      tpu.yield
    }) : () -> ()
    return
  }
}

module attributes {stable_mosaic.version = 14 : i64} {
  func.func @_ab_body(%arg0: i32, %arg1: memref<1024x256xf32, #tpu.memory_space<vmem>>, %arg2: memref<256x256xf32, #tpu.memory_space<vmem>>, %arg3: memref<256x256xf32, #tpu.memory_space<vmem>>, %arg4: memref<1x256xf32, #tpu.memory_space<vmem>>, %arg5: memref<1x256xf32, #tpu.memory_space<vmem>>, %arg6: memref<4x1024x128xf32, #tpu.memory_space<vmem>>) attributes {dimension_semantics = [#tpu.dimension_semantics<arbitrary>], iteration_bounds = array<i64: 10>, scalar_prefetch = 0 : i64, scratch_operands = 0 : i64, tpu.core_type = #tpu.core_type<tc>, window_params = [{transform_indices = @transform_0, window_bounds = array<i64: 1024, 256>}, {pipeline_mode = #tpu.pipeline_mode<synchronous>, transform_indices = @transform_1, window_bounds = array<i64: 256, 256>}, {pipeline_mode = #tpu.pipeline_mode<synchronous>, transform_indices = @transform_2, window_bounds = array<i64: 256, 256>}, {pipeline_mode = #tpu.pipeline_mode<synchronous>, transform_indices = @transform_3, window_bounds = array<i64: 1, 256>}, {pipeline_mode = #tpu.pipeline_mode<synchronous>, transform_indices = @transform_4, window_bounds = array<i64: 1, 256>}, {transform_indices = @transform_5, window_bounds = array<i64: 4, 1024, 128>}]} {
    %get3A = arith.constant 0 : index
    %get3A_0 = arith.constant 0 : index
    %get3A_1 = vector.load %arg1[%get3A, %get3A_0] : memref<1024x256xf32, #tpu.memory_space<vmem>>, vector<1024x256xf32>
    %get3A_2 = arith.constant 0 : index
    %get3A_3 = arith.constant 0 : index
    %get3A_4 = vector.load %arg2[%get3A_2, %get3A_3] : memref<256x256xf32, #tpu.memory_space<vmem>>, vector<256x256xf32>
    %convert_element_type3A = arith.truncf %get3A_1 : vector<1024x256xf32> to vector<1024x256xbf16>
    %convert_element_type3A_5 = arith.truncf %get3A_4 : vector<256x256xf32> to vector<256x256xbf16>
    %dot_general3A = arith.constant dense<0.000000e+00> : vector<1024x256xf32>
    %dot_general3A_6 = tpu.matmul %convert_element_type3A, %convert_element_type3A_5, %dot_general3A {dimension_numbers = #tpu.dot_dimension_numbers<[1], [0], [0], [1], [0, 0, 1, 1], [], []>, transpose_lhs_hint = false} : vector<1024x256xbf16>, vector<256x256xbf16>, vector<1024x256xf32> -> vector<1024x256xf32>
    %get3A_7 = arith.constant 0 : index
    %get3A_8 = arith.constant 0 : index
    %get3A_9 = vector.load %arg4[%get3A_7, %get3A_8] : memref<1x256xf32, #tpu.memory_space<vmem>>, vector<1x256xf32>
    %add3A = vector.broadcast %get3A_9 : vector<1x256xf32> to vector<1024x256xf32>
    %add3A_10 = arith.addf %dot_general3A_6, %add3A : vector<1024x256xf32>
    %get3A_11 = arith.constant 0 : index
    %get3A_12 = arith.constant 0 : index
    %get3A_13 = vector.load %arg1[%get3A_11, %get3A_12] : memref<1024x256xf32, #tpu.memory_space<vmem>>, vector<1024x256xf32>
    %get3A_14 = arith.constant 0 : index
    %get3A_15 = arith.constant 0 : index
    %get3A_16 = vector.load %arg3[%get3A_14, %get3A_15] : memref<256x256xf32, #tpu.memory_space<vmem>>, vector<256x256xf32>
    %convert_element_type3A_17 = arith.truncf %get3A_13 : vector<1024x256xf32> to vector<1024x256xbf16>
    %convert_element_type3A_18 = arith.truncf %get3A_16 : vector<256x256xf32> to vector<256x256xbf16>
    %dot_general3A_19 = arith.constant dense<0.000000e+00> : vector<1024x256xf32>
    %dot_general3A_20 = tpu.matmul %convert_element_type3A_17, %convert_element_type3A_18, %dot_general3A_19 {dimension_numbers = #tpu.dot_dimension_numbers<[1], [0], [0], [1], [0, 0, 1, 1], [], []>, transpose_lhs_hint = false} : vector<1024x256xbf16>, vector<256x256xbf16>, vector<1024x256xf32> -> vector<1024x256xf32>
    %get3A_21 = arith.constant 0 : index
    %get3A_22 = arith.constant 0 : index
    %get3A_23 = vector.load %arg5[%get3A_21, %get3A_22] : memref<1x256xf32, #tpu.memory_space<vmem>>, vector<1x256xf32>
    %add3A_24 = vector.broadcast %get3A_23 : vector<1x256xf32> to vector<1024x256xf32>
    %add3A_25 = arith.addf %dot_general3A_20, %add3A_24 : vector<1024x256xf32>
    %slice3A = vector.extract_strided_slice %add3A_10 {offsets = [0, 0], sizes = [1024, 128], strides = [1, 1]} : vector<1024x256xf32> to vector<1024x128xf32>
    %swap3A = arith.constant 0 : index
    %swap3A_26 = arith.constant 0 : index
    %swap3A_27 = arith.constant 0 : index
    %swap3A_28 = vector.load %arg6[%swap3A, %swap3A_26, %swap3A_27] : memref<4x1024x128xf32, #tpu.memory_space<vmem>>, vector<1x1024x128xf32>
    %swap3A_29 = vector.shape_cast %swap3A_28 : vector<1x1024x128xf32> to vector<1024x128xf32>
    %swap3A_30 = vector.shape_cast %slice3A : vector<1024x128xf32> to vector<1x1024x128xf32>
    tpu.vector_store %arg6[%swap3A, %swap3A_26, %swap3A_27], %swap3A_30 {strides = array<i32>} : memref<4x1024x128xf32, #tpu.memory_space<vmem>>, vector<1x1024x128xf32>,
    %slice3A_31 = vector.extract_strided_slice %add3A_10 {offsets = [0, 128], sizes = [1024, 128], strides = [1, 1]} : vector<1024x256xf32> to vector<1024x128xf32>
    %swap3A_32 = arith.constant 1 : index
    %swap3A_33 = arith.constant 0 : index
    %swap3A_34 = arith.constant 0 : index
    %swap3A_35 = vector.load %arg6[%swap3A_32, %swap3A_33, %swap3A_34] : memref<4x1024x128xf32, #tpu.memory_space<vmem>>, vector<1x1024x128xf32>
    %swap3A_36 = vector.shape_cast %swap3A_35 : vector<1x1024x128xf32> to vector<1024x128xf32>
    %swap3A_37 = vector.shape_cast %slice3A_31 : vector<1024x128xf32> to vector<1x1024x128xf32>
    tpu.vector_store %arg6[%swap3A_32, %swap3A_33, %swap3A_34], %swap3A_37 {strides = array<i32>} : memref<4x1024x128xf32, #tpu.memory_space<vmem>>, vector<1x1024x128xf32>,
    %slice3A_38 = vector.extract_strided_slice %add3A_25 {offsets = [0, 0], sizes = [1024, 128], strides = [1, 1]} : vector<1024x256xf32> to vector<1024x128xf32>
    %swap3A_39 = arith.constant 2 : index
    %swap3A_40 = arith.constant 0 : index
    %swap3A_41 = arith.constant 0 : index
    %swap3A_42 = vector.load %arg6[%swap3A_39, %swap3A_40, %swap3A_41] : memref<4x1024x128xf32, #tpu.memory_space<vmem>>, vector<1x1024x128xf32>
    %swap3A_43 = vector.shape_cast %swap3A_42 : vector<1x1024x128xf32> to vector<1024x128xf32>
    %swap3A_44 = vector.shape_cast %slice3A_38 : vector<1024x128xf32> to vector<1x1024x128xf32>
    tpu.vector_store %arg6[%swap3A_39, %swap3A_40, %swap3A_41], %swap3A_44 {strides = array<i32>} : memref<4x1024x128xf32, #tpu.memory_space<vmem>>, vector<1x1024x128xf32>,
    %slice3A_45 = vector.extract_strided_slice %add3A_25 {offsets = [0, 128], sizes = [1024, 128], strides = [1, 1]} : vector<1024x256xf32> to vector<1024x128xf32>
    %swap3A_46 = arith.constant 3 : index
    %swap3A_47 = arith.constant 0 : index
    %swap3A_48 = arith.constant 0 : index
    %swap3A_49 = vector.load %arg6[%swap3A_46, %swap3A_47, %swap3A_48] : memref<4x1024x128xf32, #tpu.memory_space<vmem>>, vector<1x1024x128xf32>
    %swap3A_50 = vector.shape_cast %swap3A_49 : vector<1x1024x128xf32> to vector<1024x128xf32>
    %swap3A_51 = vector.shape_cast %slice3A_45 : vector<1024x128xf32> to vector<1x1024x128xf32>
    tpu.vector_store %arg6[%swap3A_46, %swap3A_47, %swap3A_48], %swap3A_51 {strides = array<i32>} : memref<4x1024x128xf32, #tpu.memory_space<vmem>>, vector<1x1024x128xf32>,
    return
  }
  func.func @transform_0(%arg0: i32) -> (i32, i32) {
    %c0_i32 = arith.constant 0 : i32
    %c0_i32_0 = arith.constant 0 : i32
    return %arg0, %c0_i32 : i32, i32
  }
  func.func @transform_1(%arg0: i32) -> (i32, i32) {
    %c0_i32 = arith.constant 0 : i32
    %c0_i32_0 = arith.constant 0 : i32
    %c0_i32_1 = arith.constant 0 : i32
    return %c0_i32, %c0_i32_0 : i32, i32
  }
  func.func @transform_2(%arg0: i32) -> (i32, i32) {
    %c0_i32 = arith.constant 0 : i32
    %c0_i32_0 = arith.constant 0 : i32
    %c0_i32_1 = arith.constant 0 : i32
    return %c0_i32, %c0_i32_0 : i32, i32
  }
  func.func @transform_3(%arg0: i32) -> (i32, i32) {
    %c0_i32 = arith.constant 0 : i32
    %c0_i32_0 = arith.constant 0 : i32
    %c0_i32_1 = arith.constant 0 : i32
    return %c0_i32, %c0_i32_0 : i32, i32
  }
  func.func @transform_4(%arg0: i32) -> (i32, i32) {
    %c0_i32 = arith.constant 0 : i32
    %c0_i32_0 = arith.constant 0 : i32
    %c0_i32_1 = arith.constant 0 : i32
    return %c0_i32, %c0_i32_0 : i32, i32
  }
  func.func @transform_5(%arg0: i32) -> (i32, i32, i32) {
    %c0_i32 = arith.constant 0 : i32
    %c0_i32_0 = arith.constant 0 : i32
    %c0_i32_1 = arith.constant 0 : i32
    return %c0_i32, %arg0, %c0_i32_0 : i32, i32, i32
  }
}

module attributes {stable_mosaic.version = 14 : i64} {
  func.func @_in_proj_body(%arg0: i32, %arg1: memref<1024x128xf32, #tpu.memory_space<vmem>>, %arg2: memref<128x256xf32, #tpu.memory_space<vmem>>, %arg3: memref<1x256xf32, #tpu.memory_space<vmem>>, %arg4: memref<1024x256xf32, #tpu.memory_space<vmem>>) attributes {dimension_semantics = [#tpu.dimension_semantics<arbitrary>], iteration_bounds = array<i64: 10>, scalar_prefetch = 0 : i64, scratch_operands = 0 : i64, tpu.core_type = #tpu.core_type<tc>, window_params = [{transform_indices = @transform_0, window_bounds = array<i64: 1024, 128>}, {pipeline_mode = #tpu.pipeline_mode<synchronous>, transform_indices = @transform_1, window_bounds = array<i64: 128, 256>}, {pipeline_mode = #tpu.pipeline_mode<synchronous>, transform_indices = @transform_2, window_bounds = array<i64: 1, 256>}, {transform_indices = @transform_3, window_bounds = array<i64: 1024, 256>}]} {
    %get3A = arith.constant 0 : index
    %get3A_0 = arith.constant 0 : index
    %get3A_1 = vector.load %arg1[%get3A, %get3A_0] : memref<1024x128xf32, #tpu.memory_space<vmem>>, vector<1024x128xf32>
    %get3A_2 = arith.constant 0 : index
    %get3A_3 = arith.constant 0 : index
    %get3A_4 = vector.load %arg2[%get3A_2, %get3A_3] : memref<128x256xf32, #tpu.memory_space<vmem>>, vector<128x256xf32>
    %convert_element_type3A = arith.truncf %get3A_1 : vector<1024x128xf32> to vector<1024x128xbf16>
    %convert_element_type3A_5 = arith.truncf %get3A_4 : vector<128x256xf32> to vector<128x256xbf16>
    %dot_general3A = arith.constant dense<0.000000e+00> : vector<1024x256xf32>
    %dot_general3A_6 = tpu.matmul %convert_element_type3A, %convert_element_type3A_5, %dot_general3A {dimension_numbers = #tpu.dot_dimension_numbers<[1], [0], [0], [1], [0, 0, 1, 1], [], []>, transpose_lhs_hint = false} : vector<1024x128xbf16>, vector<128x256xbf16>, vector<1024x256xf32> -> vector<1024x256xf32>
    %get3A_7 = arith.constant 0 : index
    %get3A_8 = arith.constant 0 : index
    %get3A_9 = vector.load %arg3[%get3A_7, %get3A_8] : memref<1x256xf32, #tpu.memory_space<vmem>>, vector<1x256xf32>
    %add3A = vector.broadcast %get3A_9 : vector<1x256xf32> to vector<1024x256xf32>
    %add3A_10 = arith.addf %dot_general3A_6, %add3A : vector<1024x256xf32>
    %swap3A = arith.constant 0 : index
    %swap3A_11 = arith.constant 0 : index
    %swap3A_12 = vector.load %arg4[%swap3A, %swap3A_11] : memref<1024x256xf32, #tpu.memory_space<vmem>>, vector<1024x256xf32>
    tpu.vector_store %arg4[%swap3A, %swap3A_11], %add3A_10 {strides = array<i32>} : memref<1024x256xf32, #tpu.memory_space<vmem>>, vector<1024x256xf32>,
    return
  }
  func.func @transform_0(%arg0: i32) -> (i32, i32) {
    %c0_i32 = arith.constant 0 : i32
    %c0_i32_0 = arith.constant 0 : i32
    return %arg0, %c0_i32 : i32, i32
  }
  func.func @transform_1(%arg0: i32) -> (i32, i32) {
    %c0_i32 = arith.constant 0 : i32
    %c0_i32_0 = arith.constant 0 : i32
    %c0_i32_1 = arith.constant 0 : i32
    return %c0_i32, %c0_i32_0 : i32, i32
  }
  func.func @transform_2(%arg0: i32) -> (i32, i32) {
    %c0_i32 = arith.constant 0 : i32
    %c0_i32_0 = arith.constant 0 : i32
    %c0_i32_1 = arith.constant 0 : i32
    return %c0_i32, %c0_i32_0 : i32, i32
  }
  func.func @transform_3(%arg0: i32) -> (i32, i32) {
    %c0_i32 = arith.constant 0 : i32
    %c0_i32_0 = arith.constant 0 : i32
    return %arg0, %c0_i32 : i32, i32
  }
}

module attributes {stable_mosaic.version = 14 : i64} {
  func.func @_post_body(%arg0: i32, %arg1: memref<2x1024x128xf32, #tpu.memory_space<vmem>>, %arg2: memref<4x1024x128xf32, #tpu.memory_space<vmem>>, %arg3: memref<1024x256xf32, #tpu.memory_space<vmem>>, %arg4: memref<1x256xf32, #tpu.memory_space<vmem>>, %arg5: memref<1x256xf32, #tpu.memory_space<vmem>>, %arg6: memref<1024x256xf32, #tpu.memory_space<vmem>>) attributes {dimension_semantics = [#tpu.dimension_semantics<arbitrary>], iteration_bounds = array<i64: 10>, scalar_prefetch = 0 : i64, scratch_operands = 0 : i64, tpu.core_type = #tpu.core_type<tc>, window_params = [{transform_indices = @transform_0, window_bounds = array<i64: 2, 1024, 128>}, {transform_indices = @transform_1, window_bounds = array<i64: 4, 1024, 128>}, {transform_indices = @transform_2, window_bounds = array<i64: 1024, 256>}, {pipeline_mode = #tpu.pipeline_mode<synchronous>, transform_indices = @transform_3, window_bounds = array<i64: 1, 256>}, {pipeline_mode = #tpu.pipeline_mode<synchronous>, transform_indices = @transform_4, window_bounds = array<i64: 1, 256>}, {transform_indices = @transform_5, window_bounds = array<i64: 1024, 256>}]} {
    %get3A = arith.constant 0 : index
    %get3A_0 = arith.constant 0 : index
    %get3A_1 = arith.constant 0 : index
    %get3A_2 = vector.load %arg2[%get3A, %get3A_0, %get3A_1] : memref<4x1024x128xf32, #tpu.memory_space<vmem>>, vector<1x1024x128xf32>
    %get3A_3 = vector.shape_cast %get3A_2 : vector<1x1024x128xf32> to vector<1024x128xf32>
    %get3A_4 = arith.constant 2 : index
    %get3A_5 = arith.constant 0 : index
    %get3A_6 = arith.constant 0 : index
    %get3A_7 = vector.load %arg2[%get3A_4, %get3A_5, %get3A_6] : memref<4x1024x128xf32, #tpu.memory_space<vmem>>, vector<1x1024x128xf32>
    %get3A_8 = vector.shape_cast %get3A_7 : vector<1x1024x128xf32> to vector<1024x128xf32>
    %add3A = arith.addf %get3A_3, %get3A_8 : vector<1024x128xf32>
    %max3A = arith.constant 0.000000e+00 : f32
    %max3A_9 = vector.broadcast %max3A : f32 to vector<1024x128xf32>
    %max3A_10 = arith.maximumf %add3A, %max3A_9 : vector<1024x128xf32>
    %get3A_11 = arith.constant 1 : index
    %get3A_12 = arith.constant 0 : index
    %get3A_13 = arith.constant 0 : index
    %get3A_14 = vector.load %arg2[%get3A_11, %get3A_12, %get3A_13] : memref<4x1024x128xf32, #tpu.memory_space<vmem>>, vector<1x1024x128xf32>
    %get3A_15 = vector.shape_cast %get3A_14 : vector<1x1024x128xf32> to vector<1024x128xf32>
    %get3A_16 = arith.constant 3 : index
    %get3A_17 = arith.constant 0 : index
    %get3A_18 = arith.constant 0 : index
    %get3A_19 = vector.load %arg2[%get3A_16, %get3A_17, %get3A_18] : memref<4x1024x128xf32, #tpu.memory_space<vmem>>, vector<1x1024x128xf32>
    %get3A_20 = vector.shape_cast %get3A_19 : vector<1x1024x128xf32> to vector<1024x128xf32>
    %add3A_21 = arith.addf %get3A_15, %get3A_20 : vector<1024x128xf32>
    %max3A_22 = arith.constant 0.000000e+00 : f32
    %max3A_23 = vector.broadcast %max3A_22 : f32 to vector<1024x128xf32>
    %max3A_24 = arith.maximumf %add3A_21, %max3A_23 : vector<1024x128xf32>
    %get3A_25 = arith.constant 0 : index
    %get3A_26 = arith.constant 0 : index
    %get3A_27 = arith.constant 0 : index
    %get3A_28 = vector.load %arg1[%get3A_25, %get3A_26, %get3A_27] : memref<2x1024x128xf32, #tpu.memory_space<vmem>>, vector<1x1024x128xf32>
    %get3A_29 = vector.shape_cast %get3A_28 : vector<1x1024x128xf32> to vector<1024x128xf32>
    %add3A_30 = arith.addf %get3A_29, %max3A_10 : vector<1024x128xf32>
    %get3A_31 = arith.constant 0 : index
    %get3A_32 = arith.constant 0 : index
    %get3A_33 = vector.load %arg3[%get3A_31, %get3A_32] : memref<1024x256xf32, #tpu.memory_space<vmem>>, vector<1024x128xf32>
    %add3A_34 = arith.addf %add3A_30, %get3A_33 : vector<1024x128xf32>
    %get3A_35 = arith.constant 1 : index
    %get3A_36 = arith.constant 0 : index
    %get3A_37 = arith.constant 0 : index
    %get3A_38 = vector.load %arg1[%get3A_35, %get3A_36, %get3A_37] : memref<2x1024x128xf32, #tpu.memory_space<vmem>>, vector<1x1024x128xf32>
    %get3A_39 = vector.shape_cast %get3A_38 : vector<1x1024x128xf32> to vector<1024x128xf32>
    %add3A_40 = arith.addf %get3A_39, %max3A_24 : vector<1024x128xf32>
    %get3A_41 = arith.constant 0 : index
    %get3A_42 = arith.constant 128 : index
    %get3A_43 = vector.load %arg3[%get3A_41, %get3A_42] : memref<1024x256xf32, #tpu.memory_space<vmem>>, vector<1024x128xf32>
    %add3A_44 = arith.addf %add3A_40, %get3A_43 : vector<1024x128xf32>
    %reduce_sum3A = arith.constant dense<0.000000e+00> : vector<1024xf32>
    %reduce_sum3A_45 = vector.multi_reduction <add>, %add3A_34, %reduce_sum3A [1] : vector<1024x128xf32> to vector<1024xf32>
    %broadcast_in_dim3A = vector.shape_cast %reduce_sum3A_45 : vector<1024xf32> to vector<1024x1xf32>
    %reduce_sum3A_46 = arith.constant dense<0.000000e+00> : vector<1024xf32>
    %reduce_sum3A_47 = vector.multi_reduction <add>, %add3A_44, %reduce_sum3A_46 [1] : vector<1024x128xf32> to vector<1024xf32>
    %broadcast_in_dim3A_48 = vector.shape_cast %reduce_sum3A_47 : vector<1024xf32> to vector<1024x1xf32>
    %add3A_49 = arith.addf %broadcast_in_dim3A, %broadcast_in_dim3A_48 : vector<1024x1xf32>
    %div3A = arith.constant 2.560000e+02 : f32
    %div3A_50 = vector.broadcast %div3A : f32 to vector<1024x1xf32>
    %div3A_51 = arith.divf %add3A_49, %div3A_50 : vector<1024x1xf32>
    %sub3A = vector.broadcast %div3A_51 : vector<1024x1xf32> to vector<1024x128xf32>
    %sub3A_52 = arith.subf %add3A_34, %sub3A : vector<1024x128xf32>
    %sub3A_53 = vector.broadcast %div3A_51 : vector<1024x1xf32> to vector<1024x128xf32>
    %sub3A_54 = arith.subf %add3A_44, %sub3A_53 : vector<1024x128xf32>
    %mul3A = arith.mulf %sub3A_52, %sub3A_52 : vector<1024x128xf32>
    %reduce_sum3A_55 = arith.constant dense<0.000000e+00> : vector<1024xf32>
    %reduce_sum3A_56 = vector.multi_reduction <add>, %mul3A, %reduce_sum3A_55 [1] : vector<1024x128xf32> to vector<1024xf32>
    %broadcast_in_dim3A_57 = vector.shape_cast %reduce_sum3A_56 : vector<1024xf32> to vector<1024x1xf32>
    %mul3A_58 = arith.mulf %sub3A_54, %sub3A_54 : vector<1024x128xf32>
    %reduce_sum3A_59 = arith.constant dense<0.000000e+00> : vector<1024xf32>
    %reduce_sum3A_60 = vector.multi_reduction <add>, %mul3A_58, %reduce_sum3A_59 [1] : vector<1024x128xf32> to vector<1024xf32>
    %broadcast_in_dim3A_61 = vector.shape_cast %reduce_sum3A_60 : vector<1024xf32> to vector<1024x1xf32>
    %add3A_62 = arith.addf %broadcast_in_dim3A_57, %broadcast_in_dim3A_61 : vector<1024x1xf32>
    %div3A_63 = arith.constant 2.560000e+02 : f32
    %div3A_64 = vector.broadcast %div3A_63 : f32 to vector<1024x1xf32>
    %div3A_65 = arith.divf %add3A_62, %div3A_64 : vector<1024x1xf32>
    %add3A_66 = arith.constant 9.99999974E-6 : f32
    %add3A_67 = vector.broadcast %add3A_66 : f32 to vector<1024x1xf32>
    %add3A_68 = arith.addf %div3A_65, %add3A_67 : vector<1024x1xf32>
    %rsqrt3A = math.rsqrt %add3A_68 : vector<1024x1xf32>
    %mul3A_69 = arith.constant 5.000000e-01 : f32
    %mul3A_70 = vector.broadcast %mul3A_69 : f32 to vector<1024x1xf32>
    %mul3A_71 = arith.mulf %mul3A_70, %add3A_68 : vector<1024x1xf32>
    %mul3A_72 = arith.mulf %mul3A_71, %rsqrt3A : vector<1024x1xf32>
    %mul3A_73 = arith.mulf %mul3A_72, %rsqrt3A : vector<1024x1xf32>
    %sub3A_74 = arith.constant 1.500000e+00 : f32
    %sub3A_75 = vector.broadcast %sub3A_74 : f32 to vector<1024x1xf32>
    %sub3A_76 = arith.subf %sub3A_75, %mul3A_73 : vector<1024x1xf32>
    %mul3A_77 = arith.mulf %rsqrt3A, %sub3A_76 : vector<1024x1xf32>
    %mul3A_78 = vector.broadcast %mul3A_77 : vector<1024x1xf32> to vector<1024x128xf32>
    %mul3A_79 = arith.mulf %sub3A_52, %mul3A_78 : vector<1024x128xf32>
    %get3A_80 = arith.constant 0 : index
    %get3A_81 = arith.constant 0 : index
    %get3A_82 = vector.load %arg4[%get3A_80, %get3A_81] : memref<1x256xf32, #tpu.memory_space<vmem>>, vector<1x128xf32>
    %get3A_83 = vector.shape_cast %get3A_82 : vector<1x128xf32> to vector<128xf32>
    %broadcast_in_dim3A_84 = vector.shape_cast %get3A_83 : vector<128xf32> to vector<1x128xf32>
    %mul3A_85 = vector.broadcast %broadcast_in_dim3A_84 : vector<1x128xf32> to vector<1024x128xf32>
    %mul3A_86 = arith.mulf %mul3A_79, %mul3A_85 : vector<1024x128xf32>
    %get3A_87 = arith.constant 0 : index
    %get3A_88 = arith.constant 0 : index
    %get3A_89 = vector.load %arg5[%get3A_87, %get3A_88] : memref<1x256xf32, #tpu.memory_space<vmem>>, vector<1x128xf32>
    %get3A_90 = vector.shape_cast %get3A_89 : vector<1x128xf32> to vector<128xf32>
    %broadcast_in_dim3A_91 = vector.shape_cast %get3A_90 : vector<128xf32> to vector<1x128xf32>
    %add3A_92 = vector.broadcast %broadcast_in_dim3A_91 : vector<1x128xf32> to vector<1024x128xf32>
    %add3A_93 = arith.addf %mul3A_86, %add3A_92 : vector<1024x128xf32>
    %swap3A = arith.constant 0 : index
    %swap3A_94 = arith.constant 0 : index
    %swap3A_95 = vector.load %arg6[%swap3A, %swap3A_94] : memref<1024x256xf32, #tpu.memory_space<vmem>>, vector<1024x128xf32>
    tpu.vector_store %arg6[%swap3A, %swap3A_94], %add3A_93 {strides = array<i32>} : memref<1024x256xf32, #tpu.memory_space<vmem>>, vector<1024x128xf32>,
    %mul3A_96 = vector.broadcast %mul3A_77 : vector<1024x1xf32> to vector<1024x128xf32>
    %mul3A_97 = arith.mulf %sub3A_54, %mul3A_96 : vector<1024x128xf32>
    %get3A_98 = arith.constant 0 : index
    %get3A_99 = arith.constant 128 : index
    %get3A_100 = vector.load %arg4[%get3A_98, %get3A_99] : memref<1x256xf32, #tpu.memory_space<vmem>>, vector<1x128xf32>
    %get3A_101 = vector.shape_cast %get3A_100 : vector<1x128xf32> to vector<128xf32>
    %broadcast_in_dim3A_102 = vector.shape_cast %get3A_101 : vector<128xf32> to vector<1x128xf32>
    %mul3A_103 = vector.broadcast %broadcast_in_dim3A_102 : vector<1x128xf32> to vector<1024x128xf32>
    %mul3A_104 = arith.mulf %mul3A_97, %mul3A_103 : vector<1024x128xf32>
    %get3A_105 = arith.constant 0 : index
    %get3A_106 = arith.constant 128 : index
    %get3A_107 = vector.load %arg5[%get3A_105, %get3A_106] : memref<1x256xf32, #tpu.memory_space<vmem>>, vector<1x128xf32>
    %get3A_108 = vector.shape_cast %get3A_107 : vector<1x128xf32> to vector<128xf32>
    %broadcast_in_dim3A_109 = vector.shape_cast %get3A_108 : vector<128xf32> to vector<1x128xf32>
    %add3A_110 = vector.broadcast %broadcast_in_dim3A_109 : vector<1x128xf32> to vector<1024x128xf32>
    %add3A_111 = arith.addf %mul3A_104, %add3A_110 : vector<1024x128xf32>
    %swap3A_112 = arith.constant 0 : index
    %swap3A_113 = arith.constant 128 : index
    %swap3A_114 = vector.load %arg6[%swap3A_112, %swap3A_113] : memref<1024x256xf32, #tpu.memory_space<vmem>>, vector<1024x128xf32>
    tpu.vector_store %arg6[%swap3A_112, %swap3A_113], %add3A_111 {strides = array<i32>} : memref<1024x256xf32, #tpu.memory_space<vmem>>, vector<1024x128xf32>,
    return
  }
  func.func @transform_0(%arg0: i32) -> (i32, i32, i32) {
    %c0_i32 = arith.constant 0 : i32
    %c0_i32_0 = arith.constant 0 : i32
    %c0_i32_1 = arith.constant 0 : i32
    return %c0_i32, %arg0, %c0_i32_0 : i32, i32, i32
  }
  func.func @transform_1(%arg0: i32) -> (i32, i32, i32) {
    %c0_i32 = arith.constant 0 : i32
    %c0_i32_0 = arith.constant 0 : i32
    %c0_i32_1 = arith.constant 0 : i32
    return %c0_i32, %arg0, %c0_i32_0 : i32, i32, i32
  }
  func.func @transform_2(%arg0: i32) -> (i32, i32) {
    %c0_i32 = arith.constant 0 : i32
    %c0_i32_0 = arith.constant 0 : i32
    return %arg0, %c0_i32 : i32, i32
  }
  func.func @transform_3(%arg0: i32) -> (i32, i32) {
    %c0_i32 = arith.constant 0 : i32
    %c0_i32_0 = arith.constant 0 : i32
    %c0_i32_1 = arith.constant 0 : i32
    return %c0_i32, %c0_i32_0 : i32, i32
  }
  func.func @transform_4(%arg0: i32) -> (i32, i32) {
    %c0_i32 = arith.constant 0 : i32
    %c0_i32_0 = arith.constant 0 : i32
    %c0_i32_1 = arith.constant 0 : i32
    return %c0_i32, %c0_i32_0 : i32, i32
  }
  func.func @transform_5(%arg0: i32) -> (i32, i32) {
    %c0_i32 = arith.constant 0 : i32
    %c0_i32_0 = arith.constant 0 : i32
    return %arg0, %c0_i32 : i32, i32
  }
}

module attributes {stable_mosaic.version = 14 : i64} {
  func.func @_qkv_body(%arg0: i32, %arg1: memref<1024x256xf32, #tpu.memory_space<vmem>>, %arg2: memref<256x768xf32, #tpu.memory_space<vmem>>, %arg3: memref<1x768xf32, #tpu.memory_space<vmem>>, %arg4: memref<12x1024x64xf32, #tpu.memory_space<vmem>>) attributes {dimension_semantics = [#tpu.dimension_semantics<arbitrary>], iteration_bounds = array<i64: 10>, scalar_prefetch = 0 : i64, scratch_operands = 0 : i64, tpu.core_type = #tpu.core_type<tc>, window_params = [{transform_indices = @transform_0, window_bounds = array<i64: 1024, 256>}, {pipeline_mode = #tpu.pipeline_mode<synchronous>, transform_indices = @transform_1, window_bounds = array<i64: 256, 768>}, {pipeline_mode = #tpu.pipeline_mode<synchronous>, transform_indices = @transform_2, window_bounds = array<i64: 1, 768>}, {transform_indices = @transform_3, window_bounds = array<i64: 12, 1024, 64>}]} {
    %get3A = arith.constant 0 : index
    %get3A_0 = arith.constant 0 : index
    %get3A_1 = vector.load %arg1[%get3A, %get3A_0] : memref<1024x256xf32, #tpu.memory_space<vmem>>, vector<1024x256xf32>
    %get3A_2 = arith.constant 0 : index
    %get3A_3 = arith.constant 0 : index
    %get3A_4 = vector.load %arg2[%get3A_2, %get3A_3] : memref<256x768xf32, #tpu.memory_space<vmem>>, vector<256x768xf32>
    %convert_element_type3A = arith.truncf %get3A_1 : vector<1024x256xf32> to vector<1024x256xbf16>
    %convert_element_type3A_5 = arith.truncf %get3A_4 : vector<256x768xf32> to vector<256x768xbf16>
    %dot_general3A = arith.constant dense<0.000000e+00> : vector<1024x768xf32>
    %dot_general3A_6 = tpu.matmul %convert_element_type3A, %convert_element_type3A_5, %dot_general3A {dimension_numbers = #tpu.dot_dimension_numbers<[1], [0], [0], [1], [0, 0, 1, 1], [], []>, transpose_lhs_hint = false} : vector<1024x256xbf16>, vector<256x768xbf16>, vector<1024x768xf32> -> vector<1024x768xf32>
    %get3A_7 = arith.constant 0 : index
    %get3A_8 = arith.constant 0 : index
    %get3A_9 = vector.load %arg3[%get3A_7, %get3A_8] : memref<1x768xf32, #tpu.memory_space<vmem>>, vector<1x768xf32>
    %add3A = vector.broadcast %get3A_9 : vector<1x768xf32> to vector<1024x768xf32>
    %add3A_10 = arith.addf %dot_general3A_6, %add3A : vector<1024x768xf32>
    %slice3A = vector.extract_strided_slice %add3A_10 {offsets = [0, 0], sizes = [1024, 64], strides = [1, 1]} : vector<1024x768xf32> to vector<1024x64xf32>
    %swap3A = arith.constant 0 : index
    %swap3A_11 = arith.constant 0 : index
    %swap3A_12 = arith.constant 0 : index
    %swap3A_13 = vector.load %arg4[%swap3A, %swap3A_11, %swap3A_12] : memref<12x1024x64xf32, #tpu.memory_space<vmem>>, vector<1x1024x64xf32>
    %swap3A_14 = vector.shape_cast %swap3A_13 : vector<1x1024x64xf32> to vector<1024x64xf32>
    %swap3A_15 = vector.shape_cast %slice3A : vector<1024x64xf32> to vector<1x1024x64xf32>
    tpu.vector_store %arg4[%swap3A, %swap3A_11, %swap3A_12], %swap3A_15 {strides = array<i32>} : memref<12x1024x64xf32, #tpu.memory_space<vmem>>, vector<1x1024x64xf32>,
    %slice3A_16 = vector.extract_strided_slice %add3A_10 {offsets = [0, 64], sizes = [1024, 64], strides = [1, 1]} : vector<1024x768xf32> to vector<1024x64xf32>
    %swap3A_17 = arith.constant 1 : index
    %swap3A_18 = arith.constant 0 : index
    %swap3A_19 = arith.constant 0 : index
    %swap3A_20 = vector.load %arg4[%swap3A_17, %swap3A_18, %swap3A_19] : memref<12x1024x64xf32, #tpu.memory_space<vmem>>, vector<1x1024x64xf32>
    %swap3A_21 = vector.shape_cast %swap3A_20 : vector<1x1024x64xf32> to vector<1024x64xf32>
    %swap3A_22 = vector.shape_cast %slice3A_16 : vector<1024x64xf32> to vector<1x1024x64xf32>
    tpu.vector_store %arg4[%swap3A_17, %swap3A_18, %swap3A_19], %swap3A_22 {strides = array<i32>} : memref<12x1024x64xf32, #tpu.memory_space<vmem>>, vector<1x1024x64xf32>,
    %slice3A_23 = vector.extract_strided_slice %add3A_10 {offsets = [0, 128], sizes = [1024, 64], strides = [1, 1]} : vector<1024x768xf32> to vector<1024x64xf32>
    %swap3A_24 = arith.constant 2 : index
    %swap3A_25 = arith.constant 0 : index
    %swap3A_26 = arith.constant 0 : index
    %swap3A_27 = vector.load %arg4[%swap3A_24, %swap3A_25, %swap3A_26] : memref<12x1024x64xf32, #tpu.memory_space<vmem>>, vector<1x1024x64xf32>
    %swap3A_28 = vector.shape_cast %swap3A_27 : vector<1x1024x64xf32> to vector<1024x64xf32>
    %swap3A_29 = vector.shape_cast %slice3A_23 : vector<1024x64xf32> to vector<1x1024x64xf32>
    tpu.vector_store %arg4[%swap3A_24, %swap3A_25, %swap3A_26], %swap3A_29 {strides = array<i32>} : memref<12x1024x64xf32, #tpu.memory_space<vmem>>, vector<1x1024x64xf32>,
    %slice3A_30 = vector.extract_strided_slice %add3A_10 {offsets = [0, 192], sizes = [1024, 64], strides = [1, 1]} : vector<1024x768xf32> to vector<1024x64xf32>
    %swap3A_31 = arith.constant 3 : index
    %swap3A_32 = arith.constant 0 : index
    %swap3A_33 = arith.constant 0 : index
    %swap3A_34 = vector.load %arg4[%swap3A_31, %swap3A_32, %swap3A_33] : memref<12x1024x64xf32, #tpu.memory_space<vmem>>, vector<1x1024x64xf32>
    %swap3A_35 = vector.shape_cast %swap3A_34 : vector<1x1024x64xf32> to vector<1024x64xf32>
    %swap3A_36 = vector.shape_cast %slice3A_30 : vector<1024x64xf32> to vector<1x1024x64xf32>
    tpu.vector_store %arg4[%swap3A_31, %swap3A_32, %swap3A_33], %swap3A_36 {strides = array<i32>} : memref<12x1024x64xf32, #tpu.memory_space<vmem>>, vector<1x1024x64xf32>,
    %slice3A_37 = vector.extract_strided_slice %add3A_10 {offsets = [0, 256], sizes = [1024, 64], strides = [1, 1]} : vector<1024x768xf32> to vector<1024x64xf32>
    %swap3A_38 = arith.constant 4 : index
    %swap3A_39 = arith.constant 0 : index
    %swap3A_40 = arith.constant 0 : index
    %swap3A_41 = vector.load %arg4[%swap3A_38, %swap3A_39, %swap3A_40] : memref<12x1024x64xf32, #tpu.memory_space<vmem>>, vector<1x1024x64xf32>
    %swap3A_42 = vector.shape_cast %swap3A_41 : vector<1x1024x64xf32> to vector<1024x64xf32>
    %swap3A_43 = vector.shape_cast %slice3A_37 : vector<1024x64xf32> to vector<1x1024x64xf32>
    tpu.vector_store %arg4[%swap3A_38, %swap3A_39, %swap3A_40], %swap3A_43 {strides = array<i32>} : memref<12x1024x64xf32, #tpu.memory_space<vmem>>, vector<1x1024x64xf32>,
    %slice3A_44 = vector.extract_strided_slice %add3A_10 {offsets = [0, 320], sizes = [1024, 64], strides = [1, 1]} : vector<1024x768xf32> to vector<1024x64xf32>
    %swap3A_45 = arith.constant 5 : index
    %swap3A_46 = arith.constant 0 : index
    %swap3A_47 = arith.constant 0 : index
    %swap3A_48 = vector.load %arg4[%swap3A_45, %swap3A_46, %swap3A_47] : memref<12x1024x64xf32, #tpu.memory_space<vmem>>, vector<1x1024x64xf32>
    %swap3A_49 = vector.shape_cast %swap3A_48 : vector<1x1024x64xf32> to vector<1024x64xf32>
    %swap3A_50 = vector.shape_cast %slice3A_44 : vector<1024x64xf32> to vector<1x1024x64xf32>
    tpu.vector_store %arg4[%swap3A_45, %swap3A_46, %swap3A_47], %swap3A_50 {strides = array<i32>} : memref<12x1024x64xf32, #tpu.memory_space<vmem>>, vector<1x1024x64xf32>,
    %slice3A_51 = vector.extract_strided_slice %add3A_10 {offsets = [0, 384], sizes = [1024, 64], strides = [1, 1]} : vector<1024x768xf32> to vector<1024x64xf32>
    %swap3A_52 = arith.constant 6 : index
    %swap3A_53 = arith.constant 0 : index
    %swap3A_54 = arith.constant 0 : index
    %swap3A_55 = vector.load %arg4[%swap3A_52, %swap3A_53, %swap3A_54] : memref<12x1024x64xf32, #tpu.memory_space<vmem>>, vector<1x1024x64xf32>
    %swap3A_56 = vector.shape_cast %swap3A_55 : vector<1x1024x64xf32> to vector<1024x64xf32>
    %swap3A_57 = vector.shape_cast %slice3A_51 : vector<1024x64xf32> to vector<1x1024x64xf32>
    tpu.vector_store %arg4[%swap3A_52, %swap3A_53, %swap3A_54], %swap3A_57 {strides = array<i32>} : memref<12x1024x64xf32, #tpu.memory_space<vmem>>, vector<1x1024x64xf32>,
    %slice3A_58 = vector.extract_strided_slice %add3A_10 {offsets = [0, 448], sizes = [1024, 64], strides = [1, 1]} : vector<1024x768xf32> to vector<1024x64xf32>
    %swap3A_59 = arith.constant 7 : index
    %swap3A_60 = arith.constant 0 : index
    %swap3A_61 = arith.constant 0 : index
    %swap3A_62 = vector.load %arg4[%swap3A_59, %swap3A_60, %swap3A_61] : memref<12x1024x64xf32, #tpu.memory_space<vmem>>, vector<1x1024x64xf32>
    %swap3A_63 = vector.shape_cast %swap3A_62 : vector<1x1024x64xf32> to vector<1024x64xf32>
    %swap3A_64 = vector.shape_cast %slice3A_58 : vector<1024x64xf32> to vector<1x1024x64xf32>
    tpu.vector_store %arg4[%swap3A_59, %swap3A_60, %swap3A_61], %swap3A_64 {strides = array<i32>} : memref<12x1024x64xf32, #tpu.memory_space<vmem>>, vector<1x1024x64xf32>,
    %slice3A_65 = vector.extract_strided_slice %add3A_10 {offsets = [0, 512], sizes = [1024, 64], strides = [1, 1]} : vector<1024x768xf32> to vector<1024x64xf32>
    %swap3A_66 = arith.constant 8 : index
    %swap3A_67 = arith.constant 0 : index
    %swap3A_68 = arith.constant 0 : index
    %swap3A_69 = vector.load %arg4[%swap3A_66, %swap3A_67, %swap3A_68] : memref<12x1024x64xf32, #tpu.memory_space<vmem>>, vector<1x1024x64xf32>
    %swap3A_70 = vector.shape_cast %swap3A_69 : vector<1x1024x64xf32> to vector<1024x64xf32>
    %swap3A_71 = vector.shape_cast %slice3A_65 : vector<1024x64xf32> to vector<1x1024x64xf32>
    tpu.vector_store %arg4[%swap3A_66, %swap3A_67, %swap3A_68], %swap3A_71 {strides = array<i32>} : memref<12x1024x64xf32, #tpu.memory_space<vmem>>, vector<1x1024x64xf32>,
    %slice3A_72 = vector.extract_strided_slice %add3A_10 {offsets = [0, 576], sizes = [1024, 64], strides = [1, 1]} : vector<1024x768xf32> to vector<1024x64xf32>
    %swap3A_73 = arith.constant 9 : index
    %swap3A_74 = arith.constant 0 : index
    %swap3A_75 = arith.constant 0 : index
    %swap3A_76 = vector.load %arg4[%swap3A_73, %swap3A_74, %swap3A_75] : memref<12x1024x64xf32, #tpu.memory_space<vmem>>, vector<1x1024x64xf32>
    %swap3A_77 = vector.shape_cast %swap3A_76 : vector<1x1024x64xf32> to vector<1024x64xf32>
    %swap3A_78 = vector.shape_cast %slice3A_72 : vector<1024x64xf32> to vector<1x1024x64xf32>
    tpu.vector_store %arg4[%swap3A_73, %swap3A_74, %swap3A_75], %swap3A_78 {strides = array<i32>} : memref<12x1024x64xf32, #tpu.memory_space<vmem>>, vector<1x1024x64xf32>,
    %slice3A_79 = vector.extract_strided_slice %add3A_10 {offsets = [0, 640], sizes = [1024, 64], strides = [1, 1]} : vector<1024x768xf32> to vector<1024x64xf32>
    %swap3A_80 = arith.constant 10 : index
    %swap3A_81 = arith.constant 0 : index
    %swap3A_82 = arith.constant 0 : index
    %swap3A_83 = vector.load %arg4[%swap3A_80, %swap3A_81, %swap3A_82] : memref<12x1024x64xf32, #tpu.memory_space<vmem>>, vector<1x1024x64xf32>
    %swap3A_84 = vector.shape_cast %swap3A_83 : vector<1x1024x64xf32> to vector<1024x64xf32>
    %swap3A_85 = vector.shape_cast %slice3A_79 : vector<1024x64xf32> to vector<1x1024x64xf32>
    tpu.vector_store %arg4[%swap3A_80, %swap3A_81, %swap3A_82], %swap3A_85 {strides = array<i32>} : memref<12x1024x64xf32, #tpu.memory_space<vmem>>, vector<1x1024x64xf32>,
    %slice3A_86 = vector.extract_strided_slice %add3A_10 {offsets = [0, 704], sizes = [1024, 64], strides = [1, 1]} : vector<1024x768xf32> to vector<1024x64xf32>
    %swap3A_87 = arith.constant 11 : index
    %swap3A_88 = arith.constant 0 : index
    %swap3A_89 = arith.constant 0 : index
    %swap3A_90 = vector.load %arg4[%swap3A_87, %swap3A_88, %swap3A_89] : memref<12x1024x64xf32, #tpu.memory_space<vmem>>, vector<1x1024x64xf32>
    %swap3A_91 = vector.shape_cast %swap3A_90 : vector<1x1024x64xf32> to vector<1024x64xf32>
    %swap3A_92 = vector.shape_cast %slice3A_86 : vector<1024x64xf32> to vector<1x1024x64xf32>
    tpu.vector_store %arg4[%swap3A_87, %swap3A_88, %swap3A_89], %swap3A_92 {strides = array<i32>} : memref<12x1024x64xf32, #tpu.memory_space<vmem>>, vector<1x1024x64xf32>,
    return
  }
  func.func @transform_0(%arg0: i32) -> (i32, i32) {
    %c0_i32 = arith.constant 0 : i32
    %c0_i32_0 = arith.constant 0 : i32
    return %arg0, %c0_i32 : i32, i32
  }
  func.func @transform_1(%arg0: i32) -> (i32, i32) {
    %c0_i32 = arith.constant 0 : i32
    %c0_i32_0 = arith.constant 0 : i32
    %c0_i32_1 = arith.constant 0 : i32
    return %c0_i32, %c0_i32_0 : i32, i32
  }
  func.func @transform_2(%arg0: i32) -> (i32, i32) {
    %c0_i32 = arith.constant 0 : i32
    %c0_i32_0 = arith.constant 0 : i32
    %c0_i32_1 = arith.constant 0 : i32
    return %c0_i32, %c0_i32_0 : i32, i32
  }
  func.func @transform_3(%arg0: i32) -> (i32, i32, i32) {
    %c0_i32 = arith.constant 0 : i32
    %c0_i32_0 = arith.constant 0 : i32
    %c0_i32_1 = arith.constant 0 : i32
    return %c0_i32, %arg0, %c0_i32_0 : i32, i32, i32
  }
}

module attributes {stable_mosaic.version = 14 : i64} {
  func.func @_attn_body(%arg0: i32, %arg1: i32, %arg2: memref<1x10240xi32, #tpu.memory_space<vmem>>, %arg3: memref<1x256x64xf32, #tpu.memory_space<vmem>>, %arg4: memref<1x10240x64xf32, #tpu.memory_space<vmem>>, %arg5: memref<1x10240x64xf32, #tpu.memory_space<vmem>>, %arg6: memref<1x256x64xf32, #tpu.memory_space<vmem>>) attributes {dimension_semantics = [#tpu.dimension_semantics<arbitrary>, #tpu.dimension_semantics<arbitrary>], iteration_bounds = array<i64: 4, 40>, scalar_prefetch = 0 : i64, scratch_operands = 0 : i64, tpu.core_type = #tpu.core_type<tc>, window_params = [{pipeline_mode = #tpu.pipeline_mode<synchronous>, transform_indices = @transform_0, window_bounds = array<i64: 1, 10240>}, {transform_indices = @transform_1, window_bounds = array<i64: 1, 256, 64>}, {transform_indices = @transform_2, window_bounds = array<i64: 1, 10240, 64>}, {transform_indices = @transform_3, window_bounds = array<i64: 1, 10240, 64>}, {transform_indices = @transform_4, window_bounds = array<i64: 1, 256, 64>}]} {
    %get3A = arith.constant 0 : index
    %get3A_0 = arith.constant 0 : index
    %get3A_1 = arith.constant 0 : index
    %get3A_2 = vector.load %arg3[%get3A, %get3A_0, %get3A_1] : memref<1x256x64xf32, #tpu.memory_space<vmem>>, vector<1x256x64xf32>
    %get3A_3 = vector.shape_cast %get3A_2 : vector<1x256x64xf32> to vector<256x64xf32>
    %mul3A = arith.constant 1.250000e-01 : f32
    %mul3A_4 = vector.broadcast %mul3A : f32 to vector<256x64xf32>
    %mul3A_5 = arith.mulf %get3A_3, %mul3A_4 : vector<256x64xf32>
    %mul3A_6 = arith.constant 256 : i32
    %mul3A_7 = arith.muli %arg1, %mul3A_6 : i32
    %get3A_8 = arith.constant 0 : index
    %get3A_9 = arith.index_cast %mul3A_7 : i32 to index
    %get3A_10 = vector.load %arg2[%get3A_8, %get3A_9] : memref<1x10240xi32, #tpu.memory_space<vmem>>, vector<1x256xi32>
    %get3A_11 = vector.shape_cast %get3A_10 : vector<1x256xi32> to vector<256xi32>
    %get3A_12 = arith.constant 0 : index
    %get3A_13 = arith.constant 0 : index
    %get3A_14 = vector.load %arg2[%get3A_12, %get3A_13] : memref<1x10240xi32, #tpu.memory_space<vmem>>, vector<1x10240xi32>
    %get3A_15 = vector.shape_cast %get3A_14 : vector<1x10240xi32> to vector<10240xi32>
    %slice3A = vector.extract_strided_slice %get3A_11 {offsets = [0], sizes = [1], strides = [1]} : vector<256xi32> to vector<1xi32>
    %squeeze3A = vector.extract %slice3A[0] : i32 from vector<1xi32>
    %slice3A_16 = vector.extract_strided_slice %get3A_11 {offsets = [255], sizes = [1], strides = [1]} : vector<256xi32> to vector<1xi32>
    %squeeze3A_17 = vector.extract %slice3A_16[0] : i32 from vector<1xi32>
    %lt3A = vector.broadcast %squeeze3A : i32 to vector<10240xi32>
    %lt3A_18 = arith.cmpi slt, %get3A_15, %lt3A : vector<10240xi32>
    %convert_element_type3A = arith.extui %lt3A_18 : vector<10240xi1> to vector<10240xi32>
    %reduce_sum3A = vector.shape_cast %convert_element_type3A : vector<10240xi32> to vector<1x10240xi32>
    %reduce_sum3A_19 = arith.constant dense<0> : vector<1xi32>
    %reduce_sum3A_20 = vector.multi_reduction <add>, %reduce_sum3A, %reduce_sum3A_19 [1] : vector<1x10240xi32> to vector<1xi32>
    %reduce_sum3A_21 = vector.shape_cast %reduce_sum3A_20 : vector<1xi32> to vector<1x1xi32>
    %reduce_sum3A_22 = vector.extract %reduce_sum3A_21[0, 0] : i32 from vector<1x1xi32>
    %le3A = vector.broadcast %squeeze3A_17 : i32 to vector<10240xi32>
    %le3A_23 = arith.cmpi sle, %get3A_15, %le3A : vector<10240xi32>
    %convert_element_type3A_24 = arith.extui %le3A_23 : vector<10240xi1> to vector<10240xi32>
    %reduce_sum3A_25 = vector.shape_cast %convert_element_type3A_24 : vector<10240xi32> to vector<1x10240xi32>
    %reduce_sum3A_26 = arith.constant dense<0> : vector<1xi32>
    %reduce_sum3A_27 = vector.multi_reduction <add>, %reduce_sum3A_25, %reduce_sum3A_26 [1] : vector<1x10240xi32> to vector<1xi32>
    %reduce_sum3A_28 = vector.shape_cast %reduce_sum3A_27 : vector<1xi32> to vector<1x1xi32>
    %reduce_sum3A_29 = vector.extract %reduce_sum3A_28[0, 0] : i32 from vector<1x1xi32>
    %jit3A = arith.constant 256 : i32
    %div3A = arith.divsi %reduce_sum3A_22, %jit3A : i32
    %sign3A = arith.constant 0 : i32
    %sign3A_30 = arith.cmpi sgt, %reduce_sum3A_22, %sign3A : i32
    %sign3A_31 = arith.extui %sign3A_30 : i1 to i32
    %sign3A_32 = arith.constant 0 : i32
    %sign3A_33 = arith.cmpi slt, %reduce_sum3A_22, %sign3A_32 : i32
    %sign3A_34 = arith.extui %sign3A_33 : i1 to i32
    %sign3A_35 = arith.subi %sign3A_31, %sign3A_34 : i32
    %sign3A_36 = arith.constant 0 : i32
    %sign3A_37 = arith.cmpi sgt, %jit3A, %sign3A_36 : i32
    %sign3A_38 = arith.extui %sign3A_37 : i1 to i32
    %sign3A_39 = arith.constant 0 : i32
    %sign3A_40 = arith.cmpi slt, %jit3A, %sign3A_39 : i32
    %sign3A_41 = arith.extui %sign3A_40 : i1 to i32
    %sign3A_42 = arith.subi %sign3A_38, %sign3A_41 : i32
    %ne3A = arith.cmpi ne, %sign3A_35, %sign3A_42 : i32
    %rem3A = arith.remsi %reduce_sum3A_22, %jit3A : i32
    %ne3A_43 = arith.constant 0 : i32
    %ne3A_44 = arith.cmpi ne, %rem3A, %ne3A_43 : i32
    %and3A = arith.andi %ne3A, %ne3A_44 : i1
    %sub3A = arith.constant 1 : i32
    %sub3A_45 = arith.subi %div3A, %sub3A : i32
    %select_n3A = arith.select %and3A, %sub3A_45, %div3A : i32
    %mul3A_46 = arith.constant 256 : i32
    %mul3A_47 = arith.muli %select_n3A, %mul3A_46 : i32
    %sub3A_48 = arith.subi %reduce_sum3A_29, %mul3A_47 : i32
    %add3A = arith.constant 256 : i32
    %add3A_49 = arith.addi %sub3A_48, %add3A : i32
    %sub3A_50 = arith.constant 1 : i32
    %sub3A_51 = arith.subi %add3A_49, %sub3A_50 : i32
    %jit3A_52 = arith.constant 256 : i32
    %div3A_53 = arith.divsi %sub3A_51, %jit3A_52 : i32
    %sign3A_54 = arith.constant 0 : i32
    %sign3A_55 = arith.cmpi sgt, %sub3A_51, %sign3A_54 : i32
    %sign3A_56 = arith.extui %sign3A_55 : i1 to i32
    %sign3A_57 = arith.constant 0 : i32
    %sign3A_58 = arith.cmpi slt, %sub3A_51, %sign3A_57 : i32
    %sign3A_59 = arith.extui %sign3A_58 : i1 to i32
    %sign3A_60 = arith.subi %sign3A_56, %sign3A_59 : i32
    %sign3A_61 = arith.constant 0 : i32
    %sign3A_62 = arith.cmpi sgt, %jit3A_52, %sign3A_61 : i32
    %sign3A_63 = arith.extui %sign3A_62 : i1 to i32
    %sign3A_64 = arith.constant 0 : i32
    %sign3A_65 = arith.cmpi slt, %jit3A_52, %sign3A_64 : i32
    %sign3A_66 = arith.extui %sign3A_65 : i1 to i32
    %sign3A_67 = arith.subi %sign3A_63, %sign3A_66 : i32
    %ne3A_68 = arith.cmpi ne, %sign3A_60, %sign3A_67 : i32
    %rem3A_69 = arith.remsi %sub3A_51, %jit3A_52 : i32
    %ne3A_70 = arith.constant 0 : i32
    %ne3A_71 = arith.cmpi ne, %rem3A_69, %ne3A_70 : i32
    %and3A_72 = arith.andi %ne3A_68, %ne3A_71 : i1
    %sub3A_73 = arith.constant 1 : i32
    %sub3A_74 = arith.subi %div3A_53, %sub3A_73 : i32
    %select_n3A_75 = arith.select %and3A_72, %sub3A_74, %div3A_53 : i32
    %broadcast_in_dim3A = arith.constant -1.000000e+30 : f32
    %broadcast_in_dim3A_76 = vector.broadcast %broadcast_in_dim3A : f32 to vector<256x1xf32>
    %broadcast_in_dim3A_77 = arith.constant 0.000000e+00 : f32
    %broadcast_in_dim3A_78 = vector.broadcast %broadcast_in_dim3A_77 : f32 to vector<256x1xf32>
    %while3A = arith.constant 0 : i32
    %while3A_79 = arith.subi %select_n3A_75, %while3A : i32
    %while3A_80 = arith.addi %while3A, %while3A_79 : i32
    %while3A_81 = arith.constant 1 : i32
    %while3A_82 = arith.divsi %while3A_79, %while3A_81 : i32
    %while3A_83 = arith.muli %while3A_82, %while3A_81 : i32
    %while3A_84 = arith.addi %while3A, %while3A_83 : i32
    %while3A_85 = arith.constant 1 : i32
    %while3A_86:2 = scf.for %while3A_107 = %while3A to %while3A_84 step %while3A_85 iter_args(%while3A_108 = %broadcast_in_dim3A_76, %while3A_109 = %broadcast_in_dim3A_78) -> (vector<256x1xf32>, vector<256x1xf32>)  : i32 {
      %add3A_110 = arith.addi %select_n3A, %while3A_107 : i32
      %mul3A_111 = arith.constant 256 : i32
      %mul3A_112 = arith.muli %add3A_110, %mul3A_111 : i32
      %get3A_113 = arith.constant 0 : index
      %get3A_114 = arith.index_cast %mul3A_112 : i32 to index
      %get3A_115 = arith.constant 0 : index
      %get3A_116 = vector.load %arg4[%get3A_113, %get3A_114, %get3A_115] : memref<1x10240x64xf32, #tpu.memory_space<vmem>>, vector<1x256x64xf32>
      %get3A_117 = vector.shape_cast %get3A_116 : vector<1x256x64xf32> to vector<256x64xf32>
      %get3A_118 = arith.constant 0 : index
      %get3A_119 = arith.index_cast %mul3A_112 : i32 to index
      %get3A_120 = vector.load %arg2[%get3A_118, %get3A_119] : memref<1x10240xi32, #tpu.memory_space<vmem>>, vector<1x256xi32>
      %get3A_121 = vector.shape_cast %get3A_120 : vector<1x256xi32> to vector<256xi32>
      %convert_element_type3A_122 = arith.truncf %mul3A_5 : vector<256x64xf32> to vector<256x64xbf16>
      %convert_element_type3A_123 = arith.truncf %get3A_117 : vector<256x64xf32> to vector<256x64xbf16>
      %dot_general3A = arith.constant dense<0.000000e+00> : vector<256x256xf32>
      %dot_general3A_124 = tpu.matmul %convert_element_type3A_122, %convert_element_type3A_123, %dot_general3A {dimension_numbers = #tpu.dot_dimension_numbers<[1], [1], [0], [0], [0, 0, 1, 0], [], []>, transpose_lhs_hint = false} : vector<256x64xbf16>, vector<256x64xbf16>, vector<256x256xf32> -> vector<256x256xf32>
      %broadcast_in_dim3A_125 = vector.shape_cast %get3A_11 : vector<256xi32> to vector<256x1xi32>
      %broadcast_in_dim3A_126 = vector.shape_cast %get3A_121 : vector<256xi32> to vector<1x256xi32>
      %eq3A = vector.broadcast %broadcast_in_dim3A_125 : vector<256x1xi32> to vector<256x256xi32>
      %eq3A_127 = vector.broadcast %broadcast_in_dim3A_126 : vector<1x256xi32> to vector<256x256xi32>
      %eq3A_128 = arith.cmpi eq, %eq3A, %eq3A_127 : vector<256x256xi32>
      %jit3A_129 = arith.constant -1.000000e+30 : f32
      %broadcast_in_dim3A_130 = vector.broadcast %jit3A_129 : f32 to vector<256x256xf32>
      %select_n3A_131 = arith.select %eq3A_128, %dot_general3A_124, %broadcast_in_dim3A_130 : vector<256x256xi1>, vector<256x256xf32>
      %reduce_max3A = arith.constant dense<0xFF800000> : vector<256xf32>
      %reduce_max3A_132 = vector.multi_reduction <maximumf>, %select_n3A_131, %reduce_max3A [1] : vector<256x256xf32> to vector<256xf32>
      %broadcast_in_dim3A_133 = vector.shape_cast %reduce_max3A_132 : vector<256xf32> to vector<256x1xf32>
      %max3A = arith.maximumf %while3A_108, %broadcast_in_dim3A_133 : vector<256x1xf32>
      %sub3A_134 = arith.subf %while3A_108, %max3A : vector<256x1xf32>
      %exp3A = math.exp %sub3A_134 : vector<256x1xf32>
      %mul3A_135 = arith.mulf %while3A_109, %exp3A : vector<256x1xf32>
      %sub3A_136 = vector.broadcast %max3A : vector<256x1xf32> to vector<256x256xf32>
      %sub3A_137 = arith.subf %select_n3A_131, %sub3A_136 : vector<256x256xf32>
      %exp3A_138 = math.exp %sub3A_137 : vector<256x256xf32>
      %reduce_sum3A_139 = arith.constant dense<0.000000e+00> : vector<256xf32>
      %reduce_sum3A_140 = vector.multi_reduction <add>, %exp3A_138, %reduce_sum3A_139 [1] : vector<256x256xf32> to vector<256xf32>
      %broadcast_in_dim3A_141 = vector.shape_cast %reduce_sum3A_140 : vector<256xf32> to vector<256x1xf32>
      %add3A_142 = arith.addf %mul3A_135, %broadcast_in_dim3A_141 : vector<256x1xf32>
      scf.yield %max3A, %add3A_142 : vector<256x1xf32>, vector<256x1xf32>
    }
    %while3A_87 = arith.constant 1 : i32
    %while3A_88:2 = scf.for %while3A_107 = %while3A_84 to %while3A_80 step %while3A_87 iter_args(%while3A_108 = %while3A_86#0, %while3A_109 = %while3A_86#1) -> (vector<256x1xf32>, vector<256x1xf32>)  : i32 {
      %add3A_110 = arith.addi %select_n3A, %while3A_107 : i32
      %mul3A_111 = arith.constant 256 : i32
      %mul3A_112 = arith.muli %add3A_110, %mul3A_111 : i32
      %get3A_113 = arith.constant 0 : index
      %get3A_114 = arith.index_cast %mul3A_112 : i32 to index
      %get3A_115 = arith.constant 0 : index
      %get3A_116 = vector.load %arg4[%get3A_113, %get3A_114, %get3A_115] : memref<1x10240x64xf32, #tpu.memory_space<vmem>>, vector<1x256x64xf32>
      %get3A_117 = vector.shape_cast %get3A_116 : vector<1x256x64xf32> to vector<256x64xf32>
      %get3A_118 = arith.constant 0 : index
      %get3A_119 = arith.index_cast %mul3A_112 : i32 to index
      %get3A_120 = vector.load %arg2[%get3A_118, %get3A_119] : memref<1x10240xi32, #tpu.memory_space<vmem>>, vector<1x256xi32>
      %get3A_121 = vector.shape_cast %get3A_120 : vector<1x256xi32> to vector<256xi32>
      %convert_element_type3A_122 = arith.truncf %mul3A_5 : vector<256x64xf32> to vector<256x64xbf16>
      %convert_element_type3A_123 = arith.truncf %get3A_117 : vector<256x64xf32> to vector<256x64xbf16>
      %dot_general3A = arith.constant dense<0.000000e+00> : vector<256x256xf32>
      %dot_general3A_124 = tpu.matmul %convert_element_type3A_122, %convert_element_type3A_123, %dot_general3A {dimension_numbers = #tpu.dot_dimension_numbers<[1], [1], [0], [0], [0, 0, 1, 0], [], []>, transpose_lhs_hint = false} : vector<256x64xbf16>, vector<256x64xbf16>, vector<256x256xf32> -> vector<256x256xf32>
      %broadcast_in_dim3A_125 = vector.shape_cast %get3A_11 : vector<256xi32> to vector<256x1xi32>
      %broadcast_in_dim3A_126 = vector.shape_cast %get3A_121 : vector<256xi32> to vector<1x256xi32>
      %eq3A = vector.broadcast %broadcast_in_dim3A_125 : vector<256x1xi32> to vector<256x256xi32>
      %eq3A_127 = vector.broadcast %broadcast_in_dim3A_126 : vector<1x256xi32> to vector<256x256xi32>
      %eq3A_128 = arith.cmpi eq, %eq3A, %eq3A_127 : vector<256x256xi32>
      %jit3A_129 = arith.constant -1.000000e+30 : f32
      %broadcast_in_dim3A_130 = vector.broadcast %jit3A_129 : f32 to vector<256x256xf32>
      %select_n3A_131 = arith.select %eq3A_128, %dot_general3A_124, %broadcast_in_dim3A_130 : vector<256x256xi1>, vector<256x256xf32>
      %reduce_max3A = arith.constant dense<0xFF800000> : vector<256xf32>
      %reduce_max3A_132 = vector.multi_reduction <maximumf>, %select_n3A_131, %reduce_max3A [1] : vector<256x256xf32> to vector<256xf32>
      %broadcast_in_dim3A_133 = vector.shape_cast %reduce_max3A_132 : vector<256xf32> to vector<256x1xf32>
      %max3A = arith.maximumf %while3A_108, %broadcast_in_dim3A_133 : vector<256x1xf32>
      %sub3A_134 = arith.subf %while3A_108, %max3A : vector<256x1xf32>
      %exp3A = math.exp %sub3A_134 : vector<256x1xf32>
      %mul3A_135 = arith.mulf %while3A_109, %exp3A : vector<256x1xf32>
      %sub3A_136 = vector.broadcast %max3A : vector<256x1xf32> to vector<256x256xf32>
      %sub3A_137 = arith.subf %select_n3A_131, %sub3A_136 : vector<256x256xf32>
      %exp3A_138 = math.exp %sub3A_137 : vector<256x256xf32>
      %reduce_sum3A_139 = arith.constant dense<0.000000e+00> : vector<256xf32>
      %reduce_sum3A_140 = vector.multi_reduction <add>, %exp3A_138, %reduce_sum3A_139 [1] : vector<256x256xf32> to vector<256xf32>
      %broadcast_in_dim3A_141 = vector.shape_cast %reduce_sum3A_140 : vector<256xf32> to vector<256x1xf32>
      %add3A_142 = arith.addf %mul3A_135, %broadcast_in_dim3A_141 : vector<256x1xf32>
      scf.yield %max3A, %add3A_142 : vector<256x1xf32>, vector<256x1xf32>
    }
    %broadcast_in_dim3A_89 = arith.constant 0.000000e+00 : f32
    %broadcast_in_dim3A_90 = vector.broadcast %broadcast_in_dim3A_89 : f32 to vector<256x64xf32>
    %while3A_91 = arith.constant 0 : i32
    %while3A_92 = arith.subi %select_n3A_75, %while3A_91 : i32
    %while3A_93 = arith.addi %while3A_91, %while3A_92 : i32
    %while3A_94 = arith.constant 1 : i32
    %while3A_95 = arith.divsi %while3A_92, %while3A_94 : i32
    %while3A_96 = arith.muli %while3A_95, %while3A_94 : i32
    %while3A_97 = arith.addi %while3A_91, %while3A_96 : i32
    %while3A_98 = arith.constant 1 : i32
    %while3A_99 = scf.for %while3A_107 = %while3A_91 to %while3A_97 step %while3A_98 iter_args(%while3A_108 = %broadcast_in_dim3A_90) -> (vector<256x64xf32>)  : i32 {
      %add3A_109 = arith.addi %select_n3A, %while3A_107 : i32
      %mul3A_110 = arith.constant 256 : i32
      %mul3A_111 = arith.muli %add3A_109, %mul3A_110 : i32
      %get3A_112 = arith.constant 0 : index
      %get3A_113 = arith.index_cast %mul3A_111 : i32 to index
      %get3A_114 = arith.constant 0 : index
      %get3A_115 = vector.load %arg4[%get3A_112, %get3A_113, %get3A_114] : memref<1x10240x64xf32, #tpu.memory_space<vmem>>, vector<1x256x64xf32>
      %get3A_116 = vector.shape_cast %get3A_115 : vector<1x256x64xf32> to vector<256x64xf32>
      %get3A_117 = arith.constant 0 : index
      %get3A_118 = arith.index_cast %mul3A_111 : i32 to index
      %get3A_119 = vector.load %arg2[%get3A_117, %get3A_118] : memref<1x10240xi32, #tpu.memory_space<vmem>>, vector<1x256xi32>
      %get3A_120 = vector.shape_cast %get3A_119 : vector<1x256xi32> to vector<256xi32>
      %convert_element_type3A_121 = arith.truncf %mul3A_5 : vector<256x64xf32> to vector<256x64xbf16>
      %convert_element_type3A_122 = arith.truncf %get3A_116 : vector<256x64xf32> to vector<256x64xbf16>
      %dot_general3A = arith.constant dense<0.000000e+00> : vector<256x256xf32>
      %dot_general3A_123 = tpu.matmul %convert_element_type3A_121, %convert_element_type3A_122, %dot_general3A {dimension_numbers = #tpu.dot_dimension_numbers<[1], [1], [0], [0], [0, 0, 1, 0], [], []>, transpose_lhs_hint = false} : vector<256x64xbf16>, vector<256x64xbf16>, vector<256x256xf32> -> vector<256x256xf32>
      %broadcast_in_dim3A_124 = vector.shape_cast %get3A_11 : vector<256xi32> to vector<256x1xi32>
      %broadcast_in_dim3A_125 = vector.shape_cast %get3A_120 : vector<256xi32> to vector<1x256xi32>
      %eq3A = vector.broadcast %broadcast_in_dim3A_124 : vector<256x1xi32> to vector<256x256xi32>
      %eq3A_126 = vector.broadcast %broadcast_in_dim3A_125 : vector<1x256xi32> to vector<256x256xi32>
      %eq3A_127 = arith.cmpi eq, %eq3A, %eq3A_126 : vector<256x256xi32>
      %jit3A_128 = arith.constant -1.000000e+30 : f32
      %broadcast_in_dim3A_129 = vector.broadcast %jit3A_128 : f32 to vector<256x256xf32>
      %select_n3A_130 = arith.select %eq3A_127, %dot_general3A_123, %broadcast_in_dim3A_129 : vector<256x256xi1>, vector<256x256xf32>
      %sub3A_131 = vector.broadcast %while3A_88#0 : vector<256x1xf32> to vector<256x256xf32>
      %sub3A_132 = arith.subf %select_n3A_130, %sub3A_131 : vector<256x256xf32>
      %exp3A = math.exp %sub3A_132 : vector<256x256xf32>
      %div3A_133 = vector.broadcast %while3A_88#1 : vector<256x1xf32> to vector<256x256xf32>
      %div3A_134 = arith.divf %exp3A, %div3A_133 : vector<256x256xf32>
      %get3A_135 = arith.constant 0 : index
      %get3A_136 = arith.index_cast %mul3A_111 : i32 to index
      %get3A_137 = arith.constant 0 : index
      %get3A_138 = vector.load %arg5[%get3A_135, %get3A_136, %get3A_137] : memref<1x10240x64xf32, #tpu.memory_space<vmem>>, vector<1x256x64xf32>
      %get3A_139 = vector.shape_cast %get3A_138 : vector<1x256x64xf32> to vector<256x64xf32>
      %convert_element_type3A_140 = arith.truncf %div3A_134 : vector<256x256xf32> to vector<256x256xbf16>
      %convert_element_type3A_141 = arith.truncf %get3A_139 : vector<256x64xf32> to vector<256x64xbf16>
      %dot_general3A_142 = arith.constant dense<0.000000e+00> : vector<256x64xf32>
      %dot_general3A_143 = tpu.matmul %convert_element_type3A_140, %convert_element_type3A_141, %dot_general3A_142 {dimension_numbers = #tpu.dot_dimension_numbers<[1], [0], [0], [1], [0, 0, 1, 1], [], []>, transpose_lhs_hint = false} : vector<256x256xbf16>, vector<256x64xbf16>, vector<256x64xf32> -> vector<256x64xf32>
      %add3A_144 = arith.addf %while3A_108, %dot_general3A_143 : vector<256x64xf32>
      scf.yield %add3A_144 : vector<256x64xf32>
    }
    %while3A_100 = arith.constant 1 : i32
    %while3A_101 = scf.for %while3A_107 = %while3A_97 to %while3A_93 step %while3A_100 iter_args(%while3A_108 = %while3A_99) -> (vector<256x64xf32>)  : i32 {
      %add3A_109 = arith.addi %select_n3A, %while3A_107 : i32
      %mul3A_110 = arith.constant 256 : i32
      %mul3A_111 = arith.muli %add3A_109, %mul3A_110 : i32
      %get3A_112 = arith.constant 0 : index
      %get3A_113 = arith.index_cast %mul3A_111 : i32 to index
      %get3A_114 = arith.constant 0 : index
      %get3A_115 = vector.load %arg4[%get3A_112, %get3A_113, %get3A_114] : memref<1x10240x64xf32, #tpu.memory_space<vmem>>, vector<1x256x64xf32>
      %get3A_116 = vector.shape_cast %get3A_115 : vector<1x256x64xf32> to vector<256x64xf32>
      %get3A_117 = arith.constant 0 : index
      %get3A_118 = arith.index_cast %mul3A_111 : i32 to index
      %get3A_119 = vector.load %arg2[%get3A_117, %get3A_118] : memref<1x10240xi32, #tpu.memory_space<vmem>>, vector<1x256xi32>
      %get3A_120 = vector.shape_cast %get3A_119 : vector<1x256xi32> to vector<256xi32>
      %convert_element_type3A_121 = arith.truncf %mul3A_5 : vector<256x64xf32> to vector<256x64xbf16>
      %convert_element_type3A_122 = arith.truncf %get3A_116 : vector<256x64xf32> to vector<256x64xbf16>
      %dot_general3A = arith.constant dense<0.000000e+00> : vector<256x256xf32>
      %dot_general3A_123 = tpu.matmul %convert_element_type3A_121, %convert_element_type3A_122, %dot_general3A {dimension_numbers = #tpu.dot_dimension_numbers<[1], [1], [0], [0], [0, 0, 1, 0], [], []>, transpose_lhs_hint = false} : vector<256x64xbf16>, vector<256x64xbf16>, vector<256x256xf32> -> vector<256x256xf32>
      %broadcast_in_dim3A_124 = vector.shape_cast %get3A_11 : vector<256xi32> to vector<256x1xi32>
      %broadcast_in_dim3A_125 = vector.shape_cast %get3A_120 : vector<256xi32> to vector<1x256xi32>
      %eq3A = vector.broadcast %broadcast_in_dim3A_124 : vector<256x1xi32> to vector<256x256xi32>
      %eq3A_126 = vector.broadcast %broadcast_in_dim3A_125 : vector<1x256xi32> to vector<256x256xi32>
      %eq3A_127 = arith.cmpi eq, %eq3A, %eq3A_126 : vector<256x256xi32>
      %jit3A_128 = arith.constant -1.000000e+30 : f32
      %broadcast_in_dim3A_129 = vector.broadcast %jit3A_128 : f32 to vector<256x256xf32>
      %select_n3A_130 = arith.select %eq3A_127, %dot_general3A_123, %broadcast_in_dim3A_129 : vector<256x256xi1>, vector<256x256xf32>
      %sub3A_131 = vector.broadcast %while3A_88#0 : vector<256x1xf32> to vector<256x256xf32>
      %sub3A_132 = arith.subf %select_n3A_130, %sub3A_131 : vector<256x256xf32>
      %exp3A = math.exp %sub3A_132 : vector<256x256xf32>
      %div3A_133 = vector.broadcast %while3A_88#1 : vector<256x1xf32> to vector<256x256xf32>
      %div3A_134 = arith.divf %exp3A, %div3A_133 : vector<256x256xf32>
      %get3A_135 = arith.constant 0 : index
      %get3A_136 = arith.index_cast %mul3A_111 : i32 to index
      %get3A_137 = arith.constant 0 : index
      %get3A_138 = vector.load %arg5[%get3A_135, %get3A_136, %get3A_137] : memref<1x10240x64xf32, #tpu.memory_space<vmem>>, vector<1x256x64xf32>
      %get3A_139 = vector.shape_cast %get3A_138 : vector<1x256x64xf32> to vector<256x64xf32>
      %convert_element_type3A_140 = arith.truncf %div3A_134 : vector<256x256xf32> to vector<256x256xbf16>
      %convert_element_type3A_141 = arith.truncf %get3A_139 : vector<256x64xf32> to vector<256x64xbf16>
      %dot_general3A_142 = arith.constant dense<0.000000e+00> : vector<256x64xf32>
      %dot_general3A_143 = tpu.matmul %convert_element_type3A_140, %convert_element_type3A_141, %dot_general3A_142 {dimension_numbers = #tpu.dot_dimension_numbers<[1], [0], [0], [1], [0, 0, 1, 1], [], []>, transpose_lhs_hint = false} : vector<256x256xbf16>, vector<256x64xbf16>, vector<256x64xf32> -> vector<256x64xf32>
      %add3A_144 = arith.addf %while3A_108, %dot_general3A_143 : vector<256x64xf32>
      scf.yield %add3A_144 : vector<256x64xf32>
    }
    %swap3A = arith.constant 0 : index
    %swap3A_102 = arith.constant 0 : index
    %swap3A_103 = arith.constant 0 : index
    %swap3A_104 = vector.load %arg6[%swap3A, %swap3A_102, %swap3A_103] : memref<1x256x64xf32, #tpu.memory_space<vmem>>, vector<1x256x64xf32>
    %swap3A_105 = vector.shape_cast %swap3A_104 : vector<1x256x64xf32> to vector<256x64xf32>
    %swap3A_106 = vector.shape_cast %while3A_101 : vector<256x64xf32> to vector<1x256x64xf32>
    tpu.vector_store %arg6[%swap3A, %swap3A_102, %swap3A_103], %swap3A_106 {strides = array<i32>} : memref<1x256x64xf32, #tpu.memory_space<vmem>>, vector<1x256x64xf32>,
    return
  }
  func.func @transform_0(%arg0: i32, %arg1: i32) -> (i32, i32) {
    %c0_i32 = arith.constant 0 : i32
    %c0_i32_0 = arith.constant 0 : i32
    %c0_i32_1 = arith.constant 0 : i32
    return %c0_i32, %c0_i32_0 : i32, i32
  }
  func.func @transform_1(%arg0: i32, %arg1: i32) -> (i32, i32, i32) {
    %c0_i32 = arith.constant 0 : i32
    %c0_i32_0 = arith.constant 0 : i32
    return %arg0, %arg1, %c0_i32 : i32, i32, i32
  }
  func.func @transform_2(%arg0: i32, %arg1: i32) -> (i32, i32, i32) {
    %add3A = arith.constant 4 : i32
    %add3A_0 = arith.addi %add3A, %arg0 : i32
    %c0_i32 = arith.constant 0 : i32
    %c0_i32_1 = arith.constant 0 : i32
    %c0_i32_2 = arith.constant 0 : i32
    return %add3A_0, %c0_i32, %c0_i32_1 : i32, i32, i32
  }
  func.func @transform_3(%arg0: i32, %arg1: i32) -> (i32, i32, i32) {
    %add3A = arith.constant 8 : i32
    %add3A_0 = arith.addi %add3A, %arg0 : i32
    %c0_i32 = arith.constant 0 : i32
    %c0_i32_1 = arith.constant 0 : i32
    %c0_i32_2 = arith.constant 0 : i32
    return %add3A_0, %c0_i32, %c0_i32_1 : i32, i32, i32
  }
  func.func @transform_4(%arg0: i32, %arg1: i32) -> (i32, i32, i32) {
    %c0_i32 = arith.constant 0 : i32
    %c0_i32_0 = arith.constant 0 : i32
    return %arg0, %arg1, %c0_i32 : i32, i32, i32
  }
}

module attributes {stable_mosaic.version = 14 : i64} {
  func.func @_oproj_body(%arg0: i32, %arg1: memref<4x1024x64xf32, #tpu.memory_space<vmem>>, %arg2: memref<256x256xf32, #tpu.memory_space<vmem>>, %arg3: memref<1x256xf32, #tpu.memory_space<vmem>>, %arg4: memref<1024x256xf32, #tpu.memory_space<vmem>>) attributes {dimension_semantics = [#tpu.dimension_semantics<arbitrary>], iteration_bounds = array<i64: 10>, scalar_prefetch = 0 : i64, scratch_operands = 0 : i64, tpu.core_type = #tpu.core_type<tc>, window_params = [{transform_indices = @transform_0, window_bounds = array<i64: 4, 1024, 64>}, {pipeline_mode = #tpu.pipeline_mode<synchronous>, transform_indices = @transform_1, window_bounds = array<i64: 256, 256>}, {pipeline_mode = #tpu.pipeline_mode<synchronous>, transform_indices = @transform_2, window_bounds = array<i64: 1, 256>}, {transform_indices = @transform_3, window_bounds = array<i64: 1024, 256>}]} {
    %get3A = arith.constant 0 : index
    %get3A_0 = arith.constant 0 : index
    %get3A_1 = arith.constant 0 : index
    %get3A_2 = vector.load %arg1[%get3A, %get3A_0, %get3A_1] : memref<4x1024x64xf32, #tpu.memory_space<vmem>>, vector<1x1024x64xf32>
    %get3A_3 = vector.shape_cast %get3A_2 : vector<1x1024x64xf32> to vector<1024x64xf32>
    %get3A_4 = arith.constant 1 : index
    %get3A_5 = arith.constant 0 : index
    %get3A_6 = arith.constant 0 : index
    %get3A_7 = vector.load %arg1[%get3A_4, %get3A_5, %get3A_6] : memref<4x1024x64xf32, #tpu.memory_space<vmem>>, vector<1x1024x64xf32>
    %get3A_8 = vector.shape_cast %get3A_7 : vector<1x1024x64xf32> to vector<1024x64xf32>
    %get3A_9 = arith.constant 2 : index
    %get3A_10 = arith.constant 0 : index
    %get3A_11 = arith.constant 0 : index
    %get3A_12 = vector.load %arg1[%get3A_9, %get3A_10, %get3A_11] : memref<4x1024x64xf32, #tpu.memory_space<vmem>>, vector<1x1024x64xf32>
    %get3A_13 = vector.shape_cast %get3A_12 : vector<1x1024x64xf32> to vector<1024x64xf32>
    %get3A_14 = arith.constant 3 : index
    %get3A_15 = arith.constant 0 : index
    %get3A_16 = arith.constant 0 : index
    %get3A_17 = vector.load %arg1[%get3A_14, %get3A_15, %get3A_16] : memref<4x1024x64xf32, #tpu.memory_space<vmem>>, vector<1x1024x64xf32>
    %get3A_18 = vector.shape_cast %get3A_17 : vector<1x1024x64xf32> to vector<1024x64xf32>
    %concatenate3A = tpu.concatenate %get3A_3, %get3A_8, %get3A_13, %get3A_18 in 1 : vector<1024x64xf32>, vector<1024x64xf32>, vector<1024x64xf32>, vector<1024x64xf32> -> vector<1024x256xf32>
    %get3A_19 = arith.constant 0 : index
    %get3A_20 = arith.constant 0 : index
    %get3A_21 = vector.load %arg2[%get3A_19, %get3A_20] : memref<256x256xf32, #tpu.memory_space<vmem>>, vector<256x256xf32>
    %convert_element_type3A = arith.truncf %concatenate3A : vector<1024x256xf32> to vector<1024x256xbf16>
    %convert_element_type3A_22 = arith.truncf %get3A_21 : vector<256x256xf32> to vector<256x256xbf16>
    %dot_general3A = arith.constant dense<0.000000e+00> : vector<1024x256xf32>
    %dot_general3A_23 = tpu.matmul %convert_element_type3A, %convert_element_type3A_22, %dot_general3A {dimension_numbers = #tpu.dot_dimension_numbers<[1], [0], [0], [1], [0, 0, 1, 1], [], []>, transpose_lhs_hint = false} : vector<1024x256xbf16>, vector<256x256xbf16>, vector<1024x256xf32> -> vector<1024x256xf32>
    %get3A_24 = arith.constant 0 : index
    %get3A_25 = arith.constant 0 : index
    %get3A_26 = vector.load %arg3[%get3A_24, %get3A_25] : memref<1x256xf32, #tpu.memory_space<vmem>>, vector<1x256xf32>
    %add3A = vector.broadcast %get3A_26 : vector<1x256xf32> to vector<1024x256xf32>
    %add3A_27 = arith.addf %dot_general3A_23, %add3A : vector<1024x256xf32>
    %swap3A = arith.constant 0 : index
    %swap3A_28 = arith.constant 0 : index
    %swap3A_29 = vector.load %arg4[%swap3A, %swap3A_28] : memref<1024x256xf32, #tpu.memory_space<vmem>>, vector<1024x256xf32>
    tpu.vector_store %arg4[%swap3A, %swap3A_28], %add3A_27 {strides = array<i32>} : memref<1024x256xf32, #tpu.memory_space<vmem>>, vector<1024x256xf32>,
    return
  }
  func.func @transform_0(%arg0: i32) -> (i32, i32, i32) {
    %c0_i32 = arith.constant 0 : i32
    %c0_i32_0 = arith.constant 0 : i32
    %c0_i32_1 = arith.constant 0 : i32
    return %c0_i32, %arg0, %c0_i32_0 : i32, i32, i32
  }
  func.func @transform_1(%arg0: i32) -> (i32, i32) {
    %c0_i32 = arith.constant 0 : i32
    %c0_i32_0 = arith.constant 0 : i32
    %c0_i32_1 = arith.constant 0 : i32
    return %c0_i32, %c0_i32_0 : i32, i32
  }
  func.func @transform_2(%arg0: i32) -> (i32, i32) {
    %c0_i32 = arith.constant 0 : i32
    %c0_i32_0 = arith.constant 0 : i32
    %c0_i32_1 = arith.constant 0 : i32
    return %c0_i32, %c0_i32_0 : i32, i32
  }
  func.func @transform_3(%arg0: i32) -> (i32, i32) {
    %c0_i32 = arith.constant 0 : i32
    %c0_i32_0 = arith.constant 0 : i32
    return %arg0, %c0_i32 : i32, i32
  }
}

module attributes {stable_mosaic.version = 14 : i64} {
  func.func @_pool_body(%arg0: memref<10240x256xf32, #tpu.memory_space<vmem>>, %arg1: memref<1x10240xi32, #tpu.memory_space<vmem>>, %arg2: memref<256x128xf32, #tpu.memory_space<vmem>>, %arg3: memref<1x128xf32, #tpu.memory_space<vmem>>, %arg4: memref<128x128xf32, #tpu.memory_space<vmem>>, %arg5: memref<1x128xf32, #tpu.memory_space<vmem>>, %arg6: memref<64x128xf32, #tpu.memory_space<vmem>>) attributes {dimension_semantics = [], scalar_prefetch = 0 : i64, scratch_operands = 0 : i64, tpu.core_type = #tpu.core_type<tc>} {
    %iota3A = tpu.iota {dimensions = array<i32: 0>} : vector<64x10240xi32>
    %get3A = arith.constant 0 : index
    %get3A_0 = arith.constant 0 : index
    %get3A_1 = vector.load %arg1[%get3A, %get3A_0] : memref<1x10240xi32, #tpu.memory_space<vmem>>, vector<1x10240xi32>
    %eq3A = vector.broadcast %get3A_1 : vector<1x10240xi32> to vector<64x10240xi32>
    %eq3A_2 = arith.cmpi eq, %iota3A, %eq3A : vector<64x10240xi32>
    %convert_element_type3A = arith.extui %eq3A_2 : vector<64x10240xi1> to vector<64x10240xi32>
    %convert_element_type3A_3 = arith.sitofp %convert_element_type3A : vector<64x10240xi32> to vector<64x10240xf32>
    %reduce_sum3A = arith.constant dense<0.000000e+00> : vector<64xf32>
    %reduce_sum3A_4 = vector.multi_reduction <add>, %convert_element_type3A_3, %reduce_sum3A [1] : vector<64x10240xf32> to vector<64xf32>
    %broadcast_in_dim3A = vector.shape_cast %reduce_sum3A_4 : vector<64xf32> to vector<64x1xf32>
    %get3A_5 = arith.constant 0 : index
    %get3A_6 = arith.constant 0 : index
    %get3A_7 = vector.load %arg0[%get3A_5, %get3A_6] : memref<10240x256xf32, #tpu.memory_space<vmem>>, vector<10240x256xf32>
    %dot_general3A = arith.constant dense<0.000000e+00> : vector<64x256xf32>
    %dot_general3A_8 = tpu.matmul %convert_element_type3A_3, %get3A_7, %dot_general3A {dimension_numbers = #tpu.dot_dimension_numbers<[1], [0], [0], [1], [0, 0, 1, 1], [], []>, precision = #tpu.contract_precision<fp32>, transpose_lhs_hint = false} : vector<64x10240xf32>, vector<10240x256xf32>, vector<64x256xf32> -> vector<64x256xf32>
    %div3A = vector.broadcast %broadcast_in_dim3A : vector<64x1xf32> to vector<64x256xf32>
    %div3A_9 = arith.divf %dot_general3A_8, %div3A : vector<64x256xf32>
    %get3A_10 = arith.constant 0 : index
    %get3A_11 = arith.constant 0 : index
    %get3A_12 = vector.load %arg2[%get3A_10, %get3A_11] : memref<256x128xf32, #tpu.memory_space<vmem>>, vector<256x128xf32>
    %convert_element_type3A_13 = arith.truncf %div3A_9 : vector<64x256xf32> to vector<64x256xbf16>
    %convert_element_type3A_14 = arith.truncf %get3A_12 : vector<256x128xf32> to vector<256x128xbf16>
    %dot_general3A_15 = arith.constant dense<0.000000e+00> : vector<64x128xf32>
    %dot_general3A_16 = tpu.matmul %convert_element_type3A_13, %convert_element_type3A_14, %dot_general3A_15 {dimension_numbers = #tpu.dot_dimension_numbers<[1], [0], [0], [1], [0, 0, 1, 1], [], []>, transpose_lhs_hint = false} : vector<64x256xbf16>, vector<256x128xbf16>, vector<64x128xf32> -> vector<64x128xf32>
    %get3A_17 = arith.constant 0 : index
    %get3A_18 = arith.constant 0 : index
    %get3A_19 = vector.load %arg3[%get3A_17, %get3A_18] : memref<1x128xf32, #tpu.memory_space<vmem>>, vector<1x128xf32>
    %add3A = vector.broadcast %get3A_19 : vector<1x128xf32> to vector<64x128xf32>
    %add3A_20 = arith.addf %dot_general3A_16, %add3A : vector<64x128xf32>
    %max3A = arith.constant 0.000000e+00 : f32
    %max3A_21 = vector.broadcast %max3A : f32 to vector<64x128xf32>
    %max3A_22 = arith.maximumf %add3A_20, %max3A_21 : vector<64x128xf32>
    %get3A_23 = arith.constant 0 : index
    %get3A_24 = arith.constant 0 : index
    %get3A_25 = vector.load %arg4[%get3A_23, %get3A_24] : memref<128x128xf32, #tpu.memory_space<vmem>>, vector<128x128xf32>
    %convert_element_type3A_26 = arith.truncf %max3A_22 : vector<64x128xf32> to vector<64x128xbf16>
    %convert_element_type3A_27 = arith.truncf %get3A_25 : vector<128x128xf32> to vector<128x128xbf16>
    %dot_general3A_28 = arith.constant dense<0.000000e+00> : vector<64x128xf32>
    %dot_general3A_29 = tpu.matmul %convert_element_type3A_26, %convert_element_type3A_27, %dot_general3A_28 {dimension_numbers = #tpu.dot_dimension_numbers<[1], [0], [0], [1], [0, 0, 1, 1], [], []>, transpose_lhs_hint = false} : vector<64x128xbf16>, vector<128x128xbf16>, vector<64x128xf32> -> vector<64x128xf32>
    %get3A_30 = arith.constant 0 : index
    %get3A_31 = arith.constant 0 : index
    %get3A_32 = vector.load %arg5[%get3A_30, %get3A_31] : memref<1x128xf32, #tpu.memory_space<vmem>>, vector<1x128xf32>
    %add3A_33 = vector.broadcast %get3A_32 : vector<1x128xf32> to vector<64x128xf32>
    %add3A_34 = arith.addf %dot_general3A_29, %add3A_33 : vector<64x128xf32>
    %swap3A = arith.constant 0 : index
    %swap3A_35 = arith.constant 0 : index
    %swap3A_36 = vector.load %arg6[%swap3A, %swap3A_35] : memref<64x128xf32, #tpu.memory_space<vmem>>, vector<64x128xf32>
    tpu.vector_store %arg6[%swap3A, %swap3A_35], %add3A_34 {strides = array<i32>} : memref<64x128xf32, #tpu.memory_space<vmem>>, vector<64x128xf32>,
    return
  }
}

</mosaic_0001>

<sc_bundles>
// kernel: kernel.16.cloned.1.call-start
scs
__scs_entry_jumppad:
0x0: {  	(pc) =	sbr.rel $0x88, $3  }
0x1: {  	(tag) =	ssettag $0x0;
	lr =	simm.s32 $0x1  }
0x2: {  	[smem:$0x3F82] =	sst lr;
	_ =	strace $0xD0000000  }
0x3: {  	_ = 	snop  }
0x4: {  	_ = 	snop  }
0x5: {  	_ = 	snop  }
0x6: {  	_ = 	snop  }
0x7: {  	_ = 	snop  }
__scs_overlays_trampoline_lowered:
0x8: {  	[smem:$0x3F91] =	sst s0  }
0x9: {  	[smem:$0x3F92] =	sst s1  }
0xa: {  	[smem:$0x3F93] =	sst s2  }
0xb: {  	[smem:$0x3F94] =	sst s3  }
0xc: {  	[smem:$0x3F95] =	sst s4  }
0xd: {  	[smem:$0x3F96] =	sst s5  }
0xe: {  	[smem:$0x3F97] =	sst s6  }
0xf: {  	[smem:$0x3F98] =	sst s7  }
0x10: {  	[smem:$0x3F99] =	sst s8  }
0x11: {  	[smem:$0x3F9A] =	sst s9;
	s0 =	simm.s32 @!p0 $0x0  }
0x12: {  	s1 =	sld [smem:$0x3F80];
	s0 =	simm.s32 @p0 $0x1  }
0x13: {  	[smem:$0x3F9B] =	sst s0;
	s0 =	simm.s32 @!p1 $0x0  }
0x14: {  	s2 =	sld [smem:$0x3F7F];
	s0 =	simm.s32 @p1 $0x1  }
0x15: {  	[smem:$0x3F9C] =	sst s0;
	s0 =	simm.s32 @!p2 $0x0  }
0x16: {  	s3 =	sld [smem:$0x3FDB];
	s0 =	simm.s32 @p2 $0x1  }
0x17: {  	s4 =	simm.s32 $0x1BF5;
	[smem:$0x3F9E] =	sst s0  }
0x18: {  	s0 =	sld [smem:$0x3F81];
	_ =	swait.ge [sflag:s4], $0x0  }
0x19: {  	s7 =	sld [smem:$0x3F82]  }
0x1a: {  	s8 =	sadd.s32 $0xFFFFE003, lr  }
0x1b: {  	s9 =	sadd.s32 $0xFFFFFEF7, lr;
	s5 =	simm.s32 $0xFFFFFFFF;
	p2 =	slt.u32 s8, $0xFFFFF086  }
0x1c: {  	p1 =	slt.u32 s9, $0xF7A;
	s5 =	simm.s32 @!p2 $0x0  }
0x1d: {  	s5 =	simm.s32 @p1 $0x1;
	p0 =	seq.s32 s7, s2  }
0x1e: {  	s7 =	smul.u32 @!p0 $0xF7A, s2;
	p2 =	seq.s32 @!p0 s5, $0x0  }
0x1f: {  	s9 =	smul.u32 $0xF7A, s1;
	s8 =	simm.s32 @!p0 $0x1BF5;
	p2 =	por !p2, p0  }
0x20: {  	[sflag:s8] =	ssyncset.s32 @!p0 $0xFFFFF086;
	s6 =	sadd.s32 @!p0 s3, s7;
	s7 =	simm.s32 @!p0 $0x108  }
0x21: {  	s3 =	sadd.s32 s3, s9;
	s6 =	sadd.s32 @!p0 $0x88, s6;
	s7 =	simm.s32 @p2 $0x1082  }
0x22: {  	[simem:s7], [sflag:s8] =	dma.local @!p0 [hbm:s6], $0xF7A  }
0x23: {  	s9 =	sor.u32 $0xD0000000, s2;
	s6 =	simm.s32 $0x108;
	_ =	swait.ge @!p0 [sflag:s8], $0x0  }
0x24: {  	s3 =	sadd.s32 $0x88, s3;
	s6 =	simm.s32 @!p1 $0x1082;
	[sflag:s4] =	ssyncset.s32 $0xFFFFF086  }
0x25: {  	[simem:s6], [sflag:s4] =	dma.local [hbm:s3], $0xF7A  }
0x26: {  	[smem:$0x3F82] =	sst s1;
	(tag) =	ssettag s2;
	_ =	strace s9  }
0x27: {  	s1 =	sld [smem:$0x3F92]  }
0x28: {  	s2 =	sld [smem:$0x3F93]  }
0x29: {  	s4 =	sld [smem:$0x3F95]  }
0x2a: {  	p0 =	seq.s32 s5, $0x0;
	s5 =	sld [smem:$0x3F96]  }
0x2b: {  	s6 =	sld [smem:$0x3F97]  }
0x2c: {  	s7 =	sld [smem:$0x3F98]  }
0x2d: {  	s3 =	simm.s32 $0x108;
	s8 =	sld [smem:$0x3F99]  }
0x2e: {  	s3 =	simm.s32 @!p0 $0x1082;
	s9 =	sld [smem:$0x3F9A]  }
0x2f: {  	lr =	sadd.s32 s0, s3;
	s0 =	sld [smem:$0x3F91]  }
0x30: {  	s3 =	sld [smem:$0x3F94]  }
0x31: {  	[smem:$0x3F9D] =	sst s10  }
0x32: {  	s10 =	sld [smem:$0x3F9B];
	_ =	sdelay $0x3  }
0x33: {  	p0 =	seq.s32 s10, $0x1;
	s10 =	sld [smem:$0x3F9D];
	_ =	sdelay $0x3  }
0x34: {  	[smem:$0x3F9D] =	sst s10  }
0x35: {  	s10 =	sld [smem:$0x3F9C];
	_ =	sdelay $0x3  }
0x36: {  	p1 =	seq.s32 s10, $0x1;
	s10 =	sld [smem:$0x3F9D];
	_ =	sdelay $0x3  }
0x37: {  	[smem:$0x3F9D] =	sst s10  }
0x38: {  	s10 =	sld [smem:$0x3F9E]  }
0x39: {  	_ = 	snop;
	(pc) =	sbr.ind lr, $3  }
0x3a: {  	_ = 	snop  }
0x3b: {  	_ = 	snop  }
0x3c: {  	p2 =	seq.s32 s10, $0x1;
	s10 =	sld [smem:$0x3F9D]  }
0x3d: {  	_ =	shalt  }
0x3e: {  	_ =	shalt  }
0x3f: {  	_ =	shalt  }
0x40: {  	_ =	shalt  }
0x41: {  	_ =	shalt  }
0x42: {  	_ =	shalt  }
0x43: {  	_ =	shalt  }
0x44: {  	_ =	shalt  }
0x45: {  	_ =	shalt  }
0x46: {  	_ =	shalt  }
0x47: {  	_ =	shalt  }
0x48: {  	_ =	shalt  }
0x49: {  	_ =	shalt  }
0x4a: {  	_ =	shalt  }
0x4b: {  	_ =	shalt  }
0x4c: {  	_ =	shalt  }
0x4d: {  	_ =	shalt  }
0x4e: {  	_ =	shalt  }
0x4f: {  	_ =	shalt  }
0x50: {  	_ =	shalt  }
0x51: {  	_ =	shalt  }
0x52: {  	_ =	shalt  }
0x53: {  	_ =	shalt  }
0x54: {  	_ =	shalt  }
0x55: {  	_ =	shalt  }
0x56: {  	_ =	shalt  }
0x57: {  	_ =	shalt  }
0x58: {  	_ =	shalt  }
0x59: {  	_ =	shalt  }
0x5a: {  	_ =	shalt  }
0x5b: {  	_ =	shalt  }
0x5c: {  	_ =	shalt  }
0x5d: {  	_ =	shalt  }
0x5e: {  	_ =	shalt  }
0x5f: {  	_ =	shalt  }
0x60: {  	_ =	shalt  }
0x61: {  	_ =	shalt  }
0x62: {  	_ =	shalt  }
0x63: {  	_ =	shalt  }
0x64: {  	_ =	shalt  }
0x65: {  	_ =	shalt  }
0x66: {  	_ =	shalt  }
0x67: {  	_ =	shalt  }
0x68: {  	_ =	shalt  }
0x69: {  	_ =	shalt  }
0x6a: {  	_ =	shalt  }
0x6b: {  	_ =	shalt  }
0x6c: {  	_ =	shalt  }
0x6d: {  	_ =	shalt  }
0x6e: {  	_ =	shalt  }
0x6f: {  	_ =	shalt  }
0x70: {  	_ =	shalt  }
0x71: {  	_ =	shalt  }
0x72: {  	_ =	shalt  }
0x73: {  	_ =	shalt  }
0x74: {  	_ =	shalt  }
0x75: {  	_ =	shalt  }
0x76: {  	_ =	shalt  }
0x77: {  	_ =	shalt  }
0x78: {  	_ =	shalt  }
0x79: {  	_ =	shalt  }
0x7a: {  	_ =	shalt  }
0x7b: {  	_ =	shalt  }
0x7c: {  	_ =	shalt  }
0x7d: {  	_ =	shalt  }
0x7e: {  	_ =	shalt  }
0x7f: {  	_ =	shalt  }
0x80: {  	_ =	shalt  }
0x81: {  	_ =	shalt  }
0x82: {  	_ =	shalt  }
0x83: {  	_ =	shalt  }
0x84: {  	_ =	shalt  }
0x85: {  	_ =	shalt  }
0x86: {  	_ =	shalt  }
0x87: {  	_ =	shalt  }
.Lfunc_end0:
.L_simem_size_0:
called_computation_lowered:
.L_overlay_start_0:
0x88: {  	s2 =	sld [smem:$0x3FD9]  }
0x89: {  	s3 =	sld [smem:$0x3FFE];
	_ =	sdelay $0x1  }
0x8a: {  	s1 =	srdreg.scid  }
0x8b: {  	s0 =	sand.u32 $0x1, s1  }
0x8c: {  	s16 =	sshll.u32 s0, $0xA;
	s2 =	sadd.s32 s3, s2  }
0x8d: {  	s2 =	sadd.s32 s2, s16  }
0x8e: {  	[smem:$0x3FA9] =	sst s2  }
0x8f: {  	_ = 	snop  }
0x90: {  	(tm) =	ssettm $0x1  }
0x91: {  	s17 =	sld [smem:$0x3FFB];
	_ =	sdelay $0x3  }
0x92: {  	_ =	strace s17  }
0x93: {  	s2 =	sld [smem:$0x3FFC];
	_ =	sdelay $0x3  }
0x94: {  	_ =	strace s2  }
0x95: {  	s2 =	sld [smem:$0x3FFD];
	_ =	sdelay $0x3  }
0x96: {  	_ =	strace s2  }
0x97: {  	_ =	strace $0x8FFFFFFF  }
0x98: {  	s18 =	sld [smem:$0x3FDB];
	_ =	sdelay $0x1  }
0x99: {  	s19 =	simm.s32 $_scs_section_size  }
0x9a: {  	s4 =	simm.s32 $_size__tile_overlayer_lowered;
	s5 =	simm.s32 $_tile_overlayer_lowered  }
0x9b: {  	s22 =	simm.s32 $0x1BFF;
	s21 =	sshll.u32 s5, $0x1;
	s2 =	sadd.s32 s19, s18  }
0x9c: {  	s6 =	simm.s32 $0x0;
	s20 =	sshll.u32 s4, $0x1;
	s4 =	sadd.s32 s21, s2  }
0x9d: {  	[timem:s6], [sflag:s22] =	dma.local [hbm:s4], s20  }
0x9e: {  	_ =	swait.ge [sflag:s22], s20  }
0x9f: {  	s3 =	ssub.s32 $0x0, s20;
	[sflag:s22] =	ssyncset.done $0x0  }
0xa0: {  	[sflag:s22] =	ssyncadd.s32 s3;
	_ =	sdelay $0x1  }
0xa1: {  	s23 =	simm.s32 $0x1B8B  }
0xa2: {  	_ =	swait.ge [sflag:s23], $0x1  }
0xa3: {  	[sflag:s23] =	ssyncset.done $0x0  }
0xa4: {  	s25 =	simm.s32 $0x1B8E;
	s24 =	sld [smem:$0x3FFE];
	[sflag:s23] =	ssyncadd.s32 $0xFFFFFFFF  }
0xa5: {  	s26 =	simm.s32 $execute0_lowered;
	[smem:$0x3FD2] =	sst s25  }
0xa6: {  	s4 =	sshll.u32 s26, $0x1;
	_ =	strace $0x80000046;
	[dreg:$0x1] =	wrdreg $0xFFFFFFFF  }
0xa7: {  	s28 =	simm.s32 $_size_execute0_lowered;
	s2 =	sadd.s32 s2, s4;
	[dreg:$0x0] =	wrdreg $0x0  }
0xa8: {  	s4 =	sshll.u32 s28, $0x1;
	[dreg:$0x2] =	wrdreg s2  }
0xa9: {  	[dreg:$0x3] =	wrdreg s4  }
0xaa: {  	[dreg:$0x4] =	wrdreg $0xC0  }
0xab: {  	_ =	task [dreg:s6], $0x5FFFF  }
0xac: {  	[dreg:$0x1] =	wrdreg $0xFFFFFFFF  }
0xad: {  	[dreg:$0x0] =	wrdreg $0x60  }
0xae: {  	[dreg:$0x2] =	wrdreg s24  }
0xaf: {  	[dreg:$0x3] =	wrdreg $0xB4800  }
0xb0: {  	[dreg:$0x4] =	wrdreg $0x9  }
0xb1: {  	_ =	task.clear_ibuf [dreg:s6], $0x5FFFF;
	_ =	strace $0x90000046  }
0xb2: {  	s29 =	simm.s32 $0x9;
	_ =	strace $0x80000048  }
0xb3: {  	_ =	swait.ge [sflag:s29], $0x1  }
0xb4: {  	[sflag:s29] =	ssyncadd.s32 $0xFFFFFFFF  }
0xb5: {  	_ =	strace $0x90000048  }
0xb6: {  	_ =	sfence  }
0xb7: {  	s30 =	sld [smem:$0x0];
	_ =	sdelay $0x2  }
0xb8: {  	s31 =	sshll.u32 s1, $0xD;
	s1 =	sshrl.u32 s1, $0x2  }
0xb9: {  	s3 =	sand.u32 $0x4000, s31;
	s1 =	sadd.s32 s1, s30  }
0xba: {  	s0 =	sor.u32 s3, s0;
	s1 =	sshll.u32 s1, $0x11  }
0xbb: {  	s0 =	sor.u32 s1, s0  }
0xbc: {  	s0 =	sadd.s32 $0x8F2B, s0  }
0xbd: {  	[sflag:s0] =	ssyncadd.remote.s32 $0x1  }
0xbe: {  	_ =	sfence.sel $0xFFFF  }
0xbf: {  	[dreg:$0x0] =	wrdreg $0xFFFFFFFF;
	(pc) =	sbr.abs _section_cstart, $3  }
0xc0: {  	[dreg:$0x1] =	wrdreg $0xFFFFFFFF  }
0xc1: {  	_ =	task.clear_ibuf [dreg:s6], $0x2FFFF;
	_ =	strace $0x9FFFFFFF  }
0xc2: {  	(tm) =	ssettm $0x7FFFFFFF  }
0xc3: {  	_ =	shalt  }
tec
execute0_lowered:
.L_overlay_start_1:
0x0: {  	(tag) =	ssettag $0x1  }
0x1: {  	s0 =	rddreg [dreg:$0x0]  }
0x2: {  	s1 =	rddreg [dreg:$0x1]  }
0x3: {  	s3 =	simm.s32 $0x0;
	s2 =	srdreg.scid;
	s12 =	stileid.u32  }
0x4: {  	s28 =	simm.s32 $0x38;
	s31 =	simm.s32 $0x80;
	s16 =	simm.s32 $0x280  }
0x5: {  	s17 =	simm.s32 $0x400;
	s29 =	simm.s32 $0x6;
	s10 =	smul.u32 $0x2800, s12  }
0x6: {  	[smem:$0x7FF] =	sst s3;
	s2 =	sand.u32 $0x1, s2;
	s6 =	smul.u32 $0x4EC0, s12  }
0x7: {  	s4 =	sadd.s32 $0x86C00, s0;
	s5 =	sadd.s32 $0xF400, s0;
	s18 =	smul.u32 $0x50000, s12  }
0x8: {  	s7 =	sadd.s32 $0x23000, s0;
	s8 =	sadd.s32 $0x5600, s0;
	s9 =	smul.u32 $0x28000, s2  }
0x9: {  	_ =	strace $0x80000047;
	s11 =	smul.u32 $0x4EC00, s2;
	s2 =	ssub.s32 $0x2, s2  }
0xa: {  	s19 =	sshrl.u32 s2, $0x1;
	s21 =	sshrl.u32 s6, $0x3;
	s9 =	sadd.s32 s10, s9  }
0xb: {  	s2 =	ssub.s32 s2, s19;
	s10 =	sshrl.u32 s18, $0x2;
	s22 =	sadd.s32 s8, s21  }
0xc: {  	s18 =	simm.s32 $0x4;
	s19 =	simm.s32 $0x3;
	s0 =	sadd.s32 s9, s0  }
0xd: {  	s9 =	sadd.s32 s6, s11;
	s24 =	sadd.s32 $0x7, s22;
	[dreg:$0x5] =	wrdreg s22  }
0xe: {  	s10 =	sadd.s32 s10, s1;
	s26 =	sadd.s32 $0xE, s22;
	[dreg:$0x8] =	wrdreg s24  }
0xf: {  	s30 =	smax.u32 s2, $0x1;
	s22 =	simm.s32 $0xAC80;
	[dreg:$0xb] =	wrdreg s26  }
0x10: {  	s11 =	sshrl.u32 s9, $0x3;
	s0 =	sadd.s32 $0x126C00, s0;
	[dreg:$0xd] =	wrdreg s30  }
0x11: {  	s26 =	simm.s32 $0x1;
	s20 =	sadd.s32 s5, s11;
	[dreg:$0xc] =	wrdreg s0  }
0x12: {  	s13 =	sadd.s32 s7, s11;
	s23 =	sor.u32 $0x7, s11;
	[dreg:$0x3] =	wrdreg s20  }
0x13: {  	s11 =	sadd.s32 $0xE, s11;
	[dreg:$0x4] =	wrdreg s13;
	s14 =	sadd.s32 s5, s23  }
0x14: {  	s0 =	simm.s32 $0x200;
	s12 =	sadd.s32 s7, s23;
	[dreg:$0x6] =	wrdreg s14  }
0x15: {  	s25 =	sadd.s32 s5, s11;
	s11 =	sadd.s32 s7, s11;
	[dreg:$0x7] =	wrdreg s12  }
0x16: {  	s23 =	simm.s32 $0xA;
	s13 =	simm.s32 $0x5;
	[dreg:$0x9] =	wrdreg s25  }
0x17: {  	s20 =	simm.s32 $0x7;
	[dreg:$0xa] =	wrdreg s11;
	s11 =	simm.s32 $0x2  }
0x18: {  	v0 =	vimm.f32 $0.0e+00;
	s12 =	simm.s32 $0x8;
	s25 =	simm.s32 $0x9;
	s14 =	simm.s32 $0x0  }
.LBB2_1:
0x19: {  	s2 =	simm.s32 $0x0;
	s21 =	simm.s32 $0x200  }
.LBB2_2:
0x1a: {  	p0 =	sne.s32 s21, $0x1E00;
	[tilespmem:s2+$0xACF0] =	vst v0  }
0x1b: {  	[tilespmem:s2+$0xAC80] =	vst v0  }
0x1c: {  	[tilespmem:s2+$0xAC90] =	vst v0  }
.Ltmp0:
0x1d: {  	[tilespmem:s2+$0xACA0] =	vst v0;
	(pc) =	sbr.rel @p0 .LBB2_2-.Ltmp0, $4  }
0x1e: {  	[tilespmem:s2+$0xACB0] =	vst v0  }
0x1f: {  	[tilespmem:s2+$0xACC0] =	vst v0  }
0x20: {  	[tilespmem:s2+$0xACD0] =	vst v0  }
0x21: {  	[tilespmem:s2+$0xACE0] =	vst v0;
	s2 =	sshra.s32 s21, $0x2;
	s21 =	sadd.s32 $0x200, s21  }
0x22: {  	[tilespmem:s2+$0xACF0] =	vst v0  }
0x23: {  	[tilespmem:s2+$0xAC80] =	vst v0  }
0x24: {  	[tilespmem:s2+$0xAC90] =	vst v0  }
0x25: {  	[tilespmem:s2+$0xACA0] =	vst v0  }
0x26: {  	[tilespmem:s2+$0xACB0] =	vst v0  }
0x27: {  	[tilespmem:s2+$0xACC0] =	vst v0  }
0x28: {  	[tilespmem:s2+$0xACD0] =	vst v0  }
0x29: {  	[dreg:$0xe] =	wrdreg s14;
	[tilespmem:s2+$0xACE0] =	vst v0;
	s30 =	sadd.s32 $0x0, s10  }
0x2a: {  	[spmem:s30] =	stream.linear.scatter [tilespmem:s22], [sflag:$0xA], $0x800, $0x38;
	[tilespmem:$0x1F480] =	vst v63  }
0x2b: {  	s2 =	simm.s32 $0x2000;
	_ =	swait.ge [sflag:s23], $0x800  }
.LBB2_4:
0x2c: {  	s21 =	sshra.s32 s2, $0x2;
	[sflag:s23] =	ssyncset.done $0x0;
	p0 =	sne.s32 s2, $0x4E000  }
.Ltmp1:
0x2d: {  	s21 =	sadd.s32 s21, s10;
	[sflag:s23] =	ssyncadd.s32 $0xFFFFF800;
	(pc) =	sbr.rel @p0 .LBB2_4-.Ltmp1, $3  }
0x2e: {  	[spmem:s21] =	stream.linear.scatter [tilespmem:s22], [sflag:$0xA], $0x800, $0x38;
	[tilespmem:$0x1F480] =	vst v63  }
0x2f: {  	s2 =	sadd.s32 $0x2000, s2;
	_ =	sdelay $0x1  }
0x30: {  	_ =	swait.ge [sflag:s23], $0x800  }
0x31: {  	[sflag:s23] =	ssyncset.done $0x0  }
0x32: {  	[sflag:s23] =	ssyncadd.s32 $0xFFFFF800  }
0x33: {  	[bflag:$0x0] =	sbarrier.arrive $0xFFFF  }
0x34: {  	s30 =	simm.s32 $0x0;
	s2 =	rddreg [dreg:$0x3]  }
0x35: {  	[tilespmem:s30], [sflag:$0x1] =	stream.linear.gather [hbm4b:s2+s30], $0x38, $0x38;
	[tilespmem:$0x1F480] =	vst v63  }
0x36: {  	s14 =	simm.s32 $0x180;
	s15 =	rddreg [dreg:$0x4]  }
0x37: {  	[tilespmem:s14], [sflag:$0x1] =	stream.linear.gather [hbm4b:s15+s30], $0x38, $0x38;
	[tilespmem:$0x1F480] =	vst v63  }
0x38: {  	s21 =	rddreg [dreg:$0x5];
	s15 =	simm.s32 $0x300  }
0x39: {  	[tilespmem:s15], [sflag:$0x1] =	stream.linear.gather [hbm4b:s21+s30], $0x38, $0x38;
	[tilespmem:$0x1F480] =	vst v63  }
0x3a: {  	_ =	swait.ge [sflag:s26], $0x38  }
0x3b: {  	[sflag:s26] =	ssyncset.done $0x0  }
0x3c: {  	[sflag:s26] =	ssyncadd.s32 $0xFFFFFFC8  }
0x3d: {  	_ =	swait.ge [sflag:s26], $0x38  }
0x3e: {  	[sflag:s26] =	ssyncset.done $0x0  }
0x3f: {  	[sflag:s26] =	ssyncadd.s32 $0xFFFFFFC8  }
0x40: {  	_ =	swait.ge [sflag:s26], $0x38  }
0x41: {  	[sflag:s26] =	ssyncset.done $0x0  }
0x42: {  	s24 =	simm.s32 $0x480;
	[sflag:s26] =	ssyncadd.s32 $0xFFFFFFC8  }
0x43: {  	[tilespmem:s24], [sflag:$0x4] =	stream.indirect.gather [hbm4b:s4+s28], $0x80, s30, s28, $0xb8;
	[tilespmem:$0x1F480] =	vst v63  }
0x44: {  	s15 =	simm.s32 $0x5880  }
0x45: {  	[tilespmem:s15], [sflag:$0x4] =	stream.indirect.gather [hbm4b:s4+s28], $0x80, s14, s28, $0xb8;
	[tilespmem:$0x1F480] =	vst v63  }
0x46: {  	s21 =	rddreg [dreg:$0x6]  }
0x47: {  	[tilespmem:s31], [sflag:$0x2] =	stream.linear.gather [hbm4b:s21+s30], $0x38, $0x38;
	[tilespmem:$0x1F480] =	vst v63  }
0x48: {  	s24 =	rddreg [dreg:$0x7]  }
0x49: {  	[tilespmem:s0], [sflag:$0x2] =	stream.linear.gather [hbm4b:s24+s30], $0x38, $0x38;
	[tilespmem:$0x1F480] =	vst v63  }
0x4a: {  	s14 =	rddreg [dreg:$0x8];
	s15 =	simm.s32 $0x380  }
0x4b: {  	[tilespmem:s15], [sflag:$0x2] =	stream.linear.gather [hbm4b:s14+s30], $0x38, $0x38;
	[tilespmem:$0x1F480] =	vst v63  }
0x4c: {  	_ =	swait.ge [sflag:s11], $0x38  }
0x4d: {  	[sflag:s11] =	ssyncset.done $0x0  }
0x4e: {  	[sflag:s11] =	ssyncadd.s32 $0xFFFFFFC8  }
0x4f: {  	_ =	swait.ge [sflag:s11], $0x38  }
0x50: {  	[sflag:s11] =	ssyncset.done $0x0  }
0x51: {  	[sflag:s11] =	ssyncadd.s32 $0xFFFFFFC8  }
0x52: {  	_ =	swait.ge [sflag:s11], $0x38  }
0x53: {  	[sflag:s11] =	ssyncset.done $0x0  }
0x54: {  	s21 =	simm.s32 $0x2080;
	[sflag:s11] =	ssyncadd.s32 $0xFFFFFFC8  }
0x55: {  	[tilespmem:s21], [sflag:$0x5] =	stream.indirect.gather [hbm4b:s4+s28], $0x80, s31, s28, $0xb8;
	[tilespmem:$0x1F480] =	vst v63  }
0x56: {  	s24 =	simm.s32 $0x7480  }
0x57: {  	[tilespmem:s24], [sflag:$0x5] =	stream.indirect.gather [hbm4b:s4+s28], $0x80, s0, s28, $0xb8;
	[tilespmem:$0x1F480] =	vst v63  }
0x58: {  	s15 =	simm.s32 $0x100;
	s14 =	rddreg [dreg:$0x9]  }
0x59: {  	[tilespmem:s15], [sflag:$0x3] =	stream.linear.gather [hbm4b:s14+s30], $0x38, $0x38;
	[tilespmem:$0x1F480] =	vst v63  }
0x5a: {  	s21 =	rddreg [dreg:$0xa]  }
0x5b: {  	[tilespmem:s16], [sflag:$0x3] =	stream.linear.gather [hbm4b:s21+s30], $0x38, $0x38;
	[tilespmem:$0x1F480] =	vst v63  }
0x5c: {  	s24 =	rddreg [dreg:$0xb]  }
0x5d: {  	[tilespmem:s17], [sflag:$0x3] =	stream.linear.gather [hbm4b:s24+s30], $0x38, $0x38;
	[tilespmem:$0x1F480] =	vst v63  }
.LBB2_6:
0x5e: {  	_ =	swait.ge [sflag:s18], $0x1C00  }
0x5f: {  	[sflag:s18] =	ssyncset.done $0x0  }
0x60: {  	[sflag:s18] =	ssyncadd.s32 $0xFFFFE400  }
0x61: {  	_ =	swait.ge [sflag:s18], $0x1C00  }
0x62: {  	[sflag:s18] =	ssyncset.done $0x0  }
0x63: {  	s2 =	simm.s32 $0x0;
	[sflag:s18] =	ssyncadd.s32 $0xFFFFE400  }
0x64: {  	v7 =	vld [tilespmem:s2+$0x480]  }
0x65: {  	v12 =	vld [tilespmem:s2+$0x490]  }
0x66: {  	v6 =	vld [tilespmem:s2+$0x4A0]  }
0x67: {  	v5 =	vld [tilespmem:s2+$0x4B0]  }
0x68: {  	v4 =	vld [tilespmem:s2+$0x4C0]  }
0x69: {  	v3 =	vld [tilespmem:s2+$0x4D0]  }
0x6a: {  	v2 =	vld [tilespmem:s2+$0x4E0]  }
0x6b: {  	v1 =	vld [tilespmem:s2+$0x4F0]  }
0x6c: {  	v13 =	vld [tilespmem:s2+$0x5880]  }
0x6d: {  	v14 =	vld [tilespmem:s2+$0x5890]  }
0x6e: {  	v11 =	vld [tilespmem:s2+$0x58A0]  }
0x6f: {  	v10 =	vld [tilespmem:s2+$0x58B0]  }
0x70: {  	v9 =	vld [tilespmem:s2+$0x58C0]  }
0x71: {  	v8 =	vld [tilespmem:s2+$0x58D0];
	v13 =	vadd.f32 v13, v7  }
0x72: {  	s21 =	simm.s32 $0x200;
	v12 =	vadd.f32 v14, v12;
	v7 =	vld [tilespmem:s2+$0x58E0]  }
.LBB2_7:
0x73: {  	s24 =	sshra.s32 s21, $0x2;
	p0 =	sne.s32 s21, $0x6E00;
	v13 =	vmax.f32 v13, $0.0e+00;
	v6 =	vadd.f32 v11, v6;
	v11 =	vld [tilespmem:s2+$0x58F0]  }
0x74: {  	v14 =	vld [tilespmem:s24+$0x480];
	[tilespmem:s2+$0x5880] =	vst v13;
	v12 =	vmax.f32 v12, $0.0e+00;
	v5 =	vadd.f32 v10, v5  }
0x75: {  	v15 =	vld [tilespmem:s24+$0x490];
	[tilespmem:s2+$0x5890] =	vst v12;
	v10 =	vmax.f32 v6, $0.0e+00;
	v4 =	vadd.f32 v9, v4  }
0x76: {  	v6 =	vld [tilespmem:s24+$0x4A0];
	[tilespmem:s2+$0x58A0] =	vst v10;
	v9 =	vmax.f32 v5, $0.0e+00;
	v3 =	vadd.f32 v8, v3  }
0x77: {  	v5 =	vld [tilespmem:s24+$0x4B0];
	[tilespmem:s2+$0x58B0] =	vst v9;
	v8 =	vmax.f32 v4, $0.0e+00;
	v2 =	vadd.f32 v7, v2  }
0x78: {  	v4 =	vld [tilespmem:s24+$0x4C0];
	[tilespmem:s2+$0x58C0] =	vst v8;
	v7 =	vmax.f32 v3, $0.0e+00;
	v1 =	vadd.f32 v11, v1  }
0x79: {  	v3 =	vld [tilespmem:s24+$0x4D0];
	[tilespmem:s2+$0x58D0] =	vst v7;
	v7 =	vmax.f32 v2, $0.0e+00  }
0x7a: {  	v2 =	vld [tilespmem:s24+$0x4E0];
	[tilespmem:s2+$0x58E0] =	vst v7;
	v7 =	vmax.f32 v1, $0.0e+00  }
0x7b: {  	v1 =	vld [tilespmem:s24+$0x4F0];
	[tilespmem:s2+$0x58F0] =	vst v7;
	s2 =	smov.u32 s24  }
0x7c: {  	v7 =	vld [tilespmem:s2+$0x5880]  }
0x7d: {  	v12 =	vld [tilespmem:s2+$0x5890]  }
.Ltmp2:
0x7e: {  	v11 =	vld [tilespmem:s2+$0x58A0];
	(pc) =	sbr.rel @p0 .LBB2_7-.Ltmp2, $4  }
0x7f: {  	v10 =	vld [tilespmem:s2+$0x58B0]  }
0x80: {  	v9 =	vld [tilespmem:s2+$0x58C0]  }
0x81: {  	v13 =	vadd.f32 v7, v14;
	v8 =	vld [tilespmem:s2+$0x58D0]  }
0x82: {  	s21 =	sadd.s32 $0x200, s21;
	v12 =	vadd.f32 v12, v15;
	v7 =	vld [tilespmem:s2+$0x58E0]  }
0x83: {  	v13 =	vmax.f32 v13, $0.0e+00;
	v6 =	vadd.f32 v11, v6;
	v11 =	vld [tilespmem:s2+$0x58F0]  }
0x84: {  	[tilespmem:s2+$0x5880] =	vst v13;
	v12 =	vmax.f32 v12, $0.0e+00;
	v5 =	vadd.f32 v10, v5  }
0x85: {  	[tilespmem:s2+$0x5890] =	vst v12;
	v6 =	vmax.f32 v6, $0.0e+00;
	v4 =	vadd.f32 v9, v4  }
0x86: {  	[tilespmem:s2+$0x58A0] =	vst v6;
	v5 =	vmax.f32 v5, $0.0e+00;
	v3 =	vadd.f32 v8, v3  }
0x87: {  	[tilespmem:s2+$0x58B0] =	vst v5;
	v4 =	vmax.f32 v4, $0.0e+00;
	v2 =	vadd.f32 v7, v2  }
0x88: {  	[tilespmem:s2+$0x58C0] =	vst v4;
	v3 =	vmax.f32 v3, $0.0e+00;
	v1 =	vadd.f32 v11, v1  }
0x89: {  	[tilespmem:s2+$0x58D0] =	vst v3;
	v2 =	vmax.f32 v2, $0.0e+00  }
0x8a: {  	[tilespmem:s2+$0x58E0] =	vst v2;
	v1 =	vmax.f32 v1, $0.0e+00  }
0x8b: {  	s24 =	simm.s32 $0x300;
	s14 =	simm.s32 $0x5880;
	[tilespmem:s2+$0x58F0] =	vst v1  }
0x8c: {  	[spmem:s1] =	stream.indirect.scatter.add.f32 [tilespmem:s14], [sflag:$0x7], $0x80, s24, s28, $0xb8;
	[tilespmem:$0x1F480] =	vst v63  }
0x8d: {  	_ =	swait.ge [sflag:s19], $0x38  }
0x8e: {  	[sflag:s19] =	ssyncset.done $0x0  }
0x8f: {  	[sflag:s19] =	ssyncadd.s32 $0xFFFFFFC8  }
0x90: {  	_ =	swait.ge [sflag:s19], $0x38  }
0x91: {  	[sflag:s19] =	ssyncset.done $0x0  }
0x92: {  	[sflag:s19] =	ssyncadd.s32 $0xFFFFFFC8  }
0x93: {  	_ =	swait.ge [sflag:s19], $0x38  }
0x94: {  	[sflag:s19] =	ssyncset.done $0x0  }
0x95: {  	s15 =	simm.s32 $0x100;
	s21 =	simm.s32 $0x3C80;
	[sflag:s19] =	ssyncadd.s32 $0xFFFFFFC8  }
0x96: {  	[tilespmem:s21], [sflag:$0x6] =	stream.indirect.gather [hbm4b:s4+s28], $0x80, s15, s28, $0xb8;
	[tilespmem:$0x1F480] =	vst v63  }
0x97: {  	s24 =	simm.s32 $0x9080  }
0x98: {  	[tilespmem:s24], [sflag:$0x6] =	stream.indirect.gather [hbm4b:s4+s28], $0x80, s16, s28, $0xb8;
	[tilespmem:$0x1F480] =	vst v63  }
0x99: {  	_ =	swait.ge [sflag:s13], $0x1C00  }
0x9a: {  	[sflag:s13] =	ssyncset.done $0x0  }
0x9b: {  	[sflag:s13] =	ssyncadd.s32 $0xFFFFE400  }
0x9c: {  	_ =	swait.ge [sflag:s13], $0x1C00  }
0x9d: {  	[sflag:s13] =	ssyncset.done $0x0  }
0x9e: {  	s21 =	simm.s32 $0x0;
	[sflag:s13] =	ssyncadd.s32 $0xFFFFE400  }
0x9f: {  	v7 =	vld [tilespmem:s21+$0x2080]  }
0xa0: {  	v12 =	vld [tilespmem:s21+$0x2090]  }
0xa1: {  	v6 =	vld [tilespmem:s21+$0x20A0]  }
0xa2: {  	v5 =	vld [tilespmem:s21+$0x20B0]  }
0xa3: {  	v4 =	vld [tilespmem:s21+$0x20C0]  }
0xa4: {  	v3 =	vld [tilespmem:s21+$0x20D0]  }
0xa5: {  	v2 =	vld [tilespmem:s21+$0x20E0]  }
0xa6: {  	v1 =	vld [tilespmem:s21+$0x20F0]  }
0xa7: {  	v13 =	vld [tilespmem:s21+$0x7480]  }
0xa8: {  	v14 =	vld [tilespmem:s21+$0x7490]  }
0xa9: {  	v11 =	vld [tilespmem:s21+$0x74A0]  }
0xaa: {  	v10 =	vld [tilespmem:s21+$0x74B0]  }
0xab: {  	v9 =	vld [tilespmem:s21+$0x74C0]  }
0xac: {  	v8 =	vld [tilespmem:s21+$0x74D0];
	v13 =	vadd.f32 v13, v7  }
0xad: {  	s2 =	simm.s32 $0x200;
	v12 =	vadd.f32 v14, v12;
	v7 =	vld [tilespmem:s21+$0x74E0]  }
.LBB2_9:
0xae: {  	s24 =	sshra.s32 s2, $0x2;
	p0 =	sne.s32 s2, $0x6E00;
	v13 =	vmax.f32 v13, $0.0e+00;
	v6 =	vadd.f32 v11, v6;
	v11 =	vld [tilespmem:s21+$0x74F0]  }
0xaf: {  	v14 =	vld [tilespmem:s24+$0x2080];
	[tilespmem:s21+$0x7480] =	vst v13;
	v12 =	vmax.f32 v12, $0.0e+00;
	v5 =	vadd.f32 v10, v5  }
0xb0: {  	v15 =	vld [tilespmem:s24+$0x2090];
	[tilespmem:s21+$0x7490] =	vst v12;
	v10 =	vmax.f32 v6, $0.0e+00;
	v4 =	vadd.f32 v9, v4  }
0xb1: {  	v6 =	vld [tilespmem:s24+$0x20A0];
	[tilespmem:s21+$0x74A0] =	vst v10;
	v9 =	vmax.f32 v5, $0.0e+00;
	v3 =	vadd.f32 v8, v3  }
0xb2: {  	v5 =	vld [tilespmem:s24+$0x20B0];
	[tilespmem:s21+$0x74B0] =	vst v9;
	v8 =	vmax.f32 v4, $0.0e+00;
	v2 =	vadd.f32 v7, v2  }
0xb3: {  	v4 =	vld [tilespmem:s24+$0x20C0];
	[tilespmem:s21+$0x74C0] =	vst v8;
	v7 =	vmax.f32 v3, $0.0e+00;
	v1 =	vadd.f32 v11, v1  }
0xb4: {  	v3 =	vld [tilespmem:s24+$0x20D0];
	[tilespmem:s21+$0x74D0] =	vst v7;
	v7 =	vmax.f32 v2, $0.0e+00  }
0xb5: {  	v2 =	vld [tilespmem:s24+$0x20E0];
	[tilespmem:s21+$0x74E0] =	vst v7;
	v7 =	vmax.f32 v1, $0.0e+00  }
0xb6: {  	v1 =	vld [tilespmem:s24+$0x20F0];
	[tilespmem:s21+$0x74F0] =	vst v7;
	s21 =	smov.u32 s24  }
0xb7: {  	v7 =	vld [tilespmem:s21+$0x7480]  }
0xb8: {  	v12 =	vld [tilespmem:s21+$0x7490]  }
.Ltmp3:
0xb9: {  	v11 =	vld [tilespmem:s21+$0x74A0];
	(pc) =	sbr.rel @p0 .LBB2_9-.Ltmp3, $4  }
0xba: {  	v10 =	vld [tilespmem:s21+$0x74B0]  }
0xbb: {  	v9 =	vld [tilespmem:s21+$0x74C0]  }
0xbc: {  	v13 =	vadd.f32 v7, v14;
	v8 =	vld [tilespmem:s21+$0x74D0]  }
0xbd: {  	s2 =	sadd.s32 $0x200, s2;
	v12 =	vadd.f32 v12, v15;
	v7 =	vld [tilespmem:s21+$0x74E0]  }
0xbe: {  	v13 =	vmax.f32 v13, $0.0e+00;
	v6 =	vadd.f32 v11, v6;
	v11 =	vld [tilespmem:s21+$0x74F0]  }
0xbf: {  	[tilespmem:s21+$0x7480] =	vst v13;
	v12 =	vmax.f32 v12, $0.0e+00;
	v5 =	vadd.f32 v10, v5  }
0xc0: {  	[tilespmem:s21+$0x7490] =	vst v12;
	v6 =	vmax.f32 v6, $0.0e+00;
	v4 =	vadd.f32 v9, v4  }
0xc1: {  	s2 =	smul.u32 $0x3, s30;
	[tilespmem:s21+$0x74A0] =	vst v6;
	v5 =	vmax.f32 v5, $0.0e+00;
	v3 =	vadd.f32 v8, v3  }
0xc2: {  	[tilespmem:s21+$0x74B0] =	vst v5;
	v4 =	vmax.f32 v4, $0.0e+00;
	v2 =	vadd.f32 v7, v2  }
0xc3: {  	s24 =	smin.u32 s2, $0x164;
	[tilespmem:s21+$0x74C0] =	vst v4;
	v3 =	vmax.f32 v3, $0.0e+00;
	v1 =	vadd.f32 v11, v1  }
0xc4: {  	s24 =	smul.u32 $0x38, s24;
	[tilespmem:s21+$0x74D0] =	vst v3;
	v2 =	vmax.f32 v2, $0.0e+00  }
0xc5: {  	[tilespmem:s21+$0x74E0] =	vst v2;
	v1 =	vmax.f32 v1, $0.0e+00  }
0xc6: {  	s14 =	simm.s32 $0x380;
	s15 =	simm.s32 $0x7480;
	[tilespmem:s21+$0x74F0] =	vst v1;
	s21 =	sadd.s32 $0xA8, s24  }
0xc7: {  	[spmem:s1] =	stream.indirect.scatter.add.f32 [tilespmem:s15], [sflag:$0x8], $0x80, s14, s28, $0xb8;
	[tilespmem:$0x1F480] =	vst v63  }
0xc8: {  	s15 =	sadd.s32 s9, s21;
	_ =	swait.ge [sflag:s20], $0x1C00  }
0xc9: {  	s24 =	sshrl.u32 s15, $0x3;
	[sflag:s20] =	ssyncset.done $0x0  }
0xca: {  	s15 =	simm.s32 $0x0;
	s14 =	sadd.s32 s5, s24;
	[sflag:s20] =	ssyncadd.s32 $0xFFFFE400  }
0xcb: {  	[tilespmem:s15], [sflag:$0x1] =	stream.linear.gather [hbm4b:s14+s15], $0x38, $0x38;
	[tilespmem:$0x1F480] =	vst v63  }
0xcc: {  	s14 =	sadd.s32 s6, s21  }
0xcd: {  	s21 =	sadd.s32 s7, s24;
	s24 =	simm.s32 $0x180;
	s14 =	sshrl.u32 s14, $0x3  }
0xce: {  	[tilespmem:s24], [sflag:$0x1] =	stream.linear.gather [hbm4b:s21+s15], $0x38, $0x38;
	[tilespmem:$0x1F480] =	vst v63  }
0xcf: {  	s14 =	sadd.s32 s8, s14;
	s21 =	simm.s32 $0x300  }
0xd0: {  	[tilespmem:s21], [sflag:$0x1] =	stream.linear.gather [hbm4b:s14+s15], $0x38, $0x38;
	[tilespmem:$0x1F480] =	vst v63  }
0xd1: {  	_ =	swait.ge [sflag:s26], $0x38  }
0xd2: {  	[sflag:s26] =	ssyncset.done $0x0  }
0xd3: {  	[sflag:s26] =	ssyncadd.s32 $0xFFFFFFC8  }
0xd4: {  	_ =	swait.ge [sflag:s26], $0x38  }
0xd5: {  	[sflag:s26] =	ssyncset.done $0x0  }
0xd6: {  	[sflag:s26] =	ssyncadd.s32 $0xFFFFFFC8  }
0xd7: {  	_ =	swait.ge [sflag:s26], $0x38  }
0xd8: {  	[sflag:s26] =	ssyncset.done $0x0  }
0xd9: {  	s21 =	simm.s32 $0x480;
	[sflag:s26] =	ssyncadd.s32 $0xFFFFFFC8  }
0xda: {  	[tilespmem:s21], [sflag:$0x4] =	stream.indirect.gather [hbm4b:s4+s28], $0x80, s15, s28, $0xb8;
	[tilespmem:$0x1F480] =	vst v63  }
0xdb: {  	s21 =	simm.s32 $0x5880  }
0xdc: {  	[tilespmem:s21], [sflag:$0x4] =	stream.indirect.gather [hbm4b:s4+s28], $0x80, s24, s28, $0xb8;
	[tilespmem:$0x1F480] =	vst v63  }
0xdd: {  	_ =	swait.ge [sflag:s29], $0x1C00  }
0xde: {  	[sflag:s29] =	ssyncset.done $0x0  }
0xdf: {  	[sflag:s29] =	ssyncadd.s32 $0xFFFFE400  }
0xe0: {  	_ =	swait.ge [sflag:s29], $0x1C00  }
0xe1: {  	[sflag:s29] =	ssyncset.done $0x0  }
0xe2: {  	s21 =	simm.s32 $0x0;
	[sflag:s29] =	ssyncadd.s32 $0xFFFFE400  }
0xe3: {  	v7 =	vld [tilespmem:s21+$0x3C80]  }
0xe4: {  	v12 =	vld [tilespmem:s21+$0x3C90]  }
0xe5: {  	v6 =	vld [tilespmem:s21+$0x3CA0]  }
0xe6: {  	v5 =	vld [tilespmem:s21+$0x3CB0]  }
0xe7: {  	v4 =	vld [tilespmem:s21+$0x3CC0]  }
0xe8: {  	v3 =	vld [tilespmem:s21+$0x3CD0]  }
0xe9: {  	v2 =	vld [tilespmem:s21+$0x3CE0]  }
0xea: {  	v1 =	vld [tilespmem:s21+$0x3CF0]  }
0xeb: {  	v13 =	vld [tilespmem:s21+$0x9080]  }
0xec: {  	v14 =	vld [tilespmem:s21+$0x9090]  }
0xed: {  	v11 =	vld [tilespmem:s21+$0x90A0]  }
0xee: {  	v10 =	vld [tilespmem:s21+$0x90B0]  }
0xef: {  	v9 =	vld [tilespmem:s21+$0x90C0]  }
0xf0: {  	v8 =	vld [tilespmem:s21+$0x90D0];
	v13 =	vadd.f32 v13, v7  }
0xf1: {  	s24 =	simm.s32 $0x200;
	v12 =	vadd.f32 v14, v12;
	v7 =	vld [tilespmem:s21+$0x90E0]  }
.LBB2_11:
0xf2: {  	s14 =	sshra.s32 s24, $0x2;
	p0 =	sne.s32 s24, $0x6E00;
	v13 =	vmax.f32 v13, $0.0e+00;
	v6 =	vadd.f32 v11, v6;
	v11 =	vld [tilespmem:s21+$0x90F0]  }
0xf3: {  	v14 =	vld [tilespmem:s14+$0x3C80];
	[tilespmem:s21+$0x9080] =	vst v13;
	v12 =	vmax.f32 v12, $0.0e+00;
	v5 =	vadd.f32 v10, v5  }
0xf4: {  	v15 =	vld [tilespmem:s14+$0x3C90];
	[tilespmem:s21+$0x9090] =	vst v12;
	v10 =	vmax.f32 v6, $0.0e+00;
	v4 =	vadd.f32 v9, v4  }
0xf5: {  	v6 =	vld [tilespmem:s14+$0x3CA0];
	[tilespmem:s21+$0x90A0] =	vst v10;
	v9 =	vmax.f32 v5, $0.0e+00;
	v3 =	vadd.f32 v8, v3  }
0xf6: {  	v5 =	vld [tilespmem:s14+$0x3CB0];
	[tilespmem:s21+$0x90B0] =	vst v9;
	v8 =	vmax.f32 v4, $0.0e+00;
	v2 =	vadd.f32 v7, v2  }
0xf7: {  	v4 =	vld [tilespmem:s14+$0x3CC0];
	[tilespmem:s21+$0x90C0] =	vst v8;
	v7 =	vmax.f32 v3, $0.0e+00;
	v1 =	vadd.f32 v11, v1  }
0xf8: {  	v3 =	vld [tilespmem:s14+$0x3CD0];
	[tilespmem:s21+$0x90D0] =	vst v7;
	v7 =	vmax.f32 v2, $0.0e+00  }
0xf9: {  	v2 =	vld [tilespmem:s14+$0x3CE0];
	[tilespmem:s21+$0x90E0] =	vst v7;
	v7 =	vmax.f32 v1, $0.0e+00  }
0xfa: {  	v1 =	vld [tilespmem:s14+$0x3CF0];
	[tilespmem:s21+$0x90F0] =	vst v7;
	s21 =	smov.u32 s14  }
0xfb: {  	v7 =	vld [tilespmem:s21+$0x9080]  }
0xfc: {  	v12 =	vld [tilespmem:s21+$0x9090]  }
.Ltmp4:
0xfd: {  	v11 =	vld [tilespmem:s21+$0x90A0];
	(pc) =	sbr.rel @p0 .LBB2_11-.Ltmp4, $4  }
0xfe: {  	v10 =	vld [tilespmem:s21+$0x90B0]  }
0xff: {  	v9 =	vld [tilespmem:s21+$0x90C0]  }
0x100: {  	v13 =	vadd.f32 v7, v14;
	v8 =	vld [tilespmem:s21+$0x90D0]  }
0x101: {  	s24 =	sadd.s32 $0x200, s24;
	v12 =	vadd.f32 v12, v15;
	v7 =	vld [tilespmem:s21+$0x90E0]  }
0x102: {  	v13 =	vmax.f32 v13, $0.0e+00;
	v6 =	vadd.f32 v11, v6;
	v63 =	vld [tilespmem:s21+$0x90F0]  }
0x103: {  	[tilespmem:s21+$0x9080] =	vst v13;
	v12 =	vmax.f32 v12, $0.0e+00;
	v5 =	vadd.f32 v10, v5  }
0x104: {  	[tilespmem:s21+$0x9090] =	vst v12;
	v6 =	vmax.f32 v6, $0.0e+00;
	v4 =	vadd.f32 v9, v4  }
0x105: {  	[tilespmem:s21+$0x90A0] =	vst v6;
	v5 =	vmax.f32 v5, $0.0e+00;
	v3 =	vadd.f32 v8, v3  }
0x106: {  	[tilespmem:s21+$0x90B0] =	vst v5;
	v4 =	vmax.f32 v4, $0.0e+00;
	v2 =	vadd.f32 v7, v2  }
0x107: {  	s14 =	smin.u32 s2, $0x163;
	[tilespmem:s21+$0x90C0] =	vst v4;
	v3 =	vmax.f32 v3, $0.0e+00;
	v1 =	vadd.f32 v63, v1  }
0x108: {  	s14 =	smul.u32 $0x38, s14;
	[tilespmem:s21+$0x90D0] =	vst v3;
	v2 =	vmax.f32 v2, $0.0e+00  }
0x109: {  	[tilespmem:s21+$0x90E0] =	vst v2;
	v1 =	vmax.f32 v1, $0.0e+00  }
0x10a: {  	s15 =	simm.s32 $0x9080;
	s14 =	sadd.s32 $0xE0, s14;
	[tilespmem:s21+$0x90F0] =	vst v1  }
0x10b: {  	[spmem:s1] =	stream.indirect.scatter.add.f32 [tilespmem:s15], [sflag:$0x9], $0x80, s17, s28, $0xb8;
	[tilespmem:$0x1F480] =	vst v63  }
0x10c: {  	s21 =	sadd.s32 s9, s14;
	_ =	swait.ge [sflag:s12], $0x1C00  }
0x10d: {  	s15 =	sshrl.u32 s21, $0x3;
	[sflag:s12] =	ssyncset.done $0x0  }
0x10e: {  	s14 =	sadd.s32 s6, s14;
	s24 =	sadd.s32 s5, s15;
	[sflag:s12] =	ssyncadd.s32 $0xFFFFE400  }
0x10f: {  	[tilespmem:s31], [sflag:$0x2] =	stream.linear.gather [hbm4b:s24+s3], $0x38, $0x38;
	[tilespmem:$0x1F480] =	vst v63  }
0x110: {  	s14 =	sshrl.u32 s14, $0x3;
	s15 =	sadd.s32 s7, s15  }
0x111: {  	[tilespmem:s0], [sflag:$0x2] =	stream.linear.gather [hbm4b:s15+s3], $0x38, $0x38;
	[tilespmem:$0x1F480] =	vst v63  }
0x112: {  	s14 =	sadd.s32 s8, s14;
	s24 =	simm.s32 $0x380  }
0x113: {  	[tilespmem:s24], [sflag:$0x2] =	stream.linear.gather [hbm4b:s14+s3], $0x38, $0x38;
	[tilespmem:$0x1F480] =	vst v63  }
0x114: {  	_ =	swait.ge [sflag:s11], $0x38  }
0x115: {  	[sflag:s11] =	ssyncset.done $0x0  }
0x116: {  	[sflag:s11] =	ssyncadd.s32 $0xFFFFFFC8  }
0x117: {  	_ =	swait.ge [sflag:s11], $0x38  }
0x118: {  	[sflag:s11] =	ssyncset.done $0x0  }
0x119: {  	[sflag:s11] =	ssyncadd.s32 $0xFFFFFFC8  }
0x11a: {  	_ =	swait.ge [sflag:s11], $0x38  }
0x11b: {  	s15 =	smin.u32 s2, $0x162;
	[sflag:s11] =	ssyncset.done $0x0  }
0x11c: {  	s21 =	simm.s32 $0x2080;
	s2 =	smul.u32 $0x38, s15;
	[sflag:s11] =	ssyncadd.s32 $0xFFFFFFC8  }
0x11d: {  	[tilespmem:s21], [sflag:$0x5] =	stream.indirect.gather [hbm4b:s4+s28], $0x80, s31, s28, $0xb8;
	[tilespmem:$0x1F480] =	vst v63  }
0x11e: {  	s24 =	simm.s32 $0x7480;
	s2 =	sadd.s32 $0x118, s2  }
0x11f: {  	[tilespmem:s24], [sflag:$0x5] =	stream.indirect.gather [hbm4b:s4+s28], $0x80, s0, s28, $0xb8;
	[tilespmem:$0x1F480] =	vst v63  }
0x120: {  	s30 =	sadd.s32 $0x1, s30;
	s15 =	sadd.s32 s9, s2;
	_ =	swait.ge [sflag:s25], $0x1C00  }
0x121: {  	p0 =	sne.s32 s30, $0x78;
	s14 =	sshrl.u32 s15, $0x3;
	[sflag:s25] =	ssyncset.done $0x0  }
0x122: {  	s21 =	sadd.s32 s5, s14;
	s24 =	simm.s32 $0x100;
	[sflag:s25] =	ssyncadd.s32 $0xFFFFE400  }
0x123: {  	[tilespmem:s24], [sflag:$0x3] =	stream.linear.gather [hbm4b:s21+s3], $0x38, $0x38;
	[tilespmem:$0x1F480] =	vst v63  }
.Ltmp5:
0x124: {  	s2 =	sadd.s32 s6, s2;
	(pc) =	sbr.rel @p0 .LBB2_6-.Ltmp5, $4  }
0x125: {  	s2 =	sshrl.u32 s2, $0x3;
	s14 =	sadd.s32 s7, s14  }
0x126: {  	[tilespmem:s16], [sflag:$0x3] =	stream.linear.gather [hbm4b:s14+s3], $0x38, $0x38;
	[tilespmem:$0x1F480] =	vst v63  }
0x127: {  	s2 =	sadd.s32 s8, s2  }
0x128: {  	[tilespmem:s17], [sflag:$0x3] =	stream.linear.gather [hbm4b:s2+s3], $0x38, $0x38;
	[tilespmem:$0x1F480] =	vst v63  }
0x129: {  	_ =	swait.ge [sflag:s18], $0x1C00  }
0x12a: {  	[sflag:s18] =	ssyncset.done $0x0  }
0x12b: {  	[sflag:s18] =	ssyncadd.s32 $0xFFFFE400  }
0x12c: {  	_ =	swait.ge [sflag:s18], $0x1C00  }
0x12d: {  	[sflag:s18] =	ssyncset.done $0x0  }
0x12e: {  	[sflag:s18] =	ssyncadd.s32 $0xFFFFE400  }
0x12f: {  	_ =	swait.ge [sflag:s13], $0x1C00  }
0x130: {  	[sflag:s13] =	ssyncset.done $0x0  }
0x131: {  	[sflag:s13] =	ssyncadd.s32 $0xFFFFE400  }
0x132: {  	_ =	swait.ge [sflag:s13], $0x1C00  }
0x133: {  	[sflag:s13] =	ssyncset.done $0x0  }
0x134: {  	[sflag:s13] =	ssyncadd.s32 $0xFFFFE400  }
0x135: {  	_ =	swait.ge [sflag:s19], $0x38  }
0x136: {  	[sflag:s19] =	ssyncset.done $0x0  }
0x137: {  	[sflag:s19] =	ssyncadd.s32 $0xFFFFFFC8  }
0x138: {  	_ =	swait.ge [sflag:s19], $0x38  }
0x139: {  	[sflag:s19] =	ssyncset.done $0x0  }
0x13a: {  	[sflag:s19] =	ssyncadd.s32 $0xFFFFFFC8  }
0x13b: {  	_ =	swait.ge [sflag:s19], $0x38  }
0x13c: {  	[sflag:s19] =	ssyncset.done $0x0  }
0x13d: {  	s2 =	stileid.u32;
	[sflag:s19] =	ssyncadd.s32 $0xFFFFFFC8  }
0x13e: {  	s2 =	sshll.u32 s2, $0x6;
	[bflag:$0x0] =	sbarrier.arrive $0xFFFF  }
0x13f: {  	s14 =	sshrl.u32 s10, $0x3;
	s2 =	sor.u32 $0x1C0A, s2;
	s15 =	rddreg [dreg:$0xc]  }
0x140: {  	[hbm:s15], [sflag:s2] =	dma.local [spmem:s14], $0x2800  }
0x141: {  	_ =	swait.ge [sflag:s23], $0x2800  }
0x142: {  	s24 =	rddreg [dreg:$0xe]  }
0x143: {  	s30 =	rddreg [dreg:$0xd];
	s14 =	sadd.s32 $0x1, s24  }
0x144: {  	p0 =	sne.s32 s14, s30  }
.Ltmp6:
0x145: {  	_ = 	snop;
	(pc) =	sbr.rel @p0 .LBB2_1-.Ltmp6, $3  }
0x146: {  	_ =	sdelay $0x1  }
0x147: {  	[sflag:s23] =	ssyncset.done $0x0  }
0x148: {  	[sflag:s23] =	ssyncadd.s32 $0xFFFFD800  }
0x149: {  	_ =	sfence.sel $0x180000  }
0x14a: {  	[bflag:$0x0] =	sbarrier.arrive $0xFFFF  }
0x14b: {  	_ =	strace $0x90000047  }
0x14c: {  	s0 =	stileid.u32;
	[bflag:$0x2] =	sbarrier.arrive $0xFFFF  }
0x14d: {  	p0 =	sne.s32 s0, $0x0;
	s0 =	rddreg [dreg:$0x2]  }
0x14e: {  	s0 =	sadd.s32 @!p0 $0x100000, s0  }
0x14f: {  	[sflag:s0] =	ssyncadd.tile.s32 @!p0 $0x1;
	_ =	shalt  }
.Lfunc_end2:
_tile_overlayer_lowered:
.L_overlay_start_2:
0x150: {  	(tag) =	ssettag $0x2  }
0x151: {  	s0 =	rddreg [dreg:$0x0];
	s2 =	stileid.u32  }
0x152: {  	s1 =	rddreg [dreg:$0x1];
	p0 =	sne.s32 s2, $0x0  }
0x153: {  	s3 =	rddreg [dreg:$0x2];
	[bflag:$0x3] =	sbarrier.arrive $0xFFFF;
	s2 =	simm.s32 @!p0 $0x1C0A  }
0x154: {  	[timem:s3], [sflag:s2] =	dma.local @!p0 [hbm:s0], s1  }
0x155: {  	s0 =	simm.s32 @!p0 $0xA  }
0x156: {  	_ =	swait.ge @!p0 [sflag:s0], s1  }
0x157: {  	s1 =	ssub.s32 @!p0 $0x0, s1;
	[sflag:s0] =	ssyncset.done @!p0 $0x0  }
0x158: {  	[sflag:s0] =	ssyncadd.s32 @!p0 s1  }
0x159: {  	[bflag:$0x3] =	sbarrier.arrive $0xFFFF  }
0x15a: {  	_ =	shalt  }

// kernel: kernel.19.cloned.1.call-start
scs
__scs_entry_jumppad:
0x0: {  	(pc) =	sbr.rel $0x88, $3  }
0x1: {  	(tag) =	ssettag $0x0;
	lr =	simm.s32 $0x1  }
0x2: {  	[smem:$0x3F82] =	sst lr;
	_ =	strace $0xD0000000  }
0x3: {  	_ = 	snop  }
0x4: {  	_ = 	snop  }
0x5: {  	_ = 	snop  }
0x6: {  	_ = 	snop  }
0x7: {  	_ = 	snop  }
__scs_overlays_trampoline_lowered:
0x8: {  	[smem:$0x3F91] =	sst s0  }
0x9: {  	[smem:$0x3F92] =	sst s1  }
0xa: {  	[smem:$0x3F93] =	sst s2  }
0xb: {  	[smem:$0x3F94] =	sst s3  }
0xc: {  	[smem:$0x3F95] =	sst s4  }
0xd: {  	[smem:$0x3F96] =	sst s5  }
0xe: {  	[smem:$0x3F97] =	sst s6  }
0xf: {  	[smem:$0x3F98] =	sst s7  }
0x10: {  	[smem:$0x3F99] =	sst s8  }
0x11: {  	[smem:$0x3F9A] =	sst s9;
	s0 =	simm.s32 @!p0 $0x0  }
0x12: {  	s1 =	sld [smem:$0x3F80];
	s0 =	simm.s32 @p0 $0x1  }
0x13: {  	[smem:$0x3F9B] =	sst s0;
	s0 =	simm.s32 @!p1 $0x0  }
0x14: {  	s2 =	sld [smem:$0x3F7F];
	s0 =	simm.s32 @p1 $0x1  }
0x15: {  	[smem:$0x3F9C] =	sst s0;
	s0 =	simm.s32 @!p2 $0x0  }
0x16: {  	s3 =	sld [smem:$0x3FDB];
	s0 =	simm.s32 @p2 $0x1  }
0x17: {  	s4 =	simm.s32 $0x1BF5;
	[smem:$0x3F9E] =	sst s0  }
0x18: {  	s0 =	sld [smem:$0x3F81];
	_ =	swait.ge [sflag:s4], $0x0  }
0x19: {  	s7 =	sld [smem:$0x3F82]  }
0x1a: {  	s8 =	sadd.s32 $0xFFFFE003, lr  }
0x1b: {  	s9 =	sadd.s32 $0xFFFFFEF7, lr;
	s5 =	simm.s32 $0xFFFFFFFF;
	p2 =	slt.u32 s8, $0xFFFFF086  }
0x1c: {  	p1 =	slt.u32 s9, $0xF7A;
	s5 =	simm.s32 @!p2 $0x0  }
0x1d: {  	s5 =	simm.s32 @p1 $0x1;
	p0 =	seq.s32 s7, s2  }
0x1e: {  	s7 =	smul.u32 @!p0 $0xF7A, s2;
	p2 =	seq.s32 @!p0 s5, $0x0  }
0x1f: {  	s9 =	smul.u32 $0xF7A, s1;
	s8 =	simm.s32 @!p0 $0x1BF5;
	p2 =	por !p2, p0  }
0x20: {  	[sflag:s8] =	ssyncset.s32 @!p0 $0xFFFFF086;
	s6 =	sadd.s32 @!p0 s3, s7;
	s7 =	simm.s32 @!p0 $0x108  }
0x21: {  	s3 =	sadd.s32 s3, s9;
	s6 =	sadd.s32 @!p0 $0x88, s6;
	s7 =	simm.s32 @p2 $0x1082  }
0x22: {  	[simem:s7], [sflag:s8] =	dma.local @!p0 [hbm:s6], $0xF7A  }
0x23: {  	s9 =	sor.u32 $0xD0000000, s2;
	s6 =	simm.s32 $0x108;
	_ =	swait.ge @!p0 [sflag:s8], $0x0  }
0x24: {  	s3 =	sadd.s32 $0x88, s3;
	s6 =	simm.s32 @!p1 $0x1082;
	[sflag:s4] =	ssyncset.s32 $0xFFFFF086  }
0x25: {  	[simem:s6], [sflag:s4] =	dma.local [hbm:s3], $0xF7A  }
0x26: {  	[smem:$0x3F82] =	sst s1;
	(tag) =	ssettag s2;
	_ =	strace s9  }
0x27: {  	s1 =	sld [smem:$0x3F92]  }
0x28: {  	s2 =	sld [smem:$0x3F93]  }
0x29: {  	s4 =	sld [smem:$0x3F95]  }
0x2a: {  	p0 =	seq.s32 s5, $0x0;
	s5 =	sld [smem:$0x3F96]  }
0x2b: {  	s6 =	sld [smem:$0x3F97]  }
0x2c: {  	s7 =	sld [smem:$0x3F98]  }
0x2d: {  	s3 =	simm.s32 $0x108;
	s8 =	sld [smem:$0x3F99]  }
0x2e: {  	s3 =	simm.s32 @!p0 $0x1082;
	s9 =	sld [smem:$0x3F9A]  }
0x2f: {  	lr =	sadd.s32 s0, s3;
	s0 =	sld [smem:$0x3F91]  }
0x30: {  	s3 =	sld [smem:$0x3F94]  }
0x31: {  	[smem:$0x3F9D] =	sst s10  }
0x32: {  	s10 =	sld [smem:$0x3F9B];
	_ =	sdelay $0x3  }
0x33: {  	p0 =	seq.s32 s10, $0x1;
	s10 =	sld [smem:$0x3F9D];
	_ =	sdelay $0x3  }
0x34: {  	[smem:$0x3F9D] =	sst s10  }
0x35: {  	s10 =	sld [smem:$0x3F9C];
	_ =	sdelay $0x3  }
0x36: {  	p1 =	seq.s32 s10, $0x1;
	s10 =	sld [smem:$0x3F9D];
	_ =	sdelay $0x3  }
0x37: {  	[smem:$0x3F9D] =	sst s10  }
0x38: {  	s10 =	sld [smem:$0x3F9E]  }
0x39: {  	_ = 	snop;
	(pc) =	sbr.ind lr, $3  }
0x3a: {  	_ = 	snop  }
0x3b: {  	_ = 	snop  }
0x3c: {  	p2 =	seq.s32 s10, $0x1;
	s10 =	sld [smem:$0x3F9D]  }
0x3d: {  	_ =	shalt  }
0x3e: {  	_ =	shalt  }
0x3f: {  	_ =	shalt  }
0x40: {  	_ =	shalt  }
0x41: {  	_ =	shalt  }
0x42: {  	_ =	shalt  }
0x43: {  	_ =	shalt  }
0x44: {  	_ =	shalt  }
0x45: {  	_ =	shalt  }
0x46: {  	_ =	shalt  }
0x47: {  	_ =	shalt  }
0x48: {  	_ =	shalt  }
0x49: {  	_ =	shalt  }
0x4a: {  	_ =	shalt  }
0x4b: {  	_ =	shalt  }
0x4c: {  	_ =	shalt  }
0x4d: {  	_ =	shalt  }
0x4e: {  	_ =	shalt  }
0x4f: {  	_ =	shalt  }
0x50: {  	_ =	shalt  }
0x51: {  	_ =	shalt  }
0x52: {  	_ =	shalt  }
0x53: {  	_ =	shalt  }
0x54: {  	_ =	shalt  }
0x55: {  	_ =	shalt  }
0x56: {  	_ =	shalt  }
0x57: {  	_ =	shalt  }
0x58: {  	_ =	shalt  }
0x59: {  	_ =	shalt  }
0x5a: {  	_ =	shalt  }
0x5b: {  	_ =	shalt  }
0x5c: {  	_ =	shalt  }
0x5d: {  	_ =	shalt  }
0x5e: {  	_ =	shalt  }
0x5f: {  	_ =	shalt  }
0x60: {  	_ =	shalt  }
0x61: {  	_ =	shalt  }
0x62: {  	_ =	shalt  }
0x63: {  	_ =	shalt  }
0x64: {  	_ =	shalt  }
0x65: {  	_ =	shalt  }
0x66: {  	_ =	shalt  }
0x67: {  	_ =	shalt  }
0x68: {  	_ =	shalt  }
0x69: {  	_ =	shalt  }
0x6a: {  	_ =	shalt  }
0x6b: {  	_ =	shalt  }
0x6c: {  	_ =	shalt  }
0x6d: {  	_ =	shalt  }
0x6e: {  	_ =	shalt  }
0x6f: {  	_ =	shalt  }
0x70: {  	_ =	shalt  }
0x71: {  	_ =	shalt  }
0x72: {  	_ =	shalt  }
0x73: {  	_ =	shalt  }
0x74: {  	_ =	shalt  }
0x75: {  	_ =	shalt  }
0x76: {  	_ =	shalt  }
0x77: {  	_ =	shalt  }
0x78: {  	_ =	shalt  }
0x79: {  	_ =	shalt  }
0x7a: {  	_ =	shalt  }
0x7b: {  	_ =	shalt  }
0x7c: {  	_ =	shalt  }
0x7d: {  	_ =	shalt  }
0x7e: {  	_ =	shalt  }
0x7f: {  	_ =	shalt  }
0x80: {  	_ =	shalt  }
0x81: {  	_ =	shalt  }
0x82: {  	_ =	shalt  }
0x83: {  	_ =	shalt  }
0x84: {  	_ =	shalt  }
0x85: {  	_ =	shalt  }
0x86: {  	_ =	shalt  }
0x87: {  	_ =	shalt  }
.Lfunc_end0:
.L_simem_size_0:
called_computation.1_lowered:
.L_overlay_start_0:
0x88: {  	s2 =	sld [smem:$0x3FD9]  }
0x89: {  	s3 =	sld [smem:$0x3FFE];
	_ =	sdelay $0x1  }
0x8a: {  	s1 =	srdreg.scid  }
0x8b: {  	s0 =	sand.u32 $0x1, s1  }
0x8c: {  	s16 =	sshll.u32 s0, $0xA;
	s2 =	sadd.s32 s3, s2  }
0x8d: {  	s2 =	sadd.s32 s2, s16  }
0x8e: {  	[smem:$0x3FA9] =	sst s2  }
0x8f: {  	_ = 	snop  }
0x90: {  	(tm) =	ssettm $0x1  }
0x91: {  	s17 =	sld [smem:$0x3FFB];
	_ =	sdelay $0x3  }
0x92: {  	_ =	strace s17  }
0x93: {  	s2 =	sld [smem:$0x3FFC];
	_ =	sdelay $0x3  }
0x94: {  	_ =	strace s2  }
0x95: {  	s2 =	sld [smem:$0x3FFD];
	_ =	sdelay $0x3  }
0x96: {  	_ =	strace s2  }
0x97: {  	_ =	strace $0x8FFFFFFF  }
0x98: {  	s18 =	sld [smem:$0x3FDB];
	_ =	sdelay $0x1  }
0x99: {  	s19 =	simm.s32 $_scs_section_size  }
0x9a: {  	s4 =	simm.s32 $_size__tile_overlayer_lowered;
	s5 =	simm.s32 $_tile_overlayer_lowered  }
0x9b: {  	s22 =	simm.s32 $0x1BFF;
	s21 =	sshll.u32 s5, $0x1;
	s2 =	sadd.s32 s19, s18  }
0x9c: {  	s6 =	simm.s32 $0x0;
	s20 =	sshll.u32 s4, $0x1;
	s4 =	sadd.s32 s21, s2  }
0x9d: {  	[timem:s6], [sflag:s22] =	dma.local [hbm:s4], s20  }
0x9e: {  	_ =	swait.ge [sflag:s22], s20  }
0x9f: {  	s3 =	ssub.s32 $0x0, s20;
	[sflag:s22] =	ssyncset.done $0x0  }
0xa0: {  	[sflag:s22] =	ssyncadd.s32 s3;
	_ =	sdelay $0x1  }
0xa1: {  	s23 =	simm.s32 $0x1B8B  }
0xa2: {  	_ =	swait.ge [sflag:s23], $0x1  }
0xa3: {  	[sflag:s23] =	ssyncset.done $0x0  }
0xa4: {  	s25 =	simm.s32 $0x1B8E;
	s24 =	sld [smem:$0x3FFE];
	[sflag:s23] =	ssyncadd.s32 $0xFFFFFFFF  }
0xa5: {  	s26 =	simm.s32 $execute0_lowered;
	[smem:$0x3FD2] =	sst s25  }
0xa6: {  	s4 =	sshll.u32 s26, $0x1;
	_ =	strace $0x80000049;
	[dreg:$0x1] =	wrdreg $0xFFFFFFFF  }
0xa7: {  	s28 =	simm.s32 $_size_execute0_lowered;
	s2 =	sadd.s32 s2, s4;
	[dreg:$0x0] =	wrdreg $0x0  }
0xa8: {  	s4 =	sshll.u32 s28, $0x1;
	[dreg:$0x2] =	wrdreg s2  }
0xa9: {  	[dreg:$0x3] =	wrdreg s4  }
0xaa: {  	[dreg:$0x4] =	wrdreg $0xC0  }
0xab: {  	_ =	task [dreg:s6], $0x5FFFF  }
0xac: {  	[dreg:$0x1] =	wrdreg $0xFFFFFFFF  }
0xad: {  	[dreg:$0x0] =	wrdreg $0x60  }
0xae: {  	[dreg:$0x2] =	wrdreg s24  }
0xaf: {  	[dreg:$0x3] =	wrdreg $0xB4800  }
0xb0: {  	[dreg:$0x4] =	wrdreg $0x9  }
0xb1: {  	_ =	task.clear_ibuf [dreg:s6], $0x5FFFF;
	_ =	strace $0x90000049  }
0xb2: {  	s29 =	simm.s32 $0x9;
	_ =	strace $0x8000004B  }
0xb3: {  	_ =	swait.ge [sflag:s29], $0x1  }
0xb4: {  	[sflag:s29] =	ssyncadd.s32 $0xFFFFFFFF  }
0xb5: {  	_ =	strace $0x9000004B  }
0xb6: {  	_ =	sfence  }
0xb7: {  	s30 =	sld [smem:$0x0];
	_ =	sdelay $0x2  }
0xb8: {  	s31 =	sshll.u32 s1, $0xD;
	s1 =	sshrl.u32 s1, $0x2  }
0xb9: {  	s3 =	sand.u32 $0x4000, s31;
	s1 =	sadd.s32 s1, s30  }
0xba: {  	s0 =	sor.u32 s3, s0;
	s1 =	sshll.u32 s1, $0x11  }
0xbb: {  	s0 =	sor.u32 s1, s0  }
0xbc: {  	s0 =	sadd.s32 $0x8F2B, s0  }
0xbd: {  	[sflag:s0] =	ssyncadd.remote.s32 $0x1  }
0xbe: {  	_ =	sfence.sel $0xFFFF  }
0xbf: {  	[dreg:$0x0] =	wrdreg $0xFFFFFFFF;
	(pc) =	sbr.abs _section_cstart, $3  }
0xc0: {  	[dreg:$0x1] =	wrdreg $0xFFFFFFFF  }
0xc1: {  	_ =	task.clear_ibuf [dreg:s6], $0x2FFFF;
	_ =	strace $0x9FFFFFFF  }
0xc2: {  	(tm) =	ssettm $0x7FFFFFFF  }
0xc3: {  	_ =	shalt  }
tec
execute0_lowered:
.L_overlay_start_1:
0x0: {  	(tag) =	ssettag $0x1  }
0x1: {  	s0 =	rddreg [dreg:$0x0]  }
0x2: {  	s1 =	rddreg [dreg:$0x1]  }
0x3: {  	s3 =	simm.s32 $0x0;
	s2 =	srdreg.scid;
	s12 =	stileid.u32  }
0x4: {  	s28 =	simm.s32 $0x38;
	s31 =	simm.s32 $0x80;
	s16 =	simm.s32 $0x280  }
0x5: {  	s17 =	simm.s32 $0x400;
	s29 =	simm.s32 $0x6;
	s10 =	smul.u32 $0x2800, s12  }
0x6: {  	[smem:$0x7FF] =	sst s3;
	s2 =	sand.u32 $0x1, s2;
	s6 =	smul.u32 $0x4EC0, s12  }
0x7: {  	s4 =	sadd.s32 $0x86C00, s0;
	s5 =	sadd.s32 $0xF400, s0;
	s18 =	smul.u32 $0x50000, s12  }
0x8: {  	s7 =	sadd.s32 $0x23000, s0;
	s8 =	sadd.s32 $0x5600, s0;
	s9 =	smul.u32 $0x28000, s2  }
0x9: {  	_ =	strace $0x8000004A;
	s11 =	smul.u32 $0x4EC00, s2;
	s2 =	ssub.s32 $0x2, s2  }
0xa: {  	s19 =	sshrl.u32 s2, $0x1;
	s21 =	sshrl.u32 s6, $0x3;
	s9 =	sadd.s32 s10, s9  }
0xb: {  	s2 =	ssub.s32 s2, s19;
	s10 =	sshrl.u32 s18, $0x2;
	s22 =	sadd.s32 s8, s21  }
0xc: {  	s18 =	simm.s32 $0x4;
	s19 =	simm.s32 $0x3;
	s0 =	sadd.s32 s9, s0  }
0xd: {  	s9 =	sadd.s32 s6, s11;
	s24 =	sadd.s32 $0x7, s22;
	[dreg:$0x5] =	wrdreg s22  }
0xe: {  	s10 =	sadd.s32 s10, s1;
	s26 =	sadd.s32 $0xE, s22;
	[dreg:$0x8] =	wrdreg s24  }
0xf: {  	s30 =	smax.u32 s2, $0x1;
	s22 =	simm.s32 $0xAC80;
	[dreg:$0xb] =	wrdreg s26  }
0x10: {  	s11 =	sshrl.u32 s9, $0x3;
	s0 =	sadd.s32 $0x126C00, s0;
	[dreg:$0xd] =	wrdreg s30  }
0x11: {  	s26 =	simm.s32 $0x1;
	s20 =	sadd.s32 s5, s11;
	[dreg:$0xc] =	wrdreg s0  }
0x12: {  	s13 =	sadd.s32 s7, s11;
	s23 =	sor.u32 $0x7, s11;
	[dreg:$0x3] =	wrdreg s20  }
0x13: {  	s11 =	sadd.s32 $0xE, s11;
	[dreg:$0x4] =	wrdreg s13;
	s14 =	sadd.s32 s5, s23  }
0x14: {  	s0 =	simm.s32 $0x200;
	s12 =	sadd.s32 s7, s23;
	[dreg:$0x6] =	wrdreg s14  }
0x15: {  	s25 =	sadd.s32 s5, s11;
	s11 =	sadd.s32 s7, s11;
	[dreg:$0x7] =	wrdreg s12  }
0x16: {  	s23 =	simm.s32 $0xA;
	s13 =	simm.s32 $0x5;
	[dreg:$0x9] =	wrdreg s25  }
0x17: {  	s20 =	simm.s32 $0x7;
	[dreg:$0xa] =	wrdreg s11;
	s11 =	simm.s32 $0x2  }
0x18: {  	v0 =	vimm.f32 $0.0e+00;
	s12 =	simm.s32 $0x8;
	s25 =	simm.s32 $0x9;
	s14 =	simm.s32 $0x0  }
.LBB2_1:
0x19: {  	s2 =	simm.s32 $0x0;
	s21 =	simm.s32 $0x200  }
.LBB2_2:
0x1a: {  	p0 =	sne.s32 s21, $0x1E00;
	[tilespmem:s2+$0xACF0] =	vst v0  }
0x1b: {  	[tilespmem:s2+$0xAC80] =	vst v0  }
0x1c: {  	[tilespmem:s2+$0xAC90] =	vst v0  }
.Ltmp0:
0x1d: {  	[tilespmem:s2+$0xACA0] =	vst v0;
	(pc) =	sbr.rel @p0 .LBB2_2-.Ltmp0, $4  }
0x1e: {  	[tilespmem:s2+$0xACB0] =	vst v0  }
0x1f: {  	[tilespmem:s2+$0xACC0] =	vst v0  }
0x20: {  	[tilespmem:s2+$0xACD0] =	vst v0  }
0x21: {  	[tilespmem:s2+$0xACE0] =	vst v0;
	s2 =	sshra.s32 s21, $0x2;
	s21 =	sadd.s32 $0x200, s21  }
0x22: {  	[tilespmem:s2+$0xACF0] =	vst v0  }
0x23: {  	[tilespmem:s2+$0xAC80] =	vst v0  }
0x24: {  	[tilespmem:s2+$0xAC90] =	vst v0  }
0x25: {  	[tilespmem:s2+$0xACA0] =	vst v0  }
0x26: {  	[tilespmem:s2+$0xACB0] =	vst v0  }
0x27: {  	[tilespmem:s2+$0xACC0] =	vst v0  }
0x28: {  	[tilespmem:s2+$0xACD0] =	vst v0  }
0x29: {  	[dreg:$0xe] =	wrdreg s14;
	[tilespmem:s2+$0xACE0] =	vst v0;
	s30 =	sadd.s32 $0x0, s10  }
0x2a: {  	[spmem:s30] =	stream.linear.scatter [tilespmem:s22], [sflag:$0xA], $0x800, $0x38;
	[tilespmem:$0x1F480] =	vst v63  }
0x2b: {  	s2 =	simm.s32 $0x2000;
	_ =	swait.ge [sflag:s23], $0x800  }
.LBB2_4:
0x2c: {  	s21 =	sshra.s32 s2, $0x2;
	[sflag:s23] =	ssyncset.done $0x0;
	p0 =	sne.s32 s2, $0x4E000  }
.Ltmp1:
0x2d: {  	s21 =	sadd.s32 s21, s10;
	[sflag:s23] =	ssyncadd.s32 $0xFFFFF800;
	(pc) =	sbr.rel @p0 .LBB2_4-.Ltmp1, $3  }
0x2e: {  	[spmem:s21] =	stream.linear.scatter [tilespmem:s22], [sflag:$0xA], $0x800, $0x38;
	[tilespmem:$0x1F480] =	vst v63  }
0x2f: {  	s2 =	sadd.s32 $0x2000, s2;
	_ =	sdelay $0x1  }
0x30: {  	_ =	swait.ge [sflag:s23], $0x800  }
0x31: {  	[sflag:s23] =	ssyncset.done $0x0  }
0x32: {  	[sflag:s23] =	ssyncadd.s32 $0xFFFFF800  }
0x33: {  	[bflag:$0x0] =	sbarrier.arrive $0xFFFF  }
0x34: {  	s30 =	simm.s32 $0x0;
	s2 =	rddreg [dreg:$0x3]  }
0x35: {  	[tilespmem:s30], [sflag:$0x1] =	stream.linear.gather [hbm4b:s2+s30], $0x38, $0x38;
	[tilespmem:$0x1F480] =	vst v63  }
0x36: {  	s14 =	simm.s32 $0x180;
	s15 =	rddreg [dreg:$0x4]  }
0x37: {  	[tilespmem:s14], [sflag:$0x1] =	stream.linear.gather [hbm4b:s15+s30], $0x38, $0x38;
	[tilespmem:$0x1F480] =	vst v63  }
0x38: {  	s21 =	rddreg [dreg:$0x5];
	s15 =	simm.s32 $0x300  }
0x39: {  	[tilespmem:s15], [sflag:$0x1] =	stream.linear.gather [hbm4b:s21+s30], $0x38, $0x38;
	[tilespmem:$0x1F480] =	vst v63  }
0x3a: {  	_ =	swait.ge [sflag:s26], $0x38  }
0x3b: {  	[sflag:s26] =	ssyncset.done $0x0  }
0x3c: {  	[sflag:s26] =	ssyncadd.s32 $0xFFFFFFC8  }
0x3d: {  	_ =	swait.ge [sflag:s26], $0x38  }
0x3e: {  	[sflag:s26] =	ssyncset.done $0x0  }
0x3f: {  	[sflag:s26] =	ssyncadd.s32 $0xFFFFFFC8  }
0x40: {  	_ =	swait.ge [sflag:s26], $0x38  }
0x41: {  	[sflag:s26] =	ssyncset.done $0x0  }
0x42: {  	s24 =	simm.s32 $0x480;
	[sflag:s26] =	ssyncadd.s32 $0xFFFFFFC8  }
0x43: {  	[tilespmem:s24], [sflag:$0x4] =	stream.indirect.gather [hbm4b:s4+s28], $0x80, s30, s28, $0xb8;
	[tilespmem:$0x1F480] =	vst v63  }
0x44: {  	s15 =	simm.s32 $0x5880  }
0x45: {  	[tilespmem:s15], [sflag:$0x4] =	stream.indirect.gather [hbm4b:s4+s28], $0x80, s14, s28, $0xb8;
	[tilespmem:$0x1F480] =	vst v63  }
0x46: {  	s21 =	rddreg [dreg:$0x6]  }
0x47: {  	[tilespmem:s31], [sflag:$0x2] =	stream.linear.gather [hbm4b:s21+s30], $0x38, $0x38;
	[tilespmem:$0x1F480] =	vst v63  }
0x48: {  	s24 =	rddreg [dreg:$0x7]  }
0x49: {  	[tilespmem:s0], [sflag:$0x2] =	stream.linear.gather [hbm4b:s24+s30], $0x38, $0x38;
	[tilespmem:$0x1F480] =	vst v63  }
0x4a: {  	s14 =	rddreg [dreg:$0x8];
	s15 =	simm.s32 $0x380  }
0x4b: {  	[tilespmem:s15], [sflag:$0x2] =	stream.linear.gather [hbm4b:s14+s30], $0x38, $0x38;
	[tilespmem:$0x1F480] =	vst v63  }
0x4c: {  	_ =	swait.ge [sflag:s11], $0x38  }
0x4d: {  	[sflag:s11] =	ssyncset.done $0x0  }
0x4e: {  	[sflag:s11] =	ssyncadd.s32 $0xFFFFFFC8  }
0x4f: {  	_ =	swait.ge [sflag:s11], $0x38  }
0x50: {  	[sflag:s11] =	ssyncset.done $0x0  }
0x51: {  	[sflag:s11] =	ssyncadd.s32 $0xFFFFFFC8  }
0x52: {  	_ =	swait.ge [sflag:s11], $0x38  }
0x53: {  	[sflag:s11] =	ssyncset.done $0x0  }
0x54: {  	s21 =	simm.s32 $0x2080;
	[sflag:s11] =	ssyncadd.s32 $0xFFFFFFC8  }
0x55: {  	[tilespmem:s21], [sflag:$0x5] =	stream.indirect.gather [hbm4b:s4+s28], $0x80, s31, s28, $0xb8;
	[tilespmem:$0x1F480] =	vst v63  }
0x56: {  	s24 =	simm.s32 $0x7480  }
0x57: {  	[tilespmem:s24], [sflag:$0x5] =	stream.indirect.gather [hbm4b:s4+s28], $0x80, s0, s28, $0xb8;
	[tilespmem:$0x1F480] =	vst v63  }
0x58: {  	s15 =	simm.s32 $0x100;
	s14 =	rddreg [dreg:$0x9]  }
0x59: {  	[tilespmem:s15], [sflag:$0x3] =	stream.linear.gather [hbm4b:s14+s30], $0x38, $0x38;
	[tilespmem:$0x1F480] =	vst v63  }
0x5a: {  	s21 =	rddreg [dreg:$0xa]  }
0x5b: {  	[tilespmem:s16], [sflag:$0x3] =	stream.linear.gather [hbm4b:s21+s30], $0x38, $0x38;
	[tilespmem:$0x1F480] =	vst v63  }
0x5c: {  	s24 =	rddreg [dreg:$0xb]  }
0x5d: {  	[tilespmem:s17], [sflag:$0x3] =	stream.linear.gather [hbm4b:s24+s30], $0x38, $0x38;
	[tilespmem:$0x1F480] =	vst v63  }
.LBB2_6:
0x5e: {  	_ =	swait.ge [sflag:s18], $0x1C00  }
0x5f: {  	[sflag:s18] =	ssyncset.done $0x0  }
0x60: {  	[sflag:s18] =	ssyncadd.s32 $0xFFFFE400  }
0x61: {  	_ =	swait.ge [sflag:s18], $0x1C00  }
0x62: {  	[sflag:s18] =	ssyncset.done $0x0  }
0x63: {  	s2 =	simm.s32 $0x0;
	[sflag:s18] =	ssyncadd.s32 $0xFFFFE400  }
0x64: {  	v7 =	vld [tilespmem:s2+$0x480]  }
0x65: {  	v12 =	vld [tilespmem:s2+$0x490]  }
0x66: {  	v6 =	vld [tilespmem:s2+$0x4A0]  }
0x67: {  	v5 =	vld [tilespmem:s2+$0x4B0]  }
0x68: {  	v4 =	vld [tilespmem:s2+$0x4C0]  }
0x69: {  	v3 =	vld [tilespmem:s2+$0x4D0]  }
0x6a: {  	v2 =	vld [tilespmem:s2+$0x4E0]  }
0x6b: {  	v1 =	vld [tilespmem:s2+$0x4F0]  }
0x6c: {  	v13 =	vld [tilespmem:s2+$0x5880]  }
0x6d: {  	v14 =	vld [tilespmem:s2+$0x5890]  }
0x6e: {  	v11 =	vld [tilespmem:s2+$0x58A0]  }
0x6f: {  	v10 =	vld [tilespmem:s2+$0x58B0]  }
0x70: {  	v9 =	vld [tilespmem:s2+$0x58C0]  }
0x71: {  	v8 =	vld [tilespmem:s2+$0x58D0];
	v13 =	vadd.f32 v13, v7  }
0x72: {  	s21 =	simm.s32 $0x200;
	v12 =	vadd.f32 v14, v12;
	v7 =	vld [tilespmem:s2+$0x58E0]  }
.LBB2_7:
0x73: {  	s24 =	sshra.s32 s21, $0x2;
	p0 =	sne.s32 s21, $0x6E00;
	v13 =	vmax.f32 v13, $0.0e+00;
	v6 =	vadd.f32 v11, v6;
	v11 =	vld [tilespmem:s2+$0x58F0]  }
0x74: {  	v14 =	vld [tilespmem:s24+$0x480];
	[tilespmem:s2+$0x5880] =	vst v13;
	v12 =	vmax.f32 v12, $0.0e+00;
	v5 =	vadd.f32 v10, v5  }
0x75: {  	v15 =	vld [tilespmem:s24+$0x490];
	[tilespmem:s2+$0x5890] =	vst v12;
	v10 =	vmax.f32 v6, $0.0e+00;
	v4 =	vadd.f32 v9, v4  }
0x76: {  	v6 =	vld [tilespmem:s24+$0x4A0];
	[tilespmem:s2+$0x58A0] =	vst v10;
	v9 =	vmax.f32 v5, $0.0e+00;
	v3 =	vadd.f32 v8, v3  }
0x77: {  	v5 =	vld [tilespmem:s24+$0x4B0];
	[tilespmem:s2+$0x58B0] =	vst v9;
	v8 =	vmax.f32 v4, $0.0e+00;
	v2 =	vadd.f32 v7, v2  }
0x78: {  	v4 =	vld [tilespmem:s24+$0x4C0];
	[tilespmem:s2+$0x58C0] =	vst v8;
	v7 =	vmax.f32 v3, $0.0e+00;
	v1 =	vadd.f32 v11, v1  }
0x79: {  	v3 =	vld [tilespmem:s24+$0x4D0];
	[tilespmem:s2+$0x58D0] =	vst v7;
	v7 =	vmax.f32 v2, $0.0e+00  }
0x7a: {  	v2 =	vld [tilespmem:s24+$0x4E0];
	[tilespmem:s2+$0x58E0] =	vst v7;
	v7 =	vmax.f32 v1, $0.0e+00  }
0x7b: {  	v1 =	vld [tilespmem:s24+$0x4F0];
	[tilespmem:s2+$0x58F0] =	vst v7;
	s2 =	smov.u32 s24  }
0x7c: {  	v7 =	vld [tilespmem:s2+$0x5880]  }
0x7d: {  	v12 =	vld [tilespmem:s2+$0x5890]  }
.Ltmp2:
0x7e: {  	v11 =	vld [tilespmem:s2+$0x58A0];
	(pc) =	sbr.rel @p0 .LBB2_7-.Ltmp2, $4  }
0x7f: {  	v10 =	vld [tilespmem:s2+$0x58B0]  }
0x80: {  	v9 =	vld [tilespmem:s2+$0x58C0]  }
0x81: {  	v13 =	vadd.f32 v7, v14;
	v8 =	vld [tilespmem:s2+$0x58D0]  }
0x82: {  	s21 =	sadd.s32 $0x200, s21;
	v12 =	vadd.f32 v12, v15;
	v7 =	vld [tilespmem:s2+$0x58E0]  }
0x83: {  	v13 =	vmax.f32 v13, $0.0e+00;
	v6 =	vadd.f32 v11, v6;
	v11 =	vld [tilespmem:s2+$0x58F0]  }
0x84: {  	[tilespmem:s2+$0x5880] =	vst v13;
	v12 =	vmax.f32 v12, $0.0e+00;
	v5 =	vadd.f32 v10, v5  }
0x85: {  	[tilespmem:s2+$0x5890] =	vst v12;
	v6 =	vmax.f32 v6, $0.0e+00;
	v4 =	vadd.f32 v9, v4  }
0x86: {  	[tilespmem:s2+$0x58A0] =	vst v6;
	v5 =	vmax.f32 v5, $0.0e+00;
	v3 =	vadd.f32 v8, v3  }
0x87: {  	[tilespmem:s2+$0x58B0] =	vst v5;
	v4 =	vmax.f32 v4, $0.0e+00;
	v2 =	vadd.f32 v7, v2  }
0x88: {  	[tilespmem:s2+$0x58C0] =	vst v4;
	v3 =	vmax.f32 v3, $0.0e+00;
	v1 =	vadd.f32 v11, v1  }
0x89: {  	[tilespmem:s2+$0x58D0] =	vst v3;
	v2 =	vmax.f32 v2, $0.0e+00  }
0x8a: {  	[tilespmem:s2+$0x58E0] =	vst v2;
	v1 =	vmax.f32 v1, $0.0e+00  }
0x8b: {  	s24 =	simm.s32 $0x300;
	s14 =	simm.s32 $0x5880;
	[tilespmem:s2+$0x58F0] =	vst v1  }
0x8c: {  	[spmem:s1] =	stream.indirect.scatter.add.f32 [tilespmem:s14], [sflag:$0x7], $0x80, s24, s28, $0xb8;
	[tilespmem:$0x1F480] =	vst v63  }
0x8d: {  	_ =	swait.ge [sflag:s19], $0x38  }
0x8e: {  	[sflag:s19] =	ssyncset.done $0x0  }
0x8f: {  	[sflag:s19] =	ssyncadd.s32 $0xFFFFFFC8  }
0x90: {  	_ =	swait.ge [sflag:s19], $0x38  }
0x91: {  	[sflag:s19] =	ssyncset.done $0x0  }
0x92: {  	[sflag:s19] =	ssyncadd.s32 $0xFFFFFFC8  }
0x93: {  	_ =	swait.ge [sflag:s19], $0x38  }
0x94: {  	[sflag:s19] =	ssyncset.done $0x0  }
0x95: {  	s15 =	simm.s32 $0x100;
	s21 =	simm.s32 $0x3C80;
	[sflag:s19] =	ssyncadd.s32 $0xFFFFFFC8  }
0x96: {  	[tilespmem:s21], [sflag:$0x6] =	stream.indirect.gather [hbm4b:s4+s28], $0x80, s15, s28, $0xb8;
	[tilespmem:$0x1F480] =	vst v63  }
0x97: {  	s24 =	simm.s32 $0x9080  }
0x98: {  	[tilespmem:s24], [sflag:$0x6] =	stream.indirect.gather [hbm4b:s4+s28], $0x80, s16, s28, $0xb8;
	[tilespmem:$0x1F480] =	vst v63  }
0x99: {  	_ =	swait.ge [sflag:s13], $0x1C00  }
0x9a: {  	[sflag:s13] =	ssyncset.done $0x0  }
0x9b: {  	[sflag:s13] =	ssyncadd.s32 $0xFFFFE400  }
0x9c: {  	_ =	swait.ge [sflag:s13], $0x1C00  }
0x9d: {  	[sflag:s13] =	ssyncset.done $0x0  }
0x9e: {  	s21 =	simm.s32 $0x0;
	[sflag:s13] =	ssyncadd.s32 $0xFFFFE400  }
0x9f: {  	v7 =	vld [tilespmem:s21+$0x2080]  }
0xa0: {  	v12 =	vld [tilespmem:s21+$0x2090]  }
0xa1: {  	v6 =	vld [tilespmem:s21+$0x20A0]  }
0xa2: {  	v5 =	vld [tilespmem:s21+$0x20B0]  }
0xa3: {  	v4 =	vld [tilespmem:s21+$0x20C0]  }
0xa4: {  	v3 =	vld [tilespmem:s21+$0x20D0]  }
0xa5: {  	v2 =	vld [tilespmem:s21+$0x20E0]  }
0xa6: {  	v1 =	vld [tilespmem:s21+$0x20F0]  }
0xa7: {  	v13 =	vld [tilespmem:s21+$0x7480]  }
0xa8: {  	v14 =	vld [tilespmem:s21+$0x7490]  }
0xa9: {  	v11 =	vld [tilespmem:s21+$0x74A0]  }
0xaa: {  	v10 =	vld [tilespmem:s21+$0x74B0]  }
0xab: {  	v9 =	vld [tilespmem:s21+$0x74C0]  }
0xac: {  	v8 =	vld [tilespmem:s21+$0x74D0];
	v13 =	vadd.f32 v13, v7  }
0xad: {  	s2 =	simm.s32 $0x200;
	v12 =	vadd.f32 v14, v12;
	v7 =	vld [tilespmem:s21+$0x74E0]  }
.LBB2_9:
0xae: {  	s24 =	sshra.s32 s2, $0x2;
	p0 =	sne.s32 s2, $0x6E00;
	v13 =	vmax.f32 v13, $0.0e+00;
	v6 =	vadd.f32 v11, v6;
	v11 =	vld [tilespmem:s21+$0x74F0]  }
0xaf: {  	v14 =	vld [tilespmem:s24+$0x2080];
	[tilespmem:s21+$0x7480] =	vst v13;
	v12 =	vmax.f32 v12, $0.0e+00;
	v5 =	vadd.f32 v10, v5  }
0xb0: {  	v15 =	vld [tilespmem:s24+$0x2090];
	[tilespmem:s21+$0x7490] =	vst v12;
	v10 =	vmax.f32 v6, $0.0e+00;
	v4 =	vadd.f32 v9, v4  }
0xb1: {  	v6 =	vld [tilespmem:s24+$0x20A0];
	[tilespmem:s21+$0x74A0] =	vst v10;
	v9 =	vmax.f32 v5, $0.0e+00;
	v3 =	vadd.f32 v8, v3  }
0xb2: {  	v5 =	vld [tilespmem:s24+$0x20B0];
	[tilespmem:s21+$0x74B0] =	vst v9;
	v8 =	vmax.f32 v4, $0.0e+00;
	v2 =	vadd.f32 v7, v2  }
0xb3: {  	v4 =	vld [tilespmem:s24+$0x20C0];
	[tilespmem:s21+$0x74C0] =	vst v8;
	v7 =	vmax.f32 v3, $0.0e+00;
	v1 =	vadd.f32 v11, v1  }
0xb4: {  	v3 =	vld [tilespmem:s24+$0x20D0];
	[tilespmem:s21+$0x74D0] =	vst v7;
	v7 =	vmax.f32 v2, $0.0e+00  }
0xb5: {  	v2 =	vld [tilespmem:s24+$0x20E0];
	[tilespmem:s21+$0x74E0] =	vst v7;
	v7 =	vmax.f32 v1, $0.0e+00  }
0xb6: {  	v1 =	vld [tilespmem:s24+$0x20F0];
	[tilespmem:s21+$0x74F0] =	vst v7;
	s21 =	smov.u32 s24  }
0xb7: {  	v7 =	vld [tilespmem:s21+$0x7480]  }
0xb8: {  	v12 =	vld [tilespmem:s21+$0x7490]  }
.Ltmp3:
0xb9: {  	v11 =	vld [tilespmem:s21+$0x74A0];
	(pc) =	sbr.rel @p0 .LBB2_9-.Ltmp3, $4  }
0xba: {  	v10 =	vld [tilespmem:s21+$0x74B0]  }
0xbb: {  	v9 =	vld [tilespmem:s21+$0x74C0]  }
0xbc: {  	v13 =	vadd.f32 v7, v14;
	v8 =	vld [tilespmem:s21+$0x74D0]  }
0xbd: {  	s2 =	sadd.s32 $0x200, s2;
	v12 =	vadd.f32 v12, v15;
	v7 =	vld [tilespmem:s21+$0x74E0]  }
0xbe: {  	v13 =	vmax.f32 v13, $0.0e+00;
	v6 =	vadd.f32 v11, v6;
	v11 =	vld [tilespmem:s21+$0x74F0]  }
0xbf: {  	[tilespmem:s21+$0x7480] =	vst v13;
	v12 =	vmax.f32 v12, $0.0e+00;
	v5 =	vadd.f32 v10, v5  }
0xc0: {  	[tilespmem:s21+$0x7490] =	vst v12;
	v6 =	vmax.f32 v6, $0.0e+00;
	v4 =	vadd.f32 v9, v4  }
0xc1: {  	s2 =	smul.u32 $0x3, s30;
	[tilespmem:s21+$0x74A0] =	vst v6;
	v5 =	vmax.f32 v5, $0.0e+00;
	v3 =	vadd.f32 v8, v3  }
0xc2: {  	[tilespmem:s21+$0x74B0] =	vst v5;
	v4 =	vmax.f32 v4, $0.0e+00;
	v2 =	vadd.f32 v7, v2  }
0xc3: {  	s24 =	smin.u32 s2, $0x164;
	[tilespmem:s21+$0x74C0] =	vst v4;
	v3 =	vmax.f32 v3, $0.0e+00;
	v1 =	vadd.f32 v11, v1  }
0xc4: {  	s24 =	smul.u32 $0x38, s24;
	[tilespmem:s21+$0x74D0] =	vst v3;
	v2 =	vmax.f32 v2, $0.0e+00  }
0xc5: {  	[tilespmem:s21+$0x74E0] =	vst v2;
	v1 =	vmax.f32 v1, $0.0e+00  }
0xc6: {  	s14 =	simm.s32 $0x380;
	s15 =	simm.s32 $0x7480;
	[tilespmem:s21+$0x74F0] =	vst v1;
	s21 =	sadd.s32 $0xA8, s24  }
0xc7: {  	[spmem:s1] =	stream.indirect.scatter.add.f32 [tilespmem:s15], [sflag:$0x8], $0x80, s14, s28, $0xb8;
	[tilespmem:$0x1F480] =	vst v63  }
0xc8: {  	s15 =	sadd.s32 s9, s21;
	_ =	swait.ge [sflag:s20], $0x1C00  }
0xc9: {  	s24 =	sshrl.u32 s15, $0x3;
	[sflag:s20] =	ssyncset.done $0x0  }
0xca: {  	s15 =	simm.s32 $0x0;
	s14 =	sadd.s32 s5, s24;
	[sflag:s20] =	ssyncadd.s32 $0xFFFFE400  }
0xcb: {  	[tilespmem:s15], [sflag:$0x1] =	stream.linear.gather [hbm4b:s14+s15], $0x38, $0x38;
	[tilespmem:$0x1F480] =	vst v63  }
0xcc: {  	s14 =	sadd.s32 s6, s21  }
0xcd: {  	s21 =	sadd.s32 s7, s24;
	s24 =	simm.s32 $0x180;
	s14 =	sshrl.u32 s14, $0x3  }
0xce: {  	[tilespmem:s24], [sflag:$0x1] =	stream.linear.gather [hbm4b:s21+s15], $0x38, $0x38;
	[tilespmem:$0x1F480] =	vst v63  }
0xcf: {  	s14 =	sadd.s32 s8, s14;
	s21 =	simm.s32 $0x300  }
0xd0: {  	[tilespmem:s21], [sflag:$0x1] =	stream.linear.gather [hbm4b:s14+s15], $0x38, $0x38;
	[tilespmem:$0x1F480] =	vst v63  }
0xd1: {  	_ =	swait.ge [sflag:s26], $0x38  }
0xd2: {  	[sflag:s26] =	ssyncset.done $0x0  }
0xd3: {  	[sflag:s26] =	ssyncadd.s32 $0xFFFFFFC8  }
0xd4: {  	_ =	swait.ge [sflag:s26], $0x38  }
0xd5: {  	[sflag:s26] =	ssyncset.done $0x0  }
0xd6: {  	[sflag:s26] =	ssyncadd.s32 $0xFFFFFFC8  }
0xd7: {  	_ =	swait.ge [sflag:s26], $0x38  }
0xd8: {  	[sflag:s26] =	ssyncset.done $0x0  }
0xd9: {  	s21 =	simm.s32 $0x480;
	[sflag:s26] =	ssyncadd.s32 $0xFFFFFFC8  }
0xda: {  	[tilespmem:s21], [sflag:$0x4] =	stream.indirect.gather [hbm4b:s4+s28], $0x80, s15, s28, $0xb8;
	[tilespmem:$0x1F480] =	vst v63  }
0xdb: {  	s21 =	simm.s32 $0x5880  }
0xdc: {  	[tilespmem:s21], [sflag:$0x4] =	stream.indirect.gather [hbm4b:s4+s28], $0x80, s24, s28, $0xb8;
	[tilespmem:$0x1F480] =	vst v63  }
0xdd: {  	_ =	swait.ge [sflag:s29], $0x1C00  }
0xde: {  	[sflag:s29] =	ssyncset.done $0x0  }
0xdf: {  	[sflag:s29] =	ssyncadd.s32 $0xFFFFE400  }
0xe0: {  	_ =	swait.ge [sflag:s29], $0x1C00  }
0xe1: {  	[sflag:s29] =	ssyncset.done $0x0  }
0xe2: {  	s21 =	simm.s32 $0x0;
	[sflag:s29] =	ssyncadd.s32 $0xFFFFE400  }
0xe3: {  	v7 =	vld [tilespmem:s21+$0x3C80]  }
0xe4: {  	v12 =	vld [tilespmem:s21+$0x3C90]  }
0xe5: {  	v6 =	vld [tilespmem:s21+$0x3CA0]  }
0xe6: {  	v5 =	vld [tilespmem:s21+$0x3CB0]  }
0xe7: {  	v4 =	vld [tilespmem:s21+$0x3CC0]  }
0xe8: {  	v3 =	vld [tilespmem:s21+$0x3CD0]  }
0xe9: {  	v2 =	vld [tilespmem:s21+$0x3CE0]  }
0xea: {  	v1 =	vld [tilespmem:s21+$0x3CF0]  }
0xeb: {  	v13 =	vld [tilespmem:s21+$0x9080]  }
0xec: {  	v14 =	vld [tilespmem:s21+$0x9090]  }
0xed: {  	v11 =	vld [tilespmem:s21+$0x90A0]  }
0xee: {  	v10 =	vld [tilespmem:s21+$0x90B0]  }
0xef: {  	v9 =	vld [tilespmem:s21+$0x90C0]  }
0xf0: {  	v8 =	vld [tilespmem:s21+$0x90D0];
	v13 =	vadd.f32 v13, v7  }
0xf1: {  	s24 =	simm.s32 $0x200;
	v12 =	vadd.f32 v14, v12;
	v7 =	vld [tilespmem:s21+$0x90E0]  }
.LBB2_11:
0xf2: {  	s14 =	sshra.s32 s24, $0x2;
	p0 =	sne.s32 s24, $0x6E00;
	v13 =	vmax.f32 v13, $0.0e+00;
	v6 =	vadd.f32 v11, v6;
	v11 =	vld [tilespmem:s21+$0x90F0]  }
0xf3: {  	v14 =	vld [tilespmem:s14+$0x3C80];
	[tilespmem:s21+$0x9080] =	vst v13;
	v12 =	vmax.f32 v12, $0.0e+00;
	v5 =	vadd.f32 v10, v5  }
0xf4: {  	v15 =	vld [tilespmem:s14+$0x3C90];
	[tilespmem:s21+$0x9090] =	vst v12;
	v10 =	vmax.f32 v6, $0.0e+00;
	v4 =	vadd.f32 v9, v4  }
0xf5: {  	v6 =	vld [tilespmem:s14+$0x3CA0];
	[tilespmem:s21+$0x90A0] =	vst v10;
	v9 =	vmax.f32 v5, $0.0e+00;
	v3 =	vadd.f32 v8, v3  }
0xf6: {  	v5 =	vld [tilespmem:s14+$0x3CB0];
	[tilespmem:s21+$0x90B0] =	vst v9;
	v8 =	vmax.f32 v4, $0.0e+00;
	v2 =	vadd.f32 v7, v2  }
0xf7: {  	v4 =	vld [tilespmem:s14+$0x3CC0];
	[tilespmem:s21+$0x90C0] =	vst v8;
	v7 =	vmax.f32 v3, $0.0e+00;
	v1 =	vadd.f32 v11, v1  }
0xf8: {  	v3 =	vld [tilespmem:s14+$0x3CD0];
	[tilespmem:s21+$0x90D0] =	vst v7;
	v7 =	vmax.f32 v2, $0.0e+00  }
0xf9: {  	v2 =	vld [tilespmem:s14+$0x3CE0];
	[tilespmem:s21+$0x90E0] =	vst v7;
	v7 =	vmax.f32 v1, $0.0e+00  }
0xfa: {  	v1 =	vld [tilespmem:s14+$0x3CF0];
	[tilespmem:s21+$0x90F0] =	vst v7;
	s21 =	smov.u32 s14  }
0xfb: {  	v7 =	vld [tilespmem:s21+$0x9080]  }
0xfc: {  	v12 =	vld [tilespmem:s21+$0x9090]  }
.Ltmp4:
0xfd: {  	v11 =	vld [tilespmem:s21+$0x90A0];
	(pc) =	sbr.rel @p0 .LBB2_11-.Ltmp4, $4  }
0xfe: {  	v10 =	vld [tilespmem:s21+$0x90B0]  }
0xff: {  	v9 =	vld [tilespmem:s21+$0x90C0]  }
0x100: {  	v13 =	vadd.f32 v7, v14;
	v8 =	vld [tilespmem:s21+$0x90D0]  }
0x101: {  	s24 =	sadd.s32 $0x200, s24;
	v12 =	vadd.f32 v12, v15;
	v7 =	vld [tilespmem:s21+$0x90E0]  }
0x102: {  	v13 =	vmax.f32 v13, $0.0e+00;
	v6 =	vadd.f32 v11, v6;
	v63 =	vld [tilespmem:s21+$0x90F0]  }
0x103: {  	[tilespmem:s21+$0x9080] =	vst v13;
	v12 =	vmax.f32 v12, $0.0e+00;
	v5 =	vadd.f32 v10, v5  }
0x104: {  	[tilespmem:s21+$0x9090] =	vst v12;
	v6 =	vmax.f32 v6, $0.0e+00;
	v4 =	vadd.f32 v9, v4  }
0x105: {  	[tilespmem:s21+$0x90A0] =	vst v6;
	v5 =	vmax.f32 v5, $0.0e+00;
	v3 =	vadd.f32 v8, v3  }
0x106: {  	[tilespmem:s21+$0x90B0] =	vst v5;
	v4 =	vmax.f32 v4, $0.0e+00;
	v2 =	vadd.f32 v7, v2  }
0x107: {  	s14 =	smin.u32 s2, $0x163;
	[tilespmem:s21+$0x90C0] =	vst v4;
	v3 =	vmax.f32 v3, $0.0e+00;
	v1 =	vadd.f32 v63, v1  }
0x108: {  	s14 =	smul.u32 $0x38, s14;
	[tilespmem:s21+$0x90D0] =	vst v3;
	v2 =	vmax.f32 v2, $0.0e+00  }
0x109: {  	[tilespmem:s21+$0x90E0] =	vst v2;
	v1 =	vmax.f32 v1, $0.0e+00  }
0x10a: {  	s15 =	simm.s32 $0x9080;
	s14 =	sadd.s32 $0xE0, s14;
	[tilespmem:s21+$0x90F0] =	vst v1  }
0x10b: {  	[spmem:s1] =	stream.indirect.scatter.add.f32 [tilespmem:s15], [sflag:$0x9], $0x80, s17, s28, $0xb8;
	[tilespmem:$0x1F480] =	vst v63  }
0x10c: {  	s21 =	sadd.s32 s9, s14;
	_ =	swait.ge [sflag:s12], $0x1C00  }
0x10d: {  	s15 =	sshrl.u32 s21, $0x3;
	[sflag:s12] =	ssyncset.done $0x0  }
0x10e: {  	s14 =	sadd.s32 s6, s14;
	s24 =	sadd.s32 s5, s15;
	[sflag:s12] =	ssyncadd.s32 $0xFFFFE400  }
0x10f: {  	[tilespmem:s31], [sflag:$0x2] =	stream.linear.gather [hbm4b:s24+s3], $0x38, $0x38;
	[tilespmem:$0x1F480] =	vst v63  }
0x110: {  	s14 =	sshrl.u32 s14, $0x3;
	s15 =	sadd.s32 s7, s15  }
0x111: {  	[tilespmem:s0], [sflag:$0x2] =	stream.linear.gather [hbm4b:s15+s3], $0x38, $0x38;
	[tilespmem:$0x1F480] =	vst v63  }
0x112: {  	s14 =	sadd.s32 s8, s14;
	s24 =	simm.s32 $0x380  }
0x113: {  	[tilespmem:s24], [sflag:$0x2] =	stream.linear.gather [hbm4b:s14+s3], $0x38, $0x38;
	[tilespmem:$0x1F480] =	vst v63  }
0x114: {  	_ =	swait.ge [sflag:s11], $0x38  }
0x115: {  	[sflag:s11] =	ssyncset.done $0x0  }
0x116: {  	[sflag:s11] =	ssyncadd.s32 $0xFFFFFFC8  }
0x117: {  	_ =	swait.ge [sflag:s11], $0x38  }
0x118: {  	[sflag:s11] =	ssyncset.done $0x0  }
0x119: {  	[sflag:s11] =	ssyncadd.s32 $0xFFFFFFC8  }
0x11a: {  	_ =	swait.ge [sflag:s11], $0x38  }
0x11b: {  	s15 =	smin.u32 s2, $0x162;
	[sflag:s11] =	ssyncset.done $0x0  }
0x11c: {  	s21 =	simm.s32 $0x2080;
	s2 =	smul.u32 $0x38, s15;
	[sflag:s11] =	ssyncadd.s32 $0xFFFFFFC8  }
0x11d: {  	[tilespmem:s21], [sflag:$0x5] =	stream.indirect.gather [hbm4b:s4+s28], $0x80, s31, s28, $0xb8;
	[tilespmem:$0x1F480] =	vst v63  }
0x11e: {  	s24 =	simm.s32 $0x7480;
	s2 =	sadd.s32 $0x118, s2  }
0x11f: {  	[tilespmem:s24], [sflag:$0x5] =	stream.indirect.gather [hbm4b:s4+s28], $0x80, s0, s28, $0xb8;
	[tilespmem:$0x1F480] =	vst v63  }
0x120: {  	s30 =	sadd.s32 $0x1, s30;
	s15 =	sadd.s32 s9, s2;
	_ =	swait.ge [sflag:s25], $0x1C00  }
0x121: {  	p0 =	sne.s32 s30, $0x78;
	s14 =	sshrl.u32 s15, $0x3;
	[sflag:s25] =	ssyncset.done $0x0  }
0x122: {  	s21 =	sadd.s32 s5, s14;
	s24 =	simm.s32 $0x100;
	[sflag:s25] =	ssyncadd.s32 $0xFFFFE400  }
0x123: {  	[tilespmem:s24], [sflag:$0x3] =	stream.linear.gather [hbm4b:s21+s3], $0x38, $0x38;
	[tilespmem:$0x1F480] =	vst v63  }
.Ltmp5:
0x124: {  	s2 =	sadd.s32 s6, s2;
	(pc) =	sbr.rel @p0 .LBB2_6-.Ltmp5, $4  }
0x125: {  	s2 =	sshrl.u32 s2, $0x3;
	s14 =	sadd.s32 s7, s14  }
0x126: {  	[tilespmem:s16], [sflag:$0x3] =	stream.linear.gather [hbm4b:s14+s3], $0x38, $0x38;
	[tilespmem:$0x1F480] =	vst v63  }
0x127: {  	s2 =	sadd.s32 s8, s2  }
0x128: {  	[tilespmem:s17], [sflag:$0x3] =	stream.linear.gather [hbm4b:s2+s3], $0x38, $0x38;
	[tilespmem:$0x1F480] =	vst v63  }
0x129: {  	_ =	swait.ge [sflag:s18], $0x1C00  }
0x12a: {  	[sflag:s18] =	ssyncset.done $0x0  }
0x12b: {  	[sflag:s18] =	ssyncadd.s32 $0xFFFFE400  }
0x12c: {  	_ =	swait.ge [sflag:s18], $0x1C00  }
0x12d: {  	[sflag:s18] =	ssyncset.done $0x0  }
0x12e: {  	[sflag:s18] =	ssyncadd.s32 $0xFFFFE400  }
0x12f: {  	_ =	swait.ge [sflag:s13], $0x1C00  }
0x130: {  	[sflag:s13] =	ssyncset.done $0x0  }
0x131: {  	[sflag:s13] =	ssyncadd.s32 $0xFFFFE400  }
0x132: {  	_ =	swait.ge [sflag:s13], $0x1C00  }
0x133: {  	[sflag:s13] =	ssyncset.done $0x0  }
0x134: {  	[sflag:s13] =	ssyncadd.s32 $0xFFFFE400  }
0x135: {  	_ =	swait.ge [sflag:s19], $0x38  }
0x136: {  	[sflag:s19] =	ssyncset.done $0x0  }
0x137: {  	[sflag:s19] =	ssyncadd.s32 $0xFFFFFFC8  }
0x138: {  	_ =	swait.ge [sflag:s19], $0x38  }
0x139: {  	[sflag:s19] =	ssyncset.done $0x0  }
0x13a: {  	[sflag:s19] =	ssyncadd.s32 $0xFFFFFFC8  }
0x13b: {  	_ =	swait.ge [sflag:s19], $0x38  }
0x13c: {  	[sflag:s19] =	ssyncset.done $0x0  }
0x13d: {  	s2 =	stileid.u32;
	[sflag:s19] =	ssyncadd.s32 $0xFFFFFFC8  }
0x13e: {  	s2 =	sshll.u32 s2, $0x6;
	[bflag:$0x0] =	sbarrier.arrive $0xFFFF  }
0x13f: {  	s14 =	sshrl.u32 s10, $0x3;
	s2 =	sor.u32 $0x1C0A, s2;
	s15 =	rddreg [dreg:$0xc]  }
0x140: {  	[hbm:s15], [sflag:s2] =	dma.local [spmem:s14], $0x2800  }
0x141: {  	_ =	swait.ge [sflag:s23], $0x2800  }
0x142: {  	s24 =	rddreg [dreg:$0xe]  }
0x143: {  	s30 =	rddreg [dreg:$0xd];
	s14 =	sadd.s32 $0x1, s24  }
0x144: {  	p0 =	sne.s32 s14, s30  }
.Ltmp6:
0x145: {  	_ = 	snop;
	(pc) =	sbr.rel @p0 .LBB2_1-.Ltmp6, $3  }
0x146: {  	_ =	sdelay $0x1  }
0x147: {  	[sflag:s23] =	ssyncset.done $0x0  }
0x148: {  	[sflag:s23] =	ssyncadd.s32 $0xFFFFD800  }
0x149: {  	_ =	sfence.sel $0x180000  }
0x14a: {  	[bflag:$0x0] =	sbarrier.arrive $0xFFFF  }
0x14b: {  	_ =	strace $0x9000004A  }
0x14c: {  	s0 =	stileid.u32;
	[bflag:$0x2] =	sbarrier.arrive $0xFFFF  }
0x14d: {  	p0 =	sne.s32 s0, $0x0;
	s0 =	rddreg [dreg:$0x2]  }
0x14e: {  	s0 =	sadd.s32 @!p0 $0x100000, s0  }
0x14f: {  	[sflag:s0] =	ssyncadd.tile.s32 @!p0 $0x1;
	_ =	shalt  }
.Lfunc_end2:
_tile_overlayer_lowered:
.L_overlay_start_2:
0x150: {  	(tag) =	ssettag $0x2  }
0x151: {  	s0 =	rddreg [dreg:$0x0];
	s2 =	stileid.u32  }
0x152: {  	s1 =	rddreg [dreg:$0x1];
	p0 =	sne.s32 s2, $0x0  }
0x153: {  	s3 =	rddreg [dreg:$0x2];
	[bflag:$0x3] =	sbarrier.arrive $0xFFFF;
	s2 =	simm.s32 @!p0 $0x1C0A  }
0x154: {  	[timem:s3], [sflag:s2] =	dma.local @!p0 [hbm:s0], s1  }
0x155: {  	s0 =	simm.s32 @!p0 $0xA  }
0x156: {  	_ =	swait.ge @!p0 [sflag:s0], s1  }
0x157: {  	s1 =	ssub.s32 @!p0 $0x0, s1;
	[sflag:s0] =	ssyncset.done @!p0 $0x0  }
0x158: {  	[sflag:s0] =	ssyncadd.s32 @!p0 s1  }
0x159: {  	[bflag:$0x3] =	sbarrier.arrive $0xFFFF  }
0x15a: {  	_ =	shalt  }

// kernel: kernel.22.cloned.1.call-start
scs
__scs_entry_jumppad:
0x0: {  	(pc) =	sbr.rel $0x88, $3  }
0x1: {  	(tag) =	ssettag $0x0;
	lr =	simm.s32 $0x1  }
0x2: {  	[smem:$0x3F82] =	sst lr;
	_ =	strace $0xD0000000  }
0x3: {  	_ = 	snop  }
0x4: {  	_ = 	snop  }
0x5: {  	_ = 	snop  }
0x6: {  	_ = 	snop  }
0x7: {  	_ = 	snop  }
__scs_overlays_trampoline_lowered:
0x8: {  	[smem:$0x3F91] =	sst s0  }
0x9: {  	[smem:$0x3F92] =	sst s1  }
0xa: {  	[smem:$0x3F93] =	sst s2  }
0xb: {  	[smem:$0x3F94] =	sst s3  }
0xc: {  	[smem:$0x3F95] =	sst s4  }
0xd: {  	[smem:$0x3F96] =	sst s5  }
0xe: {  	[smem:$0x3F97] =	sst s6  }
0xf: {  	[smem:$0x3F98] =	sst s7  }
0x10: {  	[smem:$0x3F99] =	sst s8  }
0x11: {  	[smem:$0x3F9A] =	sst s9;
	s0 =	simm.s32 @!p0 $0x0  }
0x12: {  	s1 =	sld [smem:$0x3F80];
	s0 =	simm.s32 @p0 $0x1  }
0x13: {  	[smem:$0x3F9B] =	sst s0;
	s0 =	simm.s32 @!p1 $0x0  }
0x14: {  	s2 =	sld [smem:$0x3F7F];
	s0 =	simm.s32 @p1 $0x1  }
0x15: {  	[smem:$0x3F9C] =	sst s0;
	s0 =	simm.s32 @!p2 $0x0  }
0x16: {  	s3 =	sld [smem:$0x3FDB];
	s0 =	simm.s32 @p2 $0x1  }
0x17: {  	s4 =	simm.s32 $0x1BF5;
	[smem:$0x3F9E] =	sst s0  }
0x18: {  	s0 =	sld [smem:$0x3F81];
	_ =	swait.ge [sflag:s4], $0x0  }
0x19: {  	s7 =	sld [smem:$0x3F82]  }
0x1a: {  	s8 =	sadd.s32 $0xFFFFE003, lr  }
0x1b: {  	s9 =	sadd.s32 $0xFFFFFEF7, lr;
	s5 =	simm.s32 $0xFFFFFFFF;
	p2 =	slt.u32 s8, $0xFFFFF086  }
0x1c: {  	p1 =	slt.u32 s9, $0xF7A;
	s5 =	simm.s32 @!p2 $0x0  }
0x1d: {  	s5 =	simm.s32 @p1 $0x1;
	p0 =	seq.s32 s7, s2  }
0x1e: {  	s7 =	smul.u32 @!p0 $0xF7A, s2;
	p2 =	seq.s32 @!p0 s5, $0x0  }
0x1f: {  	s9 =	smul.u32 $0xF7A, s1;
	s8 =	simm.s32 @!p0 $0x1BF5;
	p2 =	por !p2, p0  }
0x20: {  	[sflag:s8] =	ssyncset.s32 @!p0 $0xFFFFF086;
	s6 =	sadd.s32 @!p0 s3, s7;
	s7 =	simm.s32 @!p0 $0x108  }
0x21: {  	s3 =	sadd.s32 s3, s9;
	s6 =	sadd.s32 @!p0 $0x88, s6;
	s7 =	simm.s32 @p2 $0x1082  }
0x22: {  	[simem:s7], [sflag:s8] =	dma.local @!p0 [hbm:s6], $0xF7A  }
0x23: {  	s9 =	sor.u32 $0xD0000000, s2;
	s6 =	simm.s32 $0x108;
	_ =	swait.ge @!p0 [sflag:s8], $0x0  }
0x24: {  	s3 =	sadd.s32 $0x88, s3;
	s6 =	simm.s32 @!p1 $0x1082;
	[sflag:s4] =	ssyncset.s32 $0xFFFFF086  }
0x25: {  	[simem:s6], [sflag:s4] =	dma.local [hbm:s3], $0xF7A  }
0x26: {  	[smem:$0x3F82] =	sst s1;
	(tag) =	ssettag s2;
	_ =	strace s9  }
0x27: {  	s1 =	sld [smem:$0x3F92]  }
0x28: {  	s2 =	sld [smem:$0x3F93]  }
0x29: {  	s4 =	sld [smem:$0x3F95]  }
0x2a: {  	p0 =	seq.s32 s5, $0x0;
	s5 =	sld [smem:$0x3F96]  }
0x2b: {  	s6 =	sld [smem:$0x3F97]  }
0x2c: {  	s7 =	sld [smem:$0x3F98]  }
0x2d: {  	s3 =	simm.s32 $0x108;
	s8 =	sld [smem:$0x3F99]  }
0x2e: {  	s3 =	simm.s32 @!p0 $0x1082;
	s9 =	sld [smem:$0x3F9A]  }
0x2f: {  	lr =	sadd.s32 s0, s3;
	s0 =	sld [smem:$0x3F91]  }
0x30: {  	s3 =	sld [smem:$0x3F94]  }
0x31: {  	[smem:$0x3F9D] =	sst s10  }
0x32: {  	s10 =	sld [smem:$0x3F9B];
	_ =	sdelay $0x3  }
0x33: {  	p0 =	seq.s32 s10, $0x1;
	s10 =	sld [smem:$0x3F9D];
	_ =	sdelay $0x3  }
0x34: {  	[smem:$0x3F9D] =	sst s10  }
0x35: {  	s10 =	sld [smem:$0x3F9C];
	_ =	sdelay $0x3  }
0x36: {  	p1 =	seq.s32 s10, $0x1;
	s10 =	sld [smem:$0x3F9D];
	_ =	sdelay $0x3  }
0x37: {  	[smem:$0x3F9D] =	sst s10  }
0x38: {  	s10 =	sld [smem:$0x3F9E]  }
0x39: {  	_ = 	snop;
	(pc) =	sbr.ind lr, $3  }
0x3a: {  	_ = 	snop  }
0x3b: {  	_ = 	snop  }
0x3c: {  	p2 =	seq.s32 s10, $0x1;
	s10 =	sld [smem:$0x3F9D]  }
0x3d: {  	_ =	shalt  }
0x3e: {  	_ =	shalt  }
0x3f: {  	_ =	shalt  }
0x40: {  	_ =	shalt  }
0x41: {  	_ =	shalt  }
0x42: {  	_ =	shalt  }
0x43: {  	_ =	shalt  }
0x44: {  	_ =	shalt  }
0x45: {  	_ =	shalt  }
0x46: {  	_ =	shalt  }
0x47: {  	_ =	shalt  }
0x48: {  	_ =	shalt  }
0x49: {  	_ =	shalt  }
0x4a: {  	_ =	shalt  }
0x4b: {  	_ =	shalt  }
0x4c: {  	_ =	shalt  }
0x4d: {  	_ =	shalt  }
0x4e: {  	_ =	shalt  }
0x4f: {  	_ =	shalt  }
0x50: {  	_ =	shalt  }
0x51: {  	_ =	shalt  }
0x52: {  	_ =	shalt  }
0x53: {  	_ =	shalt  }
0x54: {  	_ =	shalt  }
0x55: {  	_ =	shalt  }
0x56: {  	_ =	shalt  }
0x57: {  	_ =	shalt  }
0x58: {  	_ =	shalt  }
0x59: {  	_ =	shalt  }
0x5a: {  	_ =	shalt  }
0x5b: {  	_ =	shalt  }
0x5c: {  	_ =	shalt  }
0x5d: {  	_ =	shalt  }
0x5e: {  	_ =	shalt  }
0x5f: {  	_ =	shalt  }
0x60: {  	_ =	shalt  }
0x61: {  	_ =	shalt  }
0x62: {  	_ =	shalt  }
0x63: {  	_ =	shalt  }
0x64: {  	_ =	shalt  }
0x65: {  	_ =	shalt  }
0x66: {  	_ =	shalt  }
0x67: {  	_ =	shalt  }
0x68: {  	_ =	shalt  }
0x69: {  	_ =	shalt  }
0x6a: {  	_ =	shalt  }
0x6b: {  	_ =	shalt  }
0x6c: {  	_ =	shalt  }
0x6d: {  	_ =	shalt  }
0x6e: {  	_ =	shalt  }
0x6f: {  	_ =	shalt  }
0x70: {  	_ =	shalt  }
0x71: {  	_ =	shalt  }
0x72: {  	_ =	shalt  }
0x73: {  	_ =	shalt  }
0x74: {  	_ =	shalt  }
0x75: {  	_ =	shalt  }
0x76: {  	_ =	shalt  }
0x77: {  	_ =	shalt  }
0x78: {  	_ =	shalt  }
0x79: {  	_ =	shalt  }
0x7a: {  	_ =	shalt  }
0x7b: {  	_ =	shalt  }
0x7c: {  	_ =	shalt  }
0x7d: {  	_ =	shalt  }
0x7e: {  	_ =	shalt  }
0x7f: {  	_ =	shalt  }
0x80: {  	_ =	shalt  }
0x81: {  	_ =	shalt  }
0x82: {  	_ =	shalt  }
0x83: {  	_ =	shalt  }
0x84: {  	_ =	shalt  }
0x85: {  	_ =	shalt  }
0x86: {  	_ =	shalt  }
0x87: {  	_ =	shalt  }
.Lfunc_end0:
.L_simem_size_0:
called_computation.2_lowered:
.L_overlay_start_0:
0x88: {  	s2 =	sld [smem:$0x3FD9]  }
0x89: {  	s3 =	sld [smem:$0x3FFE];
	_ =	sdelay $0x1  }
0x8a: {  	s1 =	srdreg.scid  }
0x8b: {  	s0 =	sand.u32 $0x1, s1  }
0x8c: {  	s16 =	sshll.u32 s0, $0xA;
	s2 =	sadd.s32 s3, s2  }
0x8d: {  	s2 =	sadd.s32 s2, s16  }
0x8e: {  	[smem:$0x3FA9] =	sst s2  }
0x8f: {  	_ = 	snop  }
0x90: {  	(tm) =	ssettm $0x1  }
0x91: {  	s17 =	sld [smem:$0x3FFB];
	_ =	sdelay $0x3  }
0x92: {  	_ =	strace s17  }
0x93: {  	s2 =	sld [smem:$0x3FFC];
	_ =	sdelay $0x3  }
0x94: {  	_ =	strace s2  }
0x95: {  	s2 =	sld [smem:$0x3FFD];
	_ =	sdelay $0x3  }
0x96: {  	_ =	strace s2  }
0x97: {  	_ =	strace $0x8FFFFFFF  }
0x98: {  	s18 =	sld [smem:$0x3FDB];
	_ =	sdelay $0x1  }
0x99: {  	s19 =	simm.s32 $_scs_section_size  }
0x9a: {  	s4 =	simm.s32 $_size__tile_overlayer_lowered;
	s5 =	simm.s32 $_tile_overlayer_lowered  }
0x9b: {  	s22 =	simm.s32 $0x1BFF;
	s21 =	sshll.u32 s5, $0x1;
	s2 =	sadd.s32 s19, s18  }
0x9c: {  	s6 =	simm.s32 $0x0;
	s20 =	sshll.u32 s4, $0x1;
	s4 =	sadd.s32 s21, s2  }
0x9d: {  	[timem:s6], [sflag:s22] =	dma.local [hbm:s4], s20  }
0x9e: {  	_ =	swait.ge [sflag:s22], s20  }
0x9f: {  	s3 =	ssub.s32 $0x0, s20;
	[sflag:s22] =	ssyncset.done $0x0  }
0xa0: {  	[sflag:s22] =	ssyncadd.s32 s3;
	_ =	sdelay $0x1  }
0xa1: {  	s23 =	simm.s32 $0x1B8B  }
0xa2: {  	_ =	swait.ge [sflag:s23], $0x1  }
0xa3: {  	[sflag:s23] =	ssyncset.done $0x0  }
0xa4: {  	s25 =	simm.s32 $0x1B8E;
	s24 =	sld [smem:$0x3FFE];
	[sflag:s23] =	ssyncadd.s32 $0xFFFFFFFF  }
0xa5: {  	s26 =	simm.s32 $execute0_lowered;
	[smem:$0x3FD2] =	sst s25  }
0xa6: {  	s4 =	sshll.u32 s26, $0x1;
	_ =	strace $0x8000004C;
	[dreg:$0x1] =	wrdreg $0xFFFFFFFF  }
0xa7: {  	s28 =	simm.s32 $_size_execute0_lowered;
	s2 =	sadd.s32 s2, s4;
	[dreg:$0x0] =	wrdreg $0x0  }
0xa8: {  	s4 =	sshll.u32 s28, $0x1;
	[dreg:$0x2] =	wrdreg s2  }
0xa9: {  	[dreg:$0x3] =	wrdreg s4  }
0xaa: {  	[dreg:$0x4] =	wrdreg $0xC0  }
0xab: {  	_ =	task [dreg:s6], $0x5FFFF  }
0xac: {  	[dreg:$0x1] =	wrdreg $0xFFFFFFFF  }
0xad: {  	[dreg:$0x0] =	wrdreg $0x60  }
0xae: {  	[dreg:$0x2] =	wrdreg s24  }
0xaf: {  	[dreg:$0x3] =	wrdreg $0xB4800  }
0xb0: {  	[dreg:$0x4] =	wrdreg $0x9  }
0xb1: {  	_ =	task.clear_ibuf [dreg:s6], $0x5FFFF;
	_ =	strace $0x9000004C  }
0xb2: {  	s29 =	simm.s32 $0x9;
	_ =	strace $0x8000004E  }
0xb3: {  	_ =	swait.ge [sflag:s29], $0x1  }
0xb4: {  	[sflag:s29] =	ssyncadd.s32 $0xFFFFFFFF  }
0xb5: {  	_ =	strace $0x9000004E  }
0xb6: {  	_ =	sfence  }
0xb7: {  	s30 =	sld [smem:$0x0];
	_ =	sdelay $0x2  }
0xb8: {  	s31 =	sshll.u32 s1, $0xD;
	s1 =	sshrl.u32 s1, $0x2  }
0xb9: {  	s3 =	sand.u32 $0x4000, s31;
	s1 =	sadd.s32 s1, s30  }
0xba: {  	s0 =	sor.u32 s3, s0;
	s1 =	sshll.u32 s1, $0x11  }
0xbb: {  	s0 =	sor.u32 s1, s0  }
0xbc: {  	s0 =	sadd.s32 $0x8F2B, s0  }
0xbd: {  	[sflag:s0] =	ssyncadd.remote.s32 $0x1  }
0xbe: {  	_ =	sfence.sel $0xFFFF  }
0xbf: {  	[dreg:$0x0] =	wrdreg $0xFFFFFFFF;
	(pc) =	sbr.abs _section_cstart, $3  }
0xc0: {  	[dreg:$0x1] =	wrdreg $0xFFFFFFFF  }
0xc1: {  	_ =	task.clear_ibuf [dreg:s6], $0x2FFFF;
	_ =	strace $0x9FFFFFFF  }
0xc2: {  	(tm) =	ssettm $0x7FFFFFFF  }
0xc3: {  	_ =	shalt  }
tec
execute0_lowered:
.L_overlay_start_1:
0x0: {  	(tag) =	ssettag $0x1  }
0x1: {  	s0 =	rddreg [dreg:$0x0]  }
0x2: {  	s1 =	rddreg [dreg:$0x1]  }
0x3: {  	s3 =	simm.s32 $0x0;
	s2 =	srdreg.scid;
	s12 =	stileid.u32  }
0x4: {  	s28 =	simm.s32 $0x38;
	s31 =	simm.s32 $0x80;
	s16 =	simm.s32 $0x280  }
0x5: {  	s17 =	simm.s32 $0x400;
	s29 =	simm.s32 $0x6;
	s10 =	smul.u32 $0x2800, s12  }
0x6: {  	[smem:$0x7FF] =	sst s3;
	s2 =	sand.u32 $0x1, s2;
	s6 =	smul.u32 $0x4EC0, s12  }
0x7: {  	s4 =	sadd.s32 $0x86C00, s0;
	s5 =	sadd.s32 $0xF400, s0;
	s18 =	smul.u32 $0x50000, s12  }
0x8: {  	s7 =	sadd.s32 $0x23000, s0;
	s8 =	sadd.s32 $0x5600, s0;
	s9 =	smul.u32 $0x28000, s2  }
0x9: {  	_ =	strace $0x8000004D;
	s11 =	smul.u32 $0x4EC00, s2;
	s2 =	ssub.s32 $0x2, s2  }
0xa: {  	s19 =	sshrl.u32 s2, $0x1;
	s21 =	sshrl.u32 s6, $0x3;
	s9 =	sadd.s32 s10, s9  }
0xb: {  	s2 =	ssub.s32 s2, s19;
	s10 =	sshrl.u32 s18, $0x2;
	s22 =	sadd.s32 s8, s21  }
0xc: {  	s18 =	simm.s32 $0x4;
	s19 =	simm.s32 $0x3;
	s0 =	sadd.s32 s9, s0  }
0xd: {  	s9 =	sadd.s32 s6, s11;
	s24 =	sadd.s32 $0x7, s22;
	[dreg:$0x5] =	wrdreg s22  }
0xe: {  	s10 =	sadd.s32 s10, s1;
	s26 =	sadd.s32 $0xE, s22;
	[dreg:$0x8] =	wrdreg s24  }
0xf: {  	s30 =	smax.u32 s2, $0x1;
	s22 =	simm.s32 $0xAC80;
	[dreg:$0xb] =	wrdreg s26  }
0x10: {  	s11 =	sshrl.u32 s9, $0x3;
	s0 =	sadd.s32 $0x126C00, s0;
	[dreg:$0xd] =	wrdreg s30  }
0x11: {  	s26 =	simm.s32 $0x1;
	s20 =	sadd.s32 s5, s11;
	[dreg:$0xc] =	wrdreg s0  }
0x12: {  	s13 =	sadd.s32 s7, s11;
	s23 =	sor.u32 $0x7, s11;
	[dreg:$0x3] =	wrdreg s20  }
0x13: {  	s11 =	sadd.s32 $0xE, s11;
	[dreg:$0x4] =	wrdreg s13;
	s14 =	sadd.s32 s5, s23  }
0x14: {  	s0 =	simm.s32 $0x200;
	s12 =	sadd.s32 s7, s23;
	[dreg:$0x6] =	wrdreg s14  }
0x15: {  	s25 =	sadd.s32 s5, s11;
	s11 =	sadd.s32 s7, s11;
	[dreg:$0x7] =	wrdreg s12  }
0x16: {  	s23 =	simm.s32 $0xA;
	s13 =	simm.s32 $0x5;
	[dreg:$0x9] =	wrdreg s25  }
0x17: {  	s20 =	simm.s32 $0x7;
	[dreg:$0xa] =	wrdreg s11;
	s11 =	simm.s32 $0x2  }
0x18: {  	v0 =	vimm.f32 $0.0e+00;
	s12 =	simm.s32 $0x8;
	s25 =	simm.s32 $0x9;
	s14 =	simm.s32 $0x0  }
.LBB2_1:
0x19: {  	s2 =	simm.s32 $0x0;
	s21 =	simm.s32 $0x200  }
.LBB2_2:
0x1a: {  	p0 =	sne.s32 s21, $0x1E00;
	[tilespmem:s2+$0xACF0] =	vst v0  }
0x1b: {  	[tilespmem:s2+$0xAC80] =	vst v0  }
0x1c: {  	[tilespmem:s2+$0xAC90] =	vst v0  }
.Ltmp0:
0x1d: {  	[tilespmem:s2+$0xACA0] =	vst v0;
	(pc) =	sbr.rel @p0 .LBB2_2-.Ltmp0, $4  }
0x1e: {  	[tilespmem:s2+$0xACB0] =	vst v0  }
0x1f: {  	[tilespmem:s2+$0xACC0] =	vst v0  }
0x20: {  	[tilespmem:s2+$0xACD0] =	vst v0  }
0x21: {  	[tilespmem:s2+$0xACE0] =	vst v0;
	s2 =	sshra.s32 s21, $0x2;
	s21 =	sadd.s32 $0x200, s21  }
0x22: {  	[tilespmem:s2+$0xACF0] =	vst v0  }
0x23: {  	[tilespmem:s2+$0xAC80] =	vst v0  }
0x24: {  	[tilespmem:s2+$0xAC90] =	vst v0  }
0x25: {  	[tilespmem:s2+$0xACA0] =	vst v0  }
0x26: {  	[tilespmem:s2+$0xACB0] =	vst v0  }
0x27: {  	[tilespmem:s2+$0xACC0] =	vst v0  }
0x28: {  	[tilespmem:s2+$0xACD0] =	vst v0  }
0x29: {  	[dreg:$0xe] =	wrdreg s14;
	[tilespmem:s2+$0xACE0] =	vst v0;
	s30 =	sadd.s32 $0x0, s10  }
0x2a: {  	[spmem:s30] =	stream.linear.scatter [tilespmem:s22], [sflag:$0xA], $0x800, $0x38;
	[tilespmem:$0x1F480] =	vst v63  }
0x2b: {  	s2 =	simm.s32 $0x2000;
	_ =	swait.ge [sflag:s23], $0x800  }
.LBB2_4:
0x2c: {  	s21 =	sshra.s32 s2, $0x2;
	[sflag:s23] =	ssyncset.done $0x0;
	p0 =	sne.s32 s2, $0x4E000  }
.Ltmp1:
0x2d: {  	s21 =	sadd.s32 s21, s10;
	[sflag:s23] =	ssyncadd.s32 $0xFFFFF800;
	(pc) =	sbr.rel @p0 .LBB2_4-.Ltmp1, $3  }
0x2e: {  	[spmem:s21] =	stream.linear.scatter [tilespmem:s22], [sflag:$0xA], $0x800, $0x38;
	[tilespmem:$0x1F480] =	vst v63  }
0x2f: {  	s2 =	sadd.s32 $0x2000, s2;
	_ =	sdelay $0x1  }
0x30: {  	_ =	swait.ge [sflag:s23], $0x800  }
0x31: {  	[sflag:s23] =	ssyncset.done $0x0  }
0x32: {  	[sflag:s23] =	ssyncadd.s32 $0xFFFFF800  }
0x33: {  	[bflag:$0x0] =	sbarrier.arrive $0xFFFF  }
0x34: {  	s30 =	simm.s32 $0x0;
	s2 =	rddreg [dreg:$0x3]  }
0x35: {  	[tilespmem:s30], [sflag:$0x1] =	stream.linear.gather [hbm4b:s2+s30], $0x38, $0x38;
	[tilespmem:$0x1F480] =	vst v63  }
0x36: {  	s14 =	simm.s32 $0x180;
	s15 =	rddreg [dreg:$0x4]  }
0x37: {  	[tilespmem:s14], [sflag:$0x1] =	stream.linear.gather [hbm4b:s15+s30], $0x38, $0x38;
	[tilespmem:$0x1F480] =	vst v63  }
0x38: {  	s21 =	rddreg [dreg:$0x5];
	s15 =	simm.s32 $0x300  }
0x39: {  	[tilespmem:s15], [sflag:$0x1] =	stream.linear.gather [hbm4b:s21+s30], $0x38, $0x38;
	[tilespmem:$0x1F480] =	vst v63  }
0x3a: {  	_ =	swait.ge [sflag:s26], $0x38  }
0x3b: {  	[sflag:s26] =	ssyncset.done $0x0  }
0x3c: {  	[sflag:s26] =	ssyncadd.s32 $0xFFFFFFC8  }
0x3d: {  	_ =	swait.ge [sflag:s26], $0x38  }
0x3e: {  	[sflag:s26] =	ssyncset.done $0x0  }
0x3f: {  	[sflag:s26] =	ssyncadd.s32 $0xFFFFFFC8  }
0x40: {  	_ =	swait.ge [sflag:s26], $0x38  }
0x41: {  	[sflag:s26] =	ssyncset.done $0x0  }
0x42: {  	s24 =	simm.s32 $0x480;
	[sflag:s26] =	ssyncadd.s32 $0xFFFFFFC8  }
0x43: {  	[tilespmem:s24], [sflag:$0x4] =	stream.indirect.gather [hbm4b:s4+s28], $0x80, s30, s28, $0xb8;
	[tilespmem:$0x1F480] =	vst v63  }
0x44: {  	s15 =	simm.s32 $0x5880  }
0x45: {  	[tilespmem:s15], [sflag:$0x4] =	stream.indirect.gather [hbm4b:s4+s28], $0x80, s14, s28, $0xb8;
	[tilespmem:$0x1F480] =	vst v63  }
0x46: {  	s21 =	rddreg [dreg:$0x6]  }
0x47: {  	[tilespmem:s31], [sflag:$0x2] =	stream.linear.gather [hbm4b:s21+s30], $0x38, $0x38;
	[tilespmem:$0x1F480] =	vst v63  }
0x48: {  	s24 =	rddreg [dreg:$0x7]  }
0x49: {  	[tilespmem:s0], [sflag:$0x2] =	stream.linear.gather [hbm4b:s24+s30], $0x38, $0x38;
	[tilespmem:$0x1F480] =	vst v63  }
0x4a: {  	s14 =	rddreg [dreg:$0x8];
	s15 =	simm.s32 $0x380  }
0x4b: {  	[tilespmem:s15], [sflag:$0x2] =	stream.linear.gather [hbm4b:s14+s30], $0x38, $0x38;
	[tilespmem:$0x1F480] =	vst v63  }
0x4c: {  	_ =	swait.ge [sflag:s11], $0x38  }
0x4d: {  	[sflag:s11] =	ssyncset.done $0x0  }
0x4e: {  	[sflag:s11] =	ssyncadd.s32 $0xFFFFFFC8  }
0x4f: {  	_ =	swait.ge [sflag:s11], $0x38  }
0x50: {  	[sflag:s11] =	ssyncset.done $0x0  }
0x51: {  	[sflag:s11] =	ssyncadd.s32 $0xFFFFFFC8  }
0x52: {  	_ =	swait.ge [sflag:s11], $0x38  }
0x53: {  	[sflag:s11] =	ssyncset.done $0x0  }
0x54: {  	s21 =	simm.s32 $0x2080;
	[sflag:s11] =	ssyncadd.s32 $0xFFFFFFC8  }
0x55: {  	[tilespmem:s21], [sflag:$0x5] =	stream.indirect.gather [hbm4b:s4+s28], $0x80, s31, s28, $0xb8;
	[tilespmem:$0x1F480] =	vst v63  }
0x56: {  	s24 =	simm.s32 $0x7480  }
0x57: {  	[tilespmem:s24], [sflag:$0x5] =	stream.indirect.gather [hbm4b:s4+s28], $0x80, s0, s28, $0xb8;
	[tilespmem:$0x1F480] =	vst v63  }
0x58: {  	s15 =	simm.s32 $0x100;
	s14 =	rddreg [dreg:$0x9]  }
0x59: {  	[tilespmem:s15], [sflag:$0x3] =	stream.linear.gather [hbm4b:s14+s30], $0x38, $0x38;
	[tilespmem:$0x1F480] =	vst v63  }
0x5a: {  	s21 =	rddreg [dreg:$0xa]  }
0x5b: {  	[tilespmem:s16], [sflag:$0x3] =	stream.linear.gather [hbm4b:s21+s30], $0x38, $0x38;
	[tilespmem:$0x1F480] =	vst v63  }
0x5c: {  	s24 =	rddreg [dreg:$0xb]  }
0x5d: {  	[tilespmem:s17], [sflag:$0x3] =	stream.linear.gather [hbm4b:s24+s30], $0x38, $0x38;
	[tilespmem:$0x1F480] =	vst v63  }
.LBB2_6:
0x5e: {  	_ =	swait.ge [sflag:s18], $0x1C00  }
0x5f: {  	[sflag:s18] =	ssyncset.done $0x0  }
0x60: {  	[sflag:s18] =	ssyncadd.s32 $0xFFFFE400  }
0x61: {  	_ =	swait.ge [sflag:s18], $0x1C00  }
0x62: {  	[sflag:s18] =	ssyncset.done $0x0  }
0x63: {  	s2 =	simm.s32 $0x0;
	[sflag:s18] =	ssyncadd.s32 $0xFFFFE400  }
0x64: {  	v7 =	vld [tilespmem:s2+$0x480]  }
0x65: {  	v12 =	vld [tilespmem:s2+$0x490]  }
0x66: {  	v6 =	vld [tilespmem:s2+$0x4A0]  }
0x67: {  	v5 =	vld [tilespmem:s2+$0x4B0]  }
0x68: {  	v4 =	vld [tilespmem:s2+$0x4C0]  }
0x69: {  	v3 =	vld [tilespmem:s2+$0x4D0]  }
0x6a: {  	v2 =	vld [tilespmem:s2+$0x4E0]  }
0x6b: {  	v1 =	vld [tilespmem:s2+$0x4F0]  }
0x6c: {  	v13 =	vld [tilespmem:s2+$0x5880]  }
0x6d: {  	v14 =	vld [tilespmem:s2+$0x5890]  }
0x6e: {  	v11 =	vld [tilespmem:s2+$0x58A0]  }
0x6f: {  	v10 =	vld [tilespmem:s2+$0x58B0]  }
0x70: {  	v9 =	vld [tilespmem:s2+$0x58C0]  }
0x71: {  	v8 =	vld [tilespmem:s2+$0x58D0];
	v13 =	vadd.f32 v13, v7  }
0x72: {  	s21 =	simm.s32 $0x200;
	v12 =	vadd.f32 v14, v12;
	v7 =	vld [tilespmem:s2+$0x58E0]  }
.LBB2_7:
0x73: {  	s24 =	sshra.s32 s21, $0x2;
	p0 =	sne.s32 s21, $0x6E00;
	v13 =	vmax.f32 v13, $0.0e+00;
	v6 =	vadd.f32 v11, v6;
	v11 =	vld [tilespmem:s2+$0x58F0]  }
0x74: {  	v14 =	vld [tilespmem:s24+$0x480];
	[tilespmem:s2+$0x5880] =	vst v13;
	v12 =	vmax.f32 v12, $0.0e+00;
	v5 =	vadd.f32 v10, v5  }
0x75: {  	v15 =	vld [tilespmem:s24+$0x490];
	[tilespmem:s2+$0x5890] =	vst v12;
	v10 =	vmax.f32 v6, $0.0e+00;
	v4 =	vadd.f32 v9, v4  }
0x76: {  	v6 =	vld [tilespmem:s24+$0x4A0];
	[tilespmem:s2+$0x58A0] =	vst v10;
	v9 =	vmax.f32 v5, $0.0e+00;
	v3 =	vadd.f32 v8, v3  }
0x77: {  	v5 =	vld [tilespmem:s24+$0x4B0];
	[tilespmem:s2+$0x58B0] =	vst v9;
	v8 =	vmax.f32 v4, $0.0e+00;
	v2 =	vadd.f32 v7, v2  }
0x78: {  	v4 =	vld [tilespmem:s24+$0x4C0];
	[tilespmem:s2+$0x58C0] =	vst v8;
	v7 =	vmax.f32 v3, $0.0e+00;
	v1 =	vadd.f32 v11, v1  }
0x79: {  	v3 =	vld [tilespmem:s24+$0x4D0];
	[tilespmem:s2+$0x58D0] =	vst v7;
	v7 =	vmax.f32 v2, $0.0e+00  }
0x7a: {  	v2 =	vld [tilespmem:s24+$0x4E0];
	[tilespmem:s2+$0x58E0] =	vst v7;
	v7 =	vmax.f32 v1, $0.0e+00  }
0x7b: {  	v1 =	vld [tilespmem:s24+$0x4F0];
	[tilespmem:s2+$0x58F0] =	vst v7;
	s2 =	smov.u32 s24  }
0x7c: {  	v7 =	vld [tilespmem:s2+$0x5880]  }
0x7d: {  	v12 =	vld [tilespmem:s2+$0x5890]  }
.Ltmp2:
0x7e: {  	v11 =	vld [tilespmem:s2+$0x58A0];
	(pc) =	sbr.rel @p0 .LBB2_7-.Ltmp2, $4  }
0x7f: {  	v10 =	vld [tilespmem:s2+$0x58B0]  }
0x80: {  	v9 =	vld [tilespmem:s2+$0x58C0]  }
0x81: {  	v13 =	vadd.f32 v7, v14;
	v8 =	vld [tilespmem:s2+$0x58D0]  }
0x82: {  	s21 =	sadd.s32 $0x200, s21;
	v12 =	vadd.f32 v12, v15;
	v7 =	vld [tilespmem:s2+$0x58E0]  }
0x83: {  	v13 =	vmax.f32 v13, $0.0e+00;
	v6 =	vadd.f32 v11, v6;
	v11 =	vld [tilespmem:s2+$0x58F0]  }
0x84: {  	[tilespmem:s2+$0x5880] =	vst v13;
	v12 =	vmax.f32 v12, $0.0e+00;
	v5 =	vadd.f32 v10, v5  }
0x85: {  	[tilespmem:s2+$0x5890] =	vst v12;
	v6 =	vmax.f32 v6, $0.0e+00;
	v4 =	vadd.f32 v9, v4  }
0x86: {  	[tilespmem:s2+$0x58A0] =	vst v6;
	v5 =	vmax.f32 v5, $0.0e+00;
	v3 =	vadd.f32 v8, v3  }
0x87: {  	[tilespmem:s2+$0x58B0] =	vst v5;
	v4 =	vmax.f32 v4, $0.0e+00;
	v2 =	vadd.f32 v7, v2  }
0x88: {  	[tilespmem:s2+$0x58C0] =	vst v4;
	v3 =	vmax.f32 v3, $0.0e+00;
	v1 =	vadd.f32 v11, v1  }
0x89: {  	[tilespmem:s2+$0x58D0] =	vst v3;
	v2 =	vmax.f32 v2, $0.0e+00  }
0x8a: {  	[tilespmem:s2+$0x58E0] =	vst v2;
	v1 =	vmax.f32 v1, $0.0e+00  }
0x8b: {  	s24 =	simm.s32 $0x300;
	s14 =	simm.s32 $0x5880;
	[tilespmem:s2+$0x58F0] =	vst v1  }
0x8c: {  	[spmem:s1] =	stream.indirect.scatter.add.f32 [tilespmem:s14], [sflag:$0x7], $0x80, s24, s28, $0xb8;
	[tilespmem:$0x1F480] =	vst v63  }
0x8d: {  	_ =	swait.ge [sflag:s19], $0x38  }
0x8e: {  	[sflag:s19] =	ssyncset.done $0x0  }
0x8f: {  	[sflag:s19] =	ssyncadd.s32 $0xFFFFFFC8  }
0x90: {  	_ =	swait.ge [sflag:s19], $0x38  }
0x91: {  	[sflag:s19] =	ssyncset.done $0x0  }
0x92: {  	[sflag:s19] =	ssyncadd.s32 $0xFFFFFFC8  }
0x93: {  	_ =	swait.ge [sflag:s19], $0x38  }
0x94: {  	[sflag:s19] =	ssyncset.done $0x0  }
0x95: {  	s15 =	simm.s32 $0x100;
	s21 =	simm.s32 $0x3C80;
	[sflag:s19] =	ssyncadd.s32 $0xFFFFFFC8  }
0x96: {  	[tilespmem:s21], [sflag:$0x6] =	stream.indirect.gather [hbm4b:s4+s28], $0x80, s15, s28, $0xb8;
	[tilespmem:$0x1F480] =	vst v63  }
0x97: {  	s24 =	simm.s32 $0x9080  }
0x98: {  	[tilespmem:s24], [sflag:$0x6] =	stream.indirect.gather [hbm4b:s4+s28], $0x80, s16, s28, $0xb8;
	[tilespmem:$0x1F480] =	vst v63  }
0x99: {  	_ =	swait.ge [sflag:s13], $0x1C00  }
0x9a: {  	[sflag:s13] =	ssyncset.done $0x0  }
0x9b: {  	[sflag:s13] =	ssyncadd.s32 $0xFFFFE400  }
0x9c: {  	_ =	swait.ge [sflag:s13], $0x1C00  }
0x9d: {  	[sflag:s13] =	ssyncset.done $0x0  }
0x9e: {  	s21 =	simm.s32 $0x0;
	[sflag:s13] =	ssyncadd.s32 $0xFFFFE400  }
0x9f: {  	v7 =	vld [tilespmem:s21+$0x2080]  }
0xa0: {  	v12 =	vld [tilespmem:s21+$0x2090]  }
0xa1: {  	v6 =	vld [tilespmem:s21+$0x20A0]  }
0xa2: {  	v5 =	vld [tilespmem:s21+$0x20B0]  }
0xa3: {  	v4 =	vld [tilespmem:s21+$0x20C0]  }
0xa4: {  	v3 =	vld [tilespmem:s21+$0x20D0]  }
0xa5: {  	v2 =	vld [tilespmem:s21+$0x20E0]  }
0xa6: {  	v1 =	vld [tilespmem:s21+$0x20F0]  }
0xa7: {  	v13 =	vld [tilespmem:s21+$0x7480]  }
0xa8: {  	v14 =	vld [tilespmem:s21+$0x7490]  }
0xa9: {  	v11 =	vld [tilespmem:s21+$0x74A0]  }
0xaa: {  	v10 =	vld [tilespmem:s21+$0x74B0]  }
0xab: {  	v9 =	vld [tilespmem:s21+$0x74C0]  }
0xac: {  	v8 =	vld [tilespmem:s21+$0x74D0];
	v13 =	vadd.f32 v13, v7  }
0xad: {  	s2 =	simm.s32 $0x200;
	v12 =	vadd.f32 v14, v12;
	v7 =	vld [tilespmem:s21+$0x74E0]  }
.LBB2_9:
0xae: {  	s24 =	sshra.s32 s2, $0x2;
	p0 =	sne.s32 s2, $0x6E00;
	v13 =	vmax.f32 v13, $0.0e+00;
	v6 =	vadd.f32 v11, v6;
	v11 =	vld [tilespmem:s21+$0x74F0]  }
0xaf: {  	v14 =	vld [tilespmem:s24+$0x2080];
	[tilespmem:s21+$0x7480] =	vst v13;
	v12 =	vmax.f32 v12, $0.0e+00;
	v5 =	vadd.f32 v10, v5  }
0xb0: {  	v15 =	vld [tilespmem:s24+$0x2090];
	[tilespmem:s21+$0x7490] =	vst v12;
	v10 =	vmax.f32 v6, $0.0e+00;
	v4 =	vadd.f32 v9, v4  }
0xb1: {  	v6 =	vld [tilespmem:s24+$0x20A0];
	[tilespmem:s21+$0x74A0] =	vst v10;
	v9 =	vmax.f32 v5, $0.0e+00;
	v3 =	vadd.f32 v8, v3  }
0xb2: {  	v5 =	vld [tilespmem:s24+$0x20B0];
	[tilespmem:s21+$0x74B0] =	vst v9;
	v8 =	vmax.f32 v4, $0.0e+00;
	v2 =	vadd.f32 v7, v2  }
0xb3: {  	v4 =	vld [tilespmem:s24+$0x20C0];
	[tilespmem:s21+$0x74C0] =	vst v8;
	v7 =	vmax.f32 v3, $0.0e+00;
	v1 =	vadd.f32 v11, v1  }
0xb4: {  	v3 =	vld [tilespmem:s24+$0x20D0];
	[tilespmem:s21+$0x74D0] =	vst v7;
	v7 =	vmax.f32 v2, $0.0e+00  }
0xb5: {  	v2 =	vld [tilespmem:s24+$0x20E0];
	[tilespmem:s21+$0x74E0] =	vst v7;
	v7 =	vmax.f32 v1, $0.0e+00  }
0xb6: {  	v1 =	vld [tilespmem:s24+$0x20F0];
	[tilespmem:s21+$0x74F0] =	vst v7;
	s21 =	smov.u32 s24  }
0xb7: {  	v7 =	vld [tilespmem:s21+$0x7480]  }
0xb8: {  	v12 =	vld [tilespmem:s21+$0x7490]  }
.Ltmp3:
0xb9: {  	v11 =	vld [tilespmem:s21+$0x74A0];
	(pc) =	sbr.rel @p0 .LBB2_9-.Ltmp3, $4  }
0xba: {  	v10 =	vld [tilespmem:s21+$0x74B0]  }
0xbb: {  	v9 =	vld [tilespmem:s21+$0x74C0]  }
0xbc: {  	v13 =	vadd.f32 v7, v14;
	v8 =	vld [tilespmem:s21+$0x74D0]  }
0xbd: {  	s2 =	sadd.s32 $0x200, s2;
	v12 =	vadd.f32 v12, v15;
	v7 =	vld [tilespmem:s21+$0x74E0]  }
0xbe: {  	v13 =	vmax.f32 v13, $0.0e+00;
	v6 =	vadd.f32 v11, v6;
	v11 =	vld [tilespmem:s21+$0x74F0]  }
0xbf: {  	[tilespmem:s21+$0x7480] =	vst v13;
	v12 =	vmax.f32 v12, $0.0e+00;
	v5 =	vadd.f32 v10, v5  }
0xc0: {  	[tilespmem:s21+$0x7490] =	vst v12;
	v6 =	vmax.f32 v6, $0.0e+00;
	v4 =	vadd.f32 v9, v4  }
0xc1: {  	s2 =	smul.u32 $0x3, s30;
	[tilespmem:s21+$0x74A0] =	vst v6;
	v5 =	vmax.f32 v5, $0.0e+00;
	v3 =	vadd.f32 v8, v3  }
0xc2: {  	[tilespmem:s21+$0x74B0] =	vst v5;
	v4 =	vmax.f32 v4, $0.0e+00;
	v2 =	vadd.f32 v7, v2  }
0xc3: {  	s24 =	smin.u32 s2, $0x164;
	[tilespmem:s21+$0x74C0] =	vst v4;
	v3 =	vmax.f32 v3, $0.0e+00;
	v1 =	vadd.f32 v11, v1  }
0xc4: {  	s24 =	smul.u32 $0x38, s24;
	[tilespmem:s21+$0x74D0] =	vst v3;
	v2 =	vmax.f32 v2, $0.0e+00  }
0xc5: {  	[tilespmem:s21+$0x74E0] =	vst v2;
	v1 =	vmax.f32 v1, $0.0e+00  }
0xc6: {  	s14 =	simm.s32 $0x380;
	s15 =	simm.s32 $0x7480;
	[tilespmem:s21+$0x74F0] =	vst v1;
	s21 =	sadd.s32 $0xA8, s24  }
0xc7: {  	[spmem:s1] =	stream.indirect.scatter.add.f32 [tilespmem:s15], [sflag:$0x8], $0x80, s14, s28, $0xb8;
	[tilespmem:$0x1F480] =	vst v63  }
0xc8: {  	s15 =	sadd.s32 s9, s21;
	_ =	swait.ge [sflag:s20], $0x1C00  }
0xc9: {  	s24 =	sshrl.u32 s15, $0x3;
	[sflag:s20] =	ssyncset.done $0x0  }
0xca: {  	s15 =	simm.s32 $0x0;
	s14 =	sadd.s32 s5, s24;
	[sflag:s20] =	ssyncadd.s32 $0xFFFFE400  }
0xcb: {  	[tilespmem:s15], [sflag:$0x1] =	stream.linear.gather [hbm4b:s14+s15], $0x38, $0x38;
	[tilespmem:$0x1F480] =	vst v63  }
0xcc: {  	s14 =	sadd.s32 s6, s21  }
0xcd: {  	s21 =	sadd.s32 s7, s24;
	s24 =	simm.s32 $0x180;
	s14 =	sshrl.u32 s14, $0x3  }
0xce: {  	[tilespmem:s24], [sflag:$0x1] =	stream.linear.gather [hbm4b:s21+s15], $0x38, $0x38;
	[tilespmem:$0x1F480] =	vst v63  }
0xcf: {  	s14 =	sadd.s32 s8, s14;
	s21 =	simm.s32 $0x300  }
0xd0: {  	[tilespmem:s21], [sflag:$0x1] =	stream.linear.gather [hbm4b:s14+s15], $0x38, $0x38;
	[tilespmem:$0x1F480] =	vst v63  }
0xd1: {  	_ =	swait.ge [sflag:s26], $0x38  }
0xd2: {  	[sflag:s26] =	ssyncset.done $0x0  }
0xd3: {  	[sflag:s26] =	ssyncadd.s32 $0xFFFFFFC8  }
0xd4: {  	_ =	swait.ge [sflag:s26], $0x38  }
0xd5: {  	[sflag:s26] =	ssyncset.done $0x0  }
0xd6: {  	[sflag:s26] =	ssyncadd.s32 $0xFFFFFFC8  }
0xd7: {  	_ =	swait.ge [sflag:s26], $0x38  }
0xd8: {  	[sflag:s26] =	ssyncset.done $0x0  }
0xd9: {  	s21 =	simm.s32 $0x480;
	[sflag:s26] =	ssyncadd.s32 $0xFFFFFFC8  }
0xda: {  	[tilespmem:s21], [sflag:$0x4] =	stream.indirect.gather [hbm4b:s4+s28], $0x80, s15, s28, $0xb8;
	[tilespmem:$0x1F480] =	vst v63  }
0xdb: {  	s21 =	simm.s32 $0x5880  }
0xdc: {  	[tilespmem:s21], [sflag:$0x4] =	stream.indirect.gather [hbm4b:s4+s28], $0x80, s24, s28, $0xb8;
	[tilespmem:$0x1F480] =	vst v63  }
0xdd: {  	_ =	swait.ge [sflag:s29], $0x1C00  }
0xde: {  	[sflag:s29] =	ssyncset.done $0x0  }
0xdf: {  	[sflag:s29] =	ssyncadd.s32 $0xFFFFE400  }
0xe0: {  	_ =	swait.ge [sflag:s29], $0x1C00  }
0xe1: {  	[sflag:s29] =	ssyncset.done $0x0  }
0xe2: {  	s21 =	simm.s32 $0x0;
	[sflag:s29] =	ssyncadd.s32 $0xFFFFE400  }
0xe3: {  	v7 =	vld [tilespmem:s21+$0x3C80]  }
0xe4: {  	v12 =	vld [tilespmem:s21+$0x3C90]  }
0xe5: {  	v6 =	vld [tilespmem:s21+$0x3CA0]  }
0xe6: {  	v5 =	vld [tilespmem:s21+$0x3CB0]  }
0xe7: {  	v4 =	vld [tilespmem:s21+$0x3CC0]  }
0xe8: {  	v3 =	vld [tilespmem:s21+$0x3CD0]  }
0xe9: {  	v2 =	vld [tilespmem:s21+$0x3CE0]  }
0xea: {  	v1 =	vld [tilespmem:s21+$0x3CF0]  }
0xeb: {  	v13 =	vld [tilespmem:s21+$0x9080]  }
0xec: {  	v14 =	vld [tilespmem:s21+$0x9090]  }
0xed: {  	v11 =	vld [tilespmem:s21+$0x90A0]  }
0xee: {  	v10 =	vld [tilespmem:s21+$0x90B0]  }
0xef: {  	v9 =	vld [tilespmem:s21+$0x90C0]  }
0xf0: {  	v8 =	vld [tilespmem:s21+$0x90D0];
	v13 =	vadd.f32 v13, v7  }
0xf1: {  	s24 =	simm.s32 $0x200;
	v12 =	vadd.f32 v14, v12;
	v7 =	vld [tilespmem:s21+$0x90E0]  }
.LBB2_11:
0xf2: {  	s14 =	sshra.s32 s24, $0x2;
	p0 =	sne.s32 s24, $0x6E00;
	v13 =	vmax.f32 v13, $0.0e+00;
	v6 =	vadd.f32 v11, v6;
	v11 =	vld [tilespmem:s21+$0x90F0]  }
0xf3: {  	v14 =	vld [tilespmem:s14+$0x3C80];
	[tilespmem:s21+$0x9080] =	vst v13;
	v12 =	vmax.f32 v12, $0.0e+00;
	v5 =	vadd.f32 v10, v5  }
0xf4: {  	v15 =	vld [tilespmem:s14+$0x3C90];
	[tilespmem:s21+$0x9090] =	vst v12;
	v10 =	vmax.f32 v6, $0.0e+00;
	v4 =	vadd.f32 v9, v4  }
0xf5: {  	v6 =	vld [tilespmem:s14+$0x3CA0];
	[tilespmem:s21+$0x90A0] =	vst v10;
	v9 =	vmax.f32 v5, $0.0e+00;
	v3 =	vadd.f32 v8, v3  }
0xf6: {  	v5 =	vld [tilespmem:s14+$0x3CB0];
	[tilespmem:s21+$0x90B0] =	vst v9;
	v8 =	vmax.f32 v4, $0.0e+00;
	v2 =	vadd.f32 v7, v2  }
0xf7: {  	v4 =	vld [tilespmem:s14+$0x3CC0];
	[tilespmem:s21+$0x90C0] =	vst v8;
	v7 =	vmax.f32 v3, $0.0e+00;
	v1 =	vadd.f32 v11, v1  }
0xf8: {  	v3 =	vld [tilespmem:s14+$0x3CD0];
	[tilespmem:s21+$0x90D0] =	vst v7;
	v7 =	vmax.f32 v2, $0.0e+00  }
0xf9: {  	v2 =	vld [tilespmem:s14+$0x3CE0];
	[tilespmem:s21+$0x90E0] =	vst v7;
	v7 =	vmax.f32 v1, $0.0e+00  }
0xfa: {  	v1 =	vld [tilespmem:s14+$0x3CF0];
	[tilespmem:s21+$0x90F0] =	vst v7;
	s21 =	smov.u32 s14  }
0xfb: {  	v7 =	vld [tilespmem:s21+$0x9080]  }
0xfc: {  	v12 =	vld [tilespmem:s21+$0x9090]  }
.Ltmp4:
0xfd: {  	v11 =	vld [tilespmem:s21+$0x90A0];
	(pc) =	sbr.rel @p0 .LBB2_11-.Ltmp4, $4  }
0xfe: {  	v10 =	vld [tilespmem:s21+$0x90B0]  }
0xff: {  	v9 =	vld [tilespmem:s21+$0x90C0]  }
0x100: {  	v13 =	vadd.f32 v7, v14;
	v8 =	vld [tilespmem:s21+$0x90D0]  }
0x101: {  	s24 =	sadd.s32 $0x200, s24;
	v12 =	vadd.f32 v12, v15;
	v7 =	vld [tilespmem:s21+$0x90E0]  }
0x102: {  	v13 =	vmax.f32 v13, $0.0e+00;
	v6 =	vadd.f32 v11, v6;
	v63 =	vld [tilespmem:s21+$0x90F0]  }
0x103: {  	[tilespmem:s21+$0x9080] =	vst v13;
	v12 =	vmax.f32 v12, $0.0e+00;
	v5 =	vadd.f32 v10, v5  }
0x104: {  	[tilespmem:s21+$0x9090] =	vst v12;
	v6 =	vmax.f32 v6, $0.0e+00;
	v4 =	vadd.f32 v9, v4  }
0x105: {  	[tilespmem:s21+$0x90A0] =	vst v6;
	v5 =	vmax.f32 v5, $0.0e+00;
	v3 =	vadd.f32 v8, v3  }
0x106: {  	[tilespmem:s21+$0x90B0] =	vst v5;
	v4 =	vmax.f32 v4, $0.0e+00;
	v2 =	vadd.f32 v7, v2  }
0x107: {  	s14 =	smin.u32 s2, $0x163;
	[tilespmem:s21+$0x90C0] =	vst v4;
	v3 =	vmax.f32 v3, $0.0e+00;
	v1 =	vadd.f32 v63, v1  }
0x108: {  	s14 =	smul.u32 $0x38, s14;
	[tilespmem:s21+$0x90D0] =	vst v3;
	v2 =	vmax.f32 v2, $0.0e+00  }
0x109: {  	[tilespmem:s21+$0x90E0] =	vst v2;
	v1 =	vmax.f32 v1, $0.0e+00  }
0x10a: {  	s15 =	simm.s32 $0x9080;
	s14 =	sadd.s32 $0xE0, s14;
	[tilespmem:s21+$0x90F0] =	vst v1  }
0x10b: {  	[spmem:s1] =	stream.indirect.scatter.add.f32 [tilespmem:s15], [sflag:$0x9], $0x80, s17, s28, $0xb8;
	[tilespmem:$0x1F480] =	vst v63  }
0x10c: {  	s21 =	sadd.s32 s9, s14;
	_ =	swait.ge [sflag:s12], $0x1C00  }
0x10d: {  	s15 =	sshrl.u32 s21, $0x3;
	[sflag:s12] =	ssyncset.done $0x0  }
0x10e: {  	s14 =	sadd.s32 s6, s14;
	s24 =	sadd.s32 s5, s15;
	[sflag:s12] =	ssyncadd.s32 $0xFFFFE400  }
0x10f: {  	[tilespmem:s31], [sflag:$0x2] =	stream.linear.gather [hbm4b:s24+s3], $0x38, $0x38;
	[tilespmem:$0x1F480] =	vst v63  }
0x110: {  	s14 =	sshrl.u32 s14, $0x3;
	s15 =	sadd.s32 s7, s15  }
0x111: {  	[tilespmem:s0], [sflag:$0x2] =	stream.linear.gather [hbm4b:s15+s3], $0x38, $0x38;
	[tilespmem:$0x1F480] =	vst v63  }
0x112: {  	s14 =	sadd.s32 s8, s14;
	s24 =	simm.s32 $0x380  }
0x113: {  	[tilespmem:s24], [sflag:$0x2] =	stream.linear.gather [hbm4b:s14+s3], $0x38, $0x38;
	[tilespmem:$0x1F480] =	vst v63  }
0x114: {  	_ =	swait.ge [sflag:s11], $0x38  }
0x115: {  	[sflag:s11] =	ssyncset.done $0x0  }
0x116: {  	[sflag:s11] =	ssyncadd.s32 $0xFFFFFFC8  }
0x117: {  	_ =	swait.ge [sflag:s11], $0x38  }
0x118: {  	[sflag:s11] =	ssyncset.done $0x0  }
0x119: {  	[sflag:s11] =	ssyncadd.s32 $0xFFFFFFC8  }
0x11a: {  	_ =	swait.ge [sflag:s11], $0x38  }
0x11b: {  	s15 =	smin.u32 s2, $0x162;
	[sflag:s11] =	ssyncset.done $0x0  }
0x11c: {  	s21 =	simm.s32 $0x2080;
	s2 =	smul.u32 $0x38, s15;
	[sflag:s11] =	ssyncadd.s32 $0xFFFFFFC8  }
0x11d: {  	[tilespmem:s21], [sflag:$0x5] =	stream.indirect.gather [hbm4b:s4+s28], $0x80, s31, s28, $0xb8;
	[tilespmem:$0x1F480] =	vst v63  }
0x11e: {  	s24 =	simm.s32 $0x7480;
	s2 =	sadd.s32 $0x118, s2  }
0x11f: {  	[tilespmem:s24], [sflag:$0x5] =	stream.indirect.gather [hbm4b:s4+s28], $0x80, s0, s28, $0xb8;
	[tilespmem:$0x1F480] =	vst v63  }
0x120: {  	s30 =	sadd.s32 $0x1, s30;
	s15 =	sadd.s32 s9, s2;
	_ =	swait.ge [sflag:s25], $0x1C00  }
0x121: {  	p0 =	sne.s32 s30, $0x78;
	s14 =	sshrl.u32 s15, $0x3;
	[sflag:s25] =	ssyncset.done $0x0  }
0x122: {  	s21 =	sadd.s32 s5, s14;
	s24 =	simm.s32 $0x100;
	[sflag:s25] =	ssyncadd.s32 $0xFFFFE400  }
0x123: {  	[tilespmem:s24], [sflag:$0x3] =	stream.linear.gather [hbm4b:s21+s3], $0x38, $0x38;
	[tilespmem:$0x1F480] =	vst v63  }
.Ltmp5:
0x124: {  	s2 =	sadd.s32 s6, s2;
	(pc) =	sbr.rel @p0 .LBB2_6-.Ltmp5, $4  }
0x125: {  	s2 =	sshrl.u32 s2, $0x3;
	s14 =	sadd.s32 s7, s14  }
0x126: {  	[tilespmem:s16], [sflag:$0x3] =	stream.linear.gather [hbm4b:s14+s3], $0x38, $0x38;
	[tilespmem:$0x1F480] =	vst v63  }
0x127: {  	s2 =	sadd.s32 s8, s2  }
0x128: {  	[tilespmem:s17], [sflag:$0x3] =	stream.linear.gather [hbm4b:s2+s3], $0x38, $0x38;
	[tilespmem:$0x1F480] =	vst v63  }
0x129: {  	_ =	swait.ge [sflag:s18], $0x1C00  }
0x12a: {  	[sflag:s18] =	ssyncset.done $0x0  }
0x12b: {  	[sflag:s18] =	ssyncadd.s32 $0xFFFFE400  }
0x12c: {  	_ =	swait.ge [sflag:s18], $0x1C00  }
0x12d: {  	[sflag:s18] =	ssyncset.done $0x0  }
0x12e: {  	[sflag:s18] =	ssyncadd.s32 $0xFFFFE400  }
0x12f: {  	_ =	swait.ge [sflag:s13], $0x1C00  }
0x130: {  	[sflag:s13] =	ssyncset.done $0x0  }
0x131: {  	[sflag:s13] =	ssyncadd.s32 $0xFFFFE400  }
0x132: {  	_ =	swait.ge [sflag:s13], $0x1C00  }
0x133: {  	[sflag:s13] =	ssyncset.done $0x0  }
0x134: {  	[sflag:s13] =	ssyncadd.s32 $0xFFFFE400  }
0x135: {  	_ =	swait.ge [sflag:s19], $0x38  }
0x136: {  	[sflag:s19] =	ssyncset.done $0x0  }
0x137: {  	[sflag:s19] =	ssyncadd.s32 $0xFFFFFFC8  }
0x138: {  	_ =	swait.ge [sflag:s19], $0x38  }
0x139: {  	[sflag:s19] =	ssyncset.done $0x0  }
0x13a: {  	[sflag:s19] =	ssyncadd.s32 $0xFFFFFFC8  }
0x13b: {  	_ =	swait.ge [sflag:s19], $0x38  }
0x13c: {  	[sflag:s19] =	ssyncset.done $0x0  }
0x13d: {  	s2 =	stileid.u32;
	[sflag:s19] =	ssyncadd.s32 $0xFFFFFFC8  }
0x13e: {  	s2 =	sshll.u32 s2, $0x6;
	[bflag:$0x0] =	sbarrier.arrive $0xFFFF  }
0x13f: {  	s14 =	sshrl.u32 s10, $0x3;
	s2 =	sor.u32 $0x1C0A, s2;
	s15 =	rddreg [dreg:$0xc]  }
0x140: {  	[hbm:s15], [sflag:s2] =	dma.local [spmem:s14], $0x2800  }
0x141: {  	_ =	swait.ge [sflag:s23], $0x2800  }
0x142: {  	s24 =	rddreg [dreg:$0xe]  }
0x143: {  	s30 =	rddreg [dreg:$0xd];
	s14 =	sadd.s32 $0x1, s24  }
0x144: {  	p0 =	sne.s32 s14, s30  }
.Ltmp6:
0x145: {  	_ = 	snop;
	(pc) =	sbr.rel @p0 .LBB2_1-.Ltmp6, $3  }
0x146: {  	_ =	sdelay $0x1  }
0x147: {  	[sflag:s23] =	ssyncset.done $0x0  }
0x148: {  	[sflag:s23] =	ssyncadd.s32 $0xFFFFD800  }
0x149: {  	_ =	sfence.sel $0x180000  }
0x14a: {  	[bflag:$0x0] =	sbarrier.arrive $0xFFFF  }
0x14b: {  	_ =	strace $0x9000004D  }
0x14c: {  	s0 =	stileid.u32;
	[bflag:$0x2] =	sbarrier.arrive $0xFFFF  }
0x14d: {  	p0 =	sne.s32 s0, $0x0;
	s0 =	rddreg [dreg:$0x2]  }
0x14e: {  	s0 =	sadd.s32 @!p0 $0x100000, s0  }
0x14f: {  	[sflag:s0] =	ssyncadd.tile.s32 @!p0 $0x1;
	_ =	shalt  }
.Lfunc_end2:
_tile_overlayer_lowered:
.L_overlay_start_2:
0x150: {  	(tag) =	ssettag $0x2  }
0x151: {  	s0 =	rddreg [dreg:$0x0];
	s2 =	stileid.u32  }
0x152: {  	s1 =	rddreg [dreg:$0x1];
	p0 =	sne.s32 s2, $0x0  }
0x153: {  	s3 =	rddreg [dreg:$0x2];
	[bflag:$0x3] =	sbarrier.arrive $0xFFFF;
	s2 =	simm.s32 @!p0 $0x1C0A  }
0x154: {  	[timem:s3], [sflag:s2] =	dma.local @!p0 [hbm:s0], s1  }
0x155: {  	s0 =	simm.s32 @!p0 $0xA  }
0x156: {  	_ =	swait.ge @!p0 [sflag:s0], s1  }
0x157: {  	s1 =	ssub.s32 @!p0 $0x0, s1;
	[sflag:s0] =	ssyncset.done @!p0 $0x0  }
0x158: {  	[sflag:s0] =	ssyncadd.s32 @!p0 s1  }
0x159: {  	[bflag:$0x3] =	sbarrier.arrive $0xFFFF  }
0x15a: {  	_ =	shalt  }

</sc_bundles>
